<compile_context>
chip_gen: v7x
topology: tpu7x:2x2x1
jax: 0.10.2.dev20260603
libtpu: 0.0.44.dev20260713+nightly
codegen_flags: <defaults>
</compile_context>

<pallas_src>
import functools

import jax
import jax.numpy as jnp
from jax import lax
from jax.experimental import pallas as pl
from jax.experimental.pallas import tpu as pltpu
from jax.experimental.pallas import tpu_sc as plsc

N = 10000
E = 320000
D = 128
L = 16
NC, NS = 2, 16
NW = NC * NS
EW = E // NW
CH = 80
NG = CH // L
NCHUNK = EW // CH
CHP = 2000
NCHP = EW // CHP
NPAD = 10240
RPT = NPAD // NS
P4 = NPAD * 4
PPT = P4 // NS

BN = 400
BE = 2000
EB = E // BE


@functools.cache
def _mesh():
    return plsc.VectorSubcoreMesh(
        core_axis_name="c", subcore_axis_name="s",
        num_cores=NC, num_subcores=NS)


def _prep_body(h_ref, wa_ref, wb_ref, b1_ref, t1_ref, t2_ref):
    h = h_ref[...]
    t1_ref[...] = jnp.dot(h, wa_ref[...],
                          preferred_element_type=jnp.float32) + b1_ref[...]
    t2_ref[...] = jnp.dot(h, wb_ref[...], preferred_element_type=jnp.float32)


def _prep(h, wa, wb, b1):
    return pl.pallas_call(
        _prep_body,
        grid=(N // BN,),
        in_specs=[
            pl.BlockSpec((BN, D), lambda i: (i, 0)),
            pl.BlockSpec((D, D), lambda i: (0, 0)),
            pl.BlockSpec((D, D), lambda i: (0, 0)),
            pl.BlockSpec((1, D), lambda i: (0, 0)),
        ],
        out_specs=[
            pl.BlockSpec((BN, D), lambda i: (i, 0)),
            pl.BlockSpec((BN, D), lambda i: (i, 0)),
        ],
        out_shape=[jax.ShapeDtypeStruct((N, D), jnp.float32)] * 2,
    )(h, wa, wb, b1)


NB = 3


@functools.cache
def _gather_kernel():
    @functools.partial(
        pl.kernel,
        out_type=[jax.ShapeDtypeStruct((E, D), jnp.float32),
                  jax.ShapeDtypeStruct((E,), jnp.float32),
                  jax.ShapeDtypeStruct((E,), jnp.float32),
                  jax.ShapeDtypeStruct((E,), jnp.float32),
                  jax.ShapeDtypeStruct((E,), jnp.float32)],
        mesh=_mesh(),
        compiler_params=pltpu.CompilerParams(needs_layout_passes=False),
        scratch_types=[
            pltpu.VMEM((EW,), jnp.int32),
            pltpu.VMEM((EW,), jnp.int32),
            pltpu.VMEM((N,), jnp.float32),
            pltpu.VMEM((N,), jnp.float32),
            pltpu.VMEM((N,), jnp.float32),
            [pltpu.VMEM((CH, D), jnp.float32)] * NB,
            [pltpu.VMEM((CH, D), jnp.float32)] * NB,
            [pltpu.VMEM((4, CH), jnp.float32)] * NB,
            [pltpu.SemaphoreType.DMA] * NB,
            [pltpu.SemaphoreType.DMA] * NB,
        ],
    )
    def body_fn(t1_hbm, t2_hbm, row_hbm, col_hbm, px_hbm, py_hbm, pz_hbm,
                g_hbm, dx_hbm, dy_hbm, dz_hbm, sq_hbm,
                ir_v, ic_v, px_v, py_v, pz_v, r1s, r2s, gxs, sgs, sos):
        geo_hbms = (dx_hbm, dy_hbm, dz_hbm, sq_hbm)
        wid = lax.axis_index("s") * NC + lax.axis_index("c")
        base0 = wid * EW
        pltpu.sync_copy(row_hbm.at[pl.ds(base0, EW)], ir_v)
        pltpu.sync_copy(col_hbm.at[pl.ds(base0, EW)], ic_v)
        pltpu.sync_copy(px_hbm, px_v)
        pltpu.sync_copy(py_hbm, py_v)
        pltpu.sync_copy(pz_hbm, pz_v)

        def start(k, b):
            off = k * CH
            pltpu.async_copy(t1_hbm.at[ir_v.at[pl.ds(off, CH)]], r1s[b], sgs[b])
            pltpu.async_copy(t2_hbm.at[ic_v.at[pl.ds(off, CH)]], r2s[b], sgs[b])

        def geom(k, b):
            gx = gxs[b]
            for j in range(NG):
                sl = pl.ds(k * CH + j * L, L)
                osl = pl.ds(j * L, L)
                ivr = ir_v[sl]
                ivc = ic_v[sl]
                dx = (plsc.load_gather(px_v, [ivr])
                      - plsc.load_gather(px_v, [ivc]))
                dy = (plsc.load_gather(py_v, [ivr])
                      - plsc.load_gather(py_v, [ivc]))
                dz = (plsc.load_gather(pz_v, [ivr])
                      - plsc.load_gather(pz_v, [ivc]))
                gx[0, osl] = dx
                gx[1, osl] = dy
                gx[2, osl] = dz
                gx[3, osl] = dx * dx + dy * dy + dz * dz

        def wait_gather(b):
            pltpu.make_async_copy(t1_hbm.at[ir_v.at[pl.ds(0, CH)]],
                                  r1s[b], sgs[b]).wait()
            pltpu.make_async_copy(t2_hbm.at[ic_v.at[pl.ds(0, CH)]],
                                  r2s[b], sgs[b]).wait()

        def accum_rows(b):
            r1, r2 = r1s[b], r2s[b]

            def erow(e, carry):
                for d in range(D // L):
                    sl = pl.ds(d * L, L)
                    plsc.addupdate(r1.at[e, sl], r2[e, sl])
                return carry

            lax.fori_loop(0, CH, erow, 0)

        def start_out(k, b):
            base = base0 + k * CH
            pltpu.async_copy(r1s[b], g_hbm.at[pl.ds(base, CH)], sos[b])
            for i, hbm in enumerate(geo_hbms):
                pltpu.async_copy(gxs[b].at[i], hbm.at[pl.ds(base, CH)], sos[b])

        def wait_out(b):
            pltpu.make_async_copy(r1s[b], g_hbm.at[pl.ds(0, CH)], sos[b]).wait()
            for i, hbm in enumerate(geo_hbms):
                pltpu.make_async_copy(gxs[b].at[i], hbm.at[pl.ds(0, CH)],
                                      sos[b]).wait()

        start(0, 0)
        start(1, 1)

        def step(k, b):
            wait_gather(b)
            geom(k, b)
            accum_rows(b)
            start_out(k, b)

        def macro(i, carry):
            k = i * NB
            for b_idx in range(NB):
                k_b = k + b_idx
                b = b_idx
                step(k_b, b)
                nb = (b + 2) % NB
                pl.when(k_b >= 1)(lambda: wait_out(nb))
                start(k_b + 2, nb)
            return carry

        lax.fori_loop(0, (NCHUNK - 2) // NB, macro, 0)
        for k_b in (NCHUNK - 2, NCHUNK - 1):
            step(k_b, k_b % NB)
        for b in range(NB):
            wait_out(b)

    return body_fn


def _sc_gather(t1, t2, row, col, px, py, pz):
    return _gather_kernel()(t1, t2, row, col, px, py, pz)


def _edge_body(g_ref, dx_ref, dy_ref, dz_ref, sq_ref,
               w256_ref, we2_ref, b2_ref, wc1_ref, bc1_ref, wc2_ref,
               m_ref, px_ref, py_ref, pz_ref):
    f = g_ref[...]
    sq = sq_ref[0].T
    x1 = jax.nn.silu(f + sq * w256_ref[...])
    m = jax.nn.silu(jnp.dot(x1, we2_ref[...], preferred_element_type=jnp.float32)
                    + b2_ref[...])
    t = jax.nn.silu(jnp.dot(m, wc1_ref[...], preferred_element_type=jnp.float32)
                    + bc1_ref[...])
    cw = jnp.dot(t, wc2_ref[...], preferred_element_type=jnp.float32)
    scale = (cw * lax.rsqrt(sq + 1e-8)).T.reshape(1, 1, BE)
    m_ref[...] = m
    px_ref[...] = dx_ref[...] * scale
    py_ref[...] = dy_ref[...] * scale
    pz_ref[...] = dz_ref[...] * scale


def _edge(g, dxr, dyr, dzr, sqr, w256, we2, b2, wc1, bc1, wc2):
    row_spec = pl.BlockSpec((1, 1, BE), lambda i: (i, 0, 0))
    full = lambda shape: pl.BlockSpec(shape, lambda i: (0, 0))
    return pl.pallas_call(
        _edge_body,
        grid=(EB,),
        in_specs=[
            pl.BlockSpec((BE, D), lambda i: (i, 0)),
            row_spec, row_spec, row_spec, row_spec,
            full((1, D)), full((D, D)), full((1, D)),
            full((D, D)), full((1, D)), full((D, 1)),
        ],
        out_specs=[
            pl.BlockSpec((BE, D), lambda i: (i, 0)),
            row_spec, row_spec, row_spec,
        ],
        out_shape=[jax.ShapeDtypeStruct((E, D), jnp.float32),
                   jax.ShapeDtypeStruct((EB, 1, BE), jnp.float32),
                   jax.ShapeDtypeStruct((EB, 1, BE), jnp.float32),
                   jax.ShapeDtypeStruct((EB, 1, BE), jnp.float32)],
    )(g, dxr, dyr, dzr, sqr, w256, we2, b2, wc1, bc1, wc2)


@functools.cache
def _scatter_kernel():
    @functools.partial(
        pl.kernel,
        out_type=jax.ShapeDtypeStruct((NC, NPAD, D), jnp.float32),
        mesh=_mesh(),
        scratch_types=[
            [pltpu.VMEM((CH,), jnp.int32)] * 2,
            [pltpu.VMEM((CH, D), jnp.float32)] * 2,
            [pltpu.SemaphoreType.DMA] * 2,
            pltpu.VMEM_SHARED((NPAD, D), jnp.float32),
        ],
    )
    def body_fn(m_hbm, row_hbm, z_hbm, pm_hbm, ivs, mbs, sms, accum):
        c = lax.axis_index("c")
        s = lax.axis_index("s")
        pltpu.sync_copy(z_hbm.at[pl.ds(s * RPT, RPT)],
                        accum.at[pl.ds(s * RPT, RPT)])
        plsc.subcore_barrier()
        base0 = (c * NS + s) * EW

        def start(k, b):
            base = base0 + k * CH
            pltpu.async_copy(row_hbm.at[pl.ds(base, CH)], ivs[b], sms[b])
            pltpu.async_copy(m_hbm.at[pl.ds(base, CH)], mbs[b], sms[b])

        def wait_in(b):
            pltpu.make_async_copy(row_hbm.at[pl.ds(0, CH)], ivs[b],
                                  sms[b]).wait()
            pltpu.make_async_copy(m_hbm.at[pl.ds(0, CH)], mbs[b],
                                  sms[b]).wait()

        start(0, 0)
        start(1, 1)

        def step(k, b):
            wait_in(b)
            pltpu.sync_copy(mbs[b], accum.at[ivs[b]], add=True)
            pl.when(k + 2 < NCHUNK)(lambda: start(k + 2, b))

        def macro(i, carry):
            k = i * 2
            step(k, 0)
            step(k + 1, 1)
            return carry

        lax.fori_loop(0, (NCHUNK - 1) // 2, macro, 0)
        step(NCHUNK - 1, (NCHUNK - 1) % 2)
        plsc.subcore_barrier()
        pltpu.sync_copy(accum.at[pl.ds(s * RPT, RPT)],
                        pm_hbm.at[c, pl.ds(s * RPT, RPT)])

    return body_fn


def _sc_scatter(m, row, zeros2d):
    return _scatter_kernel()(m, row, zeros2d)


@functools.cache
def _pos_scatter_kernel():
    @functools.partial(
        pl.kernel,
        out_type=jax.ShapeDtypeStruct((NC, P4), jnp.float32),
        mesh=_mesh(),
        compiler_params=pltpu.CompilerParams(needs_layout_passes=False),
        scratch_types=[
            [pltpu.VMEM((CHP,), jnp.int32)] * 2,
            [pltpu.VMEM((CHP,), jnp.float32)] * 2,
            [pltpu.VMEM((CHP,), jnp.float32)] * 2,
            [pltpu.VMEM((CHP,), jnp.float32)] * 2,
            [pltpu.SemaphoreType.DMA] * 2,
            pltpu.VMEM((P4,), jnp.float32),
            pltpu.VMEM((PPT,), jnp.float32),
            pltpu.VMEM((PPT,), jnp.float32),
            pltpu.VMEM_SHARED((NS, P4), jnp.float32),
        ],
    )
    def body_fn(row_hbm, pux_hbm, puy_hbm, puz_hbm, z4_hbm, pp_hbm,
                ivs, pxs, pys, pzs, sms, pacc, mbuf, tbuf, pstage):
        c = lax.axis_index("c")
        s = lax.axis_index("s")
        pltpu.sync_copy(z4_hbm, pacc)
        base0 = (c * NS + s) * EW
        ones = jnp.ones((L,), jnp.float32)

        def start(k, b):
            base = base0 + k * CHP
            pltpu.async_copy(row_hbm.at[pl.ds(base, CHP)], ivs[b], sms[b])
            pltpu.async_copy(pux_hbm.at[pl.ds(base, CHP)], pxs[b], sms[b])
            pltpu.async_copy(puy_hbm.at[pl.ds(base, CHP)], pys[b], sms[b])
            pltpu.async_copy(puz_hbm.at[pl.ds(base, CHP)], pzs[b], sms[b])

        def wait_in(b):
            pltpu.make_async_copy(row_hbm.at[pl.ds(0, CHP)], ivs[b],
                                  sms[b]).wait()
            for buf in (pxs[b], pys[b], pzs[b]):
                pltpu.make_async_copy(pux_hbm.at[pl.ds(0, CHP)], buf,
                                      sms[b]).wait()

        start(0, 0)
        start(1, 1)

        def step(k, b):
            wait_in(b)
            iv, pxb, pyb, pzb = ivs[b], pxs[b], pys[b], pzs[b]

            def group(j, carry):
                sl = pl.ds(j * L, L)
                i4 = iv[sl] * 4
                plsc.addupdate_scatter(pacc, [i4], pxb[sl])
                plsc.addupdate_scatter(pacc, [i4 + 1], pyb[sl])
                plsc.addupdate_scatter(pacc, [i4 + 2], pzb[sl])
                plsc.addupdate_scatter(pacc, [i4 + 3], ones)
                return carry

            lax.fori_loop(0, CHP // L, group, 0)
            pl.when(k + 2 < NCHP)(lambda: start(k + 2, b))

        def macro(i, carry):
            step(i * 2, 0)
            step(i * 2 + 1, 1)
            return carry

        lax.fori_loop(0, NCHP // 2, macro, 0)
        if NCHP % 2:
            step(NCHP - 1, (NCHP - 1) % 2)
        pltpu.sync_copy(pacc, pstage.at[s])
        plsc.subcore_barrier()
        pltpu.sync_copy(pstage.at[0, pl.ds(s * PPT, PPT)], mbuf)

        def merge(t, carry):
            pltpu.sync_copy(pstage.at[t, pl.ds(s * PPT, PPT)], tbuf)

            def add16(j, carry2):
                sl = pl.ds(j * L, L)
                plsc.addupdate(mbuf.at[sl], tbuf[sl])
                return carry2

            lax.fori_loop(0, PPT // L, add16, 0)
            return carry

        lax.fori_loop(1, NS, merge, 0)
        pltpu.sync_copy(mbuf, pp_hbm.at[c, pl.ds(s * PPT, PPT)])

    return body_fn


def _sc_pos_scatter(row, pux, puy, puz, zeros4):
    return _pos_scatter_kernel()(row, pux, puy, puz, zeros4)


def _node_body(h_ref, pos_ref, pm0_ref, pm1_ref, pp0_ref, pp1_ref,
               wn1a_ref, wn1b_ref, bn1_ref, wn2_ref, bn2_ref, ho_ref, po_ref):
    h = h_ref[...]
    m_i = pm0_ref[...] + pm1_ref[...]
    q = pp0_ref[...] + pp1_ref[...]
    num = q[:, :3]
    cnt = q[:, 3:4]
    x = (jnp.dot(h, wn1a_ref[...], preferred_element_type=jnp.float32)
         + jnp.dot(m_i, wn1b_ref[...], preferred_element_type=jnp.float32)
         + bn1_ref[...])
    hu = (jnp.dot(jax.nn.silu(x), wn2_ref[...], preferred_element_type=jnp.float32)
          + bn2_ref[...])
    ho_ref[...] = h + hu
    po_ref[...] = pos_ref[...] + num / jnp.maximum(cnt, 1.0)


def _node(h, pos, pm0, pm1, pp0, pp1, wn1a, wn1b, bn1, wn2, bn2):
    return pl.pallas_call(
        _node_body,
        grid=(N // BN,),
        in_specs=[
            pl.BlockSpec((BN, D), lambda i: (i, 0)),
            pl.BlockSpec((BN, 3), lambda i: (i, 0)),
            pl.BlockSpec((BN, D), lambda i: (i, 0)),
            pl.BlockSpec((BN, D), lambda i: (i, 0)),
            pl.BlockSpec((BN, 4), lambda i: (i, 0)),
            pl.BlockSpec((BN, 4), lambda i: (i, 0)),
            pl.BlockSpec((D, D), lambda i: (0, 0)),
            pl.BlockSpec((D, D), lambda i: (0, 0)),
            pl.BlockSpec((1, D), lambda i: (0, 0)),
            pl.BlockSpec((D, D), lambda i: (0, 0)),
            pl.BlockSpec((1, D), lambda i: (0, 0)),
        ],
        out_specs=[
            pl.BlockSpec((BN, D), lambda i: (i, 0)),
            pl.BlockSpec((BN, 3), lambda i: (i, 0)),
        ],
        out_shape=[jax.ShapeDtypeStruct((N, D), jnp.float32),
                   jax.ShapeDtypeStruct((N, 3), jnp.float32)],
    )(h, pos, pm0, pm1, pp0, pp1, wn1a, wn1b, bn1, wn2, bn2)


def kernel(h, pos, edge_index, W_e1, b_e1, W_e2, b_e2, W_c1, b_c1, W_c2,
           W_n1, b_n1, W_n2, b_n2):
    row = edge_index[0].astype(jnp.int32)
    col = edge_index[1].astype(jnp.int32)
    px = pos[:, 0]
    py = pos[:, 1]
    pz = pos[:, 2]

    t1, t2 = _prep(h, W_e1[:D], W_e1[D:2 * D], b_e1.reshape(1, D))
    g, dxa, dya, dza, sqa = _sc_gather(t1, t2, row, col, px, py, pz)
    m, pux, puy, puz = _edge(
        g, dxa.reshape(EB, 1, BE), dya.reshape(EB, 1, BE),
        dza.reshape(EB, 1, BE), sqa.reshape(EB, 1, BE),
        W_e1[2 * D:2 * D + 1], W_e2, b_e2.reshape(1, D),
        W_c1, b_c1.reshape(1, D), W_c2)
    pm = _sc_scatter(m, row, jnp.zeros((NPAD, D), jnp.float32))
    pp = _sc_pos_scatter(row, pux.reshape(E), puy.reshape(E),
                         puz.reshape(E), jnp.zeros((P4,), jnp.float32))
    pp = pp.reshape(NC, NPAD, 4)
    h_out, pos_out = _node(h, pos, pm[0], pm[1], pp[0], pp[1],
                           W_n1[:D], W_n1[D:], b_n1.reshape(1, D),
                           W_n2, b_n2.reshape(1, D))
    return h_out, pos_out

# --- scband reference (transcript-rebuilt; emitter-appended) ---
"""Pipeline reference for scband-egnnlayer-22402549416673 (READ-ONLY COPY).

The authoritative reference and input builder live on the scoring server;
editing this copy changes nothing except your own understanding.
"""

import jax, jax.numpy as jnp
import numpy as np

N = 10000
E = 320000
D = 128


def _linear_params(key, fan_in, fan_out, bias=True):
    k1, k2 = jax.random.split(key)
    bound = 1.0 / np.sqrt(fan_in)
    W = jax.random.uniform(k1, (fan_in, fan_out), minval=-bound, maxval=bound, dtype=jnp.float32)
    if bias:
        b = jax.random.uniform(k2, (fan_out,), minval=-bound, maxval=bound, dtype=jnp.float32)
        return W, b
    return W, None


def setup_inputs(seed: int = 0) -> dict:
    key = jax.random.key(seed)
    ks = jax.random.split(key, 10)
    h = jax.random.normal(ks[0], (N, D), dtype=jnp.float32)
    pos = jax.random.normal(ks[1], (N, 3), dtype=jnp.float32)
    edge_index = jax.random.randint(ks[2], (2, E), 0, N, dtype=jnp.int64)
    W_e1, b_e1 = _linear_params(ks[3], 2 * D + 1, D)
    W_e2, b_e2 = _linear_params(ks[4], D, D)
    W_c1, b_c1 = _linear_params(ks[5], D, D)
    W_c2, _ = _linear_params(ks[6], D, 1, bias=False)
    W_n1, b_n1 = _linear_params(ks[7], 2 * D, D)
    W_n2, b_n2 = _linear_params(ks[8], D, D)
    return {"h": h, "pos": pos, "edge_index": edge_index,
            "W_e1": W_e1, "b_e1": b_e1, "W_e2": W_e2, "b_e2": b_e2,
            "W_c1": W_c1, "b_c1": b_c1, "W_c2": W_c2,
            "W_n1": W_n1, "b_n1": b_n1, "W_n2": W_n2, "b_n2": b_n2}


def reference(h, pos, edge_index, W_e1, b_e1, W_e2, b_e2, W_c1, b_c1, W_c2, W_n1, b_n1, W_n2, b_n2):
    row = edge_index[0]
    col = edge_index[1]
    coord_diff = pos[row] - pos[col]
    sq_dists = jnp.sum(coord_diff ** 2, axis=-1, keepdims=True)
    edge_inputs = jnp.concatenate([h[row], h[col], sq_dists], axis=-1)
    m_ij = jax.nn.silu(edge_inputs @ W_e1 + b_e1)
    m_ij = jax.nn.silu(m_ij @ W_e2 + b_e2)
    coord_weights = jax.nn.silu(m_ij @ W_c1 + b_c1) @ W_c2
    norm_coord_diff = coord_diff / jnp.sqrt(sq_dists + 1e-08)
    pos_updates_ij = norm_coord_diff * coord_weights
    num = jax.ops.segment_sum(pos_updates_ij, row, num_segments=N)
    cnt = jax.ops.segment_sum(jnp.ones((row.shape[0], 1), dtype=jnp.float32), row, num_segments=N)
    pos_update_i = num / jnp.maximum(cnt, 1.0)
    pos_out = pos + pos_update_i
    m_i = jax.ops.segment_sum(m_ij, row, num_segments=N)
    node_inputs = jnp.concatenate([h, m_i], axis=-1)
    h_upd = jax.nn.silu(node_inputs @ W_n1 + b_n1) @ W_n2 + b_n2
    h_out = h + h_upd
    return (h_out, pos_out)

if __name__ == "__main__":
    import jax
    _d = setup_inputs()
    print(jax.jit(kernel)(*tuple(_d.values())))

</pallas_src>

<mosaic_0001>
#map = affine_map<(d0, d1) -> (0, 0)>
#map1 = affine_map<(d0, d1) -> (0)>
module attributes {stable_mosaic.version = 14 : i64} {
  func.func @body_fn(%arg0: i32, %arg1: i32, %arg2: memref<10000x128xf32, #tpu.memory_space<hbm>>, %arg3: memref<10000x128xf32, #tpu.memory_space<hbm>>, %arg4: memref<320000xi32, #tpu.memory_space<hbm>>, %arg5: memref<320000xi32, #tpu.memory_space<hbm>>, %arg6: memref<10000xf32, #tpu.memory_space<hbm>>, %arg7: memref<10000xf32, #tpu.memory_space<hbm>>, %arg8: memref<10000xf32, #tpu.memory_space<hbm>>, %arg9: memref<320000x128xf32, #tpu.memory_space<hbm>>, %arg10: memref<320000xf32, #tpu.memory_space<hbm>>, %arg11: memref<320000xf32, #tpu.memory_space<hbm>>, %arg12: memref<320000xf32, #tpu.memory_space<hbm>>, %arg13: memref<320000xf32, #tpu.memory_space<hbm>>, %arg14: memref<10000xi32, #tpu.memory_space<vmem>>, %arg15: memref<10000xi32, #tpu.memory_space<vmem>>, %arg16: memref<10000xf32, #tpu.memory_space<vmem>>, %arg17: memref<10000xf32, #tpu.memory_space<vmem>>, %arg18: memref<10000xf32, #tpu.memory_space<vmem>>, %arg19: memref<80x128xf32, #tpu.memory_space<vmem>>, %arg20: memref<80x128xf32, #tpu.memory_space<vmem>>, %arg21: memref<80x128xf32, #tpu.memory_space<vmem>>, %arg22: memref<80x128xf32, #tpu.memory_space<vmem>>, %arg23: memref<80x128xf32, #tpu.memory_space<vmem>>, %arg24: memref<80x128xf32, #tpu.memory_space<vmem>>, %arg25: memref<4x80xf32, #tpu.memory_space<vmem>>, %arg26: memref<4x80xf32, #tpu.memory_space<vmem>>, %arg27: memref<4x80xf32, #tpu.memory_space<vmem>>, %arg28: memref<!tpu.dma_semaphore, #tpu.memory_space<semaphore_mem>>, %arg29: memref<!tpu.dma_semaphore, #tpu.memory_space<semaphore_mem>>, %arg30: memref<!tpu.dma_semaphore, #tpu.memory_space<semaphore_mem>>, %arg31: memref<!tpu.dma_semaphore, #tpu.memory_space<semaphore_mem>>, %arg32: memref<!tpu.dma_semaphore, #tpu.memory_space<semaphore_mem>>, %arg33: memref<!tpu.dma_semaphore, #tpu.memory_space<semaphore_mem>>) attributes {dimension_semantics = [#tpu.dimension_semantics<core_parallel>, #tpu.dimension_semantics<subcore_parallel>], iteration_bounds = array<i64: 2, 16>, scalar_prefetch = 0 : i64, scratch_operands = 20 : i64, tpu.core_type = #tpu.core_type<sc_vector_subcore>, window_params = [{transform_indices = #map}, {transform_indices = #map}, {transform_indices = #map1}, {transform_indices = #map1}, {transform_indices = #map1}, {transform_indices = #map1}, {transform_indices = #map1}, {transform_indices = #map}, {transform_indices = #map1}, {transform_indices = #map1}, {transform_indices = #map1}, {transform_indices = #map1}]} {
    %mul3A = arith.constant 2 : i32
    %mul3A_0 = arith.muli %arg1, %mul3A : i32
    %add3A = arith.addi %mul3A_0, %arg0 : i32
    %mul3A_1 = arith.constant 10000 : i32
    %mul3A_2 = arith.muli %add3A, %mul3A_1 : i32
    "tpu.region"() ({
      %run_scoped3A = tpu.sem_alloc : memref<!tpu.dma_semaphore, #tpu.memory_space<semaphore_mem>>
      %dma_start3A_628 = tpu.memref_slice %arg4[%mul3A_2] : memref<320000xi32, #tpu.memory_space<hbm>> -> memref<10000xi32, #tpu.memory_space<hbm>>
      %dma_start3A_629 = tpu.memref_slice %arg4[%mul3A_2] : memref<320000xi32, #tpu.memory_space<hbm>> -> memref<10000xi32, #tpu.memory_space<hbm>>
      tpu.enqueue_dma source(%dma_start3A_629 : memref<10000xi32, #tpu.memory_space<hbm>>) target(%arg14 : memref<10000xi32, #tpu.memory_space<vmem>>) target_semaphore(%run_scoped3A : memref<!tpu.dma_semaphore, #tpu.memory_space<semaphore_mem>>)
      %dma_wait3A_630 = tpu.memref_slice %arg4[%mul3A_2] : memref<320000xi32, #tpu.memory_space<hbm>> -> memref<10000xi32, #tpu.memory_space<hbm>>
      %dma_wait3A_631 = tpu.memref_slice %arg4[%mul3A_2] : memref<320000xi32, #tpu.memory_space<hbm>> -> memref<10000xi32, #tpu.memory_space<hbm>>
      tpu.wait_dma2 semaphore(%run_scoped3A : memref<!tpu.dma_semaphore, #tpu.memory_space<semaphore_mem>>) src(%dma_wait3A_631 : memref<10000xi32, #tpu.memory_space<hbm>>) dst(%arg14 : memref<10000xi32, #tpu.memory_space<vmem>>)
      tpu.yield
    }) : () -> ()
    "tpu.region"() ({
      %run_scoped3A = tpu.sem_alloc : memref<!tpu.dma_semaphore, #tpu.memory_space<semaphore_mem>>
      %dma_start3A_628 = tpu.memref_slice %arg5[%mul3A_2] : memref<320000xi32, #tpu.memory_space<hbm>> -> memref<10000xi32, #tpu.memory_space<hbm>>
      %dma_start3A_629 = tpu.memref_slice %arg5[%mul3A_2] : memref<320000xi32, #tpu.memory_space<hbm>> -> memref<10000xi32, #tpu.memory_space<hbm>>
      tpu.enqueue_dma source(%dma_start3A_629 : memref<10000xi32, #tpu.memory_space<hbm>>) target(%arg15 : memref<10000xi32, #tpu.memory_space<vmem>>) target_semaphore(%run_scoped3A : memref<!tpu.dma_semaphore, #tpu.memory_space<semaphore_mem>>)
      %dma_wait3A_630 = tpu.memref_slice %arg5[%mul3A_2] : memref<320000xi32, #tpu.memory_space<hbm>> -> memref<10000xi32, #tpu.memory_space<hbm>>
      %dma_wait3A_631 = tpu.memref_slice %arg5[%mul3A_2] : memref<320000xi32, #tpu.memory_space<hbm>> -> memref<10000xi32, #tpu.memory_space<hbm>>
      tpu.wait_dma2 semaphore(%run_scoped3A : memref<!tpu.dma_semaphore, #tpu.memory_space<semaphore_mem>>) src(%dma_wait3A_631 : memref<10000xi32, #tpu.memory_space<hbm>>) dst(%arg15 : memref<10000xi32, #tpu.memory_space<vmem>>)
      tpu.yield
    }) : () -> ()
    "tpu.region"() ({
      %run_scoped3A = tpu.sem_alloc : memref<!tpu.dma_semaphore, #tpu.memory_space<semaphore_mem>>
      tpu.enqueue_dma source(%arg6 : memref<10000xf32, #tpu.memory_space<hbm>>) target(%arg16 : memref<10000xf32, #tpu.memory_space<vmem>>) target_semaphore(%run_scoped3A : memref<!tpu.dma_semaphore, #tpu.memory_space<semaphore_mem>>)
      tpu.wait_dma2 semaphore(%run_scoped3A : memref<!tpu.dma_semaphore, #tpu.memory_space<semaphore_mem>>) src(%arg6 : memref<10000xf32, #tpu.memory_space<hbm>>) dst(%arg16 : memref<10000xf32, #tpu.memory_space<vmem>>)
      tpu.yield
    }) : () -> ()
    "tpu.region"() ({
      %run_scoped3A = tpu.sem_alloc : memref<!tpu.dma_semaphore, #tpu.memory_space<semaphore_mem>>
      tpu.enqueue_dma source(%arg7 : memref<10000xf32, #tpu.memory_space<hbm>>) target(%arg17 : memref<10000xf32, #tpu.memory_space<vmem>>) target_semaphore(%run_scoped3A : memref<!tpu.dma_semaphore, #tpu.memory_space<semaphore_mem>>)
      tpu.wait_dma2 semaphore(%run_scoped3A : memref<!tpu.dma_semaphore, #tpu.memory_space<semaphore_mem>>) src(%arg7 : memref<10000xf32, #tpu.memory_space<hbm>>) dst(%arg17 : memref<10000xf32, #tpu.memory_space<vmem>>)
      tpu.yield
    }) : () -> ()
    "tpu.region"() ({
      %run_scoped3A = tpu.sem_alloc : memref<!tpu.dma_semaphore, #tpu.memory_space<semaphore_mem>>
      tpu.enqueue_dma source(%arg8 : memref<10000xf32, #tpu.memory_space<hbm>>) target(%arg18 : memref<10000xf32, #tpu.memory_space<vmem>>) target_semaphore(%run_scoped3A : memref<!tpu.dma_semaphore, #tpu.memory_space<semaphore_mem>>)
      tpu.wait_dma2 semaphore(%run_scoped3A : memref<!tpu.dma_semaphore, #tpu.memory_space<semaphore_mem>>) src(%arg8 : memref<10000xf32, #tpu.memory_space<hbm>>) dst(%arg18 : memref<10000xf32, #tpu.memory_space<vmem>>)
      tpu.yield
    }) : () -> ()
    %dma_start3A = arith.constant 0 : i32
    %dma_start3A_3 = tpu.memref_slice %arg14[%dma_start3A] : memref<10000xi32, #tpu.memory_space<vmem>> -> memref<80xi32, #tpu.memory_space<vmem>>
    %dma_start3A_4 = arith.constant 0 : i32
    %dma_start3A_5 = arith.constant 0 : i32
    %dma_start3A_6 = tpu.memref_slice %arg2[%dma_start3A_4, %dma_start3A_5] : memref<10000x128xf32, #tpu.memory_space<hbm>> -> memref<10000x128xf32, #tpu.memory_space<hbm>>
    tpu.enqueue_indirect_dma source(%dma_start3A_6 : memref<10000x128xf32, #tpu.memory_space<hbm>>) target(%arg19 : memref<80x128xf32, #tpu.memory_space<vmem>>) offsets(%dma_start3A_3 : memref<80xi32, #tpu.memory_space<vmem>>) semaphore(%arg28 : memref<!tpu.dma_semaphore, #tpu.memory_space<semaphore_mem>>)
    %dma_start3A_7 = arith.constant 0 : i32
    %dma_start3A_8 = tpu.memref_slice %arg15[%dma_start3A_7] : memref<10000xi32, #tpu.memory_space<vmem>> -> memref<80xi32, #tpu.memory_space<vmem>>
    %dma_start3A_9 = arith.constant 0 : i32
    %dma_start3A_10 = arith.constant 0 : i32
    %dma_start3A_11 = tpu.memref_slice %arg3[%dma_start3A_9, %dma_start3A_10] : memref<10000x128xf32, #tpu.memory_space<hbm>> -> memref<10000x128xf32, #tpu.memory_space<hbm>>
    tpu.enqueue_indirect_dma source(%dma_start3A_11 : memref<10000x128xf32, #tpu.memory_space<hbm>>) target(%arg22 : memref<80x128xf32, #tpu.memory_space<vmem>>) offsets(%dma_start3A_8 : memref<80xi32, #tpu.memory_space<vmem>>) semaphore(%arg28 : memref<!tpu.dma_semaphore, #tpu.memory_space<semaphore_mem>>)
    %dma_start3A_12 = arith.constant 80 : i32
    %dma_start3A_13 = tpu.memref_slice %arg14[%dma_start3A_12] : memref<10000xi32, #tpu.memory_space<vmem>> -> memref<80xi32, #tpu.memory_space<vmem>>
    %dma_start3A_14 = arith.constant 0 : i32
    %dma_start3A_15 = arith.constant 0 : i32
    %dma_start3A_16 = tpu.memref_slice %arg2[%dma_start3A_14, %dma_start3A_15] : memref<10000x128xf32, #tpu.memory_space<hbm>> -> memref<10000x128xf32, #tpu.memory_space<hbm>>
    tpu.enqueue_indirect_dma source(%dma_start3A_16 : memref<10000x128xf32, #tpu.memory_space<hbm>>) target(%arg20 : memref<80x128xf32, #tpu.memory_space<vmem>>) offsets(%dma_start3A_13 : memref<80xi32, #tpu.memory_space<vmem>>) semaphore(%arg29 : memref<!tpu.dma_semaphore, #tpu.memory_space<semaphore_mem>>)
    %dma_start3A_17 = arith.constant 80 : i32
    %dma_start3A_18 = tpu.memref_slice %arg15[%dma_start3A_17] : memref<10000xi32, #tpu.memory_space<vmem>> -> memref<80xi32, #tpu.memory_space<vmem>>
    %dma_start3A_19 = arith.constant 0 : i32
    %dma_start3A_20 = arith.constant 0 : i32
    %dma_start3A_21 = tpu.memref_slice %arg3[%dma_start3A_19, %dma_start3A_20] : memref<10000x128xf32, #tpu.memory_space<hbm>> -> memref<10000x128xf32, #tpu.memory_space<hbm>>
    tpu.enqueue_indirect_dma source(%dma_start3A_21 : memref<10000x128xf32, #tpu.memory_space<hbm>>) target(%arg23 : memref<80x128xf32, #tpu.memory_space<vmem>>) offsets(%dma_start3A_18 : memref<80xi32, #tpu.memory_space<vmem>>) semaphore(%arg29 : memref<!tpu.dma_semaphore, #tpu.memory_space<semaphore_mem>>)
    %scan3A = arith.constant 0 : i32
    %scan3A_22 = arith.constant 0 : i32
    %scan3A_23 = arith.constant 41 : i32
    %scan3A_24 = arith.addi %scan3A_22, %scan3A_23 : i32
    %scan3A_25 = arith.constant 1 : i32
    scf.for %scan3A_628 = %scan3A_22 to %scan3A_24 step %scan3A_25  : i32 {
      %mul3A_629 = arith.constant 3 : i32
      %mul3A_630 = arith.muli %scan3A_628, %mul3A_629 : i32
      %add3A_631 = arith.constant 0 : i32
      %add3A_632 = arith.addi %mul3A_630, %add3A_631 : i32
      %dma_wait3A_633 = arith.constant 0 : i32
      %dma_wait3A_634 = tpu.memref_slice %arg14[%dma_wait3A_633] : memref<10000xi32, #tpu.memory_space<vmem>> -> memref<80xi32, #tpu.memory_space<vmem>>
      %dma_wait3A_635 = arith.constant 0 : i32
      %dma_wait3A_636 = arith.constant 0 : i32
      %dma_wait3A_637 = tpu.memref_slice %arg2[%dma_wait3A_635, %dma_wait3A_636] : memref<10000x128xf32, #tpu.memory_space<hbm>> -> memref<10000x128xf32, #tpu.memory_space<hbm>>
      tpu.wait_indirect_dma semaphore(%arg28 : memref<!tpu.dma_semaphore, #tpu.memory_space<semaphore_mem>>) src(%dma_wait3A_637 : memref<10000x128xf32, #tpu.memory_space<hbm>>) dst(%arg19 : memref<80x128xf32, #tpu.memory_space<vmem>>)
      %dma_wait3A_638 = arith.constant 0 : i32
      %dma_wait3A_639 = tpu.memref_slice %arg15[%dma_wait3A_638] : memref<10000xi32, #tpu.memory_space<vmem>> -> memref<80xi32, #tpu.memory_space<vmem>>
      %dma_wait3A_640 = arith.constant 0 : i32
      %dma_wait3A_641 = arith.constant 0 : i32
      %dma_wait3A_642 = tpu.memref_slice %arg3[%dma_wait3A_640, %dma_wait3A_641] : memref<10000x128xf32, #tpu.memory_space<hbm>> -> memref<10000x128xf32, #tpu.memory_space<hbm>>
      tpu.wait_indirect_dma semaphore(%arg28 : memref<!tpu.dma_semaphore, #tpu.memory_space<semaphore_mem>>) src(%dma_wait3A_642 : memref<10000x128xf32, #tpu.memory_space<hbm>>) dst(%arg22 : memref<80x128xf32, #tpu.memory_space<vmem>>)
      %mul3A_643 = arith.constant 80 : i32
      %mul3A_644 = arith.muli %add3A_632, %mul3A_643 : i32
      %add3A_645 = arith.constant 0 : i32
      %add3A_646 = arith.addi %mul3A_644, %add3A_645 : i32
      %get3A_647 = arith.index_cast %add3A_646 : i32 to index
      %get3A_648 = tpu.vector_load %arg14[%get3A_647] {strides = array<i32>} : memref<10000xi32, #tpu.memory_space<vmem>>, vector<16xi32>,
      %get3A_649 = arith.index_cast %add3A_646 : i32 to index
      %get3A_650 = tpu.vector_load %arg15[%get3A_649] {strides = array<i32>} : memref<10000xi32, #tpu.memory_space<vmem>>, vector<16xi32>,
      %gather3A_651 = tpu.vector_load_idx %arg16[%get3A_648] : memref<10000xf32, #tpu.memory_space<vmem>>[vector<16xi32>], vector<16xf32>,
      %gather3A_652 = tpu.vector_load_idx %arg16[%get3A_650] : memref<10000xf32, #tpu.memory_space<vmem>>[vector<16xi32>], vector<16xf32>,
      %sub3A_653 = arith.subf %gather3A_651, %gather3A_652 : vector<16xf32>
      %gather3A_654 = tpu.vector_load_idx %arg17[%get3A_648] : memref<10000xf32, #tpu.memory_space<vmem>>[vector<16xi32>], vector<16xf32>,
      %gather3A_655 = tpu.vector_load_idx %arg17[%get3A_650] : memref<10000xf32, #tpu.memory_space<vmem>>[vector<16xi32>], vector<16xf32>,
      %sub3A_656 = arith.subf %gather3A_654, %gather3A_655 : vector<16xf32>
      %gather3A_657 = tpu.vector_load_idx %arg18[%get3A_648] : memref<10000xf32, #tpu.memory_space<vmem>>[vector<16xi32>], vector<16xf32>,
      %gather3A_658 = tpu.vector_load_idx %arg18[%get3A_650] : memref<10000xf32, #tpu.memory_space<vmem>>[vector<16xi32>], vector<16xf32>,
      %sub3A_659 = arith.subf %gather3A_657, %gather3A_658 : vector<16xf32>
      %swap3A_660 = arith.constant 0 : i32
      %swap3A_661 = arith.index_cast %swap3A_660 : i32 to index
      %swap3A_662 = arith.constant 0 : index
      %swap3A_663 = tpu.vector_load %arg25[%swap3A_661, %swap3A_662] {strides = array<i32>} : memref<4x80xf32, #tpu.memory_space<vmem>>, vector<16xf32>,
      tpu.vector_store %arg25[%swap3A_661, %swap3A_662], %sub3A_653 {strides = array<i32>} : memref<4x80xf32, #tpu.memory_space<vmem>>, vector<16xf32>,
      %swap3A_664 = arith.constant 1 : i32
      %swap3A_665 = arith.index_cast %swap3A_664 : i32 to index
      %swap3A_666 = arith.constant 0 : index
      %swap3A_667 = tpu.vector_load %arg25[%swap3A_665, %swap3A_666] {strides = array<i32>} : memref<4x80xf32, #tpu.memory_space<vmem>>, vector<16xf32>,
      tpu.vector_store %arg25[%swap3A_665, %swap3A_666], %sub3A_656 {strides = array<i32>} : memref<4x80xf32, #tpu.memory_space<vmem>>, vector<16xf32>,
      %swap3A_668 = arith.constant 2 : i32
      %swap3A_669 = arith.index_cast %swap3A_668 : i32 to index
      %swap3A_670 = arith.constant 0 : index
      %swap3A_671 = tpu.vector_load %arg25[%swap3A_669, %swap3A_670] {strides = array<i32>} : memref<4x80xf32, #tpu.memory_space<vmem>>, vector<16xf32>,
      tpu.vector_store %arg25[%swap3A_669, %swap3A_670], %sub3A_659 {strides = array<i32>} : memref<4x80xf32, #tpu.memory_space<vmem>>, vector<16xf32>,
      %mul3A_672 = arith.mulf %sub3A_653, %sub3A_653 : vector<16xf32>
      %mul3A_673 = arith.mulf %sub3A_656, %sub3A_656 : vector<16xf32>
      %add3A_674 = arith.addf %mul3A_672, %mul3A_673 : vector<16xf32>
      %mul3A_675 = arith.mulf %sub3A_659, %sub3A_659 : vector<16xf32>
      %add3A_676 = arith.addf %add3A_674, %mul3A_675 : vector<16xf32>
      %swap3A_677 = arith.constant 3 : i32
      %swap3A_678 = arith.index_cast %swap3A_677 : i32 to index
      %swap3A_679 = arith.constant 0 : index
      %swap3A_680 = tpu.vector_load %arg25[%swap3A_678, %swap3A_679] {strides = array<i32>} : memref<4x80xf32, #tpu.memory_space<vmem>>, vector<16xf32>,
      tpu.vector_store %arg25[%swap3A_678, %swap3A_679], %add3A_676 {strides = array<i32>} : memref<4x80xf32, #tpu.memory_space<vmem>>, vector<16xf32>,
      %mul3A_681 = arith.constant 80 : i32
      %mul3A_682 = arith.muli %add3A_632, %mul3A_681 : i32
      %add3A_683 = arith.constant 16 : i32
      %add3A_684 = arith.addi %mul3A_682, %add3A_683 : i32
      %get3A_685 = arith.index_cast %add3A_684 : i32 to index
      %get3A_686 = tpu.vector_load %arg14[%get3A_685] {strides = array<i32>} : memref<10000xi32, #tpu.memory_space<vmem>>, vector<16xi32>,
      %get3A_687 = arith.index_cast %add3A_684 : i32 to index
      %get3A_688 = tpu.vector_load %arg15[%get3A_687] {strides = array<i32>} : memref<10000xi32, #tpu.memory_space<vmem>>, vector<16xi32>,
      %gather3A_689 = tpu.vector_load_idx %arg16[%get3A_686] : memref<10000xf32, #tpu.memory_space<vmem>>[vector<16xi32>], vector<16xf32>,
      %gather3A_690 = tpu.vector_load_idx %arg16[%get3A_688] : memref<10000xf32, #tpu.memory_space<vmem>>[vector<16xi32>], vector<16xf32>,
      %sub3A_691 = arith.subf %gather3A_689, %gather3A_690 : vector<16xf32>
      %gather3A_692 = tpu.vector_load_idx %arg17[%get3A_686] : memref<10000xf32, #tpu.memory_space<vmem>>[vector<16xi32>], vector<16xf32>,
      %gather3A_693 = tpu.vector_load_idx %arg17[%get3A_688] : memref<10000xf32, #tpu.memory_space<vmem>>[vector<16xi32>], vector<16xf32>,
      %sub3A_694 = arith.subf %gather3A_692, %gather3A_693 : vector<16xf32>
      %gather3A_695 = tpu.vector_load_idx %arg18[%get3A_686] : memref<10000xf32, #tpu.memory_space<vmem>>[vector<16xi32>], vector<16xf32>,
      %gather3A_696 = tpu.vector_load_idx %arg18[%get3A_688] : memref<10000xf32, #tpu.memory_space<vmem>>[vector<16xi32>], vector<16xf32>,
      %sub3A_697 = arith.subf %gather3A_695, %gather3A_696 : vector<16xf32>
      %swap3A_698 = arith.constant 0 : i32
      %swap3A_699 = arith.index_cast %swap3A_698 : i32 to index
      %swap3A_700 = arith.constant 16 : index
      %swap3A_701 = tpu.vector_load %arg25[%swap3A_699, %swap3A_700] {strides = array<i32>} : memref<4x80xf32, #tpu.memory_space<vmem>>, vector<16xf32>,
      tpu.vector_store %arg25[%swap3A_699, %swap3A_700], %sub3A_691 {strides = array<i32>} : memref<4x80xf32, #tpu.memory_space<vmem>>, vector<16xf32>,
      %swap3A_702 = arith.constant 1 : i32
      %swap3A_703 = arith.index_cast %swap3A_702 : i32 to index
      %swap3A_704 = arith.constant 16 : index
      %swap3A_705 = tpu.vector_load %arg25[%swap3A_703, %swap3A_704] {strides = array<i32>} : memref<4x80xf32, #tpu.memory_space<vmem>>, vector<16xf32>,
      tpu.vector_store %arg25[%swap3A_703, %swap3A_704], %sub3A_694 {strides = array<i32>} : memref<4x80xf32, #tpu.memory_space<vmem>>, vector<16xf32>,
      %swap3A_706 = arith.constant 2 : i32
      %swap3A_707 = arith.index_cast %swap3A_706 : i32 to index
      %swap3A_708 = arith.constant 16 : index
      %swap3A_709 = tpu.vector_load %arg25[%swap3A_707, %swap3A_708] {strides = array<i32>} : memref<4x80xf32, #tpu.memory_space<vmem>>, vector<16xf32>,
      tpu.vector_store %arg25[%swap3A_707, %swap3A_708], %sub3A_697 {strides = array<i32>} : memref<4x80xf32, #tpu.memory_space<vmem>>, vector<16xf32>,
      %mul3A_710 = arith.mulf %sub3A_691, %sub3A_691 : vector<16xf32>
      %mul3A_711 = arith.mulf %sub3A_694, %sub3A_694 : vector<16xf32>
      %add3A_712 = arith.addf %mul3A_710, %mul3A_711 : vector<16xf32>
      %mul3A_713 = arith.mulf %sub3A_697, %sub3A_697 : vector<16xf32>
      %add3A_714 = arith.addf %add3A_712, %mul3A_713 : vector<16xf32>
      %swap3A_715 = arith.constant 3 : i32
      %swap3A_716 = arith.index_cast %swap3A_715 : i32 to index
      %swap3A_717 = arith.constant 16 : index
      %swap3A_718 = tpu.vector_load %arg25[%swap3A_716, %swap3A_717] {strides = array<i32>} : memref<4x80xf32, #tpu.memory_space<vmem>>, vector<16xf32>,
      tpu.vector_store %arg25[%swap3A_716, %swap3A_717], %add3A_714 {strides = array<i32>} : memref<4x80xf32, #tpu.memory_space<vmem>>, vector<16xf32>,
      %mul3A_719 = arith.constant 80 : i32
      %mul3A_720 = arith.muli %add3A_632, %mul3A_719 : i32
      %add3A_721 = arith.constant 32 : i32
      %add3A_722 = arith.addi %mul3A_720, %add3A_721 : i32
      %get3A_723 = arith.index_cast %add3A_722 : i32 to index
      %get3A_724 = tpu.vector_load %arg14[%get3A_723] {strides = array<i32>} : memref<10000xi32, #tpu.memory_space<vmem>>, vector<16xi32>,
      %get3A_725 = arith.index_cast %add3A_722 : i32 to index
      %get3A_726 = tpu.vector_load %arg15[%get3A_725] {strides = array<i32>} : memref<10000xi32, #tpu.memory_space<vmem>>, vector<16xi32>,
      %gather3A_727 = tpu.vector_load_idx %arg16[%get3A_724] : memref<10000xf32, #tpu.memory_space<vmem>>[vector<16xi32>], vector<16xf32>,
      %gather3A_728 = tpu.vector_load_idx %arg16[%get3A_726] : memref<10000xf32, #tpu.memory_space<vmem>>[vector<16xi32>], vector<16xf32>,
      %sub3A_729 = arith.subf %gather3A_727, %gather3A_728 : vector<16xf32>
      %gather3A_730 = tpu.vector_load_idx %arg17[%get3A_724] : memref<10000xf32, #tpu.memory_space<vmem>>[vector<16xi32>], vector<16xf32>,
      %gather3A_731 = tpu.vector_load_idx %arg17[%get3A_726] : memref<10000xf32, #tpu.memory_space<vmem>>[vector<16xi32>], vector<16xf32>,
      %sub3A_732 = arith.subf %gather3A_730, %gather3A_731 : vector<16xf32>
      %gather3A_733 = tpu.vector_load_idx %arg18[%get3A_724] : memref<10000xf32, #tpu.memory_space<vmem>>[vector<16xi32>], vector<16xf32>,
      %gather3A_734 = tpu.vector_load_idx %arg18[%get3A_726] : memref<10000xf32, #tpu.memory_space<vmem>>[vector<16xi32>], vector<16xf32>,
      %sub3A_735 = arith.subf %gather3A_733, %gather3A_734 : vector<16xf32>
      %swap3A_736 = arith.constant 0 : i32
      %swap3A_737 = arith.index_cast %swap3A_736 : i32 to index
      %swap3A_738 = arith.constant 32 : index
      %swap3A_739 = tpu.vector_load %arg25[%swap3A_737, %swap3A_738] {strides = array<i32>} : memref<4x80xf32, #tpu.memory_space<vmem>>, vector<16xf32>,
      tpu.vector_store %arg25[%swap3A_737, %swap3A_738], %sub3A_729 {strides = array<i32>} : memref<4x80xf32, #tpu.memory_space<vmem>>, vector<16xf32>,
      %swap3A_740 = arith.constant 1 : i32
      %swap3A_741 = arith.index_cast %swap3A_740 : i32 to index
      %swap3A_742 = arith.constant 32 : index
      %swap3A_743 = tpu.vector_load %arg25[%swap3A_741, %swap3A_742] {strides = array<i32>} : memref<4x80xf32, #tpu.memory_space<vmem>>, vector<16xf32>,
      tpu.vector_store %arg25[%swap3A_741, %swap3A_742], %sub3A_732 {strides = array<i32>} : memref<4x80xf32, #tpu.memory_space<vmem>>, vector<16xf32>,
      %swap3A_744 = arith.constant 2 : i32
      %swap3A_745 = arith.index_cast %swap3A_744 : i32 to index
      %swap3A_746 = arith.constant 32 : index
      %swap3A_747 = tpu.vector_load %arg25[%swap3A_745, %swap3A_746] {strides = array<i32>} : memref<4x80xf32, #tpu.memory_space<vmem>>, vector<16xf32>,
      tpu.vector_store %arg25[%swap3A_745, %swap3A_746], %sub3A_735 {strides = array<i32>} : memref<4x80xf32, #tpu.memory_space<vmem>>, vector<16xf32>,
      %mul3A_748 = arith.mulf %sub3A_729, %sub3A_729 : vector<16xf32>
      %mul3A_749 = arith.mulf %sub3A_732, %sub3A_732 : vector<16xf32>
      %add3A_750 = arith.addf %mul3A_748, %mul3A_749 : vector<16xf32>
      %mul3A_751 = arith.mulf %sub3A_735, %sub3A_735 : vector<16xf32>
      %add3A_752 = arith.addf %add3A_750, %mul3A_751 : vector<16xf32>
      %swap3A_753 = arith.constant 3 : i32
      %swap3A_754 = arith.index_cast %swap3A_753 : i32 to index
      %swap3A_755 = arith.constant 32 : index
      %swap3A_756 = tpu.vector_load %arg25[%swap3A_754, %swap3A_755] {strides = array<i32>} : memref<4x80xf32, #tpu.memory_space<vmem>>, vector<16xf32>,
      tpu.vector_store %arg25[%swap3A_754, %swap3A_755], %add3A_752 {strides = array<i32>} : memref<4x80xf32, #tpu.memory_space<vmem>>, vector<16xf32>,
      %mul3A_757 = arith.constant 80 : i32
      %mul3A_758 = arith.muli %add3A_632, %mul3A_757 : i32
      %add3A_759 = arith.constant 48 : i32
      %add3A_760 = arith.addi %mul3A_758, %add3A_759 : i32
      %get3A_761 = arith.index_cast %add3A_760 : i32 to index
      %get3A_762 = tpu.vector_load %arg14[%get3A_761] {strides = array<i32>} : memref<10000xi32, #tpu.memory_space<vmem>>, vector<16xi32>,
      %get3A_763 = arith.index_cast %add3A_760 : i32 to index
      %get3A_764 = tpu.vector_load %arg15[%get3A_763] {strides = array<i32>} : memref<10000xi32, #tpu.memory_space<vmem>>, vector<16xi32>,
      %gather3A_765 = tpu.vector_load_idx %arg16[%get3A_762] : memref<10000xf32, #tpu.memory_space<vmem>>[vector<16xi32>], vector<16xf32>,
      %gather3A_766 = tpu.vector_load_idx %arg16[%get3A_764] : memref<10000xf32, #tpu.memory_space<vmem>>[vector<16xi32>], vector<16xf32>,
      %sub3A_767 = arith.subf %gather3A_765, %gather3A_766 : vector<16xf32>
      %gather3A_768 = tpu.vector_load_idx %arg17[%get3A_762] : memref<10000xf32, #tpu.memory_space<vmem>>[vector<16xi32>], vector<16xf32>,
      %gather3A_769 = tpu.vector_load_idx %arg17[%get3A_764] : memref<10000xf32, #tpu.memory_space<vmem>>[vector<16xi32>], vector<16xf32>,
      %sub3A_770 = arith.subf %gather3A_768, %gather3A_769 : vector<16xf32>
      %gather3A_771 = tpu.vector_load_idx %arg18[%get3A_762] : memref<10000xf32, #tpu.memory_space<vmem>>[vector<16xi32>], vector<16xf32>,
      %gather3A_772 = tpu.vector_load_idx %arg18[%get3A_764] : memref<10000xf32, #tpu.memory_space<vmem>>[vector<16xi32>], vector<16xf32>,
      %sub3A_773 = arith.subf %gather3A_771, %gather3A_772 : vector<16xf32>
      %swap3A_774 = arith.constant 0 : i32
      %swap3A_775 = arith.index_cast %swap3A_774 : i32 to index
      %swap3A_776 = arith.constant 48 : index
      %swap3A_777 = tpu.vector_load %arg25[%swap3A_775, %swap3A_776] {strides = array<i32>} : memref<4x80xf32, #tpu.memory_space<vmem>>, vector<16xf32>,
      tpu.vector_store %arg25[%swap3A_775, %swap3A_776], %sub3A_767 {strides = array<i32>} : memref<4x80xf32, #tpu.memory_space<vmem>>, vector<16xf32>,
      %swap3A_778 = arith.constant 1 : i32
      %swap3A_779 = arith.index_cast %swap3A_778 : i32 to index
      %swap3A_780 = arith.constant 48 : index
      %swap3A_781 = tpu.vector_load %arg25[%swap3A_779, %swap3A_780] {strides = array<i32>} : memref<4x80xf32, #tpu.memory_space<vmem>>, vector<16xf32>,
      tpu.vector_store %arg25[%swap3A_779, %swap3A_780], %sub3A_770 {strides = array<i32>} : memref<4x80xf32, #tpu.memory_space<vmem>>, vector<16xf32>,
      %swap3A_782 = arith.constant 2 : i32
      %swap3A_783 = arith.index_cast %swap3A_782 : i32 to index
      %swap3A_784 = arith.constant 48 : index
      %swap3A_785 = tpu.vector_load %arg25[%swap3A_783, %swap3A_784] {strides = array<i32>} : memref<4x80xf32, #tpu.memory_space<vmem>>, vector<16xf32>,
      tpu.vector_store %arg25[%swap3A_783, %swap3A_784], %sub3A_773 {strides = array<i32>} : memref<4x80xf32, #tpu.memory_space<vmem>>, vector<16xf32>,
      %mul3A_786 = arith.mulf %sub3A_767, %sub3A_767 : vector<16xf32>
      %mul3A_787 = arith.mulf %sub3A_770, %sub3A_770 : vector<16xf32>
      %add3A_788 = arith.addf %mul3A_786, %mul3A_787 : vector<16xf32>
      %mul3A_789 = arith.mulf %sub3A_773, %sub3A_773 : vector<16xf32>
      %add3A_790 = arith.addf %add3A_788, %mul3A_789 : vector<16xf32>
      %swap3A_791 = arith.constant 3 : i32
      %swap3A_792 = arith.index_cast %swap3A_791 : i32 to index
      %swap3A_793 = arith.constant 48 : index
      %swap3A_794 = tpu.vector_load %arg25[%swap3A_792, %swap3A_793] {strides = array<i32>} : memref<4x80xf32, #tpu.memory_space<vmem>>, vector<16xf32>,
      tpu.vector_store %arg25[%swap3A_792, %swap3A_793], %add3A_790 {strides = array<i32>} : memref<4x80xf32, #tpu.memory_space<vmem>>, vector<16xf32>,
      %mul3A_795 = arith.constant 80 : i32
      %mul3A_796 = arith.muli %add3A_632, %mul3A_795 : i32
      %add3A_797 = arith.constant 64 : i32
      %add3A_798 = arith.addi %mul3A_796, %add3A_797 : i32
      %get3A_799 = arith.index_cast %add3A_798 : i32 to index
      %get3A_800 = tpu.vector_load %arg14[%get3A_799] {strides = array<i32>} : memref<10000xi32, #tpu.memory_space<vmem>>, vector<16xi32>,
      %get3A_801 = arith.index_cast %add3A_798 : i32 to index
      %get3A_802 = tpu.vector_load %arg15[%get3A_801] {strides = array<i32>} : memref<10000xi32, #tpu.memory_space<vmem>>, vector<16xi32>,
      %gather3A_803 = tpu.vector_load_idx %arg16[%get3A_800] : memref<10000xf32, #tpu.memory_space<vmem>>[vector<16xi32>], vector<16xf32>,
      %gather3A_804 = tpu.vector_load_idx %arg16[%get3A_802] : memref<10000xf32, #tpu.memory_space<vmem>>[vector<16xi32>], vector<16xf32>,
      %sub3A_805 = arith.subf %gather3A_803, %gather3A_804 : vector<16xf32>
      %gather3A_806 = tpu.vector_load_idx %arg17[%get3A_800] : memref<10000xf32, #tpu.memory_space<vmem>>[vector<16xi32>], vector<16xf32>,
      %gather3A_807 = tpu.vector_load_idx %arg17[%get3A_802] : memref<10000xf32, #tpu.memory_space<vmem>>[vector<16xi32>], vector<16xf32>,
      %sub3A_808 = arith.subf %gather3A_806, %gather3A_807 : vector<16xf32>
      %gather3A_809 = tpu.vector_load_idx %arg18[%get3A_800] : memref<10000xf32, #tpu.memory_space<vmem>>[vector<16xi32>], vector<16xf32>,
      %gather3A_810 = tpu.vector_load_idx %arg18[%get3A_802] : memref<10000xf32, #tpu.memory_space<vmem>>[vector<16xi32>], vector<16xf32>,
      %sub3A_811 = arith.subf %gather3A_809, %gather3A_810 : vector<16xf32>
      %swap3A_812 = arith.constant 0 : i32
      %swap3A_813 = arith.index_cast %swap3A_812 : i32 to index
      %swap3A_814 = arith.constant 64 : index
      %swap3A_815 = tpu.vector_load %arg25[%swap3A_813, %swap3A_814] {strides = array<i32>} : memref<4x80xf32, #tpu.memory_space<vmem>>, vector<16xf32>,
      tpu.vector_store %arg25[%swap3A_813, %swap3A_814], %sub3A_805 {strides = array<i32>} : memref<4x80xf32, #tpu.memory_space<vmem>>, vector<16xf32>,
      %swap3A_816 = arith.constant 1 : i32
      %swap3A_817 = arith.index_cast %swap3A_816 : i32 to index
      %swap3A_818 = arith.constant 64 : index
      %swap3A_819 = tpu.vector_load %arg25[%swap3A_817, %swap3A_818] {strides = array<i32>} : memref<4x80xf32, #tpu.memory_space<vmem>>, vector<16xf32>,
      tpu.vector_store %arg25[%swap3A_817, %swap3A_818], %sub3A_808 {strides = array<i32>} : memref<4x80xf32, #tpu.memory_space<vmem>>, vector<16xf32>,
      %swap3A_820 = arith.constant 2 : i32
      %swap3A_821 = arith.index_cast %swap3A_820 : i32 to index
      %swap3A_822 = arith.constant 64 : index
      %swap3A_823 = tpu.vector_load %arg25[%swap3A_821, %swap3A_822] {strides = array<i32>} : memref<4x80xf32, #tpu.memory_space<vmem>>, vector<16xf32>,
      tpu.vector_store %arg25[%swap3A_821, %swap3A_822], %sub3A_811 {strides = array<i32>} : memref<4x80xf32, #tpu.memory_space<vmem>>, vector<16xf32>,
      %mul3A_824 = arith.mulf %sub3A_805, %sub3A_805 : vector<16xf32>
      %mul3A_825 = arith.mulf %sub3A_808, %sub3A_808 : vector<16xf32>
      %add3A_826 = arith.addf %mul3A_824, %mul3A_825 : vector<16xf32>
      %mul3A_827 = arith.mulf %sub3A_811, %sub3A_811 : vector<16xf32>
      %add3A_828 = arith.addf %add3A_826, %mul3A_827 : vector<16xf32>
      %swap3A_829 = arith.constant 3 : i32
      %swap3A_830 = arith.index_cast %swap3A_829 : i32 to index
      %swap3A_831 = arith.constant 64 : index
      %swap3A_832 = tpu.vector_load %arg25[%swap3A_830, %swap3A_831] {strides = array<i32>} : memref<4x80xf32, #tpu.memory_space<vmem>>, vector<16xf32>,
      tpu.vector_store %arg25[%swap3A_830, %swap3A_831], %add3A_828 {strides = array<i32>} : memref<4x80xf32, #tpu.memory_space<vmem>>, vector<16xf32>,
      %scan3A_833 = arith.constant 0 : i32
      %scan3A_834 = arith.constant 0 : i32
      %scan3A_835 = arith.constant 80 : i32
      %scan3A_836 = arith.addi %scan3A_834, %scan3A_835 : i32
      %scan3A_837 = arith.constant 1 : i32
      scf.for %scan3A_1432 = %scan3A_834 to %scan3A_836 step %scan3A_837  : i32 {
        %get3A_1433 = arith.index_cast %scan3A_1432 : i32 to index
        %get3A_1434 = arith.constant 0 : index
        %get3A_1435 = tpu.vector_load %arg22[%get3A_1433, %get3A_1434] {strides = array<i32>} : memref<80x128xf32, #tpu.memory_space<vmem>>, vector<16xf32>,
        %swap3A_1436 = arith.index_cast %scan3A_1432 : i32 to index
        %swap3A_1437 = arith.constant 0 : index
        %swap3A_1438 = tpu.vector_load %arg19[%swap3A_1436, %swap3A_1437] {strides = array<i32>} : memref<80x128xf32, #tpu.memory_space<vmem>>, vector<16xf32>,
        tpu.vector_store %arg19[%swap3A_1436, %swap3A_1437], %get3A_1435 {add = true, strides = array<i32>} : memref<80x128xf32, #tpu.memory_space<vmem>>, vector<16xf32>,
        %get3A_1439 = arith.index_cast %scan3A_1432 : i32 to index
        %get3A_1440 = arith.constant 16 : index
        %get3A_1441 = tpu.vector_load %arg22[%get3A_1439, %get3A_1440] {strides = array<i32>} : memref<80x128xf32, #tpu.memory_space<vmem>>, vector<16xf32>,
        %swap3A_1442 = arith.index_cast %scan3A_1432 : i32 to index
        %swap3A_1443 = arith.constant 16 : index
        %swap3A_1444 = tpu.vector_load %arg19[%swap3A_1442, %swap3A_1443] {strides = array<i32>} : memref<80x128xf32, #tpu.memory_space<vmem>>, vector<16xf32>,
        tpu.vector_store %arg19[%swap3A_1442, %swap3A_1443], %get3A_1441 {add = true, strides = array<i32>} : memref<80x128xf32, #tpu.memory_space<vmem>>, vector<16xf32>,
        %get3A_1445 = arith.index_cast %scan3A_1432 : i32 to index
        %get3A_1446 = arith.constant 32 : index
        %get3A_1447 = tpu.vector_load %arg22[%get3A_1445, %get3A_1446] {strides = array<i32>} : memref<80x128xf32, #tpu.memory_space<vmem>>, vector<16xf32>,
        %swap3A_1448 = arith.index_cast %scan3A_1432 : i32 to index
        %swap3A_1449 = arith.constant 32 : index
        %swap3A_1450 = tpu.vector_load %arg19[%swap3A_1448, %swap3A_1449] {strides = array<i32>} : memref<80x128xf32, #tpu.memory_space<vmem>>, vector<16xf32>,
        tpu.vector_store %arg19[%swap3A_1448, %swap3A_1449], %get3A_1447 {add = true, strides = array<i32>} : memref<80x128xf32, #tpu.memory_space<vmem>>, vector<16xf32>,
        %get3A_1451 = arith.index_cast %scan3A_1432 : i32 to index
        %get3A_1452 = arith.constant 48 : index
        %get3A_1453 = tpu.vector_load %arg22[%get3A_1451, %get3A_1452] {strides = array<i32>} : memref<80x128xf32, #tpu.memory_space<vmem>>, vector<16xf32>,
        %swap3A_1454 = arith.index_cast %scan3A_1432 : i32 to index
        %swap3A_1455 = arith.constant 48 : index
        %swap3A_1456 = tpu.vector_load %arg19[%swap3A_1454, %swap3A_1455] {strides = array<i32>} : memref<80x128xf32, #tpu.memory_space<vmem>>, vector<16xf32>,
        tpu.vector_store %arg19[%swap3A_1454, %swap3A_1455], %get3A_1453 {add = true, strides = array<i32>} : memref<80x128xf32, #tpu.memory_space<vmem>>, vector<16xf32>,
        %get3A_1457 = arith.index_cast %scan3A_1432 : i32 to index
        %get3A_1458 = arith.constant 64 : index
        %get3A_1459 = tpu.vector_load %arg22[%get3A_1457, %get3A_1458] {strides = array<i32>} : memref<80x128xf32, #tpu.memory_space<vmem>>, vector<16xf32>,
        %swap3A_1460 = arith.index_cast %scan3A_1432 : i32 to index
        %swap3A_1461 = arith.constant 64 : index
        %swap3A_1462 = tpu.vector_load %arg19[%swap3A_1460, %swap3A_1461] {strides = array<i32>} : memref<80x128xf32, #tpu.memory_space<vmem>>, vector<16xf32>,
        tpu.vector_store %arg19[%swap3A_1460, %swap3A_1461], %get3A_1459 {add = true, strides = array<i32>} : memref<80x128xf32, #tpu.memory_space<vmem>>, vector<16xf32>,
        %get3A_1463 = arith.index_cast %scan3A_1432 : i32 to index
        %get3A_1464 = arith.constant 80 : index
        %get3A_1465 = tpu.vector_load %arg22[%get3A_1463, %get3A_1464] {strides = array<i32>} : memref<80x128xf32, #tpu.memory_space<vmem>>, vector<16xf32>,
        %swap3A_1466 = arith.index_cast %scan3A_1432 : i32 to index
        %swap3A_1467 = arith.constant 80 : index
        %swap3A_1468 = tpu.vector_load %arg19[%swap3A_1466, %swap3A_1467] {strides = array<i32>} : memref<80x128xf32, #tpu.memory_space<vmem>>, vector<16xf32>,
        tpu.vector_store %arg19[%swap3A_1466, %swap3A_1467], %get3A_1465 {add = true, strides = array<i32>} : memref<80x128xf32, #tpu.memory_space<vmem>>, vector<16xf32>,
        %get3A_1469 = arith.index_cast %scan3A_1432 : i32 to index
        %get3A_1470 = arith.constant 96 : index
        %get3A_1471 = tpu.vector_load %arg22[%get3A_1469, %get3A_1470] {strides = array<i32>} : memref<80x128xf32, #tpu.memory_space<vmem>>, vector<16xf32>,
        %swap3A_1472 = arith.index_cast %scan3A_1432 : i32 to index
        %swap3A_1473 = arith.constant 96 : index
        %swap3A_1474 = tpu.vector_load %arg19[%swap3A_1472, %swap3A_1473] {strides = array<i32>} : memref<80x128xf32, #tpu.memory_space<vmem>>, vector<16xf32>,
        tpu.vector_store %arg19[%swap3A_1472, %swap3A_1473], %get3A_1471 {add = true, strides = array<i32>} : memref<80x128xf32, #tpu.memory_space<vmem>>, vector<16xf32>,
        %get3A_1475 = arith.index_cast %scan3A_1432 : i32 to index
        %get3A_1476 = arith.constant 112 : index
        %get3A_1477 = tpu.vector_load %arg22[%get3A_1475, %get3A_1476] {strides = array<i32>} : memref<80x128xf32, #tpu.memory_space<vmem>>, vector<16xf32>,
        %swap3A_1478 = arith.index_cast %scan3A_1432 : i32 to index
        %swap3A_1479 = arith.constant 112 : index
        %swap3A_1480 = tpu.vector_load %arg19[%swap3A_1478, %swap3A_1479] {strides = array<i32>} : memref<80x128xf32, #tpu.memory_space<vmem>>, vector<16xf32>,
        tpu.vector_store %arg19[%swap3A_1478, %swap3A_1479], %get3A_1477 {add = true, strides = array<i32>} : memref<80x128xf32, #tpu.memory_space<vmem>>, vector<16xf32>,
      }
      %scan3A_838 = arith.constant 80 : i32
      %mul3A_839 = arith.constant 80 : i32
      %mul3A_840 = arith.muli %add3A_632, %mul3A_839 : i32
      %add3A_841 = arith.addi %mul3A_2, %mul3A_840 : i32
      %dma_start3A_842 = arith.constant 0 : i32
      %dma_start3A_843 = tpu.memref_slice %arg9[%add3A_841, %dma_start3A_842] : memref<320000x128xf32, #tpu.memory_space<hbm>> -> memref<80x128xf32, #tpu.memory_space<hbm>>
      %dma_start3A_844 = arith.constant 0 : i32
      %dma_start3A_845 = tpu.memref_slice %arg9[%add3A_841, %dma_start3A_844] : memref<320000x128xf32, #tpu.memory_space<hbm>> -> memref<80x128xf32, #tpu.memory_space<hbm>>
      tpu.enqueue_dma source(%arg19 : memref<80x128xf32, #tpu.memory_space<vmem>>) target(%dma_start3A_845 : memref<80x128xf32, #tpu.memory_space<hbm>>) target_semaphore(%arg31 : memref<!tpu.dma_semaphore, #tpu.memory_space<semaphore_mem>>)
      %dma_start3A_846 = arith.constant 0 : i32
      %dma_start3A_847 = arith.constant 0 : i32
      %dma_start3A_848 = tpu.memref_slice %arg25[%dma_start3A_846, %dma_start3A_847] : memref<4x80xf32, #tpu.memory_space<vmem>> -> memref<1x80xf32, #tpu.memory_space<vmem>>
      %dma_start3A_849 = tpu.memref_squeeze %dma_start3A_848 : memref<1x80xf32, #tpu.memory_space<vmem>> -> memref<80xf32, #tpu.memory_space<vmem>>
      %dma_start3A_850 = tpu.memref_slice %arg10[%add3A_841] : memref<320000xf32, #tpu.memory_space<hbm>> -> memref<80xf32, #tpu.memory_space<hbm>>
      %dma_start3A_851 = tpu.memref_slice %arg10[%add3A_841] : memref<320000xf32, #tpu.memory_space<hbm>> -> memref<80xf32, #tpu.memory_space<hbm>>
      %dma_start3A_852 = arith.constant 0 : i32
      %dma_start3A_853 = tpu.memref_slice %arg25[%dma_start3A_846, %dma_start3A_852] : memref<4x80xf32, #tpu.memory_space<vmem>> -> memref<1x80xf32, #tpu.memory_space<vmem>>
      %dma_start3A_854 = tpu.memref_squeeze %dma_start3A_853 : memref<1x80xf32, #tpu.memory_space<vmem>> -> memref<80xf32, #tpu.memory_space<vmem>>
      tpu.enqueue_dma source(%dma_start3A_854 : memref<80xf32, #tpu.memory_space<vmem>>) target(%dma_start3A_851 : memref<80xf32, #tpu.memory_space<hbm>>) target_semaphore(%arg31 : memref<!tpu.dma_semaphore, #tpu.memory_space<semaphore_mem>>)
      %dma_start3A_855 = arith.constant 1 : i32
      %dma_start3A_856 = arith.constant 0 : i32
      %dma_start3A_857 = tpu.memref_slice %arg25[%dma_start3A_855, %dma_start3A_856] : memref<4x80xf32, #tpu.memory_space<vmem>> -> memref<1x80xf32, #tpu.memory_space<vmem>>
      %dma_start3A_858 = tpu.memref_squeeze %dma_start3A_857 : memref<1x80xf32, #tpu.memory_space<vmem>> -> memref<80xf32, #tpu.memory_space<vmem>>
      %dma_start3A_859 = tpu.memref_slice %arg11[%add3A_841] : memref<320000xf32, #tpu.memory_space<hbm>> -> memref<80xf32, #tpu.memory_space<hbm>>
      %dma_start3A_860 = tpu.memref_slice %arg11[%add3A_841] : memref<320000xf32, #tpu.memory_space<hbm>> -> memref<80xf32, #tpu.memory_space<hbm>>
      %dma_start3A_861 = arith.constant 0 : i32
      %dma_start3A_862 = tpu.memref_slice %arg25[%dma_start3A_855, %dma_start3A_861] : memref<4x80xf32, #tpu.memory_space<vmem>> -> memref<1x80xf32, #tpu.memory_space<vmem>>
      %dma_start3A_863 = tpu.memref_squeeze %dma_start3A_862 : memref<1x80xf32, #tpu.memory_space<vmem>> -> memref<80xf32, #tpu.memory_space<vmem>>
      tpu.enqueue_dma source(%dma_start3A_863 : memref<80xf32, #tpu.memory_space<vmem>>) target(%dma_start3A_860 : memref<80xf32, #tpu.memory_space<hbm>>) target_semaphore(%arg31 : memref<!tpu.dma_semaphore, #tpu.memory_space<semaphore_mem>>)
      %dma_start3A_864 = arith.constant 2 : i32
      %dma_start3A_865 = arith.constant 0 : i32
      %dma_start3A_866 = tpu.memref_slice %arg25[%dma_start3A_864, %dma_start3A_865] : memref<4x80xf32, #tpu.memory_space<vmem>> -> memref<1x80xf32, #tpu.memory_space<vmem>>
      %dma_start3A_867 = tpu.memref_squeeze %dma_start3A_866 : memref<1x80xf32, #tpu.memory_space<vmem>> -> memref<80xf32, #tpu.memory_space<vmem>>
      %dma_start3A_868 = tpu.memref_slice %arg12[%add3A_841] : memref<320000xf32, #tpu.memory_space<hbm>> -> memref<80xf32, #tpu.memory_space<hbm>>
      %dma_start3A_869 = tpu.memref_slice %arg12[%add3A_841] : memref<320000xf32, #tpu.memory_space<hbm>> -> memref<80xf32, #tpu.memory_space<hbm>>
      %dma_start3A_870 = arith.constant 0 : i32
      %dma_start3A_871 = tpu.memref_slice %arg25[%dma_start3A_864, %dma_start3A_870] : memref<4x80xf32, #tpu.memory_space<vmem>> -> memref<1x80xf32, #tpu.memory_space<vmem>>
      %dma_start3A_872 = tpu.memref_squeeze %dma_start3A_871 : memref<1x80xf32, #tpu.memory_space<vmem>> -> memref<80xf32, #tpu.memory_space<vmem>>
      tpu.enqueue_dma source(%dma_start3A_872 : memref<80xf32, #tpu.memory_space<vmem>>) target(%dma_start3A_869 : memref<80xf32, #tpu.memory_space<hbm>>) target_semaphore(%arg31 : memref<!tpu.dma_semaphore, #tpu.memory_space<semaphore_mem>>)
      %dma_start3A_873 = arith.constant 3 : i32
      %dma_start3A_874 = arith.constant 0 : i32
      %dma_start3A_875 = tpu.memref_slice %arg25[%dma_start3A_873, %dma_start3A_874] : memref<4x80xf32, #tpu.memory_space<vmem>> -> memref<1x80xf32, #tpu.memory_space<vmem>>
      %dma_start3A_876 = tpu.memref_squeeze %dma_start3A_875 : memref<1x80xf32, #tpu.memory_space<vmem>> -> memref<80xf32, #tpu.memory_space<vmem>>
      %dma_start3A_877 = tpu.memref_slice %arg13[%add3A_841] : memref<320000xf32, #tpu.memory_space<hbm>> -> memref<80xf32, #tpu.memory_space<hbm>>
      %dma_start3A_878 = tpu.memref_slice %arg13[%add3A_841] : memref<320000xf32, #tpu.memory_space<hbm>> -> memref<80xf32, #tpu.memory_space<hbm>>
      %dma_start3A_879 = arith.constant 0 : i32
      %dma_start3A_880 = tpu.memref_slice %arg25[%dma_start3A_873, %dma_start3A_879] : memref<4x80xf32, #tpu.memory_space<vmem>> -> memref<1x80xf32, #tpu.memory_space<vmem>>
      %dma_start3A_881 = tpu.memref_squeeze %dma_start3A_880 : memref<1x80xf32, #tpu.memory_space<vmem>> -> memref<80xf32, #tpu.memory_space<vmem>>
      tpu.enqueue_dma source(%dma_start3A_881 : memref<80xf32, #tpu.memory_space<vmem>>) target(%dma_start3A_878 : memref<80xf32, #tpu.memory_space<hbm>>) target_semaphore(%arg31 : memref<!tpu.dma_semaphore, #tpu.memory_space<semaphore_mem>>)
      %ge3A = arith.constant 1 : i32
      %ge3A_882 = arith.cmpi sge, %add3A_632, %ge3A : i32
      %convert_element_type3A = arith.extui %ge3A_882 : i1 to i32
      %cond3A = arith.constant 0 : i32
      %cond3A_883 = arith.cmpi ne, %convert_element_type3A, %cond3A : i32
      scf.if %cond3A_883 {
        %dma_wait3A_1432 = arith.constant 0 : i32
        %dma_wait3A_1433 = arith.constant 0 : i32
        %dma_wait3A_1434 = tpu.memref_slice %arg9[%dma_wait3A_1432, %dma_wait3A_1433] : memref<320000x128xf32, #tpu.memory_space<hbm>> -> memref<80x128xf32, #tpu.memory_space<hbm>>
        %dma_wait3A_1435 = arith.constant 0 : i32
        %dma_wait3A_1436 = arith.constant 0 : i32
        %dma_wait3A_1437 = tpu.memref_slice %arg9[%dma_wait3A_1435, %dma_wait3A_1436] : memref<320000x128xf32, #tpu.memory_space<hbm>> -> memref<80x128xf32, #tpu.memory_space<hbm>>
        tpu.wait_dma2 semaphore(%arg33 : memref<!tpu.dma_semaphore, #tpu.memory_space<semaphore_mem>>) src(%arg21 : memref<80x128xf32, #tpu.memory_space<vmem>>) dst(%dma_wait3A_1437 : memref<80x128xf32, #tpu.memory_space<hbm>>)
        %dma_wait3A_1438 = arith.constant 0 : i32
        %dma_wait3A_1439 = arith.constant 0 : i32
        %dma_wait3A_1440 = tpu.memref_slice %arg27[%dma_wait3A_1438, %dma_wait3A_1439] : memref<4x80xf32, #tpu.memory_space<vmem>> -> memref<1x80xf32, #tpu.memory_space<vmem>>
        %dma_wait3A_1441 = tpu.memref_squeeze %dma_wait3A_1440 : memref<1x80xf32, #tpu.memory_space<vmem>> -> memref<80xf32, #tpu.memory_space<vmem>>
        %dma_wait3A_1442 = arith.constant 0 : i32
        %dma_wait3A_1443 = tpu.memref_slice %arg10[%dma_wait3A_1442] : memref<320000xf32, #tpu.memory_space<hbm>> -> memref<80xf32, #tpu.memory_space<hbm>>
        %dma_wait3A_1444 = arith.constant 0 : i32
        %dma_wait3A_1445 = tpu.memref_slice %arg10[%dma_wait3A_1444] : memref<320000xf32, #tpu.memory_space<hbm>> -> memref<80xf32, #tpu.memory_space<hbm>>
        %dma_wait3A_1446 = arith.constant 0 : i32
        %dma_wait3A_1447 = tpu.memref_slice %arg27[%dma_wait3A_1438, %dma_wait3A_1446] : memref<4x80xf32, #tpu.memory_space<vmem>> -> memref<1x80xf32, #tpu.memory_space<vmem>>
        %dma_wait3A_1448 = tpu.memref_squeeze %dma_wait3A_1447 : memref<1x80xf32, #tpu.memory_space<vmem>> -> memref<80xf32, #tpu.memory_space<vmem>>
        tpu.wait_dma2 semaphore(%arg33 : memref<!tpu.dma_semaphore, #tpu.memory_space<semaphore_mem>>) src(%dma_wait3A_1448 : memref<80xf32, #tpu.memory_space<vmem>>) dst(%dma_wait3A_1445 : memref<80xf32, #tpu.memory_space<hbm>>)
        %dma_wait3A_1449 = arith.constant 1 : i32
        %dma_wait3A_1450 = arith.constant 0 : i32
        %dma_wait3A_1451 = tpu.memref_slice %arg27[%dma_wait3A_1449, %dma_wait3A_1450] : memref<4x80xf32, #tpu.memory_space<vmem>> -> memref<1x80xf32, #tpu.memory_space<vmem>>
        %dma_wait3A_1452 = tpu.memref_squeeze %dma_wait3A_1451 : memref<1x80xf32, #tpu.memory_space<vmem>> -> memref<80xf32, #tpu.memory_space<vmem>>
        %dma_wait3A_1453 = arith.constant 0 : i32
        %dma_wait3A_1454 = tpu.memref_slice %arg11[%dma_wait3A_1453] : memref<320000xf32, #tpu.memory_space<hbm>> -> memref<80xf32, #tpu.memory_space<hbm>>
        %dma_wait3A_1455 = arith.constant 0 : i32
        %dma_wait3A_1456 = tpu.memref_slice %arg11[%dma_wait3A_1455] : memref<320000xf32, #tpu.memory_space<hbm>> -> memref<80xf32, #tpu.memory_space<hbm>>
        %dma_wait3A_1457 = arith.constant 0 : i32
        %dma_wait3A_1458 = tpu.memref_slice %arg27[%dma_wait3A_1449, %dma_wait3A_1457] : memref<4x80xf32, #tpu.memory_space<vmem>> -> memref<1x80xf32, #tpu.memory_space<vmem>>
        %dma_wait3A_1459 = tpu.memref_squeeze %dma_wait3A_1458 : memref<1x80xf32, #tpu.memory_space<vmem>> -> memref<80xf32, #tpu.memory_space<vmem>>
        tpu.wait_dma2 semaphore(%arg33 : memref<!tpu.dma_semaphore, #tpu.memory_space<semaphore_mem>>) src(%dma_wait3A_1459 : memref<80xf32, #tpu.memory_space<vmem>>) dst(%dma_wait3A_1456 : memref<80xf32, #tpu.memory_space<hbm>>)
        %dma_wait3A_1460 = arith.constant 2 : i32
        %dma_wait3A_1461 = arith.constant 0 : i32
        %dma_wait3A_1462 = tpu.memref_slice %arg27[%dma_wait3A_1460, %dma_wait3A_1461] : memref<4x80xf32, #tpu.memory_space<vmem>> -> memref<1x80xf32, #tpu.memory_space<vmem>>
        %dma_wait3A_1463 = tpu.memref_squeeze %dma_wait3A_1462 : memref<1x80xf32, #tpu.memory_space<vmem>> -> memref<80xf32, #tpu.memory_space<vmem>>
        %dma_wait3A_1464 = arith.constant 0 : i32
        %dma_wait3A_1465 = tpu.memref_slice %arg12[%dma_wait3A_1464] : memref<320000xf32, #tpu.memory_space<hbm>> -> memref<80xf32, #tpu.memory_space<hbm>>
        %dma_wait3A_1466 = arith.constant 0 : i32
        %dma_wait3A_1467 = tpu.memref_slice %arg12[%dma_wait3A_1466] : memref<320000xf32, #tpu.memory_space<hbm>> -> memref<80xf32, #tpu.memory_space<hbm>>
        %dma_wait3A_1468 = arith.constant 0 : i32
        %dma_wait3A_1469 = tpu.memref_slice %arg27[%dma_wait3A_1460, %dma_wait3A_1468] : memref<4x80xf32, #tpu.memory_space<vmem>> -> memref<1x80xf32, #tpu.memory_space<vmem>>
        %dma_wait3A_1470 = tpu.memref_squeeze %dma_wait3A_1469 : memref<1x80xf32, #tpu.memory_space<vmem>> -> memref<80xf32, #tpu.memory_space<vmem>>
        tpu.wait_dma2 semaphore(%arg33 : memref<!tpu.dma_semaphore, #tpu.memory_space<semaphore_mem>>) src(%dma_wait3A_1470 : memref<80xf32, #tpu.memory_space<vmem>>) dst(%dma_wait3A_1467 : memref<80xf32, #tpu.memory_space<hbm>>)
        %dma_wait3A_1471 = arith.constant 3 : i32
        %dma_wait3A_1472 = arith.constant 0 : i32
        %dma_wait3A_1473 = tpu.memref_slice %arg27[%dma_wait3A_1471, %dma_wait3A_1472] : memref<4x80xf32, #tpu.memory_space<vmem>> -> memref<1x80xf32, #tpu.memory_space<vmem>>
        %dma_wait3A_1474 = tpu.memref_squeeze %dma_wait3A_1473 : memref<1x80xf32, #tpu.memory_space<vmem>> -> memref<80xf32, #tpu.memory_space<vmem>>
        %dma_wait3A_1475 = arith.constant 0 : i32
        %dma_wait3A_1476 = tpu.memref_slice %arg13[%dma_wait3A_1475] : memref<320000xf32, #tpu.memory_space<hbm>> -> memref<80xf32, #tpu.memory_space<hbm>>
        %dma_wait3A_1477 = arith.constant 0 : i32
        %dma_wait3A_1478 = tpu.memref_slice %arg13[%dma_wait3A_1477] : memref<320000xf32, #tpu.memory_space<hbm>> -> memref<80xf32, #tpu.memory_space<hbm>>
        %dma_wait3A_1479 = arith.constant 0 : i32
        %dma_wait3A_1480 = tpu.memref_slice %arg27[%dma_wait3A_1471, %dma_wait3A_1479] : memref<4x80xf32, #tpu.memory_space<vmem>> -> memref<1x80xf32, #tpu.memory_space<vmem>>
        %dma_wait3A_1481 = tpu.memref_squeeze %dma_wait3A_1480 : memref<1x80xf32, #tpu.memory_space<vmem>> -> memref<80xf32, #tpu.memory_space<vmem>>
        tpu.wait_dma2 semaphore(%arg33 : memref<!tpu.dma_semaphore, #tpu.memory_space<semaphore_mem>>) src(%dma_wait3A_1481 : memref<80xf32, #tpu.memory_space<vmem>>) dst(%dma_wait3A_1478 : memref<80xf32, #tpu.memory_space<hbm>>)
      } else {
      }
      %add3A_884 = arith.constant 2 : i32
      %add3A_885 = arith.addi %add3A_632, %add3A_884 : i32
      %mul3A_886 = arith.constant 80 : i32
      %mul3A_887 = arith.muli %add3A_885, %mul3A_886 : i32
      %dma_start3A_888 = tpu.memref_slice %arg14[%mul3A_887] : memref<10000xi32, #tpu.memory_space<vmem>> -> memref<80xi32, #tpu.memory_space<vmem>>
      %dma_start3A_889 = arith.constant 0 : i32
      %dma_start3A_890 = arith.constant 0 : i32
      %dma_start3A_891 = tpu.memref_slice %arg2[%dma_start3A_889, %dma_start3A_890] : memref<10000x128xf32, #tpu.memory_space<hbm>> -> memref<10000x128xf32, #tpu.memory_space<hbm>>
      tpu.enqueue_indirect_dma source(%dma_start3A_891 : memref<10000x128xf32, #tpu.memory_space<hbm>>) target(%arg21 : memref<80x128xf32, #tpu.memory_space<vmem>>) offsets(%dma_start3A_888 : memref<80xi32, #tpu.memory_space<vmem>>) semaphore(%arg30 : memref<!tpu.dma_semaphore, #tpu.memory_space<semaphore_mem>>)
      %dma_start3A_892 = tpu.memref_slice %arg15[%mul3A_887] : memref<10000xi32, #tpu.memory_space<vmem>> -> memref<80xi32, #tpu.memory_space<vmem>>
      %dma_start3A_893 = arith.constant 0 : i32
      %dma_start3A_894 = arith.constant 0 : i32
      %dma_start3A_895 = tpu.memref_slice %arg3[%dma_start3A_893, %dma_start3A_894] : memref<10000x128xf32, #tpu.memory_space<hbm>> -> memref<10000x128xf32, #tpu.memory_space<hbm>>
      tpu.enqueue_indirect_dma source(%dma_start3A_895 : memref<10000x128xf32, #tpu.memory_space<hbm>>) target(%arg24 : memref<80x128xf32, #tpu.memory_space<vmem>>) offsets(%dma_start3A_892 : memref<80xi32, #tpu.memory_space<vmem>>) semaphore(%arg30 : memref<!tpu.dma_semaphore, #tpu.memory_space<semaphore_mem>>)
      %add3A_896 = arith.constant 1 : i32
      %add3A_897 = arith.addi %mul3A_630, %add3A_896 : i32
      %dma_wait3A_898 = arith.constant 0 : i32
      %dma_wait3A_899 = tpu.memref_slice %arg14[%dma_wait3A_898] : memref<10000xi32, #tpu.memory_space<vmem>> -> memref<80xi32, #tpu.memory_space<vmem>>
      %dma_wait3A_900 = arith.constant 0 : i32
      %dma_wait3A_901 = arith.constant 0 : i32
      %dma_wait3A_902 = tpu.memref_slice %arg2[%dma_wait3A_900, %dma_wait3A_901] : memref<10000x128xf32, #tpu.memory_space<hbm>> -> memref<10000x128xf32, #tpu.memory_space<hbm>>
      tpu.wait_indirect_dma semaphore(%arg29 : memref<!tpu.dma_semaphore, #tpu.memory_space<semaphore_mem>>) src(%dma_wait3A_902 : memref<10000x128xf32, #tpu.memory_space<hbm>>) dst(%arg20 : memref<80x128xf32, #tpu.memory_space<vmem>>)
      %dma_wait3A_903 = arith.constant 0 : i32
      %dma_wait3A_904 = tpu.memref_slice %arg15[%dma_wait3A_903] : memref<10000xi32, #tpu.memory_space<vmem>> -> memref<80xi32, #tpu.memory_space<vmem>>
      %dma_wait3A_905 = arith.constant 0 : i32
      %dma_wait3A_906 = arith.constant 0 : i32
      %dma_wait3A_907 = tpu.memref_slice %arg3[%dma_wait3A_905, %dma_wait3A_906] : memref<10000x128xf32, #tpu.memory_space<hbm>> -> memref<10000x128xf32, #tpu.memory_space<hbm>>
      tpu.wait_indirect_dma semaphore(%arg29 : memref<!tpu.dma_semaphore, #tpu.memory_space<semaphore_mem>>) src(%dma_wait3A_907 : memref<10000x128xf32, #tpu.memory_space<hbm>>) dst(%arg23 : memref<80x128xf32, #tpu.memory_space<vmem>>)
      %mul3A_908 = arith.constant 80 : i32
      %mul3A_909 = arith.muli %add3A_897, %mul3A_908 : i32
      %add3A_910 = arith.constant 0 : i32
      %add3A_911 = arith.addi %mul3A_909, %add3A_910 : i32
      %get3A_912 = arith.index_cast %add3A_911 : i32 to index
      %get3A_913 = tpu.vector_load %arg14[%get3A_912] {strides = array<i32>} : memref<10000xi32, #tpu.memory_space<vmem>>, vector<16xi32>,
      %get3A_914 = arith.index_cast %add3A_911 : i32 to index
      %get3A_915 = tpu.vector_load %arg15[%get3A_914] {strides = array<i32>} : memref<10000xi32, #tpu.memory_space<vmem>>, vector<16xi32>,
      %gather3A_916 = tpu.vector_load_idx %arg16[%get3A_913] : memref<10000xf32, #tpu.memory_space<vmem>>[vector<16xi32>], vector<16xf32>,
      %gather3A_917 = tpu.vector_load_idx %arg16[%get3A_915] : memref<10000xf32, #tpu.memory_space<vmem>>[vector<16xi32>], vector<16xf32>,
      %sub3A_918 = arith.subf %gather3A_916, %gather3A_917 : vector<16xf32>
      %gather3A_919 = tpu.vector_load_idx %arg17[%get3A_913] : memref<10000xf32, #tpu.memory_space<vmem>>[vector<16xi32>], vector<16xf32>,
      %gather3A_920 = tpu.vector_load_idx %arg17[%get3A_915] : memref<10000xf32, #tpu.memory_space<vmem>>[vector<16xi32>], vector<16xf32>,
      %sub3A_921 = arith.subf %gather3A_919, %gather3A_920 : vector<16xf32>
      %gather3A_922 = tpu.vector_load_idx %arg18[%get3A_913] : memref<10000xf32, #tpu.memory_space<vmem>>[vector<16xi32>], vector<16xf32>,
      %gather3A_923 = tpu.vector_load_idx %arg18[%get3A_915] : memref<10000xf32, #tpu.memory_space<vmem>>[vector<16xi32>], vector<16xf32>,
      %sub3A_924 = arith.subf %gather3A_922, %gather3A_923 : vector<16xf32>
      %swap3A_925 = arith.constant 0 : i32
      %swap3A_926 = arith.index_cast %swap3A_925 : i32 to index
      %swap3A_927 = arith.constant 0 : index
      %swap3A_928 = tpu.vector_load %arg26[%swap3A_926, %swap3A_927] {strides = array<i32>} : memref<4x80xf32, #tpu.memory_space<vmem>>, vector<16xf32>,
      tpu.vector_store %arg26[%swap3A_926, %swap3A_927], %sub3A_918 {strides = array<i32>} : memref<4x80xf32, #tpu.memory_space<vmem>>, vector<16xf32>,
      %swap3A_929 = arith.constant 1 : i32
      %swap3A_930 = arith.index_cast %swap3A_929 : i32 to index
      %swap3A_931 = arith.constant 0 : index
      %swap3A_932 = tpu.vector_load %arg26[%swap3A_930, %swap3A_931] {strides = array<i32>} : memref<4x80xf32, #tpu.memory_space<vmem>>, vector<16xf32>,
      tpu.vector_store %arg26[%swap3A_930, %swap3A_931], %sub3A_921 {strides = array<i32>} : memref<4x80xf32, #tpu.memory_space<vmem>>, vector<16xf32>,
      %swap3A_933 = arith.constant 2 : i32
      %swap3A_934 = arith.index_cast %swap3A_933 : i32 to index
      %swap3A_935 = arith.constant 0 : index
      %swap3A_936 = tpu.vector_load %arg26[%swap3A_934, %swap3A_935] {strides = array<i32>} : memref<4x80xf32, #tpu.memory_space<vmem>>, vector<16xf32>,
      tpu.vector_store %arg26[%swap3A_934, %swap3A_935], %sub3A_924 {strides = array<i32>} : memref<4x80xf32, #tpu.memory_space<vmem>>, vector<16xf32>,
      %mul3A_937 = arith.mulf %sub3A_918, %sub3A_918 : vector<16xf32>
      %mul3A_938 = arith.mulf %sub3A_921, %sub3A_921 : vector<16xf32>
      %add3A_939 = arith.addf %mul3A_937, %mul3A_938 : vector<16xf32>
      %mul3A_940 = arith.mulf %sub3A_924, %sub3A_924 : vector<16xf32>
      %add3A_941 = arith.addf %add3A_939, %mul3A_940 : vector<16xf32>
      %swap3A_942 = arith.constant 3 : i32
      %swap3A_943 = arith.index_cast %swap3A_942 : i32 to index
      %swap3A_944 = arith.constant 0 : index
      %swap3A_945 = tpu.vector_load %arg26[%swap3A_943, %swap3A_944] {strides = array<i32>} : memref<4x80xf32, #tpu.memory_space<vmem>>, vector<16xf32>,
      tpu.vector_store %arg26[%swap3A_943, %swap3A_944], %add3A_941 {strides = array<i32>} : memref<4x80xf32, #tpu.memory_space<vmem>>, vector<16xf32>,
      %mul3A_946 = arith.constant 80 : i32
      %mul3A_947 = arith.muli %add3A_897, %mul3A_946 : i32
      %add3A_948 = arith.constant 16 : i32
      %add3A_949 = arith.addi %mul3A_947, %add3A_948 : i32
      %get3A_950 = arith.index_cast %add3A_949 : i32 to index
      %get3A_951 = tpu.vector_load %arg14[%get3A_950] {strides = array<i32>} : memref<10000xi32, #tpu.memory_space<vmem>>, vector<16xi32>,
      %get3A_952 = arith.index_cast %add3A_949 : i32 to index
      %get3A_953 = tpu.vector_load %arg15[%get3A_952] {strides = array<i32>} : memref<10000xi32, #tpu.memory_space<vmem>>, vector<16xi32>,
      %gather3A_954 = tpu.vector_load_idx %arg16[%get3A_951] : memref<10000xf32, #tpu.memory_space<vmem>>[vector<16xi32>], vector<16xf32>,
      %gather3A_955 = tpu.vector_load_idx %arg16[%get3A_953] : memref<10000xf32, #tpu.memory_space<vmem>>[vector<16xi32>], vector<16xf32>,
      %sub3A_956 = arith.subf %gather3A_954, %gather3A_955 : vector<16xf32>
      %gather3A_957 = tpu.vector_load_idx %arg17[%get3A_951] : memref<10000xf32, #tpu.memory_space<vmem>>[vector<16xi32>], vector<16xf32>,
      %gather3A_958 = tpu.vector_load_idx %arg17[%get3A_953] : memref<10000xf32, #tpu.memory_space<vmem>>[vector<16xi32>], vector<16xf32>,
      %sub3A_959 = arith.subf %gather3A_957, %gather3A_958 : vector<16xf32>
      %gather3A_960 = tpu.vector_load_idx %arg18[%get3A_951] : memref<10000xf32, #tpu.memory_space<vmem>>[vector<16xi32>], vector<16xf32>,
      %gather3A_961 = tpu.vector_load_idx %arg18[%get3A_953] : memref<10000xf32, #tpu.memory_space<vmem>>[vector<16xi32>], vector<16xf32>,
      %sub3A_962 = arith.subf %gather3A_960, %gather3A_961 : vector<16xf32>
      %swap3A_963 = arith.constant 0 : i32
      %swap3A_964 = arith.index_cast %swap3A_963 : i32 to index
      %swap3A_965 = arith.constant 16 : index
      %swap3A_966 = tpu.vector_load %arg26[%swap3A_964, %swap3A_965] {strides = array<i32>} : memref<4x80xf32, #tpu.memory_space<vmem>>, vector<16xf32>,
      tpu.vector_store %arg26[%swap3A_964, %swap3A_965], %sub3A_956 {strides = array<i32>} : memref<4x80xf32, #tpu.memory_space<vmem>>, vector<16xf32>,
      %swap3A_967 = arith.constant 1 : i32
      %swap3A_968 = arith.index_cast %swap3A_967 : i32 to index
      %swap3A_969 = arith.constant 16 : index
      %swap3A_970 = tpu.vector_load %arg26[%swap3A_968, %swap3A_969] {strides = array<i32>} : memref<4x80xf32, #tpu.memory_space<vmem>>, vector<16xf32>,
      tpu.vector_store %arg26[%swap3A_968, %swap3A_969], %sub3A_959 {strides = array<i32>} : memref<4x80xf32, #tpu.memory_space<vmem>>, vector<16xf32>,
      %swap3A_971 = arith.constant 2 : i32
      %swap3A_972 = arith.index_cast %swap3A_971 : i32 to index
      %swap3A_973 = arith.constant 16 : index
      %swap3A_974 = tpu.vector_load %arg26[%swap3A_972, %swap3A_973] {strides = array<i32>} : memref<4x80xf32, #tpu.memory_space<vmem>>, vector<16xf32>,
      tpu.vector_store %arg26[%swap3A_972, %swap3A_973], %sub3A_962 {strides = array<i32>} : memref<4x80xf32, #tpu.memory_space<vmem>>, vector<16xf32>,
      %mul3A_975 = arith.mulf %sub3A_956, %sub3A_956 : vector<16xf32>
      %mul3A_976 = arith.mulf %sub3A_959, %sub3A_959 : vector<16xf32>
      %add3A_977 = arith.addf %mul3A_975, %mul3A_976 : vector<16xf32>
      %mul3A_978 = arith.mulf %sub3A_962, %sub3A_962 : vector<16xf32>
      %add3A_979 = arith.addf %add3A_977, %mul3A_978 : vector<16xf32>
      %swap3A_980 = arith.constant 3 : i32
      %swap3A_981 = arith.index_cast %swap3A_980 : i32 to index
      %swap3A_982 = arith.constant 16 : index
      %swap3A_983 = tpu.vector_load %arg26[%swap3A_981, %swap3A_982] {strides = array<i32>} : memref<4x80xf32, #tpu.memory_space<vmem>>, vector<16xf32>,
      tpu.vector_store %arg26[%swap3A_981, %swap3A_982], %add3A_979 {strides = array<i32>} : memref<4x80xf32, #tpu.memory_space<vmem>>, vector<16xf32>,
      %mul3A_984 = arith.constant 80 : i32
      %mul3A_985 = arith.muli %add3A_897, %mul3A_984 : i32
      %add3A_986 = arith.constant 32 : i32
      %add3A_987 = arith.addi %mul3A_985, %add3A_986 : i32
      %get3A_988 = arith.index_cast %add3A_987 : i32 to index
      %get3A_989 = tpu.vector_load %arg14[%get3A_988] {strides = array<i32>} : memref<10000xi32, #tpu.memory_space<vmem>>, vector<16xi32>,
      %get3A_990 = arith.index_cast %add3A_987 : i32 to index
      %get3A_991 = tpu.vector_load %arg15[%get3A_990] {strides = array<i32>} : memref<10000xi32, #tpu.memory_space<vmem>>, vector<16xi32>,
      %gather3A_992 = tpu.vector_load_idx %arg16[%get3A_989] : memref<10000xf32, #tpu.memory_space<vmem>>[vector<16xi32>], vector<16xf32>,
      %gather3A_993 = tpu.vector_load_idx %arg16[%get3A_991] : memref<10000xf32, #tpu.memory_space<vmem>>[vector<16xi32>], vector<16xf32>,
      %sub3A_994 = arith.subf %gather3A_992, %gather3A_993 : vector<16xf32>
      %gather3A_995 = tpu.vector_load_idx %arg17[%get3A_989] : memref<10000xf32, #tpu.memory_space<vmem>>[vector<16xi32>], vector<16xf32>,
      %gather3A_996 = tpu.vector_load_idx %arg17[%get3A_991] : memref<10000xf32, #tpu.memory_space<vmem>>[vector<16xi32>], vector<16xf32>,
      %sub3A_997 = arith.subf %gather3A_995, %gather3A_996 : vector<16xf32>
      %gather3A_998 = tpu.vector_load_idx %arg18[%get3A_989] : memref<10000xf32, #tpu.memory_space<vmem>>[vector<16xi32>], vector<16xf32>,
      %gather3A_999 = tpu.vector_load_idx %arg18[%get3A_991] : memref<10000xf32, #tpu.memory_space<vmem>>[vector<16xi32>], vector<16xf32>,
      %sub3A_1000 = arith.subf %gather3A_998, %gather3A_999 : vector<16xf32>
      %swap3A_1001 = arith.constant 0 : i32
      %swap3A_1002 = arith.index_cast %swap3A_1001 : i32 to index
      %swap3A_1003 = arith.constant 32 : index
      %swap3A_1004 = tpu.vector_load %arg26[%swap3A_1002, %swap3A_1003] {strides = array<i32>} : memref<4x80xf32, #tpu.memory_space<vmem>>, vector<16xf32>,
      tpu.vector_store %arg26[%swap3A_1002, %swap3A_1003], %sub3A_994 {strides = array<i32>} : memref<4x80xf32, #tpu.memory_space<vmem>>, vector<16xf32>,
      %swap3A_1005 = arith.constant 1 : i32
      %swap3A_1006 = arith.index_cast %swap3A_1005 : i32 to index
      %swap3A_1007 = arith.constant 32 : index
      %swap3A_1008 = tpu.vector_load %arg26[%swap3A_1006, %swap3A_1007] {strides = array<i32>} : memref<4x80xf32, #tpu.memory_space<vmem>>, vector<16xf32>,
      tpu.vector_store %arg26[%swap3A_1006, %swap3A_1007], %sub3A_997 {strides = array<i32>} : memref<4x80xf32, #tpu.memory_space<vmem>>, vector<16xf32>,
      %swap3A_1009 = arith.constant 2 : i32
      %swap3A_1010 = arith.index_cast %swap3A_1009 : i32 to index
      %swap3A_1011 = arith.constant 32 : index
      %swap3A_1012 = tpu.vector_load %arg26[%swap3A_1010, %swap3A_1011] {strides = array<i32>} : memref<4x80xf32, #tpu.memory_space<vmem>>, vector<16xf32>,
      tpu.vector_store %arg26[%swap3A_1010, %swap3A_1011], %sub3A_1000 {strides = array<i32>} : memref<4x80xf32, #tpu.memory_space<vmem>>, vector<16xf32>,
      %mul3A_1013 = arith.mulf %sub3A_994, %sub3A_994 : vector<16xf32>
      %mul3A_1014 = arith.mulf %sub3A_997, %sub3A_997 : vector<16xf32>
      %add3A_1015 = arith.addf %mul3A_1013, %mul3A_1014 : vector<16xf32>
      %mul3A_1016 = arith.mulf %sub3A_1000, %sub3A_1000 : vector<16xf32>
      %add3A_1017 = arith.addf %add3A_1015, %mul3A_1016 : vector<16xf32>
      %swap3A_1018 = arith.constant 3 : i32
      %swap3A_1019 = arith.index_cast %swap3A_1018 : i32 to index
      %swap3A_1020 = arith.constant 32 : index
      %swap3A_1021 = tpu.vector_load %arg26[%swap3A_1019, %swap3A_1020] {strides = array<i32>} : memref<4x80xf32, #tpu.memory_space<vmem>>, vector<16xf32>,
      tpu.vector_store %arg26[%swap3A_1019, %swap3A_1020], %add3A_1017 {strides = array<i32>} : memref<4x80xf32, #tpu.memory_space<vmem>>, vector<16xf32>,
      %mul3A_1022 = arith.constant 80 : i32
      %mul3A_1023 = arith.muli %add3A_897, %mul3A_1022 : i32
      %add3A_1024 = arith.constant 48 : i32
      %add3A_1025 = arith.addi %mul3A_1023, %add3A_1024 : i32
      %get3A_1026 = arith.index_cast %add3A_1025 : i32 to index
      %get3A_1027 = tpu.vector_load %arg14[%get3A_1026] {strides = array<i32>} : memref<10000xi32, #tpu.memory_space<vmem>>, vector<16xi32>,
      %get3A_1028 = arith.index_cast %add3A_1025 : i32 to index
      %get3A_1029 = tpu.vector_load %arg15[%get3A_1028] {strides = array<i32>} : memref<10000xi32, #tpu.memory_space<vmem>>, vector<16xi32>,
      %gather3A_1030 = tpu.vector_load_idx %arg16[%get3A_1027] : memref<10000xf32, #tpu.memory_space<vmem>>[vector<16xi32>], vector<16xf32>,
      %gather3A_1031 = tpu.vector_load_idx %arg16[%get3A_1029] : memref<10000xf32, #tpu.memory_space<vmem>>[vector<16xi32>], vector<16xf32>,
      %sub3A_1032 = arith.subf %gather3A_1030, %gather3A_1031 : vector<16xf32>
      %gather3A_1033 = tpu.vector_load_idx %arg17[%get3A_1027] : memref<10000xf32, #tpu.memory_space<vmem>>[vector<16xi32>], vector<16xf32>,
      %gather3A_1034 = tpu.vector_load_idx %arg17[%get3A_1029] : memref<10000xf32, #tpu.memory_space<vmem>>[vector<16xi32>], vector<16xf32>,
      %sub3A_1035 = arith.subf %gather3A_1033, %gather3A_1034 : vector<16xf32>
      %gather3A_1036 = tpu.vector_load_idx %arg18[%get3A_1027] : memref<10000xf32, #tpu.memory_space<vmem>>[vector<16xi32>], vector<16xf32>,
      %gather3A_1037 = tpu.vector_load_idx %arg18[%get3A_1029] : memref<10000xf32, #tpu.memory_space<vmem>>[vector<16xi32>], vector<16xf32>,
      %sub3A_1038 = arith.subf %gather3A_1036, %gather3A_1037 : vector<16xf32>
      %swap3A_1039 = arith.constant 0 : i32
      %swap3A_1040 = arith.index_cast %swap3A_1039 : i32 to index
      %swap3A_1041 = arith.constant 48 : index
      %swap3A_1042 = tpu.vector_load %arg26[%swap3A_1040, %swap3A_1041] {strides = array<i32>} : memref<4x80xf32, #tpu.memory_space<vmem>>, vector<16xf32>,
      tpu.vector_store %arg26[%swap3A_1040, %swap3A_1041], %sub3A_1032 {strides = array<i32>} : memref<4x80xf32, #tpu.memory_space<vmem>>, vector<16xf32>,
      %swap3A_1043 = arith.constant 1 : i32
      %swap3A_1044 = arith.index_cast %swap3A_1043 : i32 to index
      %swap3A_1045 = arith.constant 48 : index
      %swap3A_1046 = tpu.vector_load %arg26[%swap3A_1044, %swap3A_1045] {strides = array<i32>} : memref<4x80xf32, #tpu.memory_space<vmem>>, vector<16xf32>,
      tpu.vector_store %arg26[%swap3A_1044, %swap3A_1045], %sub3A_1035 {strides = array<i32>} : memref<4x80xf32, #tpu.memory_space<vmem>>, vector<16xf32>,
      %swap3A_1047 = arith.constant 2 : i32
      %swap3A_1048 = arith.index_cast %swap3A_1047 : i32 to index
      %swap3A_1049 = arith.constant 48 : index
      %swap3A_1050 = tpu.vector_load %arg26[%swap3A_1048, %swap3A_1049] {strides = array<i32>} : memref<4x80xf32, #tpu.memory_space<vmem>>, vector<16xf32>,
      tpu.vector_store %arg26[%swap3A_1048, %swap3A_1049], %sub3A_1038 {strides = array<i32>} : memref<4x80xf32, #tpu.memory_space<vmem>>, vector<16xf32>,
      %mul3A_1051 = arith.mulf %sub3A_1032, %sub3A_1032 : vector<16xf32>
      %mul3A_1052 = arith.mulf %sub3A_1035, %sub3A_1035 : vector<16xf32>
      %add3A_1053 = arith.addf %mul3A_1051, %mul3A_1052 : vector<16xf32>
      %mul3A_1054 = arith.mulf %sub3A_1038, %sub3A_1038 : vector<16xf32>
      %add3A_1055 = arith.addf %add3A_1053, %mul3A_1054 : vector<16xf32>
      %swap3A_1056 = arith.constant 3 : i32
      %swap3A_1057 = arith.index_cast %swap3A_1056 : i32 to index
      %swap3A_1058 = arith.constant 48 : index
      %swap3A_1059 = tpu.vector_load %arg26[%swap3A_1057, %swap3A_1058] {strides = array<i32>} : memref<4x80xf32, #tpu.memory_space<vmem>>, vector<16xf32>,
      tpu.vector_store %arg26[%swap3A_1057, %swap3A_1058], %add3A_1055 {strides = array<i32>} : memref<4x80xf32, #tpu.memory_space<vmem>>, vector<16xf32>,
      %mul3A_1060 = arith.constant 80 : i32
      %mul3A_1061 = arith.muli %add3A_897, %mul3A_1060 : i32
      %add3A_1062 = arith.constant 64 : i32
      %add3A_1063 = arith.addi %mul3A_1061, %add3A_1062 : i32
      %get3A_1064 = arith.index_cast %add3A_1063 : i32 to index
      %get3A_1065 = tpu.vector_load %arg14[%get3A_1064] {strides = array<i32>} : memref<10000xi32, #tpu.memory_space<vmem>>, vector<16xi32>,
      %get3A_1066 = arith.index_cast %add3A_1063 : i32 to index
      %get3A_1067 = tpu.vector_load %arg15[%get3A_1066] {strides = array<i32>} : memref<10000xi32, #tpu.memory_space<vmem>>, vector<16xi32>,
      %gather3A_1068 = tpu.vector_load_idx %arg16[%get3A_1065] : memref<10000xf32, #tpu.memory_space<vmem>>[vector<16xi32>], vector<16xf32>,
      %gather3A_1069 = tpu.vector_load_idx %arg16[%get3A_1067] : memref<10000xf32, #tpu.memory_space<vmem>>[vector<16xi32>], vector<16xf32>,
      %sub3A_1070 = arith.subf %gather3A_1068, %gather3A_1069 : vector<16xf32>
      %gather3A_1071 = tpu.vector_load_idx %arg17[%get3A_1065] : memref<10000xf32, #tpu.memory_space<vmem>>[vector<16xi32>], vector<16xf32>,
      %gather3A_1072 = tpu.vector_load_idx %arg17[%get3A_1067] : memref<10000xf32, #tpu.memory_space<vmem>>[vector<16xi32>], vector<16xf32>,
      %sub3A_1073 = arith.subf %gather3A_1071, %gather3A_1072 : vector<16xf32>
      %gather3A_1074 = tpu.vector_load_idx %arg18[%get3A_1065] : memref<10000xf32, #tpu.memory_space<vmem>>[vector<16xi32>], vector<16xf32>,
      %gather3A_1075 = tpu.vector_load_idx %arg18[%get3A_1067] : memref<10000xf32, #tpu.memory_space<vmem>>[vector<16xi32>], vector<16xf32>,
      %sub3A_1076 = arith.subf %gather3A_1074, %gather3A_1075 : vector<16xf32>
      %swap3A_1077 = arith.constant 0 : i32
      %swap3A_1078 = arith.index_cast %swap3A_1077 : i32 to index
      %swap3A_1079 = arith.constant 64 : index
      %swap3A_1080 = tpu.vector_load %arg26[%swap3A_1078, %swap3A_1079] {strides = array<i32>} : memref<4x80xf32, #tpu.memory_space<vmem>>, vector<16xf32>,
      tpu.vector_store %arg26[%swap3A_1078, %swap3A_1079], %sub3A_1070 {strides = array<i32>} : memref<4x80xf32, #tpu.memory_space<vmem>>, vector<16xf32>,
      %swap3A_1081 = arith.constant 1 : i32
      %swap3A_1082 = arith.index_cast %swap3A_1081 : i32 to index
      %swap3A_1083 = arith.constant 64 : index
      %swap3A_1084 = tpu.vector_load %arg26[%swap3A_1082, %swap3A_1083] {strides = array<i32>} : memref<4x80xf32, #tpu.memory_space<vmem>>, vector<16xf32>,
      tpu.vector_store %arg26[%swap3A_1082, %swap3A_1083], %sub3A_1073 {strides = array<i32>} : memref<4x80xf32, #tpu.memory_space<vmem>>, vector<16xf32>,
      %swap3A_1085 = arith.constant 2 : i32
      %swap3A_1086 = arith.index_cast %swap3A_1085 : i32 to index
      %swap3A_1087 = arith.constant 64 : index
      %swap3A_1088 = tpu.vector_load %arg26[%swap3A_1086, %swap3A_1087] {strides = array<i32>} : memref<4x80xf32, #tpu.memory_space<vmem>>, vector<16xf32>,
      tpu.vector_store %arg26[%swap3A_1086, %swap3A_1087], %sub3A_1076 {strides = array<i32>} : memref<4x80xf32, #tpu.memory_space<vmem>>, vector<16xf32>,
      %mul3A_1089 = arith.mulf %sub3A_1070, %sub3A_1070 : vector<16xf32>
      %mul3A_1090 = arith.mulf %sub3A_1073, %sub3A_1073 : vector<16xf32>
      %add3A_1091 = arith.addf %mul3A_1089, %mul3A_1090 : vector<16xf32>
      %mul3A_1092 = arith.mulf %sub3A_1076, %sub3A_1076 : vector<16xf32>
      %add3A_1093 = arith.addf %add3A_1091, %mul3A_1092 : vector<16xf32>
      %swap3A_1094 = arith.constant 3 : i32
      %swap3A_1095 = arith.index_cast %swap3A_1094 : i32 to index
      %swap3A_1096 = arith.constant 64 : index
      %swap3A_1097 = tpu.vector_load %arg26[%swap3A_1095, %swap3A_1096] {strides = array<i32>} : memref<4x80xf32, #tpu.memory_space<vmem>>, vector<16xf32>,
      tpu.vector_store %arg26[%swap3A_1095, %swap3A_1096], %add3A_1093 {strides = array<i32>} : memref<4x80xf32, #tpu.memory_space<vmem>>, vector<16xf32>,
      %scan3A_1098 = arith.constant 0 : i32
      %scan3A_1099 = arith.constant 0 : i32
      %scan3A_1100 = arith.constant 80 : i32
      %scan3A_1101 = arith.addi %scan3A_1099, %scan3A_1100 : i32
      %scan3A_1102 = arith.constant 1 : i32
      scf.for %scan3A_1432 = %scan3A_1099 to %scan3A_1101 step %scan3A_1102  : i32 {
        %get3A_1433 = arith.index_cast %scan3A_1432 : i32 to index
        %get3A_1434 = arith.constant 0 : index
        %get3A_1435 = tpu.vector_load %arg23[%get3A_1433, %get3A_1434] {strides = array<i32>} : memref<80x128xf32, #tpu.memory_space<vmem>>, vector<16xf32>,
        %swap3A_1436 = arith.index_cast %scan3A_1432 : i32 to index
        %swap3A_1437 = arith.constant 0 : index
        %swap3A_1438 = tpu.vector_load %arg20[%swap3A_1436, %swap3A_1437] {strides = array<i32>} : memref<80x128xf32, #tpu.memory_space<vmem>>, vector<16xf32>,
        tpu.vector_store %arg20[%swap3A_1436, %swap3A_1437], %get3A_1435 {add = true, strides = array<i32>} : memref<80x128xf32, #tpu.memory_space<vmem>>, vector<16xf32>,
        %get3A_1439 = arith.index_cast %scan3A_1432 : i32 to index
        %get3A_1440 = arith.constant 16 : index
        %get3A_1441 = tpu.vector_load %arg23[%get3A_1439, %get3A_1440] {strides = array<i32>} : memref<80x128xf32, #tpu.memory_space<vmem>>, vector<16xf32>,
        %swap3A_1442 = arith.index_cast %scan3A_1432 : i32 to index
        %swap3A_1443 = arith.constant 16 : index
        %swap3A_1444 = tpu.vector_load %arg20[%swap3A_1442, %swap3A_1443] {strides = array<i32>} : memref<80x128xf32, #tpu.memory_space<vmem>>, vector<16xf32>,
        tpu.vector_store %arg20[%swap3A_1442, %swap3A_1443], %get3A_1441 {add = true, strides = array<i32>} : memref<80x128xf32, #tpu.memory_space<vmem>>, vector<16xf32>,
        %get3A_1445 = arith.index_cast %scan3A_1432 : i32 to index
        %get3A_1446 = arith.constant 32 : index
        %get3A_1447 = tpu.vector_load %arg23[%get3A_1445, %get3A_1446] {strides = array<i32>} : memref<80x128xf32, #tpu.memory_space<vmem>>, vector<16xf32>,
        %swap3A_1448 = arith.index_cast %scan3A_1432 : i32 to index
        %swap3A_1449 = arith.constant 32 : index
        %swap3A_1450 = tpu.vector_load %arg20[%swap3A_1448, %swap3A_1449] {strides = array<i32>} : memref<80x128xf32, #tpu.memory_space<vmem>>, vector<16xf32>,
        tpu.vector_store %arg20[%swap3A_1448, %swap3A_1449], %get3A_1447 {add = true, strides = array<i32>} : memref<80x128xf32, #tpu.memory_space<vmem>>, vector<16xf32>,
        %get3A_1451 = arith.index_cast %scan3A_1432 : i32 to index
        %get3A_1452 = arith.constant 48 : index
        %get3A_1453 = tpu.vector_load %arg23[%get3A_1451, %get3A_1452] {strides = array<i32>} : memref<80x128xf32, #tpu.memory_space<vmem>>, vector<16xf32>,
        %swap3A_1454 = arith.index_cast %scan3A_1432 : i32 to index
        %swap3A_1455 = arith.constant 48 : index
        %swap3A_1456 = tpu.vector_load %arg20[%swap3A_1454, %swap3A_1455] {strides = array<i32>} : memref<80x128xf32, #tpu.memory_space<vmem>>, vector<16xf32>,
        tpu.vector_store %arg20[%swap3A_1454, %swap3A_1455], %get3A_1453 {add = true, strides = array<i32>} : memref<80x128xf32, #tpu.memory_space<vmem>>, vector<16xf32>,
        %get3A_1457 = arith.index_cast %scan3A_1432 : i32 to index
        %get3A_1458 = arith.constant 64 : index
        %get3A_1459 = tpu.vector_load %arg23[%get3A_1457, %get3A_1458] {strides = array<i32>} : memref<80x128xf32, #tpu.memory_space<vmem>>, vector<16xf32>,
        %swap3A_1460 = arith.index_cast %scan3A_1432 : i32 to index
        %swap3A_1461 = arith.constant 64 : index
        %swap3A_1462 = tpu.vector_load %arg20[%swap3A_1460, %swap3A_1461] {strides = array<i32>} : memref<80x128xf32, #tpu.memory_space<vmem>>, vector<16xf32>,
        tpu.vector_store %arg20[%swap3A_1460, %swap3A_1461], %get3A_1459 {add = true, strides = array<i32>} : memref<80x128xf32, #tpu.memory_space<vmem>>, vector<16xf32>,
        %get3A_1463 = arith.index_cast %scan3A_1432 : i32 to index
        %get3A_1464 = arith.constant 80 : index
        %get3A_1465 = tpu.vector_load %arg23[%get3A_1463, %get3A_1464] {strides = array<i32>} : memref<80x128xf32, #tpu.memory_space<vmem>>, vector<16xf32>,
        %swap3A_1466 = arith.index_cast %scan3A_1432 : i32 to index
        %swap3A_1467 = arith.constant 80 : index
        %swap3A_1468 = tpu.vector_load %arg20[%swap3A_1466, %swap3A_1467] {strides = array<i32>} : memref<80x128xf32, #tpu.memory_space<vmem>>, vector<16xf32>,
        tpu.vector_store %arg20[%swap3A_1466, %swap3A_1467], %get3A_1465 {add = true, strides = array<i32>} : memref<80x128xf32, #tpu.memory_space<vmem>>, vector<16xf32>,
        %get3A_1469 = arith.index_cast %scan3A_1432 : i32 to index
        %get3A_1470 = arith.constant 96 : index
        %get3A_1471 = tpu.vector_load %arg23[%get3A_1469, %get3A_1470] {strides = array<i32>} : memref<80x128xf32, #tpu.memory_space<vmem>>, vector<16xf32>,
        %swap3A_1472 = arith.index_cast %scan3A_1432 : i32 to index
        %swap3A_1473 = arith.constant 96 : index
        %swap3A_1474 = tpu.vector_load %arg20[%swap3A_1472, %swap3A_1473] {strides = array<i32>} : memref<80x128xf32, #tpu.memory_space<vmem>>, vector<16xf32>,
        tpu.vector_store %arg20[%swap3A_1472, %swap3A_1473], %get3A_1471 {add = true, strides = array<i32>} : memref<80x128xf32, #tpu.memory_space<vmem>>, vector<16xf32>,
        %get3A_1475 = arith.index_cast %scan3A_1432 : i32 to index
        %get3A_1476 = arith.constant 112 : index
        %get3A_1477 = tpu.vector_load %arg23[%get3A_1475, %get3A_1476] {strides = array<i32>} : memref<80x128xf32, #tpu.memory_space<vmem>>, vector<16xf32>,
        %swap3A_1478 = arith.index_cast %scan3A_1432 : i32 to index
        %swap3A_1479 = arith.constant 112 : index
        %swap3A_1480 = tpu.vector_load %arg20[%swap3A_1478, %swap3A_1479] {strides = array<i32>} : memref<80x128xf32, #tpu.memory_space<vmem>>, vector<16xf32>,
        tpu.vector_store %arg20[%swap3A_1478, %swap3A_1479], %get3A_1477 {add = true, strides = array<i32>} : memref<80x128xf32, #tpu.memory_space<vmem>>, vector<16xf32>,
      }
      %scan3A_1103 = arith.constant 80 : i32
      %mul3A_1104 = arith.constant 80 : i32
      %mul3A_1105 = arith.muli %add3A_897, %mul3A_1104 : i32
      %add3A_1106 = arith.addi %mul3A_2, %mul3A_1105 : i32
      %dma_start3A_1107 = arith.constant 0 : i32
      %dma_start3A_1108 = tpu.memref_slice %arg9[%add3A_1106, %dma_start3A_1107] : memref<320000x128xf32, #tpu.memory_space<hbm>> -> memref<80x128xf32, #tpu.memory_space<hbm>>
      %dma_start3A_1109 = arith.constant 0 : i32
      %dma_start3A_1110 = tpu.memref_slice %arg9[%add3A_1106, %dma_start3A_1109] : memref<320000x128xf32, #tpu.memory_space<hbm>> -> memref<80x128xf32, #tpu.memory_space<hbm>>
      tpu.enqueue_dma source(%arg20 : memref<80x128xf32, #tpu.memory_space<vmem>>) target(%dma_start3A_1110 : memref<80x128xf32, #tpu.memory_space<hbm>>) target_semaphore(%arg32 : memref<!tpu.dma_semaphore, #tpu.memory_space<semaphore_mem>>)
      %dma_start3A_1111 = arith.constant 0 : i32
      %dma_start3A_1112 = arith.constant 0 : i32
      %dma_start3A_1113 = tpu.memref_slice %arg26[%dma_start3A_1111, %dma_start3A_1112] : memref<4x80xf32, #tpu.memory_space<vmem>> -> memref<1x80xf32, #tpu.memory_space<vmem>>
      %dma_start3A_1114 = tpu.memref_squeeze %dma_start3A_1113 : memref<1x80xf32, #tpu.memory_space<vmem>> -> memref<80xf32, #tpu.memory_space<vmem>>
      %dma_start3A_1115 = tpu.memref_slice %arg10[%add3A_1106] : memref<320000xf32, #tpu.memory_space<hbm>> -> memref<80xf32, #tpu.memory_space<hbm>>
      %dma_start3A_1116 = tpu.memref_slice %arg10[%add3A_1106] : memref<320000xf32, #tpu.memory_space<hbm>> -> memref<80xf32, #tpu.memory_space<hbm>>
      %dma_start3A_1117 = arith.constant 0 : i32
      %dma_start3A_1118 = tpu.memref_slice %arg26[%dma_start3A_1111, %dma_start3A_1117] : memref<4x80xf32, #tpu.memory_space<vmem>> -> memref<1x80xf32, #tpu.memory_space<vmem>>
      %dma_start3A_1119 = tpu.memref_squeeze %dma_start3A_1118 : memref<1x80xf32, #tpu.memory_space<vmem>> -> memref<80xf32, #tpu.memory_space<vmem>>
      tpu.enqueue_dma source(%dma_start3A_1119 : memref<80xf32, #tpu.memory_space<vmem>>) target(%dma_start3A_1116 : memref<80xf32, #tpu.memory_space<hbm>>) target_semaphore(%arg32 : memref<!tpu.dma_semaphore, #tpu.memory_space<semaphore_mem>>)
      %dma_start3A_1120 = arith.constant 1 : i32
      %dma_start3A_1121 = arith.constant 0 : i32
      %dma_start3A_1122 = tpu.memref_slice %arg26[%dma_start3A_1120, %dma_start3A_1121] : memref<4x80xf32, #tpu.memory_space<vmem>> -> memref<1x80xf32, #tpu.memory_space<vmem>>
      %dma_start3A_1123 = tpu.memref_squeeze %dma_start3A_1122 : memref<1x80xf32, #tpu.memory_space<vmem>> -> memref<80xf32, #tpu.memory_space<vmem>>
      %dma_start3A_1124 = tpu.memref_slice %arg11[%add3A_1106] : memref<320000xf32, #tpu.memory_space<hbm>> -> memref<80xf32, #tpu.memory_space<hbm>>
      %dma_start3A_1125 = tpu.memref_slice %arg11[%add3A_1106] : memref<320000xf32, #tpu.memory_space<hbm>> -> memref<80xf32, #tpu.memory_space<hbm>>
      %dma_start3A_1126 = arith.constant 0 : i32
      %dma_start3A_1127 = tpu.memref_slice %arg26[%dma_start3A_1120, %dma_start3A_1126] : memref<4x80xf32, #tpu.memory_space<vmem>> -> memref<1x80xf32, #tpu.memory_space<vmem>>
      %dma_start3A_1128 = tpu.memref_squeeze %dma_start3A_1127 : memref<1x80xf32, #tpu.memory_space<vmem>> -> memref<80xf32, #tpu.memory_space<vmem>>
      tpu.enqueue_dma source(%dma_start3A_1128 : memref<80xf32, #tpu.memory_space<vmem>>) target(%dma_start3A_1125 : memref<80xf32, #tpu.memory_space<hbm>>) target_semaphore(%arg32 : memref<!tpu.dma_semaphore, #tpu.memory_space<semaphore_mem>>)
      %dma_start3A_1129 = arith.constant 2 : i32
      %dma_start3A_1130 = arith.constant 0 : i32
      %dma_start3A_1131 = tpu.memref_slice %arg26[%dma_start3A_1129, %dma_start3A_1130] : memref<4x80xf32, #tpu.memory_space<vmem>> -> memref<1x80xf32, #tpu.memory_space<vmem>>
      %dma_start3A_1132 = tpu.memref_squeeze %dma_start3A_1131 : memref<1x80xf32, #tpu.memory_space<vmem>> -> memref<80xf32, #tpu.memory_space<vmem>>
      %dma_start3A_1133 = tpu.memref_slice %arg12[%add3A_1106] : memref<320000xf32, #tpu.memory_space<hbm>> -> memref<80xf32, #tpu.memory_space<hbm>>
      %dma_start3A_1134 = tpu.memref_slice %arg12[%add3A_1106] : memref<320000xf32, #tpu.memory_space<hbm>> -> memref<80xf32, #tpu.memory_space<hbm>>
      %dma_start3A_1135 = arith.constant 0 : i32
      %dma_start3A_1136 = tpu.memref_slice %arg26[%dma_start3A_1129, %dma_start3A_1135] : memref<4x80xf32, #tpu.memory_space<vmem>> -> memref<1x80xf32, #tpu.memory_space<vmem>>
      %dma_start3A_1137 = tpu.memref_squeeze %dma_start3A_1136 : memref<1x80xf32, #tpu.memory_space<vmem>> -> memref<80xf32, #tpu.memory_space<vmem>>
      tpu.enqueue_dma source(%dma_start3A_1137 : memref<80xf32, #tpu.memory_space<vmem>>) target(%dma_start3A_1134 : memref<80xf32, #tpu.memory_space<hbm>>) target_semaphore(%arg32 : memref<!tpu.dma_semaphore, #tpu.memory_space<semaphore_mem>>)
      %dma_start3A_1138 = arith.constant 3 : i32
      %dma_start3A_1139 = arith.constant 0 : i32
      %dma_start3A_1140 = tpu.memref_slice %arg26[%dma_start3A_1138, %dma_start3A_1139] : memref<4x80xf32, #tpu.memory_space<vmem>> -> memref<1x80xf32, #tpu.memory_space<vmem>>
      %dma_start3A_1141 = tpu.memref_squeeze %dma_start3A_1140 : memref<1x80xf32, #tpu.memory_space<vmem>> -> memref<80xf32, #tpu.memory_space<vmem>>
      %dma_start3A_1142 = tpu.memref_slice %arg13[%add3A_1106] : memref<320000xf32, #tpu.memory_space<hbm>> -> memref<80xf32, #tpu.memory_space<hbm>>
      %dma_start3A_1143 = tpu.memref_slice %arg13[%add3A_1106] : memref<320000xf32, #tpu.memory_space<hbm>> -> memref<80xf32, #tpu.memory_space<hbm>>
      %dma_start3A_1144 = arith.constant 0 : i32
      %dma_start3A_1145 = tpu.memref_slice %arg26[%dma_start3A_1138, %dma_start3A_1144] : memref<4x80xf32, #tpu.memory_space<vmem>> -> memref<1x80xf32, #tpu.memory_space<vmem>>
      %dma_start3A_1146 = tpu.memref_squeeze %dma_start3A_1145 : memref<1x80xf32, #tpu.memory_space<vmem>> -> memref<80xf32, #tpu.memory_space<vmem>>
      tpu.enqueue_dma source(%dma_start3A_1146 : memref<80xf32, #tpu.memory_space<vmem>>) target(%dma_start3A_1143 : memref<80xf32, #tpu.memory_space<hbm>>) target_semaphore(%arg32 : memref<!tpu.dma_semaphore, #tpu.memory_space<semaphore_mem>>)
      %ge3A_1147 = arith.constant 1 : i32
      %ge3A_1148 = arith.cmpi sge, %add3A_897, %ge3A_1147 : i32
      %convert_element_type3A_1149 = arith.extui %ge3A_1148 : i1 to i32
      %cond3A_1150 = arith.constant 0 : i32
      %cond3A_1151 = arith.cmpi ne, %convert_element_type3A_1149, %cond3A_1150 : i32
      scf.if %cond3A_1151 {
        %dma_wait3A_1432 = arith.constant 0 : i32
        %dma_wait3A_1433 = arith.constant 0 : i32
        %dma_wait3A_1434 = tpu.memref_slice %arg9[%dma_wait3A_1432, %dma_wait3A_1433] : memref<320000x128xf32, #tpu.memory_space<hbm>> -> memref<80x128xf32, #tpu.memory_space<hbm>>
        %dma_wait3A_1435 = arith.constant 0 : i32
        %dma_wait3A_1436 = arith.constant 0 : i32
        %dma_wait3A_1437 = tpu.memref_slice %arg9[%dma_wait3A_1435, %dma_wait3A_1436] : memref<320000x128xf32, #tpu.memory_space<hbm>> -> memref<80x128xf32, #tpu.memory_space<hbm>>
        tpu.wait_dma2 semaphore(%arg31 : memref<!tpu.dma_semaphore, #tpu.memory_space<semaphore_mem>>) src(%arg19 : memref<80x128xf32, #tpu.memory_space<vmem>>) dst(%dma_wait3A_1437 : memref<80x128xf32, #tpu.memory_space<hbm>>)
        %dma_wait3A_1438 = arith.constant 0 : i32
        %dma_wait3A_1439 = arith.constant 0 : i32
        %dma_wait3A_1440 = tpu.memref_slice %arg25[%dma_wait3A_1438, %dma_wait3A_1439] : memref<4x80xf32, #tpu.memory_space<vmem>> -> memref<1x80xf32, #tpu.memory_space<vmem>>
        %dma_wait3A_1441 = tpu.memref_squeeze %dma_wait3A_1440 : memref<1x80xf32, #tpu.memory_space<vmem>> -> memref<80xf32, #tpu.memory_space<vmem>>
        %dma_wait3A_1442 = arith.constant 0 : i32
        %dma_wait3A_1443 = tpu.memref_slice %arg10[%dma_wait3A_1442] : memref<320000xf32, #tpu.memory_space<hbm>> -> memref<80xf32, #tpu.memory_space<hbm>>
        %dma_wait3A_1444 = arith.constant 0 : i32
        %dma_wait3A_1445 = tpu.memref_slice %arg10[%dma_wait3A_1444] : memref<320000xf32, #tpu.memory_space<hbm>> -> memref<80xf32, #tpu.memory_space<hbm>>
        %dma_wait3A_1446 = arith.constant 0 : i32
        %dma_wait3A_1447 = tpu.memref_slice %arg25[%dma_wait3A_1438, %dma_wait3A_1446] : memref<4x80xf32, #tpu.memory_space<vmem>> -> memref<1x80xf32, #tpu.memory_space<vmem>>
        %dma_wait3A_1448 = tpu.memref_squeeze %dma_wait3A_1447 : memref<1x80xf32, #tpu.memory_space<vmem>> -> memref<80xf32, #tpu.memory_space<vmem>>
        tpu.wait_dma2 semaphore(%arg31 : memref<!tpu.dma_semaphore, #tpu.memory_space<semaphore_mem>>) src(%dma_wait3A_1448 : memref<80xf32, #tpu.memory_space<vmem>>) dst(%dma_wait3A_1445 : memref<80xf32, #tpu.memory_space<hbm>>)
        %dma_wait3A_1449 = arith.constant 1 : i32
        %dma_wait3A_1450 = arith.constant 0 : i32
        %dma_wait3A_1451 = tpu.memref_slice %arg25[%dma_wait3A_1449, %dma_wait3A_1450] : memref<4x80xf32, #tpu.memory_space<vmem>> -> memref<1x80xf32, #tpu.memory_space<vmem>>
        %dma_wait3A_1452 = tpu.memref_squeeze %dma_wait3A_1451 : memref<1x80xf32, #tpu.memory_space<vmem>> -> memref<80xf32, #tpu.memory_space<vmem>>
        %dma_wait3A_1453 = arith.constant 0 : i32
        %dma_wait3A_1454 = tpu.memref_slice %arg11[%dma_wait3A_1453] : memref<320000xf32, #tpu.memory_space<hbm>> -> memref<80xf32, #tpu.memory_space<hbm>>
        %dma_wait3A_1455 = arith.constant 0 : i32
        %dma_wait3A_1456 = tpu.memref_slice %arg11[%dma_wait3A_1455] : memref<320000xf32, #tpu.memory_space<hbm>> -> memref<80xf32, #tpu.memory_space<hbm>>
        %dma_wait3A_1457 = arith.constant 0 : i32
        %dma_wait3A_1458 = tpu.memref_slice %arg25[%dma_wait3A_1449, %dma_wait3A_1457] : memref<4x80xf32, #tpu.memory_space<vmem>> -> memref<1x80xf32, #tpu.memory_space<vmem>>
        %dma_wait3A_1459 = tpu.memref_squeeze %dma_wait3A_1458 : memref<1x80xf32, #tpu.memory_space<vmem>> -> memref<80xf32, #tpu.memory_space<vmem>>
        tpu.wait_dma2 semaphore(%arg31 : memref<!tpu.dma_semaphore, #tpu.memory_space<semaphore_mem>>) src(%dma_wait3A_1459 : memref<80xf32, #tpu.memory_space<vmem>>) dst(%dma_wait3A_1456 : memref<80xf32, #tpu.memory_space<hbm>>)
        %dma_wait3A_1460 = arith.constant 2 : i32
        %dma_wait3A_1461 = arith.constant 0 : i32
        %dma_wait3A_1462 = tpu.memref_slice %arg25[%dma_wait3A_1460, %dma_wait3A_1461] : memref<4x80xf32, #tpu.memory_space<vmem>> -> memref<1x80xf32, #tpu.memory_space<vmem>>
        %dma_wait3A_1463 = tpu.memref_squeeze %dma_wait3A_1462 : memref<1x80xf32, #tpu.memory_space<vmem>> -> memref<80xf32, #tpu.memory_space<vmem>>
        %dma_wait3A_1464 = arith.constant 0 : i32
        %dma_wait3A_1465 = tpu.memref_slice %arg12[%dma_wait3A_1464] : memref<320000xf32, #tpu.memory_space<hbm>> -> memref<80xf32, #tpu.memory_space<hbm>>
        %dma_wait3A_1466 = arith.constant 0 : i32
        %dma_wait3A_1467 = tpu.memref_slice %arg12[%dma_wait3A_1466] : memref<320000xf32, #tpu.memory_space<hbm>> -> memref<80xf32, #tpu.memory_space<hbm>>
        %dma_wait3A_1468 = arith.constant 0 : i32
        %dma_wait3A_1469 = tpu.memref_slice %arg25[%dma_wait3A_1460, %dma_wait3A_1468] : memref<4x80xf32, #tpu.memory_space<vmem>> -> memref<1x80xf32, #tpu.memory_space<vmem>>
        %dma_wait3A_1470 = tpu.memref_squeeze %dma_wait3A_1469 : memref<1x80xf32, #tpu.memory_space<vmem>> -> memref<80xf32, #tpu.memory_space<vmem>>
        tpu.wait_dma2 semaphore(%arg31 : memref<!tpu.dma_semaphore, #tpu.memory_space<semaphore_mem>>) src(%dma_wait3A_1470 : memref<80xf32, #tpu.memory_space<vmem>>) dst(%dma_wait3A_1467 : memref<80xf32, #tpu.memory_space<hbm>>)
        %dma_wait3A_1471 = arith.constant 3 : i32
        %dma_wait3A_1472 = arith.constant 0 : i32
        %dma_wait3A_1473 = tpu.memref_slice %arg25[%dma_wait3A_1471, %dma_wait3A_1472] : memref<4x80xf32, #tpu.memory_space<vmem>> -> memref<1x80xf32, #tpu.memory_space<vmem>>
        %dma_wait3A_1474 = tpu.memref_squeeze %dma_wait3A_1473 : memref<1x80xf32, #tpu.memory_space<vmem>> -> memref<80xf32, #tpu.memory_space<vmem>>
        %dma_wait3A_1475 = arith.constant 0 : i32
        %dma_wait3A_1476 = tpu.memref_slice %arg13[%dma_wait3A_1475] : memref<320000xf32, #tpu.memory_space<hbm>> -> memref<80xf32, #tpu.memory_space<hbm>>
        %dma_wait3A_1477 = arith.constant 0 : i32
        %dma_wait3A_1478 = tpu.memref_slice %arg13[%dma_wait3A_1477] : memref<320000xf32, #tpu.memory_space<hbm>> -> memref<80xf32, #tpu.memory_space<hbm>>
        %dma_wait3A_1479 = arith.constant 0 : i32
        %dma_wait3A_1480 = tpu.memref_slice %arg25[%dma_wait3A_1471, %dma_wait3A_1479] : memref<4x80xf32, #tpu.memory_space<vmem>> -> memref<1x80xf32, #tpu.memory_space<vmem>>
        %dma_wait3A_1481 = tpu.memref_squeeze %dma_wait3A_1480 : memref<1x80xf32, #tpu.memory_space<vmem>> -> memref<80xf32, #tpu.memory_space<vmem>>
        tpu.wait_dma2 semaphore(%arg31 : memref<!tpu.dma_semaphore, #tpu.memory_space<semaphore_mem>>) src(%dma_wait3A_1481 : memref<80xf32, #tpu.memory_space<vmem>>) dst(%dma_wait3A_1478 : memref<80xf32, #tpu.memory_space<hbm>>)
      } else {
      }
      %add3A_1152 = arith.constant 2 : i32
      %add3A_1153 = arith.addi %add3A_897, %add3A_1152 : i32
      %mul3A_1154 = arith.constant 80 : i32
      %mul3A_1155 = arith.muli %add3A_1153, %mul3A_1154 : i32
      %dma_start3A_1156 = tpu.memref_slice %arg14[%mul3A_1155] : memref<10000xi32, #tpu.memory_space<vmem>> -> memref<80xi32, #tpu.memory_space<vmem>>
      %dma_start3A_1157 = arith.constant 0 : i32
      %dma_start3A_1158 = arith.constant 0 : i32
      %dma_start3A_1159 = tpu.memref_slice %arg2[%dma_start3A_1157, %dma_start3A_1158] : memref<10000x128xf32, #tpu.memory_space<hbm>> -> memref<10000x128xf32, #tpu.memory_space<hbm>>
      tpu.enqueue_indirect_dma source(%dma_start3A_1159 : memref<10000x128xf32, #tpu.memory_space<hbm>>) target(%arg19 : memref<80x128xf32, #tpu.memory_space<vmem>>) offsets(%dma_start3A_1156 : memref<80xi32, #tpu.memory_space<vmem>>) semaphore(%arg28 : memref<!tpu.dma_semaphore, #tpu.memory_space<semaphore_mem>>)
      %dma_start3A_1160 = tpu.memref_slice %arg15[%mul3A_1155] : memref<10000xi32, #tpu.memory_space<vmem>> -> memref<80xi32, #tpu.memory_space<vmem>>
      %dma_start3A_1161 = arith.constant 0 : i32
      %dma_start3A_1162 = arith.constant 0 : i32
      %dma_start3A_1163 = tpu.memref_slice %arg3[%dma_start3A_1161, %dma_start3A_1162] : memref<10000x128xf32, #tpu.memory_space<hbm>> -> memref<10000x128xf32, #tpu.memory_space<hbm>>
      tpu.enqueue_indirect_dma source(%dma_start3A_1163 : memref<10000x128xf32, #tpu.memory_space<hbm>>) target(%arg22 : memref<80x128xf32, #tpu.memory_space<vmem>>) offsets(%dma_start3A_1160 : memref<80xi32, #tpu.memory_space<vmem>>) semaphore(%arg28 : memref<!tpu.dma_semaphore, #tpu.memory_space<semaphore_mem>>)
      %add3A_1164 = arith.constant 2 : i32
      %add3A_1165 = arith.addi %mul3A_630, %add3A_1164 : i32
      %dma_wait3A_1166 = arith.constant 0 : i32
      %dma_wait3A_1167 = tpu.memref_slice %arg14[%dma_wait3A_1166] : memref<10000xi32, #tpu.memory_space<vmem>> -> memref<80xi32, #tpu.memory_space<vmem>>
      %dma_wait3A_1168 = arith.constant 0 : i32
      %dma_wait3A_1169 = arith.constant 0 : i32
      %dma_wait3A_1170 = tpu.memref_slice %arg2[%dma_wait3A_1168, %dma_wait3A_1169] : memref<10000x128xf32, #tpu.memory_space<hbm>> -> memref<10000x128xf32, #tpu.memory_space<hbm>>
      tpu.wait_indirect_dma semaphore(%arg30 : memref<!tpu.dma_semaphore, #tpu.memory_space<semaphore_mem>>) src(%dma_wait3A_1170 : memref<10000x128xf32, #tpu.memory_space<hbm>>) dst(%arg21 : memref<80x128xf32, #tpu.memory_space<vmem>>)
      %dma_wait3A_1171 = arith.constant 0 : i32
      %dma_wait3A_1172 = tpu.memref_slice %arg15[%dma_wait3A_1171] : memref<10000xi32, #tpu.memory_space<vmem>> -> memref<80xi32, #tpu.memory_space<vmem>>
      %dma_wait3A_1173 = arith.constant 0 : i32
      %dma_wait3A_1174 = arith.constant 0 : i32
      %dma_wait3A_1175 = tpu.memref_slice %arg3[%dma_wait3A_1173, %dma_wait3A_1174] : memref<10000x128xf32, #tpu.memory_space<hbm>> -> memref<10000x128xf32, #tpu.memory_space<hbm>>
      tpu.wait_indirect_dma semaphore(%arg30 : memref<!tpu.dma_semaphore, #tpu.memory_space<semaphore_mem>>) src(%dma_wait3A_1175 : memref<10000x128xf32, #tpu.memory_space<hbm>>) dst(%arg24 : memref<80x128xf32, #tpu.memory_space<vmem>>)
      %mul3A_1176 = arith.constant 80 : i32
      %mul3A_1177 = arith.muli %add3A_1165, %mul3A_1176 : i32
      %add3A_1178 = arith.constant 0 : i32
      %add3A_1179 = arith.addi %mul3A_1177, %add3A_1178 : i32
      %get3A_1180 = arith.index_cast %add3A_1179 : i32 to index
      %get3A_1181 = tpu.vector_load %arg14[%get3A_1180] {strides = array<i32>} : memref<10000xi32, #tpu.memory_space<vmem>>, vector<16xi32>,
      %get3A_1182 = arith.index_cast %add3A_1179 : i32 to index
      %get3A_1183 = tpu.vector_load %arg15[%get3A_1182] {strides = array<i32>} : memref<10000xi32, #tpu.memory_space<vmem>>, vector<16xi32>,
      %gather3A_1184 = tpu.vector_load_idx %arg16[%get3A_1181] : memref<10000xf32, #tpu.memory_space<vmem>>[vector<16xi32>], vector<16xf32>,
      %gather3A_1185 = tpu.vector_load_idx %arg16[%get3A_1183] : memref<10000xf32, #tpu.memory_space<vmem>>[vector<16xi32>], vector<16xf32>,
      %sub3A_1186 = arith.subf %gather3A_1184, %gather3A_1185 : vector<16xf32>
      %gather3A_1187 = tpu.vector_load_idx %arg17[%get3A_1181] : memref<10000xf32, #tpu.memory_space<vmem>>[vector<16xi32>], vector<16xf32>,
      %gather3A_1188 = tpu.vector_load_idx %arg17[%get3A_1183] : memref<10000xf32, #tpu.memory_space<vmem>>[vector<16xi32>], vector<16xf32>,
      %sub3A_1189 = arith.subf %gather3A_1187, %gather3A_1188 : vector<16xf32>
      %gather3A_1190 = tpu.vector_load_idx %arg18[%get3A_1181] : memref<10000xf32, #tpu.memory_space<vmem>>[vector<16xi32>], vector<16xf32>,
      %gather3A_1191 = tpu.vector_load_idx %arg18[%get3A_1183] : memref<10000xf32, #tpu.memory_space<vmem>>[vector<16xi32>], vector<16xf32>,
      %sub3A_1192 = arith.subf %gather3A_1190, %gather3A_1191 : vector<16xf32>
      %swap3A_1193 = arith.constant 0 : i32
      %swap3A_1194 = arith.index_cast %swap3A_1193 : i32 to index
      %swap3A_1195 = arith.constant 0 : index
      %swap3A_1196 = tpu.vector_load %arg27[%swap3A_1194, %swap3A_1195] {strides = array<i32>} : memref<4x80xf32, #tpu.memory_space<vmem>>, vector<16xf32>,
      tpu.vector_store %arg27[%swap3A_1194, %swap3A_1195], %sub3A_1186 {strides = array<i32>} : memref<4x80xf32, #tpu.memory_space<vmem>>, vector<16xf32>,
      %swap3A_1197 = arith.constant 1 : i32
      %swap3A_1198 = arith.index_cast %swap3A_1197 : i32 to index
      %swap3A_1199 = arith.constant 0 : index
      %swap3A_1200 = tpu.vector_load %arg27[%swap3A_1198, %swap3A_1199] {strides = array<i32>} : memref<4x80xf32, #tpu.memory_space<vmem>>, vector<16xf32>,
      tpu.vector_store %arg27[%swap3A_1198, %swap3A_1199], %sub3A_1189 {strides = array<i32>} : memref<4x80xf32, #tpu.memory_space<vmem>>, vector<16xf32>,
      %swap3A_1201 = arith.constant 2 : i32
      %swap3A_1202 = arith.index_cast %swap3A_1201 : i32 to index
      %swap3A_1203 = arith.constant 0 : index
      %swap3A_1204 = tpu.vector_load %arg27[%swap3A_1202, %swap3A_1203] {strides = array<i32>} : memref<4x80xf32, #tpu.memory_space<vmem>>, vector<16xf32>,
      tpu.vector_store %arg27[%swap3A_1202, %swap3A_1203], %sub3A_1192 {strides = array<i32>} : memref<4x80xf32, #tpu.memory_space<vmem>>, vector<16xf32>,
      %mul3A_1205 = arith.mulf %sub3A_1186, %sub3A_1186 : vector<16xf32>
      %mul3A_1206 = arith.mulf %sub3A_1189, %sub3A_1189 : vector<16xf32>
      %add3A_1207 = arith.addf %mul3A_1205, %mul3A_1206 : vector<16xf32>
      %mul3A_1208 = arith.mulf %sub3A_1192, %sub3A_1192 : vector<16xf32>
      %add3A_1209 = arith.addf %add3A_1207, %mul3A_1208 : vector<16xf32>
      %swap3A_1210 = arith.constant 3 : i32
      %swap3A_1211 = arith.index_cast %swap3A_1210 : i32 to index
      %swap3A_1212 = arith.constant 0 : index
      %swap3A_1213 = tpu.vector_load %arg27[%swap3A_1211, %swap3A_1212] {strides = array<i32>} : memref<4x80xf32, #tpu.memory_space<vmem>>, vector<16xf32>,
      tpu.vector_store %arg27[%swap3A_1211, %swap3A_1212], %add3A_1209 {strides = array<i32>} : memref<4x80xf32, #tpu.memory_space<vmem>>, vector<16xf32>,
      %mul3A_1214 = arith.constant 80 : i32
      %mul3A_1215 = arith.muli %add3A_1165, %mul3A_1214 : i32
      %add3A_1216 = arith.constant 16 : i32
      %add3A_1217 = arith.addi %mul3A_1215, %add3A_1216 : i32
      %get3A_1218 = arith.index_cast %add3A_1217 : i32 to index
      %get3A_1219 = tpu.vector_load %arg14[%get3A_1218] {strides = array<i32>} : memref<10000xi32, #tpu.memory_space<vmem>>, vector<16xi32>,
      %get3A_1220 = arith.index_cast %add3A_1217 : i32 to index
      %get3A_1221 = tpu.vector_load %arg15[%get3A_1220] {strides = array<i32>} : memref<10000xi32, #tpu.memory_space<vmem>>, vector<16xi32>,
      %gather3A_1222 = tpu.vector_load_idx %arg16[%get3A_1219] : memref<10000xf32, #tpu.memory_space<vmem>>[vector<16xi32>], vector<16xf32>,
      %gather3A_1223 = tpu.vector_load_idx %arg16[%get3A_1221] : memref<10000xf32, #tpu.memory_space<vmem>>[vector<16xi32>], vector<16xf32>,
      %sub3A_1224 = arith.subf %gather3A_1222, %gather3A_1223 : vector<16xf32>
      %gather3A_1225 = tpu.vector_load_idx %arg17[%get3A_1219] : memref<10000xf32, #tpu.memory_space<vmem>>[vector<16xi32>], vector<16xf32>,
      %gather3A_1226 = tpu.vector_load_idx %arg17[%get3A_1221] : memref<10000xf32, #tpu.memory_space<vmem>>[vector<16xi32>], vector<16xf32>,
      %sub3A_1227 = arith.subf %gather3A_1225, %gather3A_1226 : vector<16xf32>
      %gather3A_1228 = tpu.vector_load_idx %arg18[%get3A_1219] : memref<10000xf32, #tpu.memory_space<vmem>>[vector<16xi32>], vector<16xf32>,
      %gather3A_1229 = tpu.vector_load_idx %arg18[%get3A_1221] : memref<10000xf32, #tpu.memory_space<vmem>>[vector<16xi32>], vector<16xf32>,
      %sub3A_1230 = arith.subf %gather3A_1228, %gather3A_1229 : vector<16xf32>
      %swap3A_1231 = arith.constant 0 : i32
      %swap3A_1232 = arith.index_cast %swap3A_1231 : i32 to index
      %swap3A_1233 = arith.constant 16 : index
      %swap3A_1234 = tpu.vector_load %arg27[%swap3A_1232, %swap3A_1233] {strides = array<i32>} : memref<4x80xf32, #tpu.memory_space<vmem>>, vector<16xf32>,
      tpu.vector_store %arg27[%swap3A_1232, %swap3A_1233], %sub3A_1224 {strides = array<i32>} : memref<4x80xf32, #tpu.memory_space<vmem>>, vector<16xf32>,
      %swap3A_1235 = arith.constant 1 : i32
      %swap3A_1236 = arith.index_cast %swap3A_1235 : i32 to index
      %swap3A_1237 = arith.constant 16 : index
      %swap3A_1238 = tpu.vector_load %arg27[%swap3A_1236, %swap3A_1237] {strides = array<i32>} : memref<4x80xf32, #tpu.memory_space<vmem>>, vector<16xf32>,
      tpu.vector_store %arg27[%swap3A_1236, %swap3A_1237], %sub3A_1227 {strides = array<i32>} : memref<4x80xf32, #tpu.memory_space<vmem>>, vector<16xf32>,
      %swap3A_1239 = arith.constant 2 : i32
      %swap3A_1240 = arith.index_cast %swap3A_1239 : i32 to index
      %swap3A_1241 = arith.constant 16 : index
      %swap3A_1242 = tpu.vector_load %arg27[%swap3A_1240, %swap3A_1241] {strides = array<i32>} : memref<4x80xf32, #tpu.memory_space<vmem>>, vector<16xf32>,
      tpu.vector_store %arg27[%swap3A_1240, %swap3A_1241], %sub3A_1230 {strides = array<i32>} : memref<4x80xf32, #tpu.memory_space<vmem>>, vector<16xf32>,
      %mul3A_1243 = arith.mulf %sub3A_1224, %sub3A_1224 : vector<16xf32>
      %mul3A_1244 = arith.mulf %sub3A_1227, %sub3A_1227 : vector<16xf32>
      %add3A_1245 = arith.addf %mul3A_1243, %mul3A_1244 : vector<16xf32>
      %mul3A_1246 = arith.mulf %sub3A_1230, %sub3A_1230 : vector<16xf32>
      %add3A_1247 = arith.addf %add3A_1245, %mul3A_1246 : vector<16xf32>
      %swap3A_1248 = arith.constant 3 : i32
      %swap3A_1249 = arith.index_cast %swap3A_1248 : i32 to index
      %swap3A_1250 = arith.constant 16 : index
      %swap3A_1251 = tpu.vector_load %arg27[%swap3A_1249, %swap3A_1250] {strides = array<i32>} : memref<4x80xf32, #tpu.memory_space<vmem>>, vector<16xf32>,
      tpu.vector_store %arg27[%swap3A_1249, %swap3A_1250], %add3A_1247 {strides = array<i32>} : memref<4x80xf32, #tpu.memory_space<vmem>>, vector<16xf32>,
      %mul3A_1252 = arith.constant 80 : i32
      %mul3A_1253 = arith.muli %add3A_1165, %mul3A_1252 : i32
      %add3A_1254 = arith.constant 32 : i32
      %add3A_1255 = arith.addi %mul3A_1253, %add3A_1254 : i32
      %get3A_1256 = arith.index_cast %add3A_1255 : i32 to index
      %get3A_1257 = tpu.vector_load %arg14[%get3A_1256] {strides = array<i32>} : memref<10000xi32, #tpu.memory_space<vmem>>, vector<16xi32>,
      %get3A_1258 = arith.index_cast %add3A_1255 : i32 to index
      %get3A_1259 = tpu.vector_load %arg15[%get3A_1258] {strides = array<i32>} : memref<10000xi32, #tpu.memory_space<vmem>>, vector<16xi32>,
      %gather3A_1260 = tpu.vector_load_idx %arg16[%get3A_1257] : memref<10000xf32, #tpu.memory_space<vmem>>[vector<16xi32>], vector<16xf32>,
      %gather3A_1261 = tpu.vector_load_idx %arg16[%get3A_1259] : memref<10000xf32, #tpu.memory_space<vmem>>[vector<16xi32>], vector<16xf32>,
      %sub3A_1262 = arith.subf %gather3A_1260, %gather3A_1261 : vector<16xf32>
      %gather3A_1263 = tpu.vector_load_idx %arg17[%get3A_1257] : memref<10000xf32, #tpu.memory_space<vmem>>[vector<16xi32>], vector<16xf32>,
      %gather3A_1264 = tpu.vector_load_idx %arg17[%get3A_1259] : memref<10000xf32, #tpu.memory_space<vmem>>[vector<16xi32>], vector<16xf32>,
      %sub3A_1265 = arith.subf %gather3A_1263, %gather3A_1264 : vector<16xf32>
      %gather3A_1266 = tpu.vector_load_idx %arg18[%get3A_1257] : memref<10000xf32, #tpu.memory_space<vmem>>[vector<16xi32>], vector<16xf32>,
      %gather3A_1267 = tpu.vector_load_idx %arg18[%get3A_1259] : memref<10000xf32, #tpu.memory_space<vmem>>[vector<16xi32>], vector<16xf32>,
      %sub3A_1268 = arith.subf %gather3A_1266, %gather3A_1267 : vector<16xf32>
      %swap3A_1269 = arith.constant 0 : i32
      %swap3A_1270 = arith.index_cast %swap3A_1269 : i32 to index
      %swap3A_1271 = arith.constant 32 : index
      %swap3A_1272 = tpu.vector_load %arg27[%swap3A_1270, %swap3A_1271] {strides = array<i32>} : memref<4x80xf32, #tpu.memory_space<vmem>>, vector<16xf32>,
      tpu.vector_store %arg27[%swap3A_1270, %swap3A_1271], %sub3A_1262 {strides = array<i32>} : memref<4x80xf32, #tpu.memory_space<vmem>>, vector<16xf32>,
      %swap3A_1273 = arith.constant 1 : i32
      %swap3A_1274 = arith.index_cast %swap3A_1273 : i32 to index
      %swap3A_1275 = arith.constant 32 : index
      %swap3A_1276 = tpu.vector_load %arg27[%swap3A_1274, %swap3A_1275] {strides = array<i32>} : memref<4x80xf32, #tpu.memory_space<vmem>>, vector<16xf32>,
      tpu.vector_store %arg27[%swap3A_1274, %swap3A_1275], %sub3A_1265 {strides = array<i32>} : memref<4x80xf32, #tpu.memory_space<vmem>>, vector<16xf32>,
      %swap3A_1277 = arith.constant 2 : i32
      %swap3A_1278 = arith.index_cast %swap3A_1277 : i32 to index
      %swap3A_1279 = arith.constant 32 : index
      %swap3A_1280 = tpu.vector_load %arg27[%swap3A_1278, %swap3A_1279] {strides = array<i32>} : memref<4x80xf32, #tpu.memory_space<vmem>>, vector<16xf32>,
      tpu.vector_store %arg27[%swap3A_1278, %swap3A_1279], %sub3A_1268 {strides = array<i32>} : memref<4x80xf32, #tpu.memory_space<vmem>>, vector<16xf32>,
      %mul3A_1281 = arith.mulf %sub3A_1262, %sub3A_1262 : vector<16xf32>
      %mul3A_1282 = arith.mulf %sub3A_1265, %sub3A_1265 : vector<16xf32>
      %add3A_1283 = arith.addf %mul3A_1281, %mul3A_1282 : vector<16xf32>
      %mul3A_1284 = arith.mulf %sub3A_1268, %sub3A_1268 : vector<16xf32>
      %add3A_1285 = arith.addf %add3A_1283, %mul3A_1284 : vector<16xf32>
      %swap3A_1286 = arith.constant 3 : i32
      %swap3A_1287 = arith.index_cast %swap3A_1286 : i32 to index
      %swap3A_1288 = arith.constant 32 : index
      %swap3A_1289 = tpu.vector_load %arg27[%swap3A_1287, %swap3A_1288] {strides = array<i32>} : memref<4x80xf32, #tpu.memory_space<vmem>>, vector<16xf32>,
      tpu.vector_store %arg27[%swap3A_1287, %swap3A_1288], %add3A_1285 {strides = array<i32>} : memref<4x80xf32, #tpu.memory_space<vmem>>, vector<16xf32>,
      %mul3A_1290 = arith.constant 80 : i32
      %mul3A_1291 = arith.muli %add3A_1165, %mul3A_1290 : i32
      %add3A_1292 = arith.constant 48 : i32
      %add3A_1293 = arith.addi %mul3A_1291, %add3A_1292 : i32
      %get3A_1294 = arith.index_cast %add3A_1293 : i32 to index
      %get3A_1295 = tpu.vector_load %arg14[%get3A_1294] {strides = array<i32>} : memref<10000xi32, #tpu.memory_space<vmem>>, vector<16xi32>,
      %get3A_1296 = arith.index_cast %add3A_1293 : i32 to index
      %get3A_1297 = tpu.vector_load %arg15[%get3A_1296] {strides = array<i32>} : memref<10000xi32, #tpu.memory_space<vmem>>, vector<16xi32>,
      %gather3A_1298 = tpu.vector_load_idx %arg16[%get3A_1295] : memref<10000xf32, #tpu.memory_space<vmem>>[vector<16xi32>], vector<16xf32>,
      %gather3A_1299 = tpu.vector_load_idx %arg16[%get3A_1297] : memref<10000xf32, #tpu.memory_space<vmem>>[vector<16xi32>], vector<16xf32>,
      %sub3A_1300 = arith.subf %gather3A_1298, %gather3A_1299 : vector<16xf32>
      %gather3A_1301 = tpu.vector_load_idx %arg17[%get3A_1295] : memref<10000xf32, #tpu.memory_space<vmem>>[vector<16xi32>], vector<16xf32>,
      %gather3A_1302 = tpu.vector_load_idx %arg17[%get3A_1297] : memref<10000xf32, #tpu.memory_space<vmem>>[vector<16xi32>], vector<16xf32>,
      %sub3A_1303 = arith.subf %gather3A_1301, %gather3A_1302 : vector<16xf32>
      %gather3A_1304 = tpu.vector_load_idx %arg18[%get3A_1295] : memref<10000xf32, #tpu.memory_space<vmem>>[vector<16xi32>], vector<16xf32>,
      %gather3A_1305 = tpu.vector_load_idx %arg18[%get3A_1297] : memref<10000xf32, #tpu.memory_space<vmem>>[vector<16xi32>], vector<16xf32>,
      %sub3A_1306 = arith.subf %gather3A_1304, %gather3A_1305 : vector<16xf32>
      %swap3A_1307 = arith.constant 0 : i32
      %swap3A_1308 = arith.index_cast %swap3A_1307 : i32 to index
      %swap3A_1309 = arith.constant 48 : index
      %swap3A_1310 = tpu.vector_load %arg27[%swap3A_1308, %swap3A_1309] {strides = array<i32>} : memref<4x80xf32, #tpu.memory_space<vmem>>, vector<16xf32>,
      tpu.vector_store %arg27[%swap3A_1308, %swap3A_1309], %sub3A_1300 {strides = array<i32>} : memref<4x80xf32, #tpu.memory_space<vmem>>, vector<16xf32>,
      %swap3A_1311 = arith.constant 1 : i32
      %swap3A_1312 = arith.index_cast %swap3A_1311 : i32 to index
      %swap3A_1313 = arith.constant 48 : index
      %swap3A_1314 = tpu.vector_load %arg27[%swap3A_1312, %swap3A_1313] {strides = array<i32>} : memref<4x80xf32, #tpu.memory_space<vmem>>, vector<16xf32>,
      tpu.vector_store %arg27[%swap3A_1312, %swap3A_1313], %sub3A_1303 {strides = array<i32>} : memref<4x80xf32, #tpu.memory_space<vmem>>, vector<16xf32>,
      %swap3A_1315 = arith.constant 2 : i32
      %swap3A_1316 = arith.index_cast %swap3A_1315 : i32 to index
      %swap3A_1317 = arith.constant 48 : index
      %swap3A_1318 = tpu.vector_load %arg27[%swap3A_1316, %swap3A_1317] {strides = array<i32>} : memref<4x80xf32, #tpu.memory_space<vmem>>, vector<16xf32>,
      tpu.vector_store %arg27[%swap3A_1316, %swap3A_1317], %sub3A_1306 {strides = array<i32>} : memref<4x80xf32, #tpu.memory_space<vmem>>, vector<16xf32>,
      %mul3A_1319 = arith.mulf %sub3A_1300, %sub3A_1300 : vector<16xf32>
      %mul3A_1320 = arith.mulf %sub3A_1303, %sub3A_1303 : vector<16xf32>
      %add3A_1321 = arith.addf %mul3A_1319, %mul3A_1320 : vector<16xf32>
      %mul3A_1322 = arith.mulf %sub3A_1306, %sub3A_1306 : vector<16xf32>
      %add3A_1323 = arith.addf %add3A_1321, %mul3A_1322 : vector<16xf32>
      %swap3A_1324 = arith.constant 3 : i32
      %swap3A_1325 = arith.index_cast %swap3A_1324 : i32 to index
      %swap3A_1326 = arith.constant 48 : index
      %swap3A_1327 = tpu.vector_load %arg27[%swap3A_1325, %swap3A_1326] {strides = array<i32>} : memref<4x80xf32, #tpu.memory_space<vmem>>, vector<16xf32>,
      tpu.vector_store %arg27[%swap3A_1325, %swap3A_1326], %add3A_1323 {strides = array<i32>} : memref<4x80xf32, #tpu.memory_space<vmem>>, vector<16xf32>,
      %mul3A_1328 = arith.constant 80 : i32
      %mul3A_1329 = arith.muli %add3A_1165, %mul3A_1328 : i32
      %add3A_1330 = arith.constant 64 : i32
      %add3A_1331 = arith.addi %mul3A_1329, %add3A_1330 : i32
      %get3A_1332 = arith.index_cast %add3A_1331 : i32 to index
      %get3A_1333 = tpu.vector_load %arg14[%get3A_1332] {strides = array<i32>} : memref<10000xi32, #tpu.memory_space<vmem>>, vector<16xi32>,
      %get3A_1334 = arith.index_cast %add3A_1331 : i32 to index
      %get3A_1335 = tpu.vector_load %arg15[%get3A_1334] {strides = array<i32>} : memref<10000xi32, #tpu.memory_space<vmem>>, vector<16xi32>,
      %gather3A_1336 = tpu.vector_load_idx %arg16[%get3A_1333] : memref<10000xf32, #tpu.memory_space<vmem>>[vector<16xi32>], vector<16xf32>,
      %gather3A_1337 = tpu.vector_load_idx %arg16[%get3A_1335] : memref<10000xf32, #tpu.memory_space<vmem>>[vector<16xi32>], vector<16xf32>,
      %sub3A_1338 = arith.subf %gather3A_1336, %gather3A_1337 : vector<16xf32>
      %gather3A_1339 = tpu.vector_load_idx %arg17[%get3A_1333] : memref<10000xf32, #tpu.memory_space<vmem>>[vector<16xi32>], vector<16xf32>,
      %gather3A_1340 = tpu.vector_load_idx %arg17[%get3A_1335] : memref<10000xf32, #tpu.memory_space<vmem>>[vector<16xi32>], vector<16xf32>,
      %sub3A_1341 = arith.subf %gather3A_1339, %gather3A_1340 : vector<16xf32>
      %gather3A_1342 = tpu.vector_load_idx %arg18[%get3A_1333] : memref<10000xf32, #tpu.memory_space<vmem>>[vector<16xi32>], vector<16xf32>,
      %gather3A_1343 = tpu.vector_load_idx %arg18[%get3A_1335] : memref<10000xf32, #tpu.memory_space<vmem>>[vector<16xi32>], vector<16xf32>,
      %sub3A_1344 = arith.subf %gather3A_1342, %gather3A_1343 : vector<16xf32>
      %swap3A_1345 = arith.constant 0 : i32
      %swap3A_1346 = arith.index_cast %swap3A_1345 : i32 to index
      %swap3A_1347 = arith.constant 64 : index
      %swap3A_1348 = tpu.vector_load %arg27[%swap3A_1346, %swap3A_1347] {strides = array<i32>} : memref<4x80xf32, #tpu.memory_space<vmem>>, vector<16xf32>,
      tpu.vector_store %arg27[%swap3A_1346, %swap3A_1347], %sub3A_1338 {strides = array<i32>} : memref<4x80xf32, #tpu.memory_space<vmem>>, vector<16xf32>,
      %swap3A_1349 = arith.constant 1 : i32
      %swap3A_1350 = arith.index_cast %swap3A_1349 : i32 to index
      %swap3A_1351 = arith.constant 64 : index
      %swap3A_1352 = tpu.vector_load %arg27[%swap3A_1350, %swap3A_1351] {strides = array<i32>} : memref<4x80xf32, #tpu.memory_space<vmem>>, vector<16xf32>,
      tpu.vector_store %arg27[%swap3A_1350, %swap3A_1351], %sub3A_1341 {strides = array<i32>} : memref<4x80xf32, #tpu.memory_space<vmem>>, vector<16xf32>,
      %swap3A_1353 = arith.constant 2 : i32
      %swap3A_1354 = arith.index_cast %swap3A_1353 : i32 to index
      %swap3A_1355 = arith.constant 64 : index
      %swap3A_1356 = tpu.vector_load %arg27[%swap3A_1354, %swap3A_1355] {strides = array<i32>} : memref<4x80xf32, #tpu.memory_space<vmem>>, vector<16xf32>,
      tpu.vector_store %arg27[%swap3A_1354, %swap3A_1355], %sub3A_1344 {strides = array<i32>} : memref<4x80xf32, #tpu.memory_space<vmem>>, vector<16xf32>,
      %mul3A_1357 = arith.mulf %sub3A_1338, %sub3A_1338 : vector<16xf32>
      %mul3A_1358 = arith.mulf %sub3A_1341, %sub3A_1341 : vector<16xf32>
      %add3A_1359 = arith.addf %mul3A_1357, %mul3A_1358 : vector<16xf32>
      %mul3A_1360 = arith.mulf %sub3A_1344, %sub3A_1344 : vector<16xf32>
      %add3A_1361 = arith.addf %add3A_1359, %mul3A_1360 : vector<16xf32>
      %swap3A_1362 = arith.constant 3 : i32
      %swap3A_1363 = arith.index_cast %swap3A_1362 : i32 to index
      %swap3A_1364 = arith.constant 64 : index
      %swap3A_1365 = tpu.vector_load %arg27[%swap3A_1363, %swap3A_1364] {strides = array<i32>} : memref<4x80xf32, #tpu.memory_space<vmem>>, vector<16xf32>,
      tpu.vector_store %arg27[%swap3A_1363, %swap3A_1364], %add3A_1361 {strides = array<i32>} : memref<4x80xf32, #tpu.memory_space<vmem>>, vector<16xf32>,
      %scan3A_1366 = arith.constant 0 : i32
      %scan3A_1367 = arith.constant 0 : i32
      %scan3A_1368 = arith.constant 80 : i32
      %scan3A_1369 = arith.addi %scan3A_1367, %scan3A_1368 : i32
      %scan3A_1370 = arith.constant 1 : i32
      scf.for %scan3A_1432 = %scan3A_1367 to %scan3A_1369 step %scan3A_1370  : i32 {
        %get3A_1433 = arith.index_cast %scan3A_1432 : i32 to index
        %get3A_1434 = arith.constant 0 : index
        %get3A_1435 = tpu.vector_load %arg24[%get3A_1433, %get3A_1434] {strides = array<i32>} : memref<80x128xf32, #tpu.memory_space<vmem>>, vector<16xf32>,
        %swap3A_1436 = arith.index_cast %scan3A_1432 : i32 to index
        %swap3A_1437 = arith.constant 0 : index
        %swap3A_1438 = tpu.vector_load %arg21[%swap3A_1436, %swap3A_1437] {strides = array<i32>} : memref<80x128xf32, #tpu.memory_space<vmem>>, vector<16xf32>,
        tpu.vector_store %arg21[%swap3A_1436, %swap3A_1437], %get3A_1435 {add = true, strides = array<i32>} : memref<80x128xf32, #tpu.memory_space<vmem>>, vector<16xf32>,
        %get3A_1439 = arith.index_cast %scan3A_1432 : i32 to index
        %get3A_1440 = arith.constant 16 : index
        %get3A_1441 = tpu.vector_load %arg24[%get3A_1439, %get3A_1440] {strides = array<i32>} : memref<80x128xf32, #tpu.memory_space<vmem>>, vector<16xf32>,
        %swap3A_1442 = arith.index_cast %scan3A_1432 : i32 to index
        %swap3A_1443 = arith.constant 16 : index
        %swap3A_1444 = tpu.vector_load %arg21[%swap3A_1442, %swap3A_1443] {strides = array<i32>} : memref<80x128xf32, #tpu.memory_space<vmem>>, vector<16xf32>,
        tpu.vector_store %arg21[%swap3A_1442, %swap3A_1443], %get3A_1441 {add = true, strides = array<i32>} : memref<80x128xf32, #tpu.memory_space<vmem>>, vector<16xf32>,
        %get3A_1445 = arith.index_cast %scan3A_1432 : i32 to index
        %get3A_1446 = arith.constant 32 : index
        %get3A_1447 = tpu.vector_load %arg24[%get3A_1445, %get3A_1446] {strides = array<i32>} : memref<80x128xf32, #tpu.memory_space<vmem>>, vector<16xf32>,
        %swap3A_1448 = arith.index_cast %scan3A_1432 : i32 to index
        %swap3A_1449 = arith.constant 32 : index
        %swap3A_1450 = tpu.vector_load %arg21[%swap3A_1448, %swap3A_1449] {strides = array<i32>} : memref<80x128xf32, #tpu.memory_space<vmem>>, vector<16xf32>,
        tpu.vector_store %arg21[%swap3A_1448, %swap3A_1449], %get3A_1447 {add = true, strides = array<i32>} : memref<80x128xf32, #tpu.memory_space<vmem>>, vector<16xf32>,
        %get3A_1451 = arith.index_cast %scan3A_1432 : i32 to index
        %get3A_1452 = arith.constant 48 : index
        %get3A_1453 = tpu.vector_load %arg24[%get3A_1451, %get3A_1452] {strides = array<i32>} : memref<80x128xf32, #tpu.memory_space<vmem>>, vector<16xf32>,
        %swap3A_1454 = arith.index_cast %scan3A_1432 : i32 to index
        %swap3A_1455 = arith.constant 48 : index
        %swap3A_1456 = tpu.vector_load %arg21[%swap3A_1454, %swap3A_1455] {strides = array<i32>} : memref<80x128xf32, #tpu.memory_space<vmem>>, vector<16xf32>,
        tpu.vector_store %arg21[%swap3A_1454, %swap3A_1455], %get3A_1453 {add = true, strides = array<i32>} : memref<80x128xf32, #tpu.memory_space<vmem>>, vector<16xf32>,
        %get3A_1457 = arith.index_cast %scan3A_1432 : i32 to index
        %get3A_1458 = arith.constant 64 : index
        %get3A_1459 = tpu.vector_load %arg24[%get3A_1457, %get3A_1458] {strides = array<i32>} : memref<80x128xf32, #tpu.memory_space<vmem>>, vector<16xf32>,
        %swap3A_1460 = arith.index_cast %scan3A_1432 : i32 to index
        %swap3A_1461 = arith.constant 64 : index
        %swap3A_1462 = tpu.vector_load %arg21[%swap3A_1460, %swap3A_1461] {strides = array<i32>} : memref<80x128xf32, #tpu.memory_space<vmem>>, vector<16xf32>,
        tpu.vector_store %arg21[%swap3A_1460, %swap3A_1461], %get3A_1459 {add = true, strides = array<i32>} : memref<80x128xf32, #tpu.memory_space<vmem>>, vector<16xf32>,
        %get3A_1463 = arith.index_cast %scan3A_1432 : i32 to index
        %get3A_1464 = arith.constant 80 : index
        %get3A_1465 = tpu.vector_load %arg24[%get3A_1463, %get3A_1464] {strides = array<i32>} : memref<80x128xf32, #tpu.memory_space<vmem>>, vector<16xf32>,
        %swap3A_1466 = arith.index_cast %scan3A_1432 : i32 to index
        %swap3A_1467 = arith.constant 80 : index
        %swap3A_1468 = tpu.vector_load %arg21[%swap3A_1466, %swap3A_1467] {strides = array<i32>} : memref<80x128xf32, #tpu.memory_space<vmem>>, vector<16xf32>,
        tpu.vector_store %arg21[%swap3A_1466, %swap3A_1467], %get3A_1465 {add = true, strides = array<i32>} : memref<80x128xf32, #tpu.memory_space<vmem>>, vector<16xf32>,
        %get3A_1469 = arith.index_cast %scan3A_1432 : i32 to index
        %get3A_1470 = arith.constant 96 : index
        %get3A_1471 = tpu.vector_load %arg24[%get3A_1469, %get3A_1470] {strides = array<i32>} : memref<80x128xf32, #tpu.memory_space<vmem>>, vector<16xf32>,
        %swap3A_1472 = arith.index_cast %scan3A_1432 : i32 to index
        %swap3A_1473 = arith.constant 96 : index
        %swap3A_1474 = tpu.vector_load %arg21[%swap3A_1472, %swap3A_1473] {strides = array<i32>} : memref<80x128xf32, #tpu.memory_space<vmem>>, vector<16xf32>,
        tpu.vector_store %arg21[%swap3A_1472, %swap3A_1473], %get3A_1471 {add = true, strides = array<i32>} : memref<80x128xf32, #tpu.memory_space<vmem>>, vector<16xf32>,
        %get3A_1475 = arith.index_cast %scan3A_1432 : i32 to index
        %get3A_1476 = arith.constant 112 : index
        %get3A_1477 = tpu.vector_load %arg24[%get3A_1475, %get3A_1476] {strides = array<i32>} : memref<80x128xf32, #tpu.memory_space<vmem>>, vector<16xf32>,
        %swap3A_1478 = arith.index_cast %scan3A_1432 : i32 to index
        %swap3A_1479 = arith.constant 112 : index
        %swap3A_1480 = tpu.vector_load %arg21[%swap3A_1478, %swap3A_1479] {strides = array<i32>} : memref<80x128xf32, #tpu.memory_space<vmem>>, vector<16xf32>,
        tpu.vector_store %arg21[%swap3A_1478, %swap3A_1479], %get3A_1477 {add = true, strides = array<i32>} : memref<80x128xf32, #tpu.memory_space<vmem>>, vector<16xf32>,
      }
      %scan3A_1371 = arith.constant 80 : i32
      %mul3A_1372 = arith.constant 80 : i32
      %mul3A_1373 = arith.muli %add3A_1165, %mul3A_1372 : i32
      %add3A_1374 = arith.addi %mul3A_2, %mul3A_1373 : i32
      %dma_start3A_1375 = arith.constant 0 : i32
      %dma_start3A_1376 = tpu.memref_slice %arg9[%add3A_1374, %dma_start3A_1375] : memref<320000x128xf32, #tpu.memory_space<hbm>> -> memref<80x128xf32, #tpu.memory_space<hbm>>
      %dma_start3A_1377 = arith.constant 0 : i32
      %dma_start3A_1378 = tpu.memref_slice %arg9[%add3A_1374, %dma_start3A_1377] : memref<320000x128xf32, #tpu.memory_space<hbm>> -> memref<80x128xf32, #tpu.memory_space<hbm>>
      tpu.enqueue_dma source(%arg21 : memref<80x128xf32, #tpu.memory_space<vmem>>) target(%dma_start3A_1378 : memref<80x128xf32, #tpu.memory_space<hbm>>) target_semaphore(%arg33 : memref<!tpu.dma_semaphore, #tpu.memory_space<semaphore_mem>>)
      %dma_start3A_1379 = arith.constant 0 : i32
      %dma_start3A_1380 = arith.constant 0 : i32
      %dma_start3A_1381 = tpu.memref_slice %arg27[%dma_start3A_1379, %dma_start3A_1380] : memref<4x80xf32, #tpu.memory_space<vmem>> -> memref<1x80xf32, #tpu.memory_space<vmem>>
      %dma_start3A_1382 = tpu.memref_squeeze %dma_start3A_1381 : memref<1x80xf32, #tpu.memory_space<vmem>> -> memref<80xf32, #tpu.memory_space<vmem>>
      %dma_start3A_1383 = tpu.memref_slice %arg10[%add3A_1374] : memref<320000xf32, #tpu.memory_space<hbm>> -> memref<80xf32, #tpu.memory_space<hbm>>
      %dma_start3A_1384 = tpu.memref_slice %arg10[%add3A_1374] : memref<320000xf32, #tpu.memory_space<hbm>> -> memref<80xf32, #tpu.memory_space<hbm>>
      %dma_start3A_1385 = arith.constant 0 : i32
      %dma_start3A_1386 = tpu.memref_slice %arg27[%dma_start3A_1379, %dma_start3A_1385] : memref<4x80xf32, #tpu.memory_space<vmem>> -> memref<1x80xf32, #tpu.memory_space<vmem>>
      %dma_start3A_1387 = tpu.memref_squeeze %dma_start3A_1386 : memref<1x80xf32, #tpu.memory_space<vmem>> -> memref<80xf32, #tpu.memory_space<vmem>>
      tpu.enqueue_dma source(%dma_start3A_1387 : memref<80xf32, #tpu.memory_space<vmem>>) target(%dma_start3A_1384 : memref<80xf32, #tpu.memory_space<hbm>>) target_semaphore(%arg33 : memref<!tpu.dma_semaphore, #tpu.memory_space<semaphore_mem>>)
      %dma_start3A_1388 = arith.constant 1 : i32
      %dma_start3A_1389 = arith.constant 0 : i32
      %dma_start3A_1390 = tpu.memref_slice %arg27[%dma_start3A_1388, %dma_start3A_1389] : memref<4x80xf32, #tpu.memory_space<vmem>> -> memref<1x80xf32, #tpu.memory_space<vmem>>
      %dma_start3A_1391 = tpu.memref_squeeze %dma_start3A_1390 : memref<1x80xf32, #tpu.memory_space<vmem>> -> memref<80xf32, #tpu.memory_space<vmem>>
      %dma_start3A_1392 = tpu.memref_slice %arg11[%add3A_1374] : memref<320000xf32, #tpu.memory_space<hbm>> -> memref<80xf32, #tpu.memory_space<hbm>>
      %dma_start3A_1393 = tpu.memref_slice %arg11[%add3A_1374] : memref<320000xf32, #tpu.memory_space<hbm>> -> memref<80xf32, #tpu.memory_space<hbm>>
      %dma_start3A_1394 = arith.constant 0 : i32
      %dma_start3A_1395 = tpu.memref_slice %arg27[%dma_start3A_1388, %dma_start3A_1394] : memref<4x80xf32, #tpu.memory_space<vmem>> -> memref<1x80xf32, #tpu.memory_space<vmem>>
      %dma_start3A_1396 = tpu.memref_squeeze %dma_start3A_1395 : memref<1x80xf32, #tpu.memory_space<vmem>> -> memref<80xf32, #tpu.memory_space<vmem>>
      tpu.enqueue_dma source(%dma_start3A_1396 : memref<80xf32, #tpu.memory_space<vmem>>) target(%dma_start3A_1393 : memref<80xf32, #tpu.memory_space<hbm>>) target_semaphore(%arg33 : memref<!tpu.dma_semaphore, #tpu.memory_space<semaphore_mem>>)
      %dma_start3A_1397 = arith.constant 2 : i32
      %dma_start3A_1398 = arith.constant 0 : i32
      %dma_start3A_1399 = tpu.memref_slice %arg27[%dma_start3A_1397, %dma_start3A_1398] : memref<4x80xf32, #tpu.memory_space<vmem>> -> memref<1x80xf32, #tpu.memory_space<vmem>>
      %dma_start3A_1400 = tpu.memref_squeeze %dma_start3A_1399 : memref<1x80xf32, #tpu.memory_space<vmem>> -> memref<80xf32, #tpu.memory_space<vmem>>
      %dma_start3A_1401 = tpu.memref_slice %arg12[%add3A_1374] : memref<320000xf32, #tpu.memory_space<hbm>> -> memref<80xf32, #tpu.memory_space<hbm>>
      %dma_start3A_1402 = tpu.memref_slice %arg12[%add3A_1374] : memref<320000xf32, #tpu.memory_space<hbm>> -> memref<80xf32, #tpu.memory_space<hbm>>
      %dma_start3A_1403 = arith.constant 0 : i32
      %dma_start3A_1404 = tpu.memref_slice %arg27[%dma_start3A_1397, %dma_start3A_1403] : memref<4x80xf32, #tpu.memory_space<vmem>> -> memref<1x80xf32, #tpu.memory_space<vmem>>
      %dma_start3A_1405 = tpu.memref_squeeze %dma_start3A_1404 : memref<1x80xf32, #tpu.memory_space<vmem>> -> memref<80xf32, #tpu.memory_space<vmem>>
      tpu.enqueue_dma source(%dma_start3A_1405 : memref<80xf32, #tpu.memory_space<vmem>>) target(%dma_start3A_1402 : memref<80xf32, #tpu.memory_space<hbm>>) target_semaphore(%arg33 : memref<!tpu.dma_semaphore, #tpu.memory_space<semaphore_mem>>)
      %dma_start3A_1406 = arith.constant 3 : i32
      %dma_start3A_1407 = arith.constant 0 : i32
      %dma_start3A_1408 = tpu.memref_slice %arg27[%dma_start3A_1406, %dma_start3A_1407] : memref<4x80xf32, #tpu.memory_space<vmem>> -> memref<1x80xf32, #tpu.memory_space<vmem>>
      %dma_start3A_1409 = tpu.memref_squeeze %dma_start3A_1408 : memref<1x80xf32, #tpu.memory_space<vmem>> -> memref<80xf32, #tpu.memory_space<vmem>>
      %dma_start3A_1410 = tpu.memref_slice %arg13[%add3A_1374] : memref<320000xf32, #tpu.memory_space<hbm>> -> memref<80xf32, #tpu.memory_space<hbm>>
      %dma_start3A_1411 = tpu.memref_slice %arg13[%add3A_1374] : memref<320000xf32, #tpu.memory_space<hbm>> -> memref<80xf32, #tpu.memory_space<hbm>>
      %dma_start3A_1412 = arith.constant 0 : i32
      %dma_start3A_1413 = tpu.memref_slice %arg27[%dma_start3A_1406, %dma_start3A_1412] : memref<4x80xf32, #tpu.memory_space<vmem>> -> memref<1x80xf32, #tpu.memory_space<vmem>>
      %dma_start3A_1414 = tpu.memref_squeeze %dma_start3A_1413 : memref<1x80xf32, #tpu.memory_space<vmem>> -> memref<80xf32, #tpu.memory_space<vmem>>
      tpu.enqueue_dma source(%dma_start3A_1414 : memref<80xf32, #tpu.memory_space<vmem>>) target(%dma_start3A_1411 : memref<80xf32, #tpu.memory_space<hbm>>) target_semaphore(%arg33 : memref<!tpu.dma_semaphore, #tpu.memory_space<semaphore_mem>>)
      %ge3A_1415 = arith.constant 1 : i32
      %ge3A_1416 = arith.cmpi sge, %add3A_1165, %ge3A_1415 : i32
      %convert_element_type3A_1417 = arith.extui %ge3A_1416 : i1 to i32
      %cond3A_1418 = arith.constant 0 : i32
      %cond3A_1419 = arith.cmpi ne, %convert_element_type3A_1417, %cond3A_1418 : i32
      scf.if %cond3A_1419 {
        %dma_wait3A_1432 = arith.constant 0 : i32
        %dma_wait3A_1433 = arith.constant 0 : i32
        %dma_wait3A_1434 = tpu.memref_slice %arg9[%dma_wait3A_1432, %dma_wait3A_1433] : memref<320000x128xf32, #tpu.memory_space<hbm>> -> memref<80x128xf32, #tpu.memory_space<hbm>>
        %dma_wait3A_1435 = arith.constant 0 : i32
        %dma_wait3A_1436 = arith.constant 0 : i32
        %dma_wait3A_1437 = tpu.memref_slice %arg9[%dma_wait3A_1435, %dma_wait3A_1436] : memref<320000x128xf32, #tpu.memory_space<hbm>> -> memref<80x128xf32, #tpu.memory_space<hbm>>
        tpu.wait_dma2 semaphore(%arg32 : memref<!tpu.dma_semaphore, #tpu.memory_space<semaphore_mem>>) src(%arg20 : memref<80x128xf32, #tpu.memory_space<vmem>>) dst(%dma_wait3A_1437 : memref<80x128xf32, #tpu.memory_space<hbm>>)
        %dma_wait3A_1438 = arith.constant 0 : i32
        %dma_wait3A_1439 = arith.constant 0 : i32
        %dma_wait3A_1440 = tpu.memref_slice %arg26[%dma_wait3A_1438, %dma_wait3A_1439] : memref<4x80xf32, #tpu.memory_space<vmem>> -> memref<1x80xf32, #tpu.memory_space<vmem>>
        %dma_wait3A_1441 = tpu.memref_squeeze %dma_wait3A_1440 : memref<1x80xf32, #tpu.memory_space<vmem>> -> memref<80xf32, #tpu.memory_space<vmem>>
        %dma_wait3A_1442 = arith.constant 0 : i32
        %dma_wait3A_1443 = tpu.memref_slice %arg10[%dma_wait3A_1442] : memref<320000xf32, #tpu.memory_space<hbm>> -> memref<80xf32, #tpu.memory_space<hbm>>
        %dma_wait3A_1444 = arith.constant 0 : i32
        %dma_wait3A_1445 = tpu.memref_slice %arg10[%dma_wait3A_1444] : memref<320000xf32, #tpu.memory_space<hbm>> -> memref<80xf32, #tpu.memory_space<hbm>>
        %dma_wait3A_1446 = arith.constant 0 : i32
        %dma_wait3A_1447 = tpu.memref_slice %arg26[%dma_wait3A_1438, %dma_wait3A_1446] : memref<4x80xf32, #tpu.memory_space<vmem>> -> memref<1x80xf32, #tpu.memory_space<vmem>>
        %dma_wait3A_1448 = tpu.memref_squeeze %dma_wait3A_1447 : memref<1x80xf32, #tpu.memory_space<vmem>> -> memref<80xf32, #tpu.memory_space<vmem>>
        tpu.wait_dma2 semaphore(%arg32 : memref<!tpu.dma_semaphore, #tpu.memory_space<semaphore_mem>>) src(%dma_wait3A_1448 : memref<80xf32, #tpu.memory_space<vmem>>) dst(%dma_wait3A_1445 : memref<80xf32, #tpu.memory_space<hbm>>)
        %dma_wait3A_1449 = arith.constant 1 : i32
        %dma_wait3A_1450 = arith.constant 0 : i32
        %dma_wait3A_1451 = tpu.memref_slice %arg26[%dma_wait3A_1449, %dma_wait3A_1450] : memref<4x80xf32, #tpu.memory_space<vmem>> -> memref<1x80xf32, #tpu.memory_space<vmem>>
        %dma_wait3A_1452 = tpu.memref_squeeze %dma_wait3A_1451 : memref<1x80xf32, #tpu.memory_space<vmem>> -> memref<80xf32, #tpu.memory_space<vmem>>
        %dma_wait3A_1453 = arith.constant 0 : i32
        %dma_wait3A_1454 = tpu.memref_slice %arg11[%dma_wait3A_1453] : memref<320000xf32, #tpu.memory_space<hbm>> -> memref<80xf32, #tpu.memory_space<hbm>>
        %dma_wait3A_1455 = arith.constant 0 : i32
        %dma_wait3A_1456 = tpu.memref_slice %arg11[%dma_wait3A_1455] : memref<320000xf32, #tpu.memory_space<hbm>> -> memref<80xf32, #tpu.memory_space<hbm>>
        %dma_wait3A_1457 = arith.constant 0 : i32
        %dma_wait3A_1458 = tpu.memref_slice %arg26[%dma_wait3A_1449, %dma_wait3A_1457] : memref<4x80xf32, #tpu.memory_space<vmem>> -> memref<1x80xf32, #tpu.memory_space<vmem>>
        %dma_wait3A_1459 = tpu.memref_squeeze %dma_wait3A_1458 : memref<1x80xf32, #tpu.memory_space<vmem>> -> memref<80xf32, #tpu.memory_space<vmem>>
        tpu.wait_dma2 semaphore(%arg32 : memref<!tpu.dma_semaphore, #tpu.memory_space<semaphore_mem>>) src(%dma_wait3A_1459 : memref<80xf32, #tpu.memory_space<vmem>>) dst(%dma_wait3A_1456 : memref<80xf32, #tpu.memory_space<hbm>>)
        %dma_wait3A_1460 = arith.constant 2 : i32
        %dma_wait3A_1461 = arith.constant 0 : i32
        %dma_wait3A_1462 = tpu.memref_slice %arg26[%dma_wait3A_1460, %dma_wait3A_1461] : memref<4x80xf32, #tpu.memory_space<vmem>> -> memref<1x80xf32, #tpu.memory_space<vmem>>
        %dma_wait3A_1463 = tpu.memref_squeeze %dma_wait3A_1462 : memref<1x80xf32, #tpu.memory_space<vmem>> -> memref<80xf32, #tpu.memory_space<vmem>>
        %dma_wait3A_1464 = arith.constant 0 : i32
        %dma_wait3A_1465 = tpu.memref_slice %arg12[%dma_wait3A_1464] : memref<320000xf32, #tpu.memory_space<hbm>> -> memref<80xf32, #tpu.memory_space<hbm>>
        %dma_wait3A_1466 = arith.constant 0 : i32
        %dma_wait3A_1467 = tpu.memref_slice %arg12[%dma_wait3A_1466] : memref<320000xf32, #tpu.memory_space<hbm>> -> memref<80xf32, #tpu.memory_space<hbm>>
        %dma_wait3A_1468 = arith.constant 0 : i32
        %dma_wait3A_1469 = tpu.memref_slice %arg26[%dma_wait3A_1460, %dma_wait3A_1468] : memref<4x80xf32, #tpu.memory_space<vmem>> -> memref<1x80xf32, #tpu.memory_space<vmem>>
        %dma_wait3A_1470 = tpu.memref_squeeze %dma_wait3A_1469 : memref<1x80xf32, #tpu.memory_space<vmem>> -> memref<80xf32, #tpu.memory_space<vmem>>
        tpu.wait_dma2 semaphore(%arg32 : memref<!tpu.dma_semaphore, #tpu.memory_space<semaphore_mem>>) src(%dma_wait3A_1470 : memref<80xf32, #tpu.memory_space<vmem>>) dst(%dma_wait3A_1467 : memref<80xf32, #tpu.memory_space<hbm>>)
        %dma_wait3A_1471 = arith.constant 3 : i32
        %dma_wait3A_1472 = arith.constant 0 : i32
        %dma_wait3A_1473 = tpu.memref_slice %arg26[%dma_wait3A_1471, %dma_wait3A_1472] : memref<4x80xf32, #tpu.memory_space<vmem>> -> memref<1x80xf32, #tpu.memory_space<vmem>>
        %dma_wait3A_1474 = tpu.memref_squeeze %dma_wait3A_1473 : memref<1x80xf32, #tpu.memory_space<vmem>> -> memref<80xf32, #tpu.memory_space<vmem>>
        %dma_wait3A_1475 = arith.constant 0 : i32
        %dma_wait3A_1476 = tpu.memref_slice %arg13[%dma_wait3A_1475] : memref<320000xf32, #tpu.memory_space<hbm>> -> memref<80xf32, #tpu.memory_space<hbm>>
        %dma_wait3A_1477 = arith.constant 0 : i32
        %dma_wait3A_1478 = tpu.memref_slice %arg13[%dma_wait3A_1477] : memref<320000xf32, #tpu.memory_space<hbm>> -> memref<80xf32, #tpu.memory_space<hbm>>
        %dma_wait3A_1479 = arith.constant 0 : i32
        %dma_wait3A_1480 = tpu.memref_slice %arg26[%dma_wait3A_1471, %dma_wait3A_1479] : memref<4x80xf32, #tpu.memory_space<vmem>> -> memref<1x80xf32, #tpu.memory_space<vmem>>
        %dma_wait3A_1481 = tpu.memref_squeeze %dma_wait3A_1480 : memref<1x80xf32, #tpu.memory_space<vmem>> -> memref<80xf32, #tpu.memory_space<vmem>>
        tpu.wait_dma2 semaphore(%arg32 : memref<!tpu.dma_semaphore, #tpu.memory_space<semaphore_mem>>) src(%dma_wait3A_1481 : memref<80xf32, #tpu.memory_space<vmem>>) dst(%dma_wait3A_1478 : memref<80xf32, #tpu.memory_space<hbm>>)
      } else {
      }
      %add3A_1420 = arith.constant 2 : i32
      %add3A_1421 = arith.addi %add3A_1165, %add3A_1420 : i32
      %mul3A_1422 = arith.constant 80 : i32
      %mul3A_1423 = arith.muli %add3A_1421, %mul3A_1422 : i32
      %dma_start3A_1424 = tpu.memref_slice %arg14[%mul3A_1423] : memref<10000xi32, #tpu.memory_space<vmem>> -> memref<80xi32, #tpu.memory_space<vmem>>
      %dma_start3A_1425 = arith.constant 0 : i32
      %dma_start3A_1426 = arith.constant 0 : i32
      %dma_start3A_1427 = tpu.memref_slice %arg2[%dma_start3A_1425, %dma_start3A_1426] : memref<10000x128xf32, #tpu.memory_space<hbm>> -> memref<10000x128xf32, #tpu.memory_space<hbm>>
      tpu.enqueue_indirect_dma source(%dma_start3A_1427 : memref<10000x128xf32, #tpu.memory_space<hbm>>) target(%arg20 : memref<80x128xf32, #tpu.memory_space<vmem>>) offsets(%dma_start3A_1424 : memref<80xi32, #tpu.memory_space<vmem>>) semaphore(%arg29 : memref<!tpu.dma_semaphore, #tpu.memory_space<semaphore_mem>>)
      %dma_start3A_1428 = tpu.memref_slice %arg15[%mul3A_1423] : memref<10000xi32, #tpu.memory_space<vmem>> -> memref<80xi32, #tpu.memory_space<vmem>>
      %dma_start3A_1429 = arith.constant 0 : i32
      %dma_start3A_1430 = arith.constant 0 : i32
      %dma_start3A_1431 = tpu.memref_slice %arg3[%dma_start3A_1429, %dma_start3A_1430] : memref<10000x128xf32, #tpu.memory_space<hbm>> -> memref<10000x128xf32, #tpu.memory_space<hbm>>
      tpu.enqueue_indirect_dma source(%dma_start3A_1431 : memref<10000x128xf32, #tpu.memory_space<hbm>>) target(%arg23 : memref<80x128xf32, #tpu.memory_space<vmem>>) offsets(%dma_start3A_1428 : memref<80xi32, #tpu.memory_space<vmem>>) semaphore(%arg29 : memref<!tpu.dma_semaphore, #tpu.memory_space<semaphore_mem>>)
    }
    %scan3A_26 = arith.constant 41 : i32
    %dma_wait3A = arith.constant 0 : i32
    %dma_wait3A_27 = tpu.memref_slice %arg14[%dma_wait3A] : memref<10000xi32, #tpu.memory_space<vmem>> -> memref<80xi32, #tpu.memory_space<vmem>>
    %dma_wait3A_28 = arith.constant 0 : i32
    %dma_wait3A_29 = arith.constant 0 : i32
    %dma_wait3A_30 = tpu.memref_slice %arg2[%dma_wait3A_28, %dma_wait3A_29] : memref<10000x128xf32, #tpu.memory_space<hbm>> -> memref<10000x128xf32, #tpu.memory_space<hbm>>
    tpu.wait_indirect_dma semaphore(%arg28 : memref<!tpu.dma_semaphore, #tpu.memory_space<semaphore_mem>>) src(%dma_wait3A_30 : memref<10000x128xf32, #tpu.memory_space<hbm>>) dst(%arg19 : memref<80x128xf32, #tpu.memory_space<vmem>>)
    %dma_wait3A_31 = arith.constant 0 : i32
    %dma_wait3A_32 = tpu.memref_slice %arg15[%dma_wait3A_31] : memref<10000xi32, #tpu.memory_space<vmem>> -> memref<80xi32, #tpu.memory_space<vmem>>
    %dma_wait3A_33 = arith.constant 0 : i32
    %dma_wait3A_34 = arith.constant 0 : i32
    %dma_wait3A_35 = tpu.memref_slice %arg3[%dma_wait3A_33, %dma_wait3A_34] : memref<10000x128xf32, #tpu.memory_space<hbm>> -> memref<10000x128xf32, #tpu.memory_space<hbm>>
    tpu.wait_indirect_dma semaphore(%arg28 : memref<!tpu.dma_semaphore, #tpu.memory_space<semaphore_mem>>) src(%dma_wait3A_35 : memref<10000x128xf32, #tpu.memory_space<hbm>>) dst(%arg22 : memref<80x128xf32, #tpu.memory_space<vmem>>)
    %get3A = arith.constant 9840 : index
    %get3A_36 = tpu.vector_load %arg14[%get3A] {strides = array<i32>} : memref<10000xi32, #tpu.memory_space<vmem>>, vector<16xi32>,
    %get3A_37 = arith.constant 9840 : index
    %get3A_38 = tpu.vector_load %arg15[%get3A_37] {strides = array<i32>} : memref<10000xi32, #tpu.memory_space<vmem>>, vector<16xi32>,
    %gather3A = tpu.vector_load_idx %arg16[%get3A_36] : memref<10000xf32, #tpu.memory_space<vmem>>[vector<16xi32>], vector<16xf32>,
    %gather3A_39 = tpu.vector_load_idx %arg16[%get3A_38] : memref<10000xf32, #tpu.memory_space<vmem>>[vector<16xi32>], vector<16xf32>,
    %sub3A = arith.subf %gather3A, %gather3A_39 : vector<16xf32>
    %gather3A_40 = tpu.vector_load_idx %arg17[%get3A_36] : memref<10000xf32, #tpu.memory_space<vmem>>[vector<16xi32>], vector<16xf32>,
    %gather3A_41 = tpu.vector_load_idx %arg17[%get3A_38] : memref<10000xf32, #tpu.memory_space<vmem>>[vector<16xi32>], vector<16xf32>,
    %sub3A_42 = arith.subf %gather3A_40, %gather3A_41 : vector<16xf32>
    %gather3A_43 = tpu.vector_load_idx %arg18[%get3A_36] : memref<10000xf32, #tpu.memory_space<vmem>>[vector<16xi32>], vector<16xf32>,
    %gather3A_44 = tpu.vector_load_idx %arg18[%get3A_38] : memref<10000xf32, #tpu.memory_space<vmem>>[vector<16xi32>], vector<16xf32>,
    %sub3A_45 = arith.subf %gather3A_43, %gather3A_44 : vector<16xf32>
    %swap3A = arith.constant 0 : i32
    %swap3A_46 = arith.index_cast %swap3A : i32 to index
    %swap3A_47 = arith.constant 0 : index
    %swap3A_48 = tpu.vector_load %arg25[%swap3A_46, %swap3A_47] {strides = array<i32>} : memref<4x80xf32, #tpu.memory_space<vmem>>, vector<16xf32>,
    tpu.vector_store %arg25[%swap3A_46, %swap3A_47], %sub3A {strides = array<i32>} : memref<4x80xf32, #tpu.memory_space<vmem>>, vector<16xf32>,
    %swap3A_49 = arith.constant 1 : i32
    %swap3A_50 = arith.index_cast %swap3A_49 : i32 to index
    %swap3A_51 = arith.constant 0 : index
    %swap3A_52 = tpu.vector_load %arg25[%swap3A_50, %swap3A_51] {strides = array<i32>} : memref<4x80xf32, #tpu.memory_space<vmem>>, vector<16xf32>,
    tpu.vector_store %arg25[%swap3A_50, %swap3A_51], %sub3A_42 {strides = array<i32>} : memref<4x80xf32, #tpu.memory_space<vmem>>, vector<16xf32>,
    %swap3A_53 = arith.constant 2 : i32
    %swap3A_54 = arith.index_cast %swap3A_53 : i32 to index
    %swap3A_55 = arith.constant 0 : index
    %swap3A_56 = tpu.vector_load %arg25[%swap3A_54, %swap3A_55] {strides = array<i32>} : memref<4x80xf32, #tpu.memory_space<vmem>>, vector<16xf32>,
    tpu.vector_store %arg25[%swap3A_54, %swap3A_55], %sub3A_45 {strides = array<i32>} : memref<4x80xf32, #tpu.memory_space<vmem>>, vector<16xf32>,
    %mul3A_57 = arith.mulf %sub3A, %sub3A : vector<16xf32>
    %mul3A_58 = arith.mulf %sub3A_42, %sub3A_42 : vector<16xf32>
    %add3A_59 = arith.addf %mul3A_57, %mul3A_58 : vector<16xf32>
    %mul3A_60 = arith.mulf %sub3A_45, %sub3A_45 : vector<16xf32>
    %add3A_61 = arith.addf %add3A_59, %mul3A_60 : vector<16xf32>
    %swap3A_62 = arith.constant 3 : i32
    %swap3A_63 = arith.index_cast %swap3A_62 : i32 to index
    %swap3A_64 = arith.constant 0 : index
    %swap3A_65 = tpu.vector_load %arg25[%swap3A_63, %swap3A_64] {strides = array<i32>} : memref<4x80xf32, #tpu.memory_space<vmem>>, vector<16xf32>,
    tpu.vector_store %arg25[%swap3A_63, %swap3A_64], %add3A_61 {strides = array<i32>} : memref<4x80xf32, #tpu.memory_space<vmem>>, vector<16xf32>,
    %get3A_66 = arith.constant 9856 : index
    %get3A_67 = tpu.vector_load %arg14[%get3A_66] {strides = array<i32>} : memref<10000xi32, #tpu.memory_space<vmem>>, vector<16xi32>,
    %get3A_68 = arith.constant 9856 : index
    %get3A_69 = tpu.vector_load %arg15[%get3A_68] {strides = array<i32>} : memref<10000xi32, #tpu.memory_space<vmem>>, vector<16xi32>,
    %gather3A_70 = tpu.vector_load_idx %arg16[%get3A_67] : memref<10000xf32, #tpu.memory_space<vmem>>[vector<16xi32>], vector<16xf32>,
    %gather3A_71 = tpu.vector_load_idx %arg16[%get3A_69] : memref<10000xf32, #tpu.memory_space<vmem>>[vector<16xi32>], vector<16xf32>,
    %sub3A_72 = arith.subf %gather3A_70, %gather3A_71 : vector<16xf32>
    %gather3A_73 = tpu.vector_load_idx %arg17[%get3A_67] : memref<10000xf32, #tpu.memory_space<vmem>>[vector<16xi32>], vector<16xf32>,
    %gather3A_74 = tpu.vector_load_idx %arg17[%get3A_69] : memref<10000xf32, #tpu.memory_space<vmem>>[vector<16xi32>], vector<16xf32>,
    %sub3A_75 = arith.subf %gather3A_73, %gather3A_74 : vector<16xf32>
    %gather3A_76 = tpu.vector_load_idx %arg18[%get3A_67] : memref<10000xf32, #tpu.memory_space<vmem>>[vector<16xi32>], vector<16xf32>,
    %gather3A_77 = tpu.vector_load_idx %arg18[%get3A_69] : memref<10000xf32, #tpu.memory_space<vmem>>[vector<16xi32>], vector<16xf32>,
    %sub3A_78 = arith.subf %gather3A_76, %gather3A_77 : vector<16xf32>
    %swap3A_79 = arith.constant 0 : i32
    %swap3A_80 = arith.index_cast %swap3A_79 : i32 to index
    %swap3A_81 = arith.constant 16 : index
    %swap3A_82 = tpu.vector_load %arg25[%swap3A_80, %swap3A_81] {strides = array<i32>} : memref<4x80xf32, #tpu.memory_space<vmem>>, vector<16xf32>,
    tpu.vector_store %arg25[%swap3A_80, %swap3A_81], %sub3A_72 {strides = array<i32>} : memref<4x80xf32, #tpu.memory_space<vmem>>, vector<16xf32>,
    %swap3A_83 = arith.constant 1 : i32
    %swap3A_84 = arith.index_cast %swap3A_83 : i32 to index
    %swap3A_85 = arith.constant 16 : index
    %swap3A_86 = tpu.vector_load %arg25[%swap3A_84, %swap3A_85] {strides = array<i32>} : memref<4x80xf32, #tpu.memory_space<vmem>>, vector<16xf32>,
    tpu.vector_store %arg25[%swap3A_84, %swap3A_85], %sub3A_75 {strides = array<i32>} : memref<4x80xf32, #tpu.memory_space<vmem>>, vector<16xf32>,
    %swap3A_87 = arith.constant 2 : i32
    %swap3A_88 = arith.index_cast %swap3A_87 : i32 to index
    %swap3A_89 = arith.constant 16 : index
    %swap3A_90 = tpu.vector_load %arg25[%swap3A_88, %swap3A_89] {strides = array<i32>} : memref<4x80xf32, #tpu.memory_space<vmem>>, vector<16xf32>,
    tpu.vector_store %arg25[%swap3A_88, %swap3A_89], %sub3A_78 {strides = array<i32>} : memref<4x80xf32, #tpu.memory_space<vmem>>, vector<16xf32>,
    %mul3A_91 = arith.mulf %sub3A_72, %sub3A_72 : vector<16xf32>
    %mul3A_92 = arith.mulf %sub3A_75, %sub3A_75 : vector<16xf32>
    %add3A_93 = arith.addf %mul3A_91, %mul3A_92 : vector<16xf32>
    %mul3A_94 = arith.mulf %sub3A_78, %sub3A_78 : vector<16xf32>
    %add3A_95 = arith.addf %add3A_93, %mul3A_94 : vector<16xf32>
    %swap3A_96 = arith.constant 3 : i32
    %swap3A_97 = arith.index_cast %swap3A_96 : i32 to index
    %swap3A_98 = arith.constant 16 : index
    %swap3A_99 = tpu.vector_load %arg25[%swap3A_97, %swap3A_98] {strides = array<i32>} : memref<4x80xf32, #tpu.memory_space<vmem>>, vector<16xf32>,
    tpu.vector_store %arg25[%swap3A_97, %swap3A_98], %add3A_95 {strides = array<i32>} : memref<4x80xf32, #tpu.memory_space<vmem>>, vector<16xf32>,
    %get3A_100 = arith.constant 9872 : index
    %get3A_101 = tpu.vector_load %arg14[%get3A_100] {strides = array<i32>} : memref<10000xi32, #tpu.memory_space<vmem>>, vector<16xi32>,
    %get3A_102 = arith.constant 9872 : index
    %get3A_103 = tpu.vector_load %arg15[%get3A_102] {strides = array<i32>} : memref<10000xi32, #tpu.memory_space<vmem>>, vector<16xi32>,
    %gather3A_104 = tpu.vector_load_idx %arg16[%get3A_101] : memref<10000xf32, #tpu.memory_space<vmem>>[vector<16xi32>], vector<16xf32>,
    %gather3A_105 = tpu.vector_load_idx %arg16[%get3A_103] : memref<10000xf32, #tpu.memory_space<vmem>>[vector<16xi32>], vector<16xf32>,
    %sub3A_106 = arith.subf %gather3A_104, %gather3A_105 : vector<16xf32>
    %gather3A_107 = tpu.vector_load_idx %arg17[%get3A_101] : memref<10000xf32, #tpu.memory_space<vmem>>[vector<16xi32>], vector<16xf32>,
    %gather3A_108 = tpu.vector_load_idx %arg17[%get3A_103] : memref<10000xf32, #tpu.memory_space<vmem>>[vector<16xi32>], vector<16xf32>,
    %sub3A_109 = arith.subf %gather3A_107, %gather3A_108 : vector<16xf32>
    %gather3A_110 = tpu.vector_load_idx %arg18[%get3A_101] : memref<10000xf32, #tpu.memory_space<vmem>>[vector<16xi32>], vector<16xf32>,
    %gather3A_111 = tpu.vector_load_idx %arg18[%get3A_103] : memref<10000xf32, #tpu.memory_space<vmem>>[vector<16xi32>], vector<16xf32>,
    %sub3A_112 = arith.subf %gather3A_110, %gather3A_111 : vector<16xf32>
    %swap3A_113 = arith.constant 0 : i32
    %swap3A_114 = arith.index_cast %swap3A_113 : i32 to index
    %swap3A_115 = arith.constant 32 : index
    %swap3A_116 = tpu.vector_load %arg25[%swap3A_114, %swap3A_115] {strides = array<i32>} : memref<4x80xf32, #tpu.memory_space<vmem>>, vector<16xf32>,
    tpu.vector_store %arg25[%swap3A_114, %swap3A_115], %sub3A_106 {strides = array<i32>} : memref<4x80xf32, #tpu.memory_space<vmem>>, vector<16xf32>,
    %swap3A_117 = arith.constant 1 : i32
    %swap3A_118 = arith.index_cast %swap3A_117 : i32 to index
    %swap3A_119 = arith.constant 32 : index
    %swap3A_120 = tpu.vector_load %arg25[%swap3A_118, %swap3A_119] {strides = array<i32>} : memref<4x80xf32, #tpu.memory_space<vmem>>, vector<16xf32>,
    tpu.vector_store %arg25[%swap3A_118, %swap3A_119], %sub3A_109 {strides = array<i32>} : memref<4x80xf32, #tpu.memory_space<vmem>>, vector<16xf32>,
    %swap3A_121 = arith.constant 2 : i32
    %swap3A_122 = arith.index_cast %swap3A_121 : i32 to index
    %swap3A_123 = arith.constant 32 : index
    %swap3A_124 = tpu.vector_load %arg25[%swap3A_122, %swap3A_123] {strides = array<i32>} : memref<4x80xf32, #tpu.memory_space<vmem>>, vector<16xf32>,
    tpu.vector_store %arg25[%swap3A_122, %swap3A_123], %sub3A_112 {strides = array<i32>} : memref<4x80xf32, #tpu.memory_space<vmem>>, vector<16xf32>,
    %mul3A_125 = arith.mulf %sub3A_106, %sub3A_106 : vector<16xf32>
    %mul3A_126 = arith.mulf %sub3A_109, %sub3A_109 : vector<16xf32>
    %add3A_127 = arith.addf %mul3A_125, %mul3A_126 : vector<16xf32>
    %mul3A_128 = arith.mulf %sub3A_112, %sub3A_112 : vector<16xf32>
    %add3A_129 = arith.addf %add3A_127, %mul3A_128 : vector<16xf32>
    %swap3A_130 = arith.constant 3 : i32
    %swap3A_131 = arith.index_cast %swap3A_130 : i32 to index
    %swap3A_132 = arith.constant 32 : index
    %swap3A_133 = tpu.vector_load %arg25[%swap3A_131, %swap3A_132] {strides = array<i32>} : memref<4x80xf32, #tpu.memory_space<vmem>>, vector<16xf32>,
    tpu.vector_store %arg25[%swap3A_131, %swap3A_132], %add3A_129 {strides = array<i32>} : memref<4x80xf32, #tpu.memory_space<vmem>>, vector<16xf32>,
    %get3A_134 = arith.constant 9888 : index
    %get3A_135 = tpu.vector_load %arg14[%get3A_134] {strides = array<i32>} : memref<10000xi32, #tpu.memory_space<vmem>>, vector<16xi32>,
    %get3A_136 = arith.constant 9888 : index
    %get3A_137 = tpu.vector_load %arg15[%get3A_136] {strides = array<i32>} : memref<10000xi32, #tpu.memory_space<vmem>>, vector<16xi32>,
    %gather3A_138 = tpu.vector_load_idx %arg16[%get3A_135] : memref<10000xf32, #tpu.memory_space<vmem>>[vector<16xi32>], vector<16xf32>,
    %gather3A_139 = tpu.vector_load_idx %arg16[%get3A_137] : memref<10000xf32, #tpu.memory_space<vmem>>[vector<16xi32>], vector<16xf32>,
    %sub3A_140 = arith.subf %gather3A_138, %gather3A_139 : vector<16xf32>
    %gather3A_141 = tpu.vector_load_idx %arg17[%get3A_135] : memref<10000xf32, #tpu.memory_space<vmem>>[vector<16xi32>], vector<16xf32>,
    %gather3A_142 = tpu.vector_load_idx %arg17[%get3A_137] : memref<10000xf32, #tpu.memory_space<vmem>>[vector<16xi32>], vector<16xf32>,
    %sub3A_143 = arith.subf %gather3A_141, %gather3A_142 : vector<16xf32>
    %gather3A_144 = tpu.vector_load_idx %arg18[%get3A_135] : memref<10000xf32, #tpu.memory_space<vmem>>[vector<16xi32>], vector<16xf32>,
    %gather3A_145 = tpu.vector_load_idx %arg18[%get3A_137] : memref<10000xf32, #tpu.memory_space<vmem>>[vector<16xi32>], vector<16xf32>,
    %sub3A_146 = arith.subf %gather3A_144, %gather3A_145 : vector<16xf32>
    %swap3A_147 = arith.constant 0 : i32
    %swap3A_148 = arith.index_cast %swap3A_147 : i32 to index
    %swap3A_149 = arith.constant 48 : index
    %swap3A_150 = tpu.vector_load %arg25[%swap3A_148, %swap3A_149] {strides = array<i32>} : memref<4x80xf32, #tpu.memory_space<vmem>>, vector<16xf32>,
    tpu.vector_store %arg25[%swap3A_148, %swap3A_149], %sub3A_140 {strides = array<i32>} : memref<4x80xf32, #tpu.memory_space<vmem>>, vector<16xf32>,
    %swap3A_151 = arith.constant 1 : i32
    %swap3A_152 = arith.index_cast %swap3A_151 : i32 to index
    %swap3A_153 = arith.constant 48 : index
    %swap3A_154 = tpu.vector_load %arg25[%swap3A_152, %swap3A_153] {strides = array<i32>} : memref<4x80xf32, #tpu.memory_space<vmem>>, vector<16xf32>,
    tpu.vector_store %arg25[%swap3A_152, %swap3A_153], %sub3A_143 {strides = array<i32>} : memref<4x80xf32, #tpu.memory_space<vmem>>, vector<16xf32>,
    %swap3A_155 = arith.constant 2 : i32
    %swap3A_156 = arith.index_cast %swap3A_155 : i32 to index
    %swap3A_157 = arith.constant 48 : index
    %swap3A_158 = tpu.vector_load %arg25[%swap3A_156, %swap3A_157] {strides = array<i32>} : memref<4x80xf32, #tpu.memory_space<vmem>>, vector<16xf32>,
    tpu.vector_store %arg25[%swap3A_156, %swap3A_157], %sub3A_146 {strides = array<i32>} : memref<4x80xf32, #tpu.memory_space<vmem>>, vector<16xf32>,
    %mul3A_159 = arith.mulf %sub3A_140, %sub3A_140 : vector<16xf32>
    %mul3A_160 = arith.mulf %sub3A_143, %sub3A_143 : vector<16xf32>
    %add3A_161 = arith.addf %mul3A_159, %mul3A_160 : vector<16xf32>
    %mul3A_162 = arith.mulf %sub3A_146, %sub3A_146 : vector<16xf32>
    %add3A_163 = arith.addf %add3A_161, %mul3A_162 : vector<16xf32>
    %swap3A_164 = arith.constant 3 : i32
    %swap3A_165 = arith.index_cast %swap3A_164 : i32 to index
    %swap3A_166 = arith.constant 48 : index
    %swap3A_167 = tpu.vector_load %arg25[%swap3A_165, %swap3A_166] {strides = array<i32>} : memref<4x80xf32, #tpu.memory_space<vmem>>, vector<16xf32>,
    tpu.vector_store %arg25[%swap3A_165, %swap3A_166], %add3A_163 {strides = array<i32>} : memref<4x80xf32, #tpu.memory_space<vmem>>, vector<16xf32>,
    %get3A_168 = arith.constant 9904 : index
    %get3A_169 = tpu.vector_load %arg14[%get3A_168] {strides = array<i32>} : memref<10000xi32, #tpu.memory_space<vmem>>, vector<16xi32>,
    %get3A_170 = arith.constant 9904 : index
    %get3A_171 = tpu.vector_load %arg15[%get3A_170] {strides = array<i32>} : memref<10000xi32, #tpu.memory_space<vmem>>, vector<16xi32>,
    %gather3A_172 = tpu.vector_load_idx %arg16[%get3A_169] : memref<10000xf32, #tpu.memory_space<vmem>>[vector<16xi32>], vector<16xf32>,
    %gather3A_173 = tpu.vector_load_idx %arg16[%get3A_171] : memref<10000xf32, #tpu.memory_space<vmem>>[vector<16xi32>], vector<16xf32>,
    %sub3A_174 = arith.subf %gather3A_172, %gather3A_173 : vector<16xf32>
    %gather3A_175 = tpu.vector_load_idx %arg17[%get3A_169] : memref<10000xf32, #tpu.memory_space<vmem>>[vector<16xi32>], vector<16xf32>,
    %gather3A_176 = tpu.vector_load_idx %arg17[%get3A_171] : memref<10000xf32, #tpu.memory_space<vmem>>[vector<16xi32>], vector<16xf32>,
    %sub3A_177 = arith.subf %gather3A_175, %gather3A_176 : vector<16xf32>
    %gather3A_178 = tpu.vector_load_idx %arg18[%get3A_169] : memref<10000xf32, #tpu.memory_space<vmem>>[vector<16xi32>], vector<16xf32>,
    %gather3A_179 = tpu.vector_load_idx %arg18[%get3A_171] : memref<10000xf32, #tpu.memory_space<vmem>>[vector<16xi32>], vector<16xf32>,
    %sub3A_180 = arith.subf %gather3A_178, %gather3A_179 : vector<16xf32>
    %swap3A_181 = arith.constant 0 : i32
    %swap3A_182 = arith.index_cast %swap3A_181 : i32 to index
    %swap3A_183 = arith.constant 64 : index
    %swap3A_184 = tpu.vector_load %arg25[%swap3A_182, %swap3A_183] {strides = array<i32>} : memref<4x80xf32, #tpu.memory_space<vmem>>, vector<16xf32>,
    tpu.vector_store %arg25[%swap3A_182, %swap3A_183], %sub3A_174 {strides = array<i32>} : memref<4x80xf32, #tpu.memory_space<vmem>>, vector<16xf32>,
    %swap3A_185 = arith.constant 1 : i32
    %swap3A_186 = arith.index_cast %swap3A_185 : i32 to index
    %swap3A_187 = arith.constant 64 : index
    %swap3A_188 = tpu.vector_load %arg25[%swap3A_186, %swap3A_187] {strides = array<i32>} : memref<4x80xf32, #tpu.memory_space<vmem>>, vector<16xf32>,
    tpu.vector_store %arg25[%swap3A_186, %swap3A_187], %sub3A_177 {strides = array<i32>} : memref<4x80xf32, #tpu.memory_space<vmem>>, vector<16xf32>,
    %swap3A_189 = arith.constant 2 : i32
    %swap3A_190 = arith.index_cast %swap3A_189 : i32 to index
    %swap3A_191 = arith.constant 64 : index
    %swap3A_192 = tpu.vector_load %arg25[%swap3A_190, %swap3A_191] {strides = array<i32>} : memref<4x80xf32, #tpu.memory_space<vmem>>, vector<16xf32>,
    tpu.vector_store %arg25[%swap3A_190, %swap3A_191], %sub3A_180 {strides = array<i32>} : memref<4x80xf32, #tpu.memory_space<vmem>>, vector<16xf32>,
    %mul3A_193 = arith.mulf %sub3A_174, %sub3A_174 : vector<16xf32>
    %mul3A_194 = arith.mulf %sub3A_177, %sub3A_177 : vector<16xf32>
    %add3A_195 = arith.addf %mul3A_193, %mul3A_194 : vector<16xf32>
    %mul3A_196 = arith.mulf %sub3A_180, %sub3A_180 : vector<16xf32>
    %add3A_197 = arith.addf %add3A_195, %mul3A_196 : vector<16xf32>
    %swap3A_198 = arith.constant 3 : i32
    %swap3A_199 = arith.index_cast %swap3A_198 : i32 to index
    %swap3A_200 = arith.constant 64 : index
    %swap3A_201 = tpu.vector_load %arg25[%swap3A_199, %swap3A_200] {strides = array<i32>} : memref<4x80xf32, #tpu.memory_space<vmem>>, vector<16xf32>,
    tpu.vector_store %arg25[%swap3A_199, %swap3A_200], %add3A_197 {strides = array<i32>} : memref<4x80xf32, #tpu.memory_space<vmem>>, vector<16xf32>,
    %scan3A_202 = arith.constant 0 : i32
    %scan3A_203 = arith.constant 0 : i32
    %scan3A_204 = arith.constant 80 : i32
    %scan3A_205 = arith.addi %scan3A_203, %scan3A_204 : i32
    %scan3A_206 = arith.constant 1 : i32
    scf.for %scan3A_628 = %scan3A_203 to %scan3A_205 step %scan3A_206  : i32 {
      %get3A_629 = arith.index_cast %scan3A_628 : i32 to index
      %get3A_630 = arith.constant 0 : index
      %get3A_631 = tpu.vector_load %arg22[%get3A_629, %get3A_630] {strides = array<i32>} : memref<80x128xf32, #tpu.memory_space<vmem>>, vector<16xf32>,
      %swap3A_632 = arith.index_cast %scan3A_628 : i32 to index
      %swap3A_633 = arith.constant 0 : index
      %swap3A_634 = tpu.vector_load %arg19[%swap3A_632, %swap3A_633] {strides = array<i32>} : memref<80x128xf32, #tpu.memory_space<vmem>>, vector<16xf32>,
      tpu.vector_store %arg19[%swap3A_632, %swap3A_633], %get3A_631 {add = true, strides = array<i32>} : memref<80x128xf32, #tpu.memory_space<vmem>>, vector<16xf32>,
      %get3A_635 = arith.index_cast %scan3A_628 : i32 to index
      %get3A_636 = arith.constant 16 : index
      %get3A_637 = tpu.vector_load %arg22[%get3A_635, %get3A_636] {strides = array<i32>} : memref<80x128xf32, #tpu.memory_space<vmem>>, vector<16xf32>,
      %swap3A_638 = arith.index_cast %scan3A_628 : i32 to index
      %swap3A_639 = arith.constant 16 : index
      %swap3A_640 = tpu.vector_load %arg19[%swap3A_638, %swap3A_639] {strides = array<i32>} : memref<80x128xf32, #tpu.memory_space<vmem>>, vector<16xf32>,
      tpu.vector_store %arg19[%swap3A_638, %swap3A_639], %get3A_637 {add = true, strides = array<i32>} : memref<80x128xf32, #tpu.memory_space<vmem>>, vector<16xf32>,
      %get3A_641 = arith.index_cast %scan3A_628 : i32 to index
      %get3A_642 = arith.constant 32 : index
      %get3A_643 = tpu.vector_load %arg22[%get3A_641, %get3A_642] {strides = array<i32>} : memref<80x128xf32, #tpu.memory_space<vmem>>, vector<16xf32>,
      %swap3A_644 = arith.index_cast %scan3A_628 : i32 to index
      %swap3A_645 = arith.constant 32 : index
      %swap3A_646 = tpu.vector_load %arg19[%swap3A_644, %swap3A_645] {strides = array<i32>} : memref<80x128xf32, #tpu.memory_space<vmem>>, vector<16xf32>,
      tpu.vector_store %arg19[%swap3A_644, %swap3A_645], %get3A_643 {add = true, strides = array<i32>} : memref<80x128xf32, #tpu.memory_space<vmem>>, vector<16xf32>,
      %get3A_647 = arith.index_cast %scan3A_628 : i32 to index
      %get3A_648 = arith.constant 48 : index
      %get3A_649 = tpu.vector_load %arg22[%get3A_647, %get3A_648] {strides = array<i32>} : memref<80x128xf32, #tpu.memory_space<vmem>>, vector<16xf32>,
      %swap3A_650 = arith.index_cast %scan3A_628 : i32 to index
      %swap3A_651 = arith.constant 48 : index
      %swap3A_652 = tpu.vector_load %arg19[%swap3A_650, %swap3A_651] {strides = array<i32>} : memref<80x128xf32, #tpu.memory_space<vmem>>, vector<16xf32>,
      tpu.vector_store %arg19[%swap3A_650, %swap3A_651], %get3A_649 {add = true, strides = array<i32>} : memref<80x128xf32, #tpu.memory_space<vmem>>, vector<16xf32>,
      %get3A_653 = arith.index_cast %scan3A_628 : i32 to index
      %get3A_654 = arith.constant 64 : index
      %get3A_655 = tpu.vector_load %arg22[%get3A_653, %get3A_654] {strides = array<i32>} : memref<80x128xf32, #tpu.memory_space<vmem>>, vector<16xf32>,
      %swap3A_656 = arith.index_cast %scan3A_628 : i32 to index
      %swap3A_657 = arith.constant 64 : index
      %swap3A_658 = tpu.vector_load %arg19[%swap3A_656, %swap3A_657] {strides = array<i32>} : memref<80x128xf32, #tpu.memory_space<vmem>>, vector<16xf32>,
      tpu.vector_store %arg19[%swap3A_656, %swap3A_657], %get3A_655 {add = true, strides = array<i32>} : memref<80x128xf32, #tpu.memory_space<vmem>>, vector<16xf32>,
      %get3A_659 = arith.index_cast %scan3A_628 : i32 to index
      %get3A_660 = arith.constant 80 : index
      %get3A_661 = tpu.vector_load %arg22[%get3A_659, %get3A_660] {strides = array<i32>} : memref<80x128xf32, #tpu.memory_space<vmem>>, vector<16xf32>,
      %swap3A_662 = arith.index_cast %scan3A_628 : i32 to index
      %swap3A_663 = arith.constant 80 : index
      %swap3A_664 = tpu.vector_load %arg19[%swap3A_662, %swap3A_663] {strides = array<i32>} : memref<80x128xf32, #tpu.memory_space<vmem>>, vector<16xf32>,
      tpu.vector_store %arg19[%swap3A_662, %swap3A_663], %get3A_661 {add = true, strides = array<i32>} : memref<80x128xf32, #tpu.memory_space<vmem>>, vector<16xf32>,
      %get3A_665 = arith.index_cast %scan3A_628 : i32 to index
      %get3A_666 = arith.constant 96 : index
      %get3A_667 = tpu.vector_load %arg22[%get3A_665, %get3A_666] {strides = array<i32>} : memref<80x128xf32, #tpu.memory_space<vmem>>, vector<16xf32>,
      %swap3A_668 = arith.index_cast %scan3A_628 : i32 to index
      %swap3A_669 = arith.constant 96 : index
      %swap3A_670 = tpu.vector_load %arg19[%swap3A_668, %swap3A_669] {strides = array<i32>} : memref<80x128xf32, #tpu.memory_space<vmem>>, vector<16xf32>,
      tpu.vector_store %arg19[%swap3A_668, %swap3A_669], %get3A_667 {add = true, strides = array<i32>} : memref<80x128xf32, #tpu.memory_space<vmem>>, vector<16xf32>,
      %get3A_671 = arith.index_cast %scan3A_628 : i32 to index
      %get3A_672 = arith.constant 112 : index
      %get3A_673 = tpu.vector_load %arg22[%get3A_671, %get3A_672] {strides = array<i32>} : memref<80x128xf32, #tpu.memory_space<vmem>>, vector<16xf32>,
      %swap3A_674 = arith.index_cast %scan3A_628 : i32 to index
      %swap3A_675 = arith.constant 112 : index
      %swap3A_676 = tpu.vector_load %arg19[%swap3A_674, %swap3A_675] {strides = array<i32>} : memref<80x128xf32, #tpu.memory_space<vmem>>, vector<16xf32>,
      tpu.vector_store %arg19[%swap3A_674, %swap3A_675], %get3A_673 {add = true, strides = array<i32>} : memref<80x128xf32, #tpu.memory_space<vmem>>, vector<16xf32>,
    }
    %scan3A_207 = arith.constant 80 : i32
    %add3A_208 = arith.constant 9840 : i32
    %add3A_209 = arith.addi %mul3A_2, %add3A_208 : i32
    %dma_start3A_210 = arith.constant 0 : i32
    %dma_start3A_211 = tpu.memref_slice %arg9[%add3A_209, %dma_start3A_210] : memref<320000x128xf32, #tpu.memory_space<hbm>> -> memref<80x128xf32, #tpu.memory_space<hbm>>
    %dma_start3A_212 = arith.constant 0 : i32
    %dma_start3A_213 = tpu.memref_slice %arg9[%add3A_209, %dma_start3A_212] : memref<320000x128xf32, #tpu.memory_space<hbm>> -> memref<80x128xf32, #tpu.memory_space<hbm>>
    tpu.enqueue_dma source(%arg19 : memref<80x128xf32, #tpu.memory_space<vmem>>) target(%dma_start3A_213 : memref<80x128xf32, #tpu.memory_space<hbm>>) target_semaphore(%arg31 : memref<!tpu.dma_semaphore, #tpu.memory_space<semaphore_mem>>)
    %dma_start3A_214 = arith.constant 0 : i32
    %dma_start3A_215 = arith.constant 0 : i32
    %dma_start3A_216 = tpu.memref_slice %arg25[%dma_start3A_214, %dma_start3A_215] : memref<4x80xf32, #tpu.memory_space<vmem>> -> memref<1x80xf32, #tpu.memory_space<vmem>>
    %dma_start3A_217 = tpu.memref_squeeze %dma_start3A_216 : memref<1x80xf32, #tpu.memory_space<vmem>> -> memref<80xf32, #tpu.memory_space<vmem>>
    %dma_start3A_218 = tpu.memref_slice %arg10[%add3A_209] : memref<320000xf32, #tpu.memory_space<hbm>> -> memref<80xf32, #tpu.memory_space<hbm>>
    %dma_start3A_219 = tpu.memref_slice %arg10[%add3A_209] : memref<320000xf32, #tpu.memory_space<hbm>> -> memref<80xf32, #tpu.memory_space<hbm>>
    %dma_start3A_220 = arith.constant 0 : i32
    %dma_start3A_221 = tpu.memref_slice %arg25[%dma_start3A_214, %dma_start3A_220] : memref<4x80xf32, #tpu.memory_space<vmem>> -> memref<1x80xf32, #tpu.memory_space<vmem>>
    %dma_start3A_222 = tpu.memref_squeeze %dma_start3A_221 : memref<1x80xf32, #tpu.memory_space<vmem>> -> memref<80xf32, #tpu.memory_space<vmem>>
    tpu.enqueue_dma source(%dma_start3A_222 : memref<80xf32, #tpu.memory_space<vmem>>) target(%dma_start3A_219 : memref<80xf32, #tpu.memory_space<hbm>>) target_semaphore(%arg31 : memref<!tpu.dma_semaphore, #tpu.memory_space<semaphore_mem>>)
    %dma_start3A_223 = arith.constant 1 : i32
    %dma_start3A_224 = arith.constant 0 : i32
    %dma_start3A_225 = tpu.memref_slice %arg25[%dma_start3A_223, %dma_start3A_224] : memref<4x80xf32, #tpu.memory_space<vmem>> -> memref<1x80xf32, #tpu.memory_space<vmem>>
    %dma_start3A_226 = tpu.memref_squeeze %dma_start3A_225 : memref<1x80xf32, #tpu.memory_space<vmem>> -> memref<80xf32, #tpu.memory_space<vmem>>
    %dma_start3A_227 = tpu.memref_slice %arg11[%add3A_209] : memref<320000xf32, #tpu.memory_space<hbm>> -> memref<80xf32, #tpu.memory_space<hbm>>
    %dma_start3A_228 = tpu.memref_slice %arg11[%add3A_209] : memref<320000xf32, #tpu.memory_space<hbm>> -> memref<80xf32, #tpu.memory_space<hbm>>
    %dma_start3A_229 = arith.constant 0 : i32
    %dma_start3A_230 = tpu.memref_slice %arg25[%dma_start3A_223, %dma_start3A_229] : memref<4x80xf32, #tpu.memory_space<vmem>> -> memref<1x80xf32, #tpu.memory_space<vmem>>
    %dma_start3A_231 = tpu.memref_squeeze %dma_start3A_230 : memref<1x80xf32, #tpu.memory_space<vmem>> -> memref<80xf32, #tpu.memory_space<vmem>>
    tpu.enqueue_dma source(%dma_start3A_231 : memref<80xf32, #tpu.memory_space<vmem>>) target(%dma_start3A_228 : memref<80xf32, #tpu.memory_space<hbm>>) target_semaphore(%arg31 : memref<!tpu.dma_semaphore, #tpu.memory_space<semaphore_mem>>)
    %dma_start3A_232 = arith.constant 2 : i32
    %dma_start3A_233 = arith.constant 0 : i32
    %dma_start3A_234 = tpu.memref_slice %arg25[%dma_start3A_232, %dma_start3A_233] : memref<4x80xf32, #tpu.memory_space<vmem>> -> memref<1x80xf32, #tpu.memory_space<vmem>>
    %dma_start3A_235 = tpu.memref_squeeze %dma_start3A_234 : memref<1x80xf32, #tpu.memory_space<vmem>> -> memref<80xf32, #tpu.memory_space<vmem>>
    %dma_start3A_236 = tpu.memref_slice %arg12[%add3A_209] : memref<320000xf32, #tpu.memory_space<hbm>> -> memref<80xf32, #tpu.memory_space<hbm>>
    %dma_start3A_237 = tpu.memref_slice %arg12[%add3A_209] : memref<320000xf32, #tpu.memory_space<hbm>> -> memref<80xf32, #tpu.memory_space<hbm>>
    %dma_start3A_238 = arith.constant 0 : i32
    %dma_start3A_239 = tpu.memref_slice %arg25[%dma_start3A_232, %dma_start3A_238] : memref<4x80xf32, #tpu.memory_space<vmem>> -> memref<1x80xf32, #tpu.memory_space<vmem>>
    %dma_start3A_240 = tpu.memref_squeeze %dma_start3A_239 : memref<1x80xf32, #tpu.memory_space<vmem>> -> memref<80xf32, #tpu.memory_space<vmem>>
    tpu.enqueue_dma source(%dma_start3A_240 : memref<80xf32, #tpu.memory_space<vmem>>) target(%dma_start3A_237 : memref<80xf32, #tpu.memory_space<hbm>>) target_semaphore(%arg31 : memref<!tpu.dma_semaphore, #tpu.memory_space<semaphore_mem>>)
    %dma_start3A_241 = arith.constant 3 : i32
    %dma_start3A_242 = arith.constant 0 : i32
    %dma_start3A_243 = tpu.memref_slice %arg25[%dma_start3A_241, %dma_start3A_242] : memref<4x80xf32, #tpu.memory_space<vmem>> -> memref<1x80xf32, #tpu.memory_space<vmem>>
    %dma_start3A_244 = tpu.memref_squeeze %dma_start3A_243 : memref<1x80xf32, #tpu.memory_space<vmem>> -> memref<80xf32, #tpu.memory_space<vmem>>
    %dma_start3A_245 = tpu.memref_slice %arg13[%add3A_209] : memref<320000xf32, #tpu.memory_space<hbm>> -> memref<80xf32, #tpu.memory_space<hbm>>
    %dma_start3A_246 = tpu.memref_slice %arg13[%add3A_209] : memref<320000xf32, #tpu.memory_space<hbm>> -> memref<80xf32, #tpu.memory_space<hbm>>
    %dma_start3A_247 = arith.constant 0 : i32
    %dma_start3A_248 = tpu.memref_slice %arg25[%dma_start3A_241, %dma_start3A_247] : memref<4x80xf32, #tpu.memory_space<vmem>> -> memref<1x80xf32, #tpu.memory_space<vmem>>
    %dma_start3A_249 = tpu.memref_squeeze %dma_start3A_248 : memref<1x80xf32, #tpu.memory_space<vmem>> -> memref<80xf32, #tpu.memory_space<vmem>>
    tpu.enqueue_dma source(%dma_start3A_249 : memref<80xf32, #tpu.memory_space<vmem>>) target(%dma_start3A_246 : memref<80xf32, #tpu.memory_space<hbm>>) target_semaphore(%arg31 : memref<!tpu.dma_semaphore, #tpu.memory_space<semaphore_mem>>)
    %dma_wait3A_250 = arith.constant 0 : i32
    %dma_wait3A_251 = tpu.memref_slice %arg14[%dma_wait3A_250] : memref<10000xi32, #tpu.memory_space<vmem>> -> memref<80xi32, #tpu.memory_space<vmem>>
    %dma_wait3A_252 = arith.constant 0 : i32
    %dma_wait3A_253 = arith.constant 0 : i32
    %dma_wait3A_254 = tpu.memref_slice %arg2[%dma_wait3A_252, %dma_wait3A_253] : memref<10000x128xf32, #tpu.memory_space<hbm>> -> memref<10000x128xf32, #tpu.memory_space<hbm>>
    tpu.wait_indirect_dma semaphore(%arg29 : memref<!tpu.dma_semaphore, #tpu.memory_space<semaphore_mem>>) src(%dma_wait3A_254 : memref<10000x128xf32, #tpu.memory_space<hbm>>) dst(%arg20 : memref<80x128xf32, #tpu.memory_space<vmem>>)
    %dma_wait3A_255 = arith.constant 0 : i32
    %dma_wait3A_256 = tpu.memref_slice %arg15[%dma_wait3A_255] : memref<10000xi32, #tpu.memory_space<vmem>> -> memref<80xi32, #tpu.memory_space<vmem>>
    %dma_wait3A_257 = arith.constant 0 : i32
    %dma_wait3A_258 = arith.constant 0 : i32
    %dma_wait3A_259 = tpu.memref_slice %arg3[%dma_wait3A_257, %dma_wait3A_258] : memref<10000x128xf32, #tpu.memory_space<hbm>> -> memref<10000x128xf32, #tpu.memory_space<hbm>>
    tpu.wait_indirect_dma semaphore(%arg29 : memref<!tpu.dma_semaphore, #tpu.memory_space<semaphore_mem>>) src(%dma_wait3A_259 : memref<10000x128xf32, #tpu.memory_space<hbm>>) dst(%arg23 : memref<80x128xf32, #tpu.memory_space<vmem>>)
    %get3A_260 = arith.constant 9920 : index
    %get3A_261 = tpu.vector_load %arg14[%get3A_260] {strides = array<i32>} : memref<10000xi32, #tpu.memory_space<vmem>>, vector<16xi32>,
    %get3A_262 = arith.constant 9920 : index
    %get3A_263 = tpu.vector_load %arg15[%get3A_262] {strides = array<i32>} : memref<10000xi32, #tpu.memory_space<vmem>>, vector<16xi32>,
    %gather3A_264 = tpu.vector_load_idx %arg16[%get3A_261] : memref<10000xf32, #tpu.memory_space<vmem>>[vector<16xi32>], vector<16xf32>,
    %gather3A_265 = tpu.vector_load_idx %arg16[%get3A_263] : memref<10000xf32, #tpu.memory_space<vmem>>[vector<16xi32>], vector<16xf32>,
    %sub3A_266 = arith.subf %gather3A_264, %gather3A_265 : vector<16xf32>
    %gather3A_267 = tpu.vector_load_idx %arg17[%get3A_261] : memref<10000xf32, #tpu.memory_space<vmem>>[vector<16xi32>], vector<16xf32>,
    %gather3A_268 = tpu.vector_load_idx %arg17[%get3A_263] : memref<10000xf32, #tpu.memory_space<vmem>>[vector<16xi32>], vector<16xf32>,
    %sub3A_269 = arith.subf %gather3A_267, %gather3A_268 : vector<16xf32>
    %gather3A_270 = tpu.vector_load_idx %arg18[%get3A_261] : memref<10000xf32, #tpu.memory_space<vmem>>[vector<16xi32>], vector<16xf32>,
    %gather3A_271 = tpu.vector_load_idx %arg18[%get3A_263] : memref<10000xf32, #tpu.memory_space<vmem>>[vector<16xi32>], vector<16xf32>,
    %sub3A_272 = arith.subf %gather3A_270, %gather3A_271 : vector<16xf32>
    %swap3A_273 = arith.constant 0 : i32
    %swap3A_274 = arith.index_cast %swap3A_273 : i32 to index
    %swap3A_275 = arith.constant 0 : index
    %swap3A_276 = tpu.vector_load %arg26[%swap3A_274, %swap3A_275] {strides = array<i32>} : memref<4x80xf32, #tpu.memory_space<vmem>>, vector<16xf32>,
    tpu.vector_store %arg26[%swap3A_274, %swap3A_275], %sub3A_266 {strides = array<i32>} : memref<4x80xf32, #tpu.memory_space<vmem>>, vector<16xf32>,
    %swap3A_277 = arith.constant 1 : i32
    %swap3A_278 = arith.index_cast %swap3A_277 : i32 to index
    %swap3A_279 = arith.constant 0 : index
    %swap3A_280 = tpu.vector_load %arg26[%swap3A_278, %swap3A_279] {strides = array<i32>} : memref<4x80xf32, #tpu.memory_space<vmem>>, vector<16xf32>,
    tpu.vector_store %arg26[%swap3A_278, %swap3A_279], %sub3A_269 {strides = array<i32>} : memref<4x80xf32, #tpu.memory_space<vmem>>, vector<16xf32>,
    %swap3A_281 = arith.constant 2 : i32
    %swap3A_282 = arith.index_cast %swap3A_281 : i32 to index
    %swap3A_283 = arith.constant 0 : index
    %swap3A_284 = tpu.vector_load %arg26[%swap3A_282, %swap3A_283] {strides = array<i32>} : memref<4x80xf32, #tpu.memory_space<vmem>>, vector<16xf32>,
    tpu.vector_store %arg26[%swap3A_282, %swap3A_283], %sub3A_272 {strides = array<i32>} : memref<4x80xf32, #tpu.memory_space<vmem>>, vector<16xf32>,
    %mul3A_285 = arith.mulf %sub3A_266, %sub3A_266 : vector<16xf32>
    %mul3A_286 = arith.mulf %sub3A_269, %sub3A_269 : vector<16xf32>
    %add3A_287 = arith.addf %mul3A_285, %mul3A_286 : vector<16xf32>
    %mul3A_288 = arith.mulf %sub3A_272, %sub3A_272 : vector<16xf32>
    %add3A_289 = arith.addf %add3A_287, %mul3A_288 : vector<16xf32>
    %swap3A_290 = arith.constant 3 : i32
    %swap3A_291 = arith.index_cast %swap3A_290 : i32 to index
    %swap3A_292 = arith.constant 0 : index
    %swap3A_293 = tpu.vector_load %arg26[%swap3A_291, %swap3A_292] {strides = array<i32>} : memref<4x80xf32, #tpu.memory_space<vmem>>, vector<16xf32>,
    tpu.vector_store %arg26[%swap3A_291, %swap3A_292], %add3A_289 {strides = array<i32>} : memref<4x80xf32, #tpu.memory_space<vmem>>, vector<16xf32>,
    %get3A_294 = arith.constant 9936 : index
    %get3A_295 = tpu.vector_load %arg14[%get3A_294] {strides = array<i32>} : memref<10000xi32, #tpu.memory_space<vmem>>, vector<16xi32>,
    %get3A_296 = arith.constant 9936 : index
    %get3A_297 = tpu.vector_load %arg15[%get3A_296] {strides = array<i32>} : memref<10000xi32, #tpu.memory_space<vmem>>, vector<16xi32>,
    %gather3A_298 = tpu.vector_load_idx %arg16[%get3A_295] : memref<10000xf32, #tpu.memory_space<vmem>>[vector<16xi32>], vector<16xf32>,
    %gather3A_299 = tpu.vector_load_idx %arg16[%get3A_297] : memref<10000xf32, #tpu.memory_space<vmem>>[vector<16xi32>], vector<16xf32>,
    %sub3A_300 = arith.subf %gather3A_298, %gather3A_299 : vector<16xf32>
    %gather3A_301 = tpu.vector_load_idx %arg17[%get3A_295] : memref<10000xf32, #tpu.memory_space<vmem>>[vector<16xi32>], vector<16xf32>,
    %gather3A_302 = tpu.vector_load_idx %arg17[%get3A_297] : memref<10000xf32, #tpu.memory_space<vmem>>[vector<16xi32>], vector<16xf32>,
    %sub3A_303 = arith.subf %gather3A_301, %gather3A_302 : vector<16xf32>
    %gather3A_304 = tpu.vector_load_idx %arg18[%get3A_295] : memref<10000xf32, #tpu.memory_space<vmem>>[vector<16xi32>], vector<16xf32>,
    %gather3A_305 = tpu.vector_load_idx %arg18[%get3A_297] : memref<10000xf32, #tpu.memory_space<vmem>>[vector<16xi32>], vector<16xf32>,
    %sub3A_306 = arith.subf %gather3A_304, %gather3A_305 : vector<16xf32>
    %swap3A_307 = arith.constant 0 : i32
    %swap3A_308 = arith.index_cast %swap3A_307 : i32 to index
    %swap3A_309 = arith.constant 16 : index
    %swap3A_310 = tpu.vector_load %arg26[%swap3A_308, %swap3A_309] {strides = array<i32>} : memref<4x80xf32, #tpu.memory_space<vmem>>, vector<16xf32>,
    tpu.vector_store %arg26[%swap3A_308, %swap3A_309], %sub3A_300 {strides = array<i32>} : memref<4x80xf32, #tpu.memory_space<vmem>>, vector<16xf32>,
    %swap3A_311 = arith.constant 1 : i32
    %swap3A_312 = arith.index_cast %swap3A_311 : i32 to index
    %swap3A_313 = arith.constant 16 : index
    %swap3A_314 = tpu.vector_load %arg26[%swap3A_312, %swap3A_313] {strides = array<i32>} : memref<4x80xf32, #tpu.memory_space<vmem>>, vector<16xf32>,
    tpu.vector_store %arg26[%swap3A_312, %swap3A_313], %sub3A_303 {strides = array<i32>} : memref<4x80xf32, #tpu.memory_space<vmem>>, vector<16xf32>,
    %swap3A_315 = arith.constant 2 : i32
    %swap3A_316 = arith.index_cast %swap3A_315 : i32 to index
    %swap3A_317 = arith.constant 16 : index
    %swap3A_318 = tpu.vector_load %arg26[%swap3A_316, %swap3A_317] {strides = array<i32>} : memref<4x80xf32, #tpu.memory_space<vmem>>, vector<16xf32>,
    tpu.vector_store %arg26[%swap3A_316, %swap3A_317], %sub3A_306 {strides = array<i32>} : memref<4x80xf32, #tpu.memory_space<vmem>>, vector<16xf32>,
    %mul3A_319 = arith.mulf %sub3A_300, %sub3A_300 : vector<16xf32>
    %mul3A_320 = arith.mulf %sub3A_303, %sub3A_303 : vector<16xf32>
    %add3A_321 = arith.addf %mul3A_319, %mul3A_320 : vector<16xf32>
    %mul3A_322 = arith.mulf %sub3A_306, %sub3A_306 : vector<16xf32>
    %add3A_323 = arith.addf %add3A_321, %mul3A_322 : vector<16xf32>
    %swap3A_324 = arith.constant 3 : i32
    %swap3A_325 = arith.index_cast %swap3A_324 : i32 to index
    %swap3A_326 = arith.constant 16 : index
    %swap3A_327 = tpu.vector_load %arg26[%swap3A_325, %swap3A_326] {strides = array<i32>} : memref<4x80xf32, #tpu.memory_space<vmem>>, vector<16xf32>,
    tpu.vector_store %arg26[%swap3A_325, %swap3A_326], %add3A_323 {strides = array<i32>} : memref<4x80xf32, #tpu.memory_space<vmem>>, vector<16xf32>,
    %get3A_328 = arith.constant 9952 : index
    %get3A_329 = tpu.vector_load %arg14[%get3A_328] {strides = array<i32>} : memref<10000xi32, #tpu.memory_space<vmem>>, vector<16xi32>,
    %get3A_330 = arith.constant 9952 : index
    %get3A_331 = tpu.vector_load %arg15[%get3A_330] {strides = array<i32>} : memref<10000xi32, #tpu.memory_space<vmem>>, vector<16xi32>,
    %gather3A_332 = tpu.vector_load_idx %arg16[%get3A_329] : memref<10000xf32, #tpu.memory_space<vmem>>[vector<16xi32>], vector<16xf32>,
    %gather3A_333 = tpu.vector_load_idx %arg16[%get3A_331] : memref<10000xf32, #tpu.memory_space<vmem>>[vector<16xi32>], vector<16xf32>,
    %sub3A_334 = arith.subf %gather3A_332, %gather3A_333 : vector<16xf32>
    %gather3A_335 = tpu.vector_load_idx %arg17[%get3A_329] : memref<10000xf32, #tpu.memory_space<vmem>>[vector<16xi32>], vector<16xf32>,
    %gather3A_336 = tpu.vector_load_idx %arg17[%get3A_331] : memref<10000xf32, #tpu.memory_space<vmem>>[vector<16xi32>], vector<16xf32>,
    %sub3A_337 = arith.subf %gather3A_335, %gather3A_336 : vector<16xf32>
    %gather3A_338 = tpu.vector_load_idx %arg18[%get3A_329] : memref<10000xf32, #tpu.memory_space<vmem>>[vector<16xi32>], vector<16xf32>,
    %gather3A_339 = tpu.vector_load_idx %arg18[%get3A_331] : memref<10000xf32, #tpu.memory_space<vmem>>[vector<16xi32>], vector<16xf32>,
    %sub3A_340 = arith.subf %gather3A_338, %gather3A_339 : vector<16xf32>
    %swap3A_341 = arith.constant 0 : i32
    %swap3A_342 = arith.index_cast %swap3A_341 : i32 to index
    %swap3A_343 = arith.constant 32 : index
    %swap3A_344 = tpu.vector_load %arg26[%swap3A_342, %swap3A_343] {strides = array<i32>} : memref<4x80xf32, #tpu.memory_space<vmem>>, vector<16xf32>,
    tpu.vector_store %arg26[%swap3A_342, %swap3A_343], %sub3A_334 {strides = array<i32>} : memref<4x80xf32, #tpu.memory_space<vmem>>, vector<16xf32>,
    %swap3A_345 = arith.constant 1 : i32
    %swap3A_346 = arith.index_cast %swap3A_345 : i32 to index
    %swap3A_347 = arith.constant 32 : index
    %swap3A_348 = tpu.vector_load %arg26[%swap3A_346, %swap3A_347] {strides = array<i32>} : memref<4x80xf32, #tpu.memory_space<vmem>>, vector<16xf32>,
    tpu.vector_store %arg26[%swap3A_346, %swap3A_347], %sub3A_337 {strides = array<i32>} : memref<4x80xf32, #tpu.memory_space<vmem>>, vector<16xf32>,
    %swap3A_349 = arith.constant 2 : i32
    %swap3A_350 = arith.index_cast %swap3A_349 : i32 to index
    %swap3A_351 = arith.constant 32 : index
    %swap3A_352 = tpu.vector_load %arg26[%swap3A_350, %swap3A_351] {strides = array<i32>} : memref<4x80xf32, #tpu.memory_space<vmem>>, vector<16xf32>,
    tpu.vector_store %arg26[%swap3A_350, %swap3A_351], %sub3A_340 {strides = array<i32>} : memref<4x80xf32, #tpu.memory_space<vmem>>, vector<16xf32>,
    %mul3A_353 = arith.mulf %sub3A_334, %sub3A_334 : vector<16xf32>
    %mul3A_354 = arith.mulf %sub3A_337, %sub3A_337 : vector<16xf32>
    %add3A_355 = arith.addf %mul3A_353, %mul3A_354 : vector<16xf32>
    %mul3A_356 = arith.mulf %sub3A_340, %sub3A_340 : vector<16xf32>
    %add3A_357 = arith.addf %add3A_355, %mul3A_356 : vector<16xf32>
    %swap3A_358 = arith.constant 3 : i32
    %swap3A_359 = arith.index_cast %swap3A_358 : i32 to index
    %swap3A_360 = arith.constant 32 : index
    %swap3A_361 = tpu.vector_load %arg26[%swap3A_359, %swap3A_360] {strides = array<i32>} : memref<4x80xf32, #tpu.memory_space<vmem>>, vector<16xf32>,
    tpu.vector_store %arg26[%swap3A_359, %swap3A_360], %add3A_357 {strides = array<i32>} : memref<4x80xf32, #tpu.memory_space<vmem>>, vector<16xf32>,
    %get3A_362 = arith.constant 9968 : index
    %get3A_363 = tpu.vector_load %arg14[%get3A_362] {strides = array<i32>} : memref<10000xi32, #tpu.memory_space<vmem>>, vector<16xi32>,
    %get3A_364 = arith.constant 9968 : index
    %get3A_365 = tpu.vector_load %arg15[%get3A_364] {strides = array<i32>} : memref<10000xi32, #tpu.memory_space<vmem>>, vector<16xi32>,
    %gather3A_366 = tpu.vector_load_idx %arg16[%get3A_363] : memref<10000xf32, #tpu.memory_space<vmem>>[vector<16xi32>], vector<16xf32>,
    %gather3A_367 = tpu.vector_load_idx %arg16[%get3A_365] : memref<10000xf32, #tpu.memory_space<vmem>>[vector<16xi32>], vector<16xf32>,
    %sub3A_368 = arith.subf %gather3A_366, %gather3A_367 : vector<16xf32>
    %gather3A_369 = tpu.vector_load_idx %arg17[%get3A_363] : memref<10000xf32, #tpu.memory_space<vmem>>[vector<16xi32>], vector<16xf32>,
    %gather3A_370 = tpu.vector_load_idx %arg17[%get3A_365] : memref<10000xf32, #tpu.memory_space<vmem>>[vector<16xi32>], vector<16xf32>,
    %sub3A_371 = arith.subf %gather3A_369, %gather3A_370 : vector<16xf32>
    %gather3A_372 = tpu.vector_load_idx %arg18[%get3A_363] : memref<10000xf32, #tpu.memory_space<vmem>>[vector<16xi32>], vector<16xf32>,
    %gather3A_373 = tpu.vector_load_idx %arg18[%get3A_365] : memref<10000xf32, #tpu.memory_space<vmem>>[vector<16xi32>], vector<16xf32>,
    %sub3A_374 = arith.subf %gather3A_372, %gather3A_373 : vector<16xf32>
    %swap3A_375 = arith.constant 0 : i32
    %swap3A_376 = arith.index_cast %swap3A_375 : i32 to index
    %swap3A_377 = arith.constant 48 : index
    %swap3A_378 = tpu.vector_load %arg26[%swap3A_376, %swap3A_377] {strides = array<i32>} : memref<4x80xf32, #tpu.memory_space<vmem>>, vector<16xf32>,
    tpu.vector_store %arg26[%swap3A_376, %swap3A_377], %sub3A_368 {strides = array<i32>} : memref<4x80xf32, #tpu.memory_space<vmem>>, vector<16xf32>,
    %swap3A_379 = arith.constant 1 : i32
    %swap3A_380 = arith.index_cast %swap3A_379 : i32 to index
    %swap3A_381 = arith.constant 48 : index
    %swap3A_382 = tpu.vector_load %arg26[%swap3A_380, %swap3A_381] {strides = array<i32>} : memref<4x80xf32, #tpu.memory_space<vmem>>, vector<16xf32>,
    tpu.vector_store %arg26[%swap3A_380, %swap3A_381], %sub3A_371 {strides = array<i32>} : memref<4x80xf32, #tpu.memory_space<vmem>>, vector<16xf32>,
    %swap3A_383 = arith.constant 2 : i32
    %swap3A_384 = arith.index_cast %swap3A_383 : i32 to index
    %swap3A_385 = arith.constant 48 : index
    %swap3A_386 = tpu.vector_load %arg26[%swap3A_384, %swap3A_385] {strides = array<i32>} : memref<4x80xf32, #tpu.memory_space<vmem>>, vector<16xf32>,
    tpu.vector_store %arg26[%swap3A_384, %swap3A_385], %sub3A_374 {strides = array<i32>} : memref<4x80xf32, #tpu.memory_space<vmem>>, vector<16xf32>,
    %mul3A_387 = arith.mulf %sub3A_368, %sub3A_368 : vector<16xf32>
    %mul3A_388 = arith.mulf %sub3A_371, %sub3A_371 : vector<16xf32>
    %add3A_389 = arith.addf %mul3A_387, %mul3A_388 : vector<16xf32>
    %mul3A_390 = arith.mulf %sub3A_374, %sub3A_374 : vector<16xf32>
    %add3A_391 = arith.addf %add3A_389, %mul3A_390 : vector<16xf32>
    %swap3A_392 = arith.constant 3 : i32
    %swap3A_393 = arith.index_cast %swap3A_392 : i32 to index
    %swap3A_394 = arith.constant 48 : index
    %swap3A_395 = tpu.vector_load %arg26[%swap3A_393, %swap3A_394] {strides = array<i32>} : memref<4x80xf32, #tpu.memory_space<vmem>>, vector<16xf32>,
    tpu.vector_store %arg26[%swap3A_393, %swap3A_394], %add3A_391 {strides = array<i32>} : memref<4x80xf32, #tpu.memory_space<vmem>>, vector<16xf32>,
    %get3A_396 = arith.constant 9984 : index
    %get3A_397 = tpu.vector_load %arg14[%get3A_396] {strides = array<i32>} : memref<10000xi32, #tpu.memory_space<vmem>>, vector<16xi32>,
    %get3A_398 = arith.constant 9984 : index
    %get3A_399 = tpu.vector_load %arg15[%get3A_398] {strides = array<i32>} : memref<10000xi32, #tpu.memory_space<vmem>>, vector<16xi32>,
    %gather3A_400 = tpu.vector_load_idx %arg16[%get3A_397] : memref<10000xf32, #tpu.memory_space<vmem>>[vector<16xi32>], vector<16xf32>,
    %gather3A_401 = tpu.vector_load_idx %arg16[%get3A_399] : memref<10000xf32, #tpu.memory_space<vmem>>[vector<16xi32>], vector<16xf32>,
    %sub3A_402 = arith.subf %gather3A_400, %gather3A_401 : vector<16xf32>
    %gather3A_403 = tpu.vector_load_idx %arg17[%get3A_397] : memref<10000xf32, #tpu.memory_space<vmem>>[vector<16xi32>], vector<16xf32>,
    %gather3A_404 = tpu.vector_load_idx %arg17[%get3A_399] : memref<10000xf32, #tpu.memory_space<vmem>>[vector<16xi32>], vector<16xf32>,
    %sub3A_405 = arith.subf %gather3A_403, %gather3A_404 : vector<16xf32>
    %gather3A_406 = tpu.vector_load_idx %arg18[%get3A_397] : memref<10000xf32, #tpu.memory_space<vmem>>[vector<16xi32>], vector<16xf32>,
    %gather3A_407 = tpu.vector_load_idx %arg18[%get3A_399] : memref<10000xf32, #tpu.memory_space<vmem>>[vector<16xi32>], vector<16xf32>,
    %sub3A_408 = arith.subf %gather3A_406, %gather3A_407 : vector<16xf32>
    %swap3A_409 = arith.constant 0 : i32
    %swap3A_410 = arith.index_cast %swap3A_409 : i32 to index
    %swap3A_411 = arith.constant 64 : index
    %swap3A_412 = tpu.vector_load %arg26[%swap3A_410, %swap3A_411] {strides = array<i32>} : memref<4x80xf32, #tpu.memory_space<vmem>>, vector<16xf32>,
    tpu.vector_store %arg26[%swap3A_410, %swap3A_411], %sub3A_402 {strides = array<i32>} : memref<4x80xf32, #tpu.memory_space<vmem>>, vector<16xf32>,
    %swap3A_413 = arith.constant 1 : i32
    %swap3A_414 = arith.index_cast %swap3A_413 : i32 to index
    %swap3A_415 = arith.constant 64 : index
    %swap3A_416 = tpu.vector_load %arg26[%swap3A_414, %swap3A_415] {strides = array<i32>} : memref<4x80xf32, #tpu.memory_space<vmem>>, vector<16xf32>,
    tpu.vector_store %arg26[%swap3A_414, %swap3A_415], %sub3A_405 {strides = array<i32>} : memref<4x80xf32, #tpu.memory_space<vmem>>, vector<16xf32>,
    %swap3A_417 = arith.constant 2 : i32
    %swap3A_418 = arith.index_cast %swap3A_417 : i32 to index
    %swap3A_419 = arith.constant 64 : index
    %swap3A_420 = tpu.vector_load %arg26[%swap3A_418, %swap3A_419] {strides = array<i32>} : memref<4x80xf32, #tpu.memory_space<vmem>>, vector<16xf32>,
    tpu.vector_store %arg26[%swap3A_418, %swap3A_419], %sub3A_408 {strides = array<i32>} : memref<4x80xf32, #tpu.memory_space<vmem>>, vector<16xf32>,
    %mul3A_421 = arith.mulf %sub3A_402, %sub3A_402 : vector<16xf32>
    %mul3A_422 = arith.mulf %sub3A_405, %sub3A_405 : vector<16xf32>
    %add3A_423 = arith.addf %mul3A_421, %mul3A_422 : vector<16xf32>
    %mul3A_424 = arith.mulf %sub3A_408, %sub3A_408 : vector<16xf32>
    %add3A_425 = arith.addf %add3A_423, %mul3A_424 : vector<16xf32>
    %swap3A_426 = arith.constant 3 : i32
    %swap3A_427 = arith.index_cast %swap3A_426 : i32 to index
    %swap3A_428 = arith.constant 64 : index
    %swap3A_429 = tpu.vector_load %arg26[%swap3A_427, %swap3A_428] {strides = array<i32>} : memref<4x80xf32, #tpu.memory_space<vmem>>, vector<16xf32>,
    tpu.vector_store %arg26[%swap3A_427, %swap3A_428], %add3A_425 {strides = array<i32>} : memref<4x80xf32, #tpu.memory_space<vmem>>, vector<16xf32>,
    %scan3A_430 = arith.constant 0 : i32
    %scan3A_431 = arith.constant 0 : i32
    %scan3A_432 = arith.constant 80 : i32
    %scan3A_433 = arith.addi %scan3A_431, %scan3A_432 : i32
    %scan3A_434 = arith.constant 1 : i32
    scf.for %scan3A_628 = %scan3A_431 to %scan3A_433 step %scan3A_434  : i32 {
      %get3A_629 = arith.index_cast %scan3A_628 : i32 to index
      %get3A_630 = arith.constant 0 : index
      %get3A_631 = tpu.vector_load %arg23[%get3A_629, %get3A_630] {strides = array<i32>} : memref<80x128xf32, #tpu.memory_space<vmem>>, vector<16xf32>,
      %swap3A_632 = arith.index_cast %scan3A_628 : i32 to index
      %swap3A_633 = arith.constant 0 : index
      %swap3A_634 = tpu.vector_load %arg20[%swap3A_632, %swap3A_633] {strides = array<i32>} : memref<80x128xf32, #tpu.memory_space<vmem>>, vector<16xf32>,
      tpu.vector_store %arg20[%swap3A_632, %swap3A_633], %get3A_631 {add = true, strides = array<i32>} : memref<80x128xf32, #tpu.memory_space<vmem>>, vector<16xf32>,
      %get3A_635 = arith.index_cast %scan3A_628 : i32 to index
      %get3A_636 = arith.constant 16 : index
      %get3A_637 = tpu.vector_load %arg23[%get3A_635, %get3A_636] {strides = array<i32>} : memref<80x128xf32, #tpu.memory_space<vmem>>, vector<16xf32>,
      %swap3A_638 = arith.index_cast %scan3A_628 : i32 to index
      %swap3A_639 = arith.constant 16 : index
      %swap3A_640 = tpu.vector_load %arg20[%swap3A_638, %swap3A_639] {strides = array<i32>} : memref<80x128xf32, #tpu.memory_space<vmem>>, vector<16xf32>,
      tpu.vector_store %arg20[%swap3A_638, %swap3A_639], %get3A_637 {add = true, strides = array<i32>} : memref<80x128xf32, #tpu.memory_space<vmem>>, vector<16xf32>,
      %get3A_641 = arith.index_cast %scan3A_628 : i32 to index
      %get3A_642 = arith.constant 32 : index
      %get3A_643 = tpu.vector_load %arg23[%get3A_641, %get3A_642] {strides = array<i32>} : memref<80x128xf32, #tpu.memory_space<vmem>>, vector<16xf32>,
      %swap3A_644 = arith.index_cast %scan3A_628 : i32 to index
      %swap3A_645 = arith.constant 32 : index
      %swap3A_646 = tpu.vector_load %arg20[%swap3A_644, %swap3A_645] {strides = array<i32>} : memref<80x128xf32, #tpu.memory_space<vmem>>, vector<16xf32>,
      tpu.vector_store %arg20[%swap3A_644, %swap3A_645], %get3A_643 {add = true, strides = array<i32>} : memref<80x128xf32, #tpu.memory_space<vmem>>, vector<16xf32>,
      %get3A_647 = arith.index_cast %scan3A_628 : i32 to index
      %get3A_648 = arith.constant 48 : index
      %get3A_649 = tpu.vector_load %arg23[%get3A_647, %get3A_648] {strides = array<i32>} : memref<80x128xf32, #tpu.memory_space<vmem>>, vector<16xf32>,
      %swap3A_650 = arith.index_cast %scan3A_628 : i32 to index
      %swap3A_651 = arith.constant 48 : index
      %swap3A_652 = tpu.vector_load %arg20[%swap3A_650, %swap3A_651] {strides = array<i32>} : memref<80x128xf32, #tpu.memory_space<vmem>>, vector<16xf32>,
      tpu.vector_store %arg20[%swap3A_650, %swap3A_651], %get3A_649 {add = true, strides = array<i32>} : memref<80x128xf32, #tpu.memory_space<vmem>>, vector<16xf32>,
      %get3A_653 = arith.index_cast %scan3A_628 : i32 to index
      %get3A_654 = arith.constant 64 : index
      %get3A_655 = tpu.vector_load %arg23[%get3A_653, %get3A_654] {strides = array<i32>} : memref<80x128xf32, #tpu.memory_space<vmem>>, vector<16xf32>,
      %swap3A_656 = arith.index_cast %scan3A_628 : i32 to index
      %swap3A_657 = arith.constant 64 : index
      %swap3A_658 = tpu.vector_load %arg20[%swap3A_656, %swap3A_657] {strides = array<i32>} : memref<80x128xf32, #tpu.memory_space<vmem>>, vector<16xf32>,
      tpu.vector_store %arg20[%swap3A_656, %swap3A_657], %get3A_655 {add = true, strides = array<i32>} : memref<80x128xf32, #tpu.memory_space<vmem>>, vector<16xf32>,
      %get3A_659 = arith.index_cast %scan3A_628 : i32 to index
      %get3A_660 = arith.constant 80 : index
      %get3A_661 = tpu.vector_load %arg23[%get3A_659, %get3A_660] {strides = array<i32>} : memref<80x128xf32, #tpu.memory_space<vmem>>, vector<16xf32>,
      %swap3A_662 = arith.index_cast %scan3A_628 : i32 to index
      %swap3A_663 = arith.constant 80 : index
      %swap3A_664 = tpu.vector_load %arg20[%swap3A_662, %swap3A_663] {strides = array<i32>} : memref<80x128xf32, #tpu.memory_space<vmem>>, vector<16xf32>,
      tpu.vector_store %arg20[%swap3A_662, %swap3A_663], %get3A_661 {add = true, strides = array<i32>} : memref<80x128xf32, #tpu.memory_space<vmem>>, vector<16xf32>,
      %get3A_665 = arith.index_cast %scan3A_628 : i32 to index
      %get3A_666 = arith.constant 96 : index
      %get3A_667 = tpu.vector_load %arg23[%get3A_665, %get3A_666] {strides = array<i32>} : memref<80x128xf32, #tpu.memory_space<vmem>>, vector<16xf32>,
      %swap3A_668 = arith.index_cast %scan3A_628 : i32 to index
      %swap3A_669 = arith.constant 96 : index
      %swap3A_670 = tpu.vector_load %arg20[%swap3A_668, %swap3A_669] {strides = array<i32>} : memref<80x128xf32, #tpu.memory_space<vmem>>, vector<16xf32>,
      tpu.vector_store %arg20[%swap3A_668, %swap3A_669], %get3A_667 {add = true, strides = array<i32>} : memref<80x128xf32, #tpu.memory_space<vmem>>, vector<16xf32>,
      %get3A_671 = arith.index_cast %scan3A_628 : i32 to index
      %get3A_672 = arith.constant 112 : index
      %get3A_673 = tpu.vector_load %arg23[%get3A_671, %get3A_672] {strides = array<i32>} : memref<80x128xf32, #tpu.memory_space<vmem>>, vector<16xf32>,
      %swap3A_674 = arith.index_cast %scan3A_628 : i32 to index
      %swap3A_675 = arith.constant 112 : index
      %swap3A_676 = tpu.vector_load %arg20[%swap3A_674, %swap3A_675] {strides = array<i32>} : memref<80x128xf32, #tpu.memory_space<vmem>>, vector<16xf32>,
      tpu.vector_store %arg20[%swap3A_674, %swap3A_675], %get3A_673 {add = true, strides = array<i32>} : memref<80x128xf32, #tpu.memory_space<vmem>>, vector<16xf32>,
    }
    %scan3A_435 = arith.constant 80 : i32
    %add3A_436 = arith.constant 9920 : i32
    %add3A_437 = arith.addi %mul3A_2, %add3A_436 : i32
    %dma_start3A_438 = arith.constant 0 : i32
    %dma_start3A_439 = tpu.memref_slice %arg9[%add3A_437, %dma_start3A_438] : memref<320000x128xf32, #tpu.memory_space<hbm>> -> memref<80x128xf32, #tpu.memory_space<hbm>>
    %dma_start3A_440 = arith.constant 0 : i32
    %dma_start3A_441 = tpu.memref_slice %arg9[%add3A_437, %dma_start3A_440] : memref<320000x128xf32, #tpu.memory_space<hbm>> -> memref<80x128xf32, #tpu.memory_space<hbm>>
    tpu.enqueue_dma source(%arg20 : memref<80x128xf32, #tpu.memory_space<vmem>>) target(%dma_start3A_441 : memref<80x128xf32, #tpu.memory_space<hbm>>) target_semaphore(%arg32 : memref<!tpu.dma_semaphore, #tpu.memory_space<semaphore_mem>>)
    %dma_start3A_442 = arith.constant 0 : i32
    %dma_start3A_443 = arith.constant 0 : i32
    %dma_start3A_444 = tpu.memref_slice %arg26[%dma_start3A_442, %dma_start3A_443] : memref<4x80xf32, #tpu.memory_space<vmem>> -> memref<1x80xf32, #tpu.memory_space<vmem>>
    %dma_start3A_445 = tpu.memref_squeeze %dma_start3A_444 : memref<1x80xf32, #tpu.memory_space<vmem>> -> memref<80xf32, #tpu.memory_space<vmem>>
    %dma_start3A_446 = tpu.memref_slice %arg10[%add3A_437] : memref<320000xf32, #tpu.memory_space<hbm>> -> memref<80xf32, #tpu.memory_space<hbm>>
    %dma_start3A_447 = tpu.memref_slice %arg10[%add3A_437] : memref<320000xf32, #tpu.memory_space<hbm>> -> memref<80xf32, #tpu.memory_space<hbm>>
    %dma_start3A_448 = arith.constant 0 : i32
    %dma_start3A_449 = tpu.memref_slice %arg26[%dma_start3A_442, %dma_start3A_448] : memref<4x80xf32, #tpu.memory_space<vmem>> -> memref<1x80xf32, #tpu.memory_space<vmem>>
    %dma_start3A_450 = tpu.memref_squeeze %dma_start3A_449 : memref<1x80xf32, #tpu.memory_space<vmem>> -> memref<80xf32, #tpu.memory_space<vmem>>
    tpu.enqueue_dma source(%dma_start3A_450 : memref<80xf32, #tpu.memory_space<vmem>>) target(%dma_start3A_447 : memref<80xf32, #tpu.memory_space<hbm>>) target_semaphore(%arg32 : memref<!tpu.dma_semaphore, #tpu.memory_space<semaphore_mem>>)
    %dma_start3A_451 = arith.constant 1 : i32
    %dma_start3A_452 = arith.constant 0 : i32
    %dma_start3A_453 = tpu.memref_slice %arg26[%dma_start3A_451, %dma_start3A_452] : memref<4x80xf32, #tpu.memory_space<vmem>> -> memref<1x80xf32, #tpu.memory_space<vmem>>
    %dma_start3A_454 = tpu.memref_squeeze %dma_start3A_453 : memref<1x80xf32, #tpu.memory_space<vmem>> -> memref<80xf32, #tpu.memory_space<vmem>>
    %dma_start3A_455 = tpu.memref_slice %arg11[%add3A_437] : memref<320000xf32, #tpu.memory_space<hbm>> -> memref<80xf32, #tpu.memory_space<hbm>>
    %dma_start3A_456 = tpu.memref_slice %arg11[%add3A_437] : memref<320000xf32, #tpu.memory_space<hbm>> -> memref<80xf32, #tpu.memory_space<hbm>>
    %dma_start3A_457 = arith.constant 0 : i32
    %dma_start3A_458 = tpu.memref_slice %arg26[%dma_start3A_451, %dma_start3A_457] : memref<4x80xf32, #tpu.memory_space<vmem>> -> memref<1x80xf32, #tpu.memory_space<vmem>>
    %dma_start3A_459 = tpu.memref_squeeze %dma_start3A_458 : memref<1x80xf32, #tpu.memory_space<vmem>> -> memref<80xf32, #tpu.memory_space<vmem>>
    tpu.enqueue_dma source(%dma_start3A_459 : memref<80xf32, #tpu.memory_space<vmem>>) target(%dma_start3A_456 : memref<80xf32, #tpu.memory_space<hbm>>) target_semaphore(%arg32 : memref<!tpu.dma_semaphore, #tpu.memory_space<semaphore_mem>>)
    %dma_start3A_460 = arith.constant 2 : i32
    %dma_start3A_461 = arith.constant 0 : i32
    %dma_start3A_462 = tpu.memref_slice %arg26[%dma_start3A_460, %dma_start3A_461] : memref<4x80xf32, #tpu.memory_space<vmem>> -> memref<1x80xf32, #tpu.memory_space<vmem>>
    %dma_start3A_463 = tpu.memref_squeeze %dma_start3A_462 : memref<1x80xf32, #tpu.memory_space<vmem>> -> memref<80xf32, #tpu.memory_space<vmem>>
    %dma_start3A_464 = tpu.memref_slice %arg12[%add3A_437] : memref<320000xf32, #tpu.memory_space<hbm>> -> memref<80xf32, #tpu.memory_space<hbm>>
    %dma_start3A_465 = tpu.memref_slice %arg12[%add3A_437] : memref<320000xf32, #tpu.memory_space<hbm>> -> memref<80xf32, #tpu.memory_space<hbm>>
    %dma_start3A_466 = arith.constant 0 : i32
    %dma_start3A_467 = tpu.memref_slice %arg26[%dma_start3A_460, %dma_start3A_466] : memref<4x80xf32, #tpu.memory_space<vmem>> -> memref<1x80xf32, #tpu.memory_space<vmem>>
    %dma_start3A_468 = tpu.memref_squeeze %dma_start3A_467 : memref<1x80xf32, #tpu.memory_space<vmem>> -> memref<80xf32, #tpu.memory_space<vmem>>
    tpu.enqueue_dma source(%dma_start3A_468 : memref<80xf32, #tpu.memory_space<vmem>>) target(%dma_start3A_465 : memref<80xf32, #tpu.memory_space<hbm>>) target_semaphore(%arg32 : memref<!tpu.dma_semaphore, #tpu.memory_space<semaphore_mem>>)
    %dma_start3A_469 = arith.constant 3 : i32
    %dma_start3A_470 = arith.constant 0 : i32
    %dma_start3A_471 = tpu.memref_slice %arg26[%dma_start3A_469, %dma_start3A_470] : memref<4x80xf32, #tpu.memory_space<vmem>> -> memref<1x80xf32, #tpu.memory_space<vmem>>
    %dma_start3A_472 = tpu.memref_squeeze %dma_start3A_471 : memref<1x80xf32, #tpu.memory_space<vmem>> -> memref<80xf32, #tpu.memory_space<vmem>>
    %dma_start3A_473 = tpu.memref_slice %arg13[%add3A_437] : memref<320000xf32, #tpu.memory_space<hbm>> -> memref<80xf32, #tpu.memory_space<hbm>>
    %dma_start3A_474 = tpu.memref_slice %arg13[%add3A_437] : memref<320000xf32, #tpu.memory_space<hbm>> -> memref<80xf32, #tpu.memory_space<hbm>>
    %dma_start3A_475 = arith.constant 0 : i32
    %dma_start3A_476 = tpu.memref_slice %arg26[%dma_start3A_469, %dma_start3A_475] : memref<4x80xf32, #tpu.memory_space<vmem>> -> memref<1x80xf32, #tpu.memory_space<vmem>>
    %dma_start3A_477 = tpu.memref_squeeze %dma_start3A_476 : memref<1x80xf32, #tpu.memory_space<vmem>> -> memref<80xf32, #tpu.memory_space<vmem>>
    tpu.enqueue_dma source(%dma_start3A_477 : memref<80xf32, #tpu.memory_space<vmem>>) target(%dma_start3A_474 : memref<80xf32, #tpu.memory_space<hbm>>) target_semaphore(%arg32 : memref<!tpu.dma_semaphore, #tpu.memory_space<semaphore_mem>>)
    %dma_wait3A_478 = arith.constant 0 : i32
    %dma_wait3A_479 = arith.constant 0 : i32
    %dma_wait3A_480 = tpu.memref_slice %arg9[%dma_wait3A_478, %dma_wait3A_479] : memref<320000x128xf32, #tpu.memory_space<hbm>> -> memref<80x128xf32, #tpu.memory_space<hbm>>
    %dma_wait3A_481 = arith.constant 0 : i32
    %dma_wait3A_482 = arith.constant 0 : i32
    %dma_wait3A_483 = tpu.memref_slice %arg9[%dma_wait3A_481, %dma_wait3A_482] : memref<320000x128xf32, #tpu.memory_space<hbm>> -> memref<80x128xf32, #tpu.memory_space<hbm>>
    tpu.wait_dma2 semaphore(%arg31 : memref<!tpu.dma_semaphore, #tpu.memory_space<semaphore_mem>>) src(%arg19 : memref<80x128xf32, #tpu.memory_space<vmem>>) dst(%dma_wait3A_483 : memref<80x128xf32, #tpu.memory_space<hbm>>)
    %dma_wait3A_484 = arith.constant 0 : i32
    %dma_wait3A_485 = arith.constant 0 : i32
    %dma_wait3A_486 = tpu.memref_slice %arg25[%dma_wait3A_484, %dma_wait3A_485] : memref<4x80xf32, #tpu.memory_space<vmem>> -> memref<1x80xf32, #tpu.memory_space<vmem>>
    %dma_wait3A_487 = tpu.memref_squeeze %dma_wait3A_486 : memref<1x80xf32, #tpu.memory_space<vmem>> -> memref<80xf32, #tpu.memory_space<vmem>>
    %dma_wait3A_488 = arith.constant 0 : i32
    %dma_wait3A_489 = tpu.memref_slice %arg10[%dma_wait3A_488] : memref<320000xf32, #tpu.memory_space<hbm>> -> memref<80xf32, #tpu.memory_space<hbm>>
    %dma_wait3A_490 = arith.constant 0 : i32
    %dma_wait3A_491 = tpu.memref_slice %arg10[%dma_wait3A_490] : memref<320000xf32, #tpu.memory_space<hbm>> -> memref<80xf32, #tpu.memory_space<hbm>>
    %dma_wait3A_492 = arith.constant 0 : i32
    %dma_wait3A_493 = tpu.memref_slice %arg25[%dma_wait3A_484, %dma_wait3A_492] : memref<4x80xf32, #tpu.memory_space<vmem>> -> memref<1x80xf32, #tpu.memory_space<vmem>>
    %dma_wait3A_494 = tpu.memref_squeeze %dma_wait3A_493 : memref<1x80xf32, #tpu.memory_space<vmem>> -> memref<80xf32, #tpu.memory_space<vmem>>
    tpu.wait_dma2 semaphore(%arg31 : memref<!tpu.dma_semaphore, #tpu.memory_space<semaphore_mem>>) src(%dma_wait3A_494 : memref<80xf32, #tpu.memory_space<vmem>>) dst(%dma_wait3A_491 : memref<80xf32, #tpu.memory_space<hbm>>)
    %dma_wait3A_495 = arith.constant 1 : i32
    %dma_wait3A_496 = arith.constant 0 : i32
    %dma_wait3A_497 = tpu.memref_slice %arg25[%dma_wait3A_495, %dma_wait3A_496] : memref<4x80xf32, #tpu.memory_space<vmem>> -> memref<1x80xf32, #tpu.memory_space<vmem>>
    %dma_wait3A_498 = tpu.memref_squeeze %dma_wait3A_497 : memref<1x80xf32, #tpu.memory_space<vmem>> -> memref<80xf32, #tpu.memory_space<vmem>>
    %dma_wait3A_499 = arith.constant 0 : i32
    %dma_wait3A_500 = tpu.memref_slice %arg11[%dma_wait3A_499] : memref<320000xf32, #tpu.memory_space<hbm>> -> memref<80xf32, #tpu.memory_space<hbm>>
    %dma_wait3A_501 = arith.constant 0 : i32
    %dma_wait3A_502 = tpu.memref_slice %arg11[%dma_wait3A_501] : memref<320000xf32, #tpu.memory_space<hbm>> -> memref<80xf32, #tpu.memory_space<hbm>>
    %dma_wait3A_503 = arith.constant 0 : i32
    %dma_wait3A_504 = tpu.memref_slice %arg25[%dma_wait3A_495, %dma_wait3A_503] : memref<4x80xf32, #tpu.memory_space<vmem>> -> memref<1x80xf32, #tpu.memory_space<vmem>>
    %dma_wait3A_505 = tpu.memref_squeeze %dma_wait3A_504 : memref<1x80xf32, #tpu.memory_space<vmem>> -> memref<80xf32, #tpu.memory_space<vmem>>
    tpu.wait_dma2 semaphore(%arg31 : memref<!tpu.dma_semaphore, #tpu.memory_space<semaphore_mem>>) src(%dma_wait3A_505 : memref<80xf32, #tpu.memory_space<vmem>>) dst(%dma_wait3A_502 : memref<80xf32, #tpu.memory_space<hbm>>)
    %dma_wait3A_506 = arith.constant 2 : i32
    %dma_wait3A_507 = arith.constant 0 : i32
    %dma_wait3A_508 = tpu.memref_slice %arg25[%dma_wait3A_506, %dma_wait3A_507] : memref<4x80xf32, #tpu.memory_space<vmem>> -> memref<1x80xf32, #tpu.memory_space<vmem>>
    %dma_wait3A_509 = tpu.memref_squeeze %dma_wait3A_508 : memref<1x80xf32, #tpu.memory_space<vmem>> -> memref<80xf32, #tpu.memory_space<vmem>>
    %dma_wait3A_510 = arith.constant 0 : i32
    %dma_wait3A_511 = tpu.memref_slice %arg12[%dma_wait3A_510] : memref<320000xf32, #tpu.memory_space<hbm>> -> memref<80xf32, #tpu.memory_space<hbm>>
    %dma_wait3A_512 = arith.constant 0 : i32
    %dma_wait3A_513 = tpu.memref_slice %arg12[%dma_wait3A_512] : memref<320000xf32, #tpu.memory_space<hbm>> -> memref<80xf32, #tpu.memory_space<hbm>>
    %dma_wait3A_514 = arith.constant 0 : i32
    %dma_wait3A_515 = tpu.memref_slice %arg25[%dma_wait3A_506, %dma_wait3A_514] : memref<4x80xf32, #tpu.memory_space<vmem>> -> memref<1x80xf32, #tpu.memory_space<vmem>>
    %dma_wait3A_516 = tpu.memref_squeeze %dma_wait3A_515 : memref<1x80xf32, #tpu.memory_space<vmem>> -> memref<80xf32, #tpu.memory_space<vmem>>
    tpu.wait_dma2 semaphore(%arg31 : memref<!tpu.dma_semaphore, #tpu.memory_space<semaphore_mem>>) src(%dma_wait3A_516 : memref<80xf32, #tpu.memory_space<vmem>>) dst(%dma_wait3A_513 : memref<80xf32, #tpu.memory_space<hbm>>)
    %dma_wait3A_517 = arith.constant 3 : i32
    %dma_wait3A_518 = arith.constant 0 : i32
    %dma_wait3A_519 = tpu.memref_slice %arg25[%dma_wait3A_517, %dma_wait3A_518] : memref<4x80xf32, #tpu.memory_space<vmem>> -> memref<1x80xf32, #tpu.memory_space<vmem>>
    %dma_wait3A_520 = tpu.memref_squeeze %dma_wait3A_519 : memref<1x80xf32, #tpu.memory_space<vmem>> -> memref<80xf32, #tpu.memory_space<vmem>>
    %dma_wait3A_521 = arith.constant 0 : i32
    %dma_wait3A_522 = tpu.memref_slice %arg13[%dma_wait3A_521] : memref<320000xf32, #tpu.memory_space<hbm>> -> memref<80xf32, #tpu.memory_space<hbm>>
    %dma_wait3A_523 = arith.constant 0 : i32
    %dma_wait3A_524 = tpu.memref_slice %arg13[%dma_wait3A_523] : memref<320000xf32, #tpu.memory_space<hbm>> -> memref<80xf32, #tpu.memory_space<hbm>>
    %dma_wait3A_525 = arith.constant 0 : i32
    %dma_wait3A_526 = tpu.memref_slice %arg25[%dma_wait3A_517, %dma_wait3A_525] : memref<4x80xf32, #tpu.memory_space<vmem>> -> memref<1x80xf32, #tpu.memory_space<vmem>>
    %dma_wait3A_527 = tpu.memref_squeeze %dma_wait3A_526 : memref<1x80xf32, #tpu.memory_space<vmem>> -> memref<80xf32, #tpu.memory_space<vmem>>
    tpu.wait_dma2 semaphore(%arg31 : memref<!tpu.dma_semaphore, #tpu.memory_space<semaphore_mem>>) src(%dma_wait3A_527 : memref<80xf32, #tpu.memory_space<vmem>>) dst(%dma_wait3A_524 : memref<80xf32, #tpu.memory_space<hbm>>)
    %dma_wait3A_528 = arith.constant 0 : i32
    %dma_wait3A_529 = arith.constant 0 : i32
    %dma_wait3A_530 = tpu.memref_slice %arg9[%dma_wait3A_528, %dma_wait3A_529] : memref<320000x128xf32, #tpu.memory_space<hbm>> -> memref<80x128xf32, #tpu.memory_space<hbm>>
    %dma_wait3A_531 = arith.constant 0 : i32
    %dma_wait3A_532 = arith.constant 0 : i32
    %dma_wait3A_533 = tpu.memref_slice %arg9[%dma_wait3A_531, %dma_wait3A_532] : memref<320000x128xf32, #tpu.memory_space<hbm>> -> memref<80x128xf32, #tpu.memory_space<hbm>>
    tpu.wait_dma2 semaphore(%arg32 : memref<!tpu.dma_semaphore, #tpu.memory_space<semaphore_mem>>) src(%arg20 : memref<80x128xf32, #tpu.memory_space<vmem>>) dst(%dma_wait3A_533 : memref<80x128xf32, #tpu.memory_space<hbm>>)
    %dma_wait3A_534 = arith.constant 0 : i32
    %dma_wait3A_535 = arith.constant 0 : i32
    %dma_wait3A_536 = tpu.memref_slice %arg26[%dma_wait3A_534, %dma_wait3A_535] : memref<4x80xf32, #tpu.memory_space<vmem>> -> memref<1x80xf32, #tpu.memory_space<vmem>>
    %dma_wait3A_537 = tpu.memref_squeeze %dma_wait3A_536 : memref<1x80xf32, #tpu.memory_space<vmem>> -> memref<80xf32, #tpu.memory_space<vmem>>
    %dma_wait3A_538 = arith.constant 0 : i32
    %dma_wait3A_539 = tpu.memref_slice %arg10[%dma_wait3A_538] : memref<320000xf32, #tpu.memory_space<hbm>> -> memref<80xf32, #tpu.memory_space<hbm>>
    %dma_wait3A_540 = arith.constant 0 : i32
    %dma_wait3A_541 = tpu.memref_slice %arg10[%dma_wait3A_540] : memref<320000xf32, #tpu.memory_space<hbm>> -> memref<80xf32, #tpu.memory_space<hbm>>
    %dma_wait3A_542 = arith.constant 0 : i32
    %dma_wait3A_543 = tpu.memref_slice %arg26[%dma_wait3A_534, %dma_wait3A_542] : memref<4x80xf32, #tpu.memory_space<vmem>> -> memref<1x80xf32, #tpu.memory_space<vmem>>
    %dma_wait3A_544 = tpu.memref_squeeze %dma_wait3A_543 : memref<1x80xf32, #tpu.memory_space<vmem>> -> memref<80xf32, #tpu.memory_space<vmem>>
    tpu.wait_dma2 semaphore(%arg32 : memref<!tpu.dma_semaphore, #tpu.memory_space<semaphore_mem>>) src(%dma_wait3A_544 : memref<80xf32, #tpu.memory_space<vmem>>) dst(%dma_wait3A_541 : memref<80xf32, #tpu.memory_space<hbm>>)
    %dma_wait3A_545 = arith.constant 1 : i32
    %dma_wait3A_546 = arith.constant 0 : i32
    %dma_wait3A_547 = tpu.memref_slice %arg26[%dma_wait3A_545, %dma_wait3A_546] : memref<4x80xf32, #tpu.memory_space<vmem>> -> memref<1x80xf32, #tpu.memory_space<vmem>>
    %dma_wait3A_548 = tpu.memref_squeeze %dma_wait3A_547 : memref<1x80xf32, #tpu.memory_space<vmem>> -> memref<80xf32, #tpu.memory_space<vmem>>
    %dma_wait3A_549 = arith.constant 0 : i32
    %dma_wait3A_550 = tpu.memref_slice %arg11[%dma_wait3A_549] : memref<320000xf32, #tpu.memory_space<hbm>> -> memref<80xf32, #tpu.memory_space<hbm>>
    %dma_wait3A_551 = arith.constant 0 : i32
    %dma_wait3A_552 = tpu.memref_slice %arg11[%dma_wait3A_551] : memref<320000xf32, #tpu.memory_space<hbm>> -> memref<80xf32, #tpu.memory_space<hbm>>
    %dma_wait3A_553 = arith.constant 0 : i32
    %dma_wait3A_554 = tpu.memref_slice %arg26[%dma_wait3A_545, %dma_wait3A_553] : memref<4x80xf32, #tpu.memory_space<vmem>> -> memref<1x80xf32, #tpu.memory_space<vmem>>
    %dma_wait3A_555 = tpu.memref_squeeze %dma_wait3A_554 : memref<1x80xf32, #tpu.memory_space<vmem>> -> memref<80xf32, #tpu.memory_space<vmem>>
    tpu.wait_dma2 semaphore(%arg32 : memref<!tpu.dma_semaphore, #tpu.memory_space<semaphore_mem>>) src(%dma_wait3A_555 : memref<80xf32, #tpu.memory_space<vmem>>) dst(%dma_wait3A_552 : memref<80xf32, #tpu.memory_space<hbm>>)
    %dma_wait3A_556 = arith.constant 2 : i32
    %dma_wait3A_557 = arith.constant 0 : i32
    %dma_wait3A_558 = tpu.memref_slice %arg26[%dma_wait3A_556, %dma_wait3A_557] : memref<4x80xf32, #tpu.memory_space<vmem>> -> memref<1x80xf32, #tpu.memory_space<vmem>>
    %dma_wait3A_559 = tpu.memref_squeeze %dma_wait3A_558 : memref<1x80xf32, #tpu.memory_space<vmem>> -> memref<80xf32, #tpu.memory_space<vmem>>
    %dma_wait3A_560 = arith.constant 0 : i32
    %dma_wait3A_561 = tpu.memref_slice %arg12[%dma_wait3A_560] : memref<320000xf32, #tpu.memory_space<hbm>> -> memref<80xf32, #tpu.memory_space<hbm>>
    %dma_wait3A_562 = arith.constant 0 : i32
    %dma_wait3A_563 = tpu.memref_slice %arg12[%dma_wait3A_562] : memref<320000xf32, #tpu.memory_space<hbm>> -> memref<80xf32, #tpu.memory_space<hbm>>
    %dma_wait3A_564 = arith.constant 0 : i32
    %dma_wait3A_565 = tpu.memref_slice %arg26[%dma_wait3A_556, %dma_wait3A_564] : memref<4x80xf32, #tpu.memory_space<vmem>> -> memref<1x80xf32, #tpu.memory_space<vmem>>
    %dma_wait3A_566 = tpu.memref_squeeze %dma_wait3A_565 : memref<1x80xf32, #tpu.memory_space<vmem>> -> memref<80xf32, #tpu.memory_space<vmem>>
    tpu.wait_dma2 semaphore(%arg32 : memref<!tpu.dma_semaphore, #tpu.memory_space<semaphore_mem>>) src(%dma_wait3A_566 : memref<80xf32, #tpu.memory_space<vmem>>) dst(%dma_wait3A_563 : memref<80xf32, #tpu.memory_space<hbm>>)
    %dma_wait3A_567 = arith.constant 3 : i32
    %dma_wait3A_568 = arith.constant 0 : i32
    %dma_wait3A_569 = tpu.memref_slice %arg26[%dma_wait3A_567, %dma_wait3A_568] : memref<4x80xf32, #tpu.memory_space<vmem>> -> memref<1x80xf32, #tpu.memory_space<vmem>>
    %dma_wait3A_570 = tpu.memref_squeeze %dma_wait3A_569 : memref<1x80xf32, #tpu.memory_space<vmem>> -> memref<80xf32, #tpu.memory_space<vmem>>
    %dma_wait3A_571 = arith.constant 0 : i32
    %dma_wait3A_572 = tpu.memref_slice %arg13[%dma_wait3A_571] : memref<320000xf32, #tpu.memory_space<hbm>> -> memref<80xf32, #tpu.memory_space<hbm>>
    %dma_wait3A_573 = arith.constant 0 : i32
    %dma_wait3A_574 = tpu.memref_slice %arg13[%dma_wait3A_573] : memref<320000xf32, #tpu.memory_space<hbm>> -> memref<80xf32, #tpu.memory_space<hbm>>
    %dma_wait3A_575 = arith.constant 0 : i32
    %dma_wait3A_576 = tpu.memref_slice %arg26[%dma_wait3A_567, %dma_wait3A_575] : memref<4x80xf32, #tpu.memory_space<vmem>> -> memref<1x80xf32, #tpu.memory_space<vmem>>
    %dma_wait3A_577 = tpu.memref_squeeze %dma_wait3A_576 : memref<1x80xf32, #tpu.memory_space<vmem>> -> memref<80xf32, #tpu.memory_space<vmem>>
    tpu.wait_dma2 semaphore(%arg32 : memref<!tpu.dma_semaphore, #tpu.memory_space<semaphore_mem>>) src(%dma_wait3A_577 : memref<80xf32, #tpu.memory_space<vmem>>) dst(%dma_wait3A_574 : memref<80xf32, #tpu.memory_space<hbm>>)
    %dma_wait3A_578 = arith.constant 0 : i32
    %dma_wait3A_579 = arith.constant 0 : i32
    %dma_wait3A_580 = tpu.memref_slice %arg9[%dma_wait3A_578, %dma_wait3A_579] : memref<320000x128xf32, #tpu.memory_space<hbm>> -> memref<80x128xf32, #tpu.memory_space<hbm>>
    %dma_wait3A_581 = arith.constant 0 : i32
    %dma_wait3A_582 = arith.constant 0 : i32
    %dma_wait3A_583 = tpu.memref_slice %arg9[%dma_wait3A_581, %dma_wait3A_582] : memref<320000x128xf32, #tpu.memory_space<hbm>> -> memref<80x128xf32, #tpu.memory_space<hbm>>
    tpu.wait_dma2 semaphore(%arg33 : memref<!tpu.dma_semaphore, #tpu.memory_space<semaphore_mem>>) src(%arg21 : memref<80x128xf32, #tpu.memory_space<vmem>>) dst(%dma_wait3A_583 : memref<80x128xf32, #tpu.memory_space<hbm>>)
    %dma_wait3A_584 = arith.constant 0 : i32
    %dma_wait3A_585 = arith.constant 0 : i32
    %dma_wait3A_586 = tpu.memref_slice %arg27[%dma_wait3A_584, %dma_wait3A_585] : memref<4x80xf32, #tpu.memory_space<vmem>> -> memref<1x80xf32, #tpu.memory_space<vmem>>
    %dma_wait3A_587 = tpu.memref_squeeze %dma_wait3A_586 : memref<1x80xf32, #tpu.memory_space<vmem>> -> memref<80xf32, #tpu.memory_space<vmem>>
    %dma_wait3A_588 = arith.constant 0 : i32
    %dma_wait3A_589 = tpu.memref_slice %arg10[%dma_wait3A_588] : memref<320000xf32, #tpu.memory_space<hbm>> -> memref<80xf32, #tpu.memory_space<hbm>>
    %dma_wait3A_590 = arith.constant 0 : i32
    %dma_wait3A_591 = tpu.memref_slice %arg10[%dma_wait3A_590] : memref<320000xf32, #tpu.memory_space<hbm>> -> memref<80xf32, #tpu.memory_space<hbm>>
    %dma_wait3A_592 = arith.constant 0 : i32
    %dma_wait3A_593 = tpu.memref_slice %arg27[%dma_wait3A_584, %dma_wait3A_592] : memref<4x80xf32, #tpu.memory_space<vmem>> -> memref<1x80xf32, #tpu.memory_space<vmem>>
    %dma_wait3A_594 = tpu.memref_squeeze %dma_wait3A_593 : memref<1x80xf32, #tpu.memory_space<vmem>> -> memref<80xf32, #tpu.memory_space<vmem>>
    tpu.wait_dma2 semaphore(%arg33 : memref<!tpu.dma_semaphore, #tpu.memory_space<semaphore_mem>>) src(%dma_wait3A_594 : memref<80xf32, #tpu.memory_space<vmem>>) dst(%dma_wait3A_591 : memref<80xf32, #tpu.memory_space<hbm>>)
    %dma_wait3A_595 = arith.constant 1 : i32
    %dma_wait3A_596 = arith.constant 0 : i32
    %dma_wait3A_597 = tpu.memref_slice %arg27[%dma_wait3A_595, %dma_wait3A_596] : memref<4x80xf32, #tpu.memory_space<vmem>> -> memref<1x80xf32, #tpu.memory_space<vmem>>
    %dma_wait3A_598 = tpu.memref_squeeze %dma_wait3A_597 : memref<1x80xf32, #tpu.memory_space<vmem>> -> memref<80xf32, #tpu.memory_space<vmem>>
    %dma_wait3A_599 = arith.constant 0 : i32
    %dma_wait3A_600 = tpu.memref_slice %arg11[%dma_wait3A_599] : memref<320000xf32, #tpu.memory_space<hbm>> -> memref<80xf32, #tpu.memory_space<hbm>>
    %dma_wait3A_601 = arith.constant 0 : i32
    %dma_wait3A_602 = tpu.memref_slice %arg11[%dma_wait3A_601] : memref<320000xf32, #tpu.memory_space<hbm>> -> memref<80xf32, #tpu.memory_space<hbm>>
    %dma_wait3A_603 = arith.constant 0 : i32
    %dma_wait3A_604 = tpu.memref_slice %arg27[%dma_wait3A_595, %dma_wait3A_603] : memref<4x80xf32, #tpu.memory_space<vmem>> -> memref<1x80xf32, #tpu.memory_space<vmem>>
    %dma_wait3A_605 = tpu.memref_squeeze %dma_wait3A_604 : memref<1x80xf32, #tpu.memory_space<vmem>> -> memref<80xf32, #tpu.memory_space<vmem>>
    tpu.wait_dma2 semaphore(%arg33 : memref<!tpu.dma_semaphore, #tpu.memory_space<semaphore_mem>>) src(%dma_wait3A_605 : memref<80xf32, #tpu.memory_space<vmem>>) dst(%dma_wait3A_602 : memref<80xf32, #tpu.memory_space<hbm>>)
    %dma_wait3A_606 = arith.constant 2 : i32
    %dma_wait3A_607 = arith.constant 0 : i32
    %dma_wait3A_608 = tpu.memref_slice %arg27[%dma_wait3A_606, %dma_wait3A_607] : memref<4x80xf32, #tpu.memory_space<vmem>> -> memref<1x80xf32, #tpu.memory_space<vmem>>
    %dma_wait3A_609 = tpu.memref_squeeze %dma_wait3A_608 : memref<1x80xf32, #tpu.memory_space<vmem>> -> memref<80xf32, #tpu.memory_space<vmem>>
    %dma_wait3A_610 = arith.constant 0 : i32
    %dma_wait3A_611 = tpu.memref_slice %arg12[%dma_wait3A_610] : memref<320000xf32, #tpu.memory_space<hbm>> -> memref<80xf32, #tpu.memory_space<hbm>>
    %dma_wait3A_612 = arith.constant 0 : i32
    %dma_wait3A_613 = tpu.memref_slice %arg12[%dma_wait3A_612] : memref<320000xf32, #tpu.memory_space<hbm>> -> memref<80xf32, #tpu.memory_space<hbm>>
    %dma_wait3A_614 = arith.constant 0 : i32
    %dma_wait3A_615 = tpu.memref_slice %arg27[%dma_wait3A_606, %dma_wait3A_614] : memref<4x80xf32, #tpu.memory_space<vmem>> -> memref<1x80xf32, #tpu.memory_space<vmem>>
    %dma_wait3A_616 = tpu.memref_squeeze %dma_wait3A_615 : memref<1x80xf32, #tpu.memory_space<vmem>> -> memref<80xf32, #tpu.memory_space<vmem>>
    tpu.wait_dma2 semaphore(%arg33 : memref<!tpu.dma_semaphore, #tpu.memory_space<semaphore_mem>>) src(%dma_wait3A_616 : memref<80xf32, #tpu.memory_space<vmem>>) dst(%dma_wait3A_613 : memref<80xf32, #tpu.memory_space<hbm>>)
    %dma_wait3A_617 = arith.constant 3 : i32
    %dma_wait3A_618 = arith.constant 0 : i32
    %dma_wait3A_619 = tpu.memref_slice %arg27[%dma_wait3A_617, %dma_wait3A_618] : memref<4x80xf32, #tpu.memory_space<vmem>> -> memref<1x80xf32, #tpu.memory_space<vmem>>
    %dma_wait3A_620 = tpu.memref_squeeze %dma_wait3A_619 : memref<1x80xf32, #tpu.memory_space<vmem>> -> memref<80xf32, #tpu.memory_space<vmem>>
    %dma_wait3A_621 = arith.constant 0 : i32
    %dma_wait3A_622 = tpu.memref_slice %arg13[%dma_wait3A_621] : memref<320000xf32, #tpu.memory_space<hbm>> -> memref<80xf32, #tpu.memory_space<hbm>>
    %dma_wait3A_623 = arith.constant 0 : i32
    %dma_wait3A_624 = tpu.memref_slice %arg13[%dma_wait3A_623] : memref<320000xf32, #tpu.memory_space<hbm>> -> memref<80xf32, #tpu.memory_space<hbm>>
    %dma_wait3A_625 = arith.constant 0 : i32
    %dma_wait3A_626 = tpu.memref_slice %arg27[%dma_wait3A_617, %dma_wait3A_625] : memref<4x80xf32, #tpu.memory_space<vmem>> -> memref<1x80xf32, #tpu.memory_space<vmem>>
    %dma_wait3A_627 = tpu.memref_squeeze %dma_wait3A_626 : memref<1x80xf32, #tpu.memory_space<vmem>> -> memref<80xf32, #tpu.memory_space<vmem>>
    tpu.wait_dma2 semaphore(%arg33 : memref<!tpu.dma_semaphore, #tpu.memory_space<semaphore_mem>>) src(%dma_wait3A_627 : memref<80xf32, #tpu.memory_space<vmem>>) dst(%dma_wait3A_624 : memref<80xf32, #tpu.memory_space<hbm>>)
    return
  }
}

#map = affine_map<(d0, d1) -> (0, 0)>
#map1 = affine_map<(d0, d1) -> (0)>
#map2 = affine_map<(d0, d1) -> (0, 0, 0)>
module attributes {stable_mosaic.version = 14 : i64} {
  func.func @body_fn(%arg0: i32, %arg1: i32, %arg2: memref<320000x128xf32, #tpu.memory_space<hbm>>, %arg3: memref<320000xi32, #tpu.memory_space<hbm>>, %arg4: memref<10240x128xf32, #tpu.memory_space<hbm>>, %arg5: memref<2x10240x128xf32, #tpu.memory_space<hbm>>, %arg6: memref<80xi32, #tpu.memory_space<vmem>>, %arg7: memref<80xi32, #tpu.memory_space<vmem>>, %arg8: memref<80x128xf32, #tpu.memory_space<vmem>>, %arg9: memref<80x128xf32, #tpu.memory_space<vmem>>, %arg10: memref<!tpu.dma_semaphore, #tpu.memory_space<semaphore_mem>>, %arg11: memref<!tpu.dma_semaphore, #tpu.memory_space<semaphore_mem>>, %arg12: memref<10240x128xf32, #tpu.memory_space<vmem_shared>>) attributes {dimension_semantics = [#tpu.dimension_semantics<core_parallel>, #tpu.dimension_semantics<subcore_parallel>], iteration_bounds = array<i64: 2, 16>, scalar_prefetch = 0 : i64, scratch_operands = 7 : i64, tpu.core_type = #tpu.core_type<sc_vector_subcore>, window_params = [{transform_indices = #map}, {transform_indices = #map1}, {transform_indices = #map}, {transform_indices = #map2}]} {
    %mul3A = arith.constant 640 : i32
    %mul3A_0 = arith.muli %arg1, %mul3A : i32
    %mul3A_1 = arith.constant 640 : i32
    %mul3A_2 = arith.muli %arg1, %mul3A_1 : i32
    "tpu.region"() ({
      %run_scoped3A = tpu.sem_alloc : memref<!tpu.dma_semaphore, #tpu.memory_space<semaphore_mem>>
      %dma_start3A_41 = arith.constant 0 : i32
      %dma_start3A_42 = tpu.memref_slice %arg12[%mul3A_2, %dma_start3A_41] : memref<10240x128xf32, #tpu.memory_space<vmem_shared>> -> memref<640x128xf32, #tpu.memory_space<vmem_shared>>
      %dma_start3A_43 = arith.constant 0 : i32
      %dma_start3A_44 = tpu.memref_slice %arg4[%mul3A_0, %dma_start3A_43] : memref<10240x128xf32, #tpu.memory_space<hbm>> -> memref<640x128xf32, #tpu.memory_space<hbm>>
      tpu.enqueue_dma source(%dma_start3A_44 : memref<640x128xf32, #tpu.memory_space<hbm>>) target(%dma_start3A_42 : memref<640x128xf32, #tpu.memory_space<vmem_shared>>) target_semaphore(%run_scoped3A : memref<!tpu.dma_semaphore, #tpu.memory_space<semaphore_mem>>)
      %dma_wait3A_45 = arith.constant 0 : i32
      %dma_wait3A_46 = tpu.memref_slice %arg12[%mul3A_2, %dma_wait3A_45] : memref<10240x128xf32, #tpu.memory_space<vmem_shared>> -> memref<640x128xf32, #tpu.memory_space<vmem_shared>>
      %dma_wait3A_47 = arith.constant 0 : i32
      %dma_wait3A_48 = tpu.memref_slice %arg4[%mul3A_0, %dma_wait3A_47] : memref<10240x128xf32, #tpu.memory_space<hbm>> -> memref<640x128xf32, #tpu.memory_space<hbm>>
      tpu.wait_dma2 semaphore(%run_scoped3A : memref<!tpu.dma_semaphore, #tpu.memory_space<semaphore_mem>>) src(%dma_wait3A_48 : memref<640x128xf32, #tpu.memory_space<hbm>>) dst(%dma_wait3A_46 : memref<640x128xf32, #tpu.memory_space<vmem_shared>>)
      tpu.yield
    }) : () -> ()
    %barrier3A = arith.constant 0 : index
    tpu.barrier barrier_id(%barrier3A)
    %mul3A_3 = arith.constant 16 : i32
    %mul3A_4 = arith.muli %arg0, %mul3A_3 : i32
    %add3A = arith.addi %mul3A_4, %arg1 : i32
    %mul3A_5 = arith.constant 10000 : i32
    %mul3A_6 = arith.muli %add3A, %mul3A_5 : i32
    %add3A_7 = arith.constant 0 : i32
    %add3A_8 = arith.addi %mul3A_6, %add3A_7 : i32
    %dma_start3A = tpu.memref_slice %arg3[%add3A_8] : memref<320000xi32, #tpu.memory_space<hbm>> -> memref<80xi32, #tpu.memory_space<hbm>>
    %dma_start3A_9 = tpu.memref_slice %arg3[%add3A_8] : memref<320000xi32, #tpu.memory_space<hbm>> -> memref<80xi32, #tpu.memory_space<hbm>>
    tpu.enqueue_dma source(%dma_start3A_9 : memref<80xi32, #tpu.memory_space<hbm>>) target(%arg6 : memref<80xi32, #tpu.memory_space<vmem>>) target_semaphore(%arg10 : memref<!tpu.dma_semaphore, #tpu.memory_space<semaphore_mem>>)
    %dma_start3A_10 = arith.constant 0 : i32
    %dma_start3A_11 = tpu.memref_slice %arg2[%add3A_8, %dma_start3A_10] : memref<320000x128xf32, #tpu.memory_space<hbm>> -> memref<80x128xf32, #tpu.memory_space<hbm>>
    %dma_start3A_12 = arith.constant 0 : i32
    %dma_start3A_13 = tpu.memref_slice %arg2[%add3A_8, %dma_start3A_12] : memref<320000x128xf32, #tpu.memory_space<hbm>> -> memref<80x128xf32, #tpu.memory_space<hbm>>
    tpu.enqueue_dma source(%dma_start3A_13 : memref<80x128xf32, #tpu.memory_space<hbm>>) target(%arg8 : memref<80x128xf32, #tpu.memory_space<vmem>>) target_semaphore(%arg10 : memref<!tpu.dma_semaphore, #tpu.memory_space<semaphore_mem>>)
    %add3A_14 = arith.constant 80 : i32
    %add3A_15 = arith.addi %mul3A_6, %add3A_14 : i32
    %dma_start3A_16 = tpu.memref_slice %arg3[%add3A_15] : memref<320000xi32, #tpu.memory_space<hbm>> -> memref<80xi32, #tpu.memory_space<hbm>>
    %dma_start3A_17 = tpu.memref_slice %arg3[%add3A_15] : memref<320000xi32, #tpu.memory_space<hbm>> -> memref<80xi32, #tpu.memory_space<hbm>>
    tpu.enqueue_dma source(%dma_start3A_17 : memref<80xi32, #tpu.memory_space<hbm>>) target(%arg7 : memref<80xi32, #tpu.memory_space<vmem>>) target_semaphore(%arg11 : memref<!tpu.dma_semaphore, #tpu.memory_space<semaphore_mem>>)
    %dma_start3A_18 = arith.constant 0 : i32
    %dma_start3A_19 = tpu.memref_slice %arg2[%add3A_15, %dma_start3A_18] : memref<320000x128xf32, #tpu.memory_space<hbm>> -> memref<80x128xf32, #tpu.memory_space<hbm>>
    %dma_start3A_20 = arith.constant 0 : i32
    %dma_start3A_21 = tpu.memref_slice %arg2[%add3A_15, %dma_start3A_20] : memref<320000x128xf32, #tpu.memory_space<hbm>> -> memref<80x128xf32, #tpu.memory_space<hbm>>
    tpu.enqueue_dma source(%dma_start3A_21 : memref<80x128xf32, #tpu.memory_space<hbm>>) target(%arg9 : memref<80x128xf32, #tpu.memory_space<vmem>>) target_semaphore(%arg11 : memref<!tpu.dma_semaphore, #tpu.memory_space<semaphore_mem>>)
    %scan3A = arith.constant 0 : i32
    %scan3A_22 = arith.constant 0 : i32
    %scan3A_23 = arith.constant 62 : i32
    %scan3A_24 = arith.addi %scan3A_22, %scan3A_23 : i32
    %scan3A_25 = arith.constant 1 : i32
    scf.for %scan3A_41 = %scan3A_22 to %scan3A_24 step %scan3A_25  : i32 {
      %mul3A_42 = arith.constant 2 : i32
      %mul3A_43 = arith.muli %scan3A_41, %mul3A_42 : i32
      %dma_wait3A_44 = arith.constant 0 : i32
      %dma_wait3A_45 = tpu.memref_slice %arg3[%dma_wait3A_44] : memref<320000xi32, #tpu.memory_space<hbm>> -> memref<80xi32, #tpu.memory_space<hbm>>
      %dma_wait3A_46 = arith.constant 0 : i32
      %dma_wait3A_47 = tpu.memref_slice %arg3[%dma_wait3A_46] : memref<320000xi32, #tpu.memory_space<hbm>> -> memref<80xi32, #tpu.memory_space<hbm>>
      tpu.wait_dma2 semaphore(%arg10 : memref<!tpu.dma_semaphore, #tpu.memory_space<semaphore_mem>>) src(%dma_wait3A_47 : memref<80xi32, #tpu.memory_space<hbm>>) dst(%arg6 : memref<80xi32, #tpu.memory_space<vmem>>)
      %dma_wait3A_48 = arith.constant 0 : i32
      %dma_wait3A_49 = arith.constant 0 : i32
      %dma_wait3A_50 = tpu.memref_slice %arg2[%dma_wait3A_48, %dma_wait3A_49] : memref<320000x128xf32, #tpu.memory_space<hbm>> -> memref<80x128xf32, #tpu.memory_space<hbm>>
      %dma_wait3A_51 = arith.constant 0 : i32
      %dma_wait3A_52 = arith.constant 0 : i32
      %dma_wait3A_53 = tpu.memref_slice %arg2[%dma_wait3A_51, %dma_wait3A_52] : memref<320000x128xf32, #tpu.memory_space<hbm>> -> memref<80x128xf32, #tpu.memory_space<hbm>>
      tpu.wait_dma2 semaphore(%arg10 : memref<!tpu.dma_semaphore, #tpu.memory_space<semaphore_mem>>) src(%dma_wait3A_53 : memref<80x128xf32, #tpu.memory_space<hbm>>) dst(%arg8 : memref<80x128xf32, #tpu.memory_space<vmem>>)
      "tpu.region"() ({
        %run_scoped3A = tpu.sem_alloc : memref<!tpu.dma_semaphore, #tpu.memory_space<semaphore_mem>>
        %dma_start3A_77 = arith.constant 0 : i32
        %dma_start3A_78 = arith.constant 0 : i32
        %dma_start3A_79 = tpu.memref_slice %arg12[%dma_start3A_77, %dma_start3A_78] : memref<10240x128xf32, #tpu.memory_space<vmem_shared>> -> memref<10240x128xf32, #tpu.memory_space<vmem_shared>>
        tpu.enqueue_indirect_dma source(%arg8 : memref<80x128xf32, #tpu.memory_space<vmem>>) target(%dma_start3A_79 : memref<10240x128xf32, #tpu.memory_space<vmem_shared>>) offsets(%arg6 : memref<80xi32, #tpu.memory_space<vmem>>) semaphore(%run_scoped3A : memref<!tpu.dma_semaphore, #tpu.memory_space<semaphore_mem>>) {add = true}
        %dma_wait3A_80 = arith.constant 0 : i32
        %dma_wait3A_81 = arith.constant 0 : i32
        %dma_wait3A_82 = tpu.memref_slice %arg12[%dma_wait3A_80, %dma_wait3A_81] : memref<10240x128xf32, #tpu.memory_space<vmem_shared>> -> memref<10240x128xf32, #tpu.memory_space<vmem_shared>>
        tpu.wait_indirect_dma semaphore(%run_scoped3A : memref<!tpu.dma_semaphore, #tpu.memory_space<semaphore_mem>>) src(%arg8 : memref<80x128xf32, #tpu.memory_space<vmem>>) dst(%dma_wait3A_82 : memref<10240x128xf32, #tpu.memory_space<vmem_shared>>)
        tpu.yield
      }) : () -> ()
      %add3A_54 = arith.constant 2 : i32
      %add3A_55 = arith.addi %mul3A_43, %add3A_54 : i32
      %lt3A = arith.constant 125 : i32
      %lt3A_56 = arith.cmpi slt, %add3A_55, %lt3A : i32
      %convert_element_type3A = arith.extui %lt3A_56 : i1 to i32
      %cond3A = arith.constant 0 : i32
      %cond3A_57 = arith.cmpi ne, %convert_element_type3A, %cond3A : i32
      scf.if %cond3A_57 {
        %add3A_77 = arith.constant 2 : i32
        %add3A_78 = arith.addi %mul3A_43, %add3A_77 : i32
        %mul3A_79 = arith.constant 80 : i32
        %mul3A_80 = arith.muli %add3A_78, %mul3A_79 : i32
        %add3A_81 = arith.addi %mul3A_6, %mul3A_80 : i32
        %dma_start3A_82 = tpu.memref_slice %arg3[%add3A_81] : memref<320000xi32, #tpu.memory_space<hbm>> -> memref<80xi32, #tpu.memory_space<hbm>>
        %dma_start3A_83 = tpu.memref_slice %arg3[%add3A_81] : memref<320000xi32, #tpu.memory_space<hbm>> -> memref<80xi32, #tpu.memory_space<hbm>>
        tpu.enqueue_dma source(%dma_start3A_83 : memref<80xi32, #tpu.memory_space<hbm>>) target(%arg6 : memref<80xi32, #tpu.memory_space<vmem>>) target_semaphore(%arg10 : memref<!tpu.dma_semaphore, #tpu.memory_space<semaphore_mem>>)
        %dma_start3A_84 = arith.constant 0 : i32
        %dma_start3A_85 = tpu.memref_slice %arg2[%add3A_81, %dma_start3A_84] : memref<320000x128xf32, #tpu.memory_space<hbm>> -> memref<80x128xf32, #tpu.memory_space<hbm>>
        %dma_start3A_86 = arith.constant 0 : i32
        %dma_start3A_87 = tpu.memref_slice %arg2[%add3A_81, %dma_start3A_86] : memref<320000x128xf32, #tpu.memory_space<hbm>> -> memref<80x128xf32, #tpu.memory_space<hbm>>
        tpu.enqueue_dma source(%dma_start3A_87 : memref<80x128xf32, #tpu.memory_space<hbm>>) target(%arg8 : memref<80x128xf32, #tpu.memory_space<vmem>>) target_semaphore(%arg10 : memref<!tpu.dma_semaphore, #tpu.memory_space<semaphore_mem>>)
      } else {
      }
      %add3A_58 = arith.constant 1 : i32
      %add3A_59 = arith.addi %mul3A_43, %add3A_58 : i32
      %dma_wait3A_60 = arith.constant 0 : i32
      %dma_wait3A_61 = tpu.memref_slice %arg3[%dma_wait3A_60] : memref<320000xi32, #tpu.memory_space<hbm>> -> memref<80xi32, #tpu.memory_space<hbm>>
      %dma_wait3A_62 = arith.constant 0 : i32
      %dma_wait3A_63 = tpu.memref_slice %arg3[%dma_wait3A_62] : memref<320000xi32, #tpu.memory_space<hbm>> -> memref<80xi32, #tpu.memory_space<hbm>>
      tpu.wait_dma2 semaphore(%arg11 : memref<!tpu.dma_semaphore, #tpu.memory_space<semaphore_mem>>) src(%dma_wait3A_63 : memref<80xi32, #tpu.memory_space<hbm>>) dst(%arg7 : memref<80xi32, #tpu.memory_space<vmem>>)
      %dma_wait3A_64 = arith.constant 0 : i32
      %dma_wait3A_65 = arith.constant 0 : i32
      %dma_wait3A_66 = tpu.memref_slice %arg2[%dma_wait3A_64, %dma_wait3A_65] : memref<320000x128xf32, #tpu.memory_space<hbm>> -> memref<80x128xf32, #tpu.memory_space<hbm>>
      %dma_wait3A_67 = arith.constant 0 : i32
      %dma_wait3A_68 = arith.constant 0 : i32
      %dma_wait3A_69 = tpu.memref_slice %arg2[%dma_wait3A_67, %dma_wait3A_68] : memref<320000x128xf32, #tpu.memory_space<hbm>> -> memref<80x128xf32, #tpu.memory_space<hbm>>
      tpu.wait_dma2 semaphore(%arg11 : memref<!tpu.dma_semaphore, #tpu.memory_space<semaphore_mem>>) src(%dma_wait3A_69 : memref<80x128xf32, #tpu.memory_space<hbm>>) dst(%arg9 : memref<80x128xf32, #tpu.memory_space<vmem>>)
      "tpu.region"() ({
        %run_scoped3A = tpu.sem_alloc : memref<!tpu.dma_semaphore, #tpu.memory_space<semaphore_mem>>
        %dma_start3A_77 = arith.constant 0 : i32
        %dma_start3A_78 = arith.constant 0 : i32
        %dma_start3A_79 = tpu.memref_slice %arg12[%dma_start3A_77, %dma_start3A_78] : memref<10240x128xf32, #tpu.memory_space<vmem_shared>> -> memref<10240x128xf32, #tpu.memory_space<vmem_shared>>
        tpu.enqueue_indirect_dma source(%arg9 : memref<80x128xf32, #tpu.memory_space<vmem>>) target(%dma_start3A_79 : memref<10240x128xf32, #tpu.memory_space<vmem_shared>>) offsets(%arg7 : memref<80xi32, #tpu.memory_space<vmem>>) semaphore(%run_scoped3A : memref<!tpu.dma_semaphore, #tpu.memory_space<semaphore_mem>>) {add = true}
        %dma_wait3A_80 = arith.constant 0 : i32
        %dma_wait3A_81 = arith.constant 0 : i32
        %dma_wait3A_82 = tpu.memref_slice %arg12[%dma_wait3A_80, %dma_wait3A_81] : memref<10240x128xf32, #tpu.memory_space<vmem_shared>> -> memref<10240x128xf32, #tpu.memory_space<vmem_shared>>
        tpu.wait_indirect_dma semaphore(%run_scoped3A : memref<!tpu.dma_semaphore, #tpu.memory_space<semaphore_mem>>) src(%arg9 : memref<80x128xf32, #tpu.memory_space<vmem>>) dst(%dma_wait3A_82 : memref<10240x128xf32, #tpu.memory_space<vmem_shared>>)
        tpu.yield
      }) : () -> ()
      %add3A_70 = arith.constant 2 : i32
      %add3A_71 = arith.addi %add3A_59, %add3A_70 : i32
      %lt3A_72 = arith.constant 125 : i32
      %lt3A_73 = arith.cmpi slt, %add3A_71, %lt3A_72 : i32
      %convert_element_type3A_74 = arith.extui %lt3A_73 : i1 to i32
      %cond3A_75 = arith.constant 0 : i32
      %cond3A_76 = arith.cmpi ne, %convert_element_type3A_74, %cond3A_75 : i32
      scf.if %cond3A_76 {
        %add3A_77 = arith.constant 2 : i32
        %add3A_78 = arith.addi %add3A_59, %add3A_77 : i32
        %mul3A_79 = arith.constant 80 : i32
        %mul3A_80 = arith.muli %add3A_78, %mul3A_79 : i32
        %add3A_81 = arith.addi %mul3A_6, %mul3A_80 : i32
        %dma_start3A_82 = tpu.memref_slice %arg3[%add3A_81] : memref<320000xi32, #tpu.memory_space<hbm>> -> memref<80xi32, #tpu.memory_space<hbm>>
        %dma_start3A_83 = tpu.memref_slice %arg3[%add3A_81] : memref<320000xi32, #tpu.memory_space<hbm>> -> memref<80xi32, #tpu.memory_space<hbm>>
        tpu.enqueue_dma source(%dma_start3A_83 : memref<80xi32, #tpu.memory_space<hbm>>) target(%arg7 : memref<80xi32, #tpu.memory_space<vmem>>) target_semaphore(%arg11 : memref<!tpu.dma_semaphore, #tpu.memory_space<semaphore_mem>>)
        %dma_start3A_84 = arith.constant 0 : i32
        %dma_start3A_85 = tpu.memref_slice %arg2[%add3A_81, %dma_start3A_84] : memref<320000x128xf32, #tpu.memory_space<hbm>> -> memref<80x128xf32, #tpu.memory_space<hbm>>
        %dma_start3A_86 = arith.constant 0 : i32
        %dma_start3A_87 = tpu.memref_slice %arg2[%add3A_81, %dma_start3A_86] : memref<320000x128xf32, #tpu.memory_space<hbm>> -> memref<80x128xf32, #tpu.memory_space<hbm>>
        tpu.enqueue_dma source(%dma_start3A_87 : memref<80x128xf32, #tpu.memory_space<hbm>>) target(%arg9 : memref<80x128xf32, #tpu.memory_space<vmem>>) target_semaphore(%arg11 : memref<!tpu.dma_semaphore, #tpu.memory_space<semaphore_mem>>)
      } else {
      }
    }
    %scan3A_26 = arith.constant 62 : i32
    %dma_wait3A = arith.constant 0 : i32
    %dma_wait3A_27 = tpu.memref_slice %arg3[%dma_wait3A] : memref<320000xi32, #tpu.memory_space<hbm>> -> memref<80xi32, #tpu.memory_space<hbm>>
    %dma_wait3A_28 = arith.constant 0 : i32
    %dma_wait3A_29 = tpu.memref_slice %arg3[%dma_wait3A_28] : memref<320000xi32, #tpu.memory_space<hbm>> -> memref<80xi32, #tpu.memory_space<hbm>>
    tpu.wait_dma2 semaphore(%arg10 : memref<!tpu.dma_semaphore, #tpu.memory_space<semaphore_mem>>) src(%dma_wait3A_29 : memref<80xi32, #tpu.memory_space<hbm>>) dst(%arg6 : memref<80xi32, #tpu.memory_space<vmem>>)
    %dma_wait3A_30 = arith.constant 0 : i32
    %dma_wait3A_31 = arith.constant 0 : i32
    %dma_wait3A_32 = tpu.memref_slice %arg2[%dma_wait3A_30, %dma_wait3A_31] : memref<320000x128xf32, #tpu.memory_space<hbm>> -> memref<80x128xf32, #tpu.memory_space<hbm>>
    %dma_wait3A_33 = arith.constant 0 : i32
    %dma_wait3A_34 = arith.constant 0 : i32
    %dma_wait3A_35 = tpu.memref_slice %arg2[%dma_wait3A_33, %dma_wait3A_34] : memref<320000x128xf32, #tpu.memory_space<hbm>> -> memref<80x128xf32, #tpu.memory_space<hbm>>
    tpu.wait_dma2 semaphore(%arg10 : memref<!tpu.dma_semaphore, #tpu.memory_space<semaphore_mem>>) src(%dma_wait3A_35 : memref<80x128xf32, #tpu.memory_space<hbm>>) dst(%arg8 : memref<80x128xf32, #tpu.memory_space<vmem>>)
    "tpu.region"() ({
      %run_scoped3A = tpu.sem_alloc : memref<!tpu.dma_semaphore, #tpu.memory_space<semaphore_mem>>
      %dma_start3A_41 = arith.constant 0 : i32
      %dma_start3A_42 = arith.constant 0 : i32
      %dma_start3A_43 = tpu.memref_slice %arg12[%dma_start3A_41, %dma_start3A_42] : memref<10240x128xf32, #tpu.memory_space<vmem_shared>> -> memref<10240x128xf32, #tpu.memory_space<vmem_shared>>
      tpu.enqueue_indirect_dma source(%arg8 : memref<80x128xf32, #tpu.memory_space<vmem>>) target(%dma_start3A_43 : memref<10240x128xf32, #tpu.memory_space<vmem_shared>>) offsets(%arg6 : memref<80xi32, #tpu.memory_space<vmem>>) semaphore(%run_scoped3A : memref<!tpu.dma_semaphore, #tpu.memory_space<semaphore_mem>>) {add = true}
      %dma_wait3A_44 = arith.constant 0 : i32
      %dma_wait3A_45 = arith.constant 0 : i32
      %dma_wait3A_46 = tpu.memref_slice %arg12[%dma_wait3A_44, %dma_wait3A_45] : memref<10240x128xf32, #tpu.memory_space<vmem_shared>> -> memref<10240x128xf32, #tpu.memory_space<vmem_shared>>
      tpu.wait_indirect_dma semaphore(%run_scoped3A : memref<!tpu.dma_semaphore, #tpu.memory_space<semaphore_mem>>) src(%arg8 : memref<80x128xf32, #tpu.memory_space<vmem>>) dst(%dma_wait3A_46 : memref<10240x128xf32, #tpu.memory_space<vmem_shared>>)
      tpu.yield
    }) : () -> ()
    %barrier3A_36 = arith.constant 0 : index
    tpu.barrier barrier_id(%barrier3A_36)
    %mul3A_37 = arith.constant 640 : i32
    %mul3A_38 = arith.muli %arg1, %mul3A_37 : i32
    %mul3A_39 = arith.constant 640 : i32
    %mul3A_40 = arith.muli %arg1, %mul3A_39 : i32
    "tpu.region"() ({
      %run_scoped3A = tpu.sem_alloc : memref<!tpu.dma_semaphore, #tpu.memory_space<semaphore_mem>>
      %dma_start3A_41 = arith.constant 0 : i32
      %dma_start3A_42 = tpu.memref_slice %arg5[%arg0, %mul3A_40, %dma_start3A_41] : memref<2x10240x128xf32, #tpu.memory_space<hbm>> -> memref<1x640x128xf32, #tpu.memory_space<hbm>>
      %dma_start3A_43 = tpu.memref_squeeze %dma_start3A_42 : memref<1x640x128xf32, #tpu.memory_space<hbm>> -> memref<640x128xf32, #tpu.memory_space<hbm>>
      %dma_start3A_44 = arith.constant 0 : i32
      %dma_start3A_45 = tpu.memref_slice %arg12[%mul3A_38, %dma_start3A_44] : memref<10240x128xf32, #tpu.memory_space<vmem_shared>> -> memref<640x128xf32, #tpu.memory_space<vmem_shared>>
      tpu.enqueue_dma source(%dma_start3A_45 : memref<640x128xf32, #tpu.memory_space<vmem_shared>>) target(%dma_start3A_43 : memref<640x128xf32, #tpu.memory_space<hbm>>) target_semaphore(%run_scoped3A : memref<!tpu.dma_semaphore, #tpu.memory_space<semaphore_mem>>)
      %dma_wait3A_46 = arith.constant 0 : i32
      %dma_wait3A_47 = tpu.memref_slice %arg5[%arg0, %mul3A_40, %dma_wait3A_46] : memref<2x10240x128xf32, #tpu.memory_space<hbm>> -> memref<1x640x128xf32, #tpu.memory_space<hbm>>
      %dma_wait3A_48 = tpu.memref_squeeze %dma_wait3A_47 : memref<1x640x128xf32, #tpu.memory_space<hbm>> -> memref<640x128xf32, #tpu.memory_space<hbm>>
      %dma_wait3A_49 = arith.constant 0 : i32
      %dma_wait3A_50 = tpu.memref_slice %arg12[%mul3A_38, %dma_wait3A_49] : memref<10240x128xf32, #tpu.memory_space<vmem_shared>> -> memref<640x128xf32, #tpu.memory_space<vmem_shared>>
      tpu.wait_dma2 semaphore(%run_scoped3A : memref<!tpu.dma_semaphore, #tpu.memory_space<semaphore_mem>>) src(%dma_wait3A_50 : memref<640x128xf32, #tpu.memory_space<vmem_shared>>) dst(%dma_wait3A_48 : memref<640x128xf32, #tpu.memory_space<hbm>>)
      tpu.yield
    }) : () -> ()
    return
  }
}

#map = affine_map<(d0, d1) -> (0)>
#map1 = affine_map<(d0, d1) -> (0, 0)>
module attributes {stable_mosaic.version = 14 : i64} {
  func.func @body_fn(%arg0: i32, %arg1: i32, %arg2: memref<320000xi32, #tpu.memory_space<hbm>>, %arg3: memref<320000xf32, #tpu.memory_space<hbm>>, %arg4: memref<320000xf32, #tpu.memory_space<hbm>>, %arg5: memref<320000xf32, #tpu.memory_space<hbm>>, %arg6: memref<40960xf32, #tpu.memory_space<hbm>>, %arg7: memref<2x40960xf32, #tpu.memory_space<hbm>>, %arg8: memref<2000xi32, #tpu.memory_space<vmem>>, %arg9: memref<2000xi32, #tpu.memory_space<vmem>>, %arg10: memref<2000xf32, #tpu.memory_space<vmem>>, %arg11: memref<2000xf32, #tpu.memory_space<vmem>>, %arg12: memref<2000xf32, #tpu.memory_space<vmem>>, %arg13: memref<2000xf32, #tpu.memory_space<vmem>>, %arg14: memref<2000xf32, #tpu.memory_space<vmem>>, %arg15: memref<2000xf32, #tpu.memory_space<vmem>>, %arg16: memref<!tpu.dma_semaphore, #tpu.memory_space<semaphore_mem>>, %arg17: memref<!tpu.dma_semaphore, #tpu.memory_space<semaphore_mem>>, %arg18: memref<40960xf32, #tpu.memory_space<vmem>>, %arg19: memref<2560xf32, #tpu.memory_space<vmem>>, %arg20: memref<2560xf32, #tpu.memory_space<vmem>>, %arg21: memref<16x40960xf32, #tpu.memory_space<vmem_shared>>) attributes {dimension_semantics = [#tpu.dimension_semantics<core_parallel>, #tpu.dimension_semantics<subcore_parallel>], iteration_bounds = array<i64: 2, 16>, scalar_prefetch = 0 : i64, scratch_operands = 14 : i64, tpu.core_type = #tpu.core_type<sc_vector_subcore>, window_params = [{transform_indices = #map}, {transform_indices = #map}, {transform_indices = #map}, {transform_indices = #map}, {transform_indices = #map}, {transform_indices = #map1}]} {
    "tpu.region"() ({
      %run_scoped3A_59 = tpu.sem_alloc : memref<!tpu.dma_semaphore, #tpu.memory_space<semaphore_mem>>
      tpu.enqueue_dma source(%arg6 : memref<40960xf32, #tpu.memory_space<hbm>>) target(%arg18 : memref<40960xf32, #tpu.memory_space<vmem>>) target_semaphore(%run_scoped3A_59 : memref<!tpu.dma_semaphore, #tpu.memory_space<semaphore_mem>>)
      tpu.wait_dma2 semaphore(%run_scoped3A_59 : memref<!tpu.dma_semaphore, #tpu.memory_space<semaphore_mem>>) src(%arg6 : memref<40960xf32, #tpu.memory_space<hbm>>) dst(%arg18 : memref<40960xf32, #tpu.memory_space<vmem>>)
      tpu.yield
    }) : () -> ()
    %mul3A = arith.constant 16 : i32
    %mul3A_0 = arith.muli %arg0, %mul3A : i32
    %add3A = arith.addi %mul3A_0, %arg1 : i32
    %mul3A_1 = arith.constant 10000 : i32
    %mul3A_2 = arith.muli %add3A, %mul3A_1 : i32
    %broadcast_in_dim3A = arith.constant 1.000000e+00 : f32
    %broadcast_in_dim3A_3 = vector.broadcast %broadcast_in_dim3A : f32 to vector<16xf32>
    %add3A_4 = arith.constant 0 : i32
    %add3A_5 = arith.addi %mul3A_2, %add3A_4 : i32
    %dma_start3A = tpu.memref_slice %arg2[%add3A_5] : memref<320000xi32, #tpu.memory_space<hbm>> -> memref<2000xi32, #tpu.memory_space<hbm>>
    %dma_start3A_6 = tpu.memref_slice %arg2[%add3A_5] : memref<320000xi32, #tpu.memory_space<hbm>> -> memref<2000xi32, #tpu.memory_space<hbm>>
    tpu.enqueue_dma source(%dma_start3A_6 : memref<2000xi32, #tpu.memory_space<hbm>>) target(%arg8 : memref<2000xi32, #tpu.memory_space<vmem>>) target_semaphore(%arg16 : memref<!tpu.dma_semaphore, #tpu.memory_space<semaphore_mem>>)
    %dma_start3A_7 = tpu.memref_slice %arg3[%add3A_5] : memref<320000xf32, #tpu.memory_space<hbm>> -> memref<2000xf32, #tpu.memory_space<hbm>>
    %dma_start3A_8 = tpu.memref_slice %arg3[%add3A_5] : memref<320000xf32, #tpu.memory_space<hbm>> -> memref<2000xf32, #tpu.memory_space<hbm>>
    tpu.enqueue_dma source(%dma_start3A_8 : memref<2000xf32, #tpu.memory_space<hbm>>) target(%arg10 : memref<2000xf32, #tpu.memory_space<vmem>>) target_semaphore(%arg16 : memref<!tpu.dma_semaphore, #tpu.memory_space<semaphore_mem>>)
    %dma_start3A_9 = tpu.memref_slice %arg4[%add3A_5] : memref<320000xf32, #tpu.memory_space<hbm>> -> memref<2000xf32, #tpu.memory_space<hbm>>
    %dma_start3A_10 = tpu.memref_slice %arg4[%add3A_5] : memref<320000xf32, #tpu.memory_space<hbm>> -> memref<2000xf32, #tpu.memory_space<hbm>>
    tpu.enqueue_dma source(%dma_start3A_10 : memref<2000xf32, #tpu.memory_space<hbm>>) target(%arg12 : memref<2000xf32, #tpu.memory_space<vmem>>) target_semaphore(%arg16 : memref<!tpu.dma_semaphore, #tpu.memory_space<semaphore_mem>>)
    %dma_start3A_11 = tpu.memref_slice %arg5[%add3A_5] : memref<320000xf32, #tpu.memory_space<hbm>> -> memref<2000xf32, #tpu.memory_space<hbm>>
    %dma_start3A_12 = tpu.memref_slice %arg5[%add3A_5] : memref<320000xf32, #tpu.memory_space<hbm>> -> memref<2000xf32, #tpu.memory_space<hbm>>
    tpu.enqueue_dma source(%dma_start3A_12 : memref<2000xf32, #tpu.memory_space<hbm>>) target(%arg14 : memref<2000xf32, #tpu.memory_space<vmem>>) target_semaphore(%arg16 : memref<!tpu.dma_semaphore, #tpu.memory_space<semaphore_mem>>)
    %add3A_13 = arith.constant 2000 : i32
    %add3A_14 = arith.addi %mul3A_2, %add3A_13 : i32
    %dma_start3A_15 = tpu.memref_slice %arg2[%add3A_14] : memref<320000xi32, #tpu.memory_space<hbm>> -> memref<2000xi32, #tpu.memory_space<hbm>>
    %dma_start3A_16 = tpu.memref_slice %arg2[%add3A_14] : memref<320000xi32, #tpu.memory_space<hbm>> -> memref<2000xi32, #tpu.memory_space<hbm>>
    tpu.enqueue_dma source(%dma_start3A_16 : memref<2000xi32, #tpu.memory_space<hbm>>) target(%arg9 : memref<2000xi32, #tpu.memory_space<vmem>>) target_semaphore(%arg17 : memref<!tpu.dma_semaphore, #tpu.memory_space<semaphore_mem>>)
    %dma_start3A_17 = tpu.memref_slice %arg3[%add3A_14] : memref<320000xf32, #tpu.memory_space<hbm>> -> memref<2000xf32, #tpu.memory_space<hbm>>
    %dma_start3A_18 = tpu.memref_slice %arg3[%add3A_14] : memref<320000xf32, #tpu.memory_space<hbm>> -> memref<2000xf32, #tpu.memory_space<hbm>>
    tpu.enqueue_dma source(%dma_start3A_18 : memref<2000xf32, #tpu.memory_space<hbm>>) target(%arg11 : memref<2000xf32, #tpu.memory_space<vmem>>) target_semaphore(%arg17 : memref<!tpu.dma_semaphore, #tpu.memory_space<semaphore_mem>>)
    %dma_start3A_19 = tpu.memref_slice %arg4[%add3A_14] : memref<320000xf32, #tpu.memory_space<hbm>> -> memref<2000xf32, #tpu.memory_space<hbm>>
    %dma_start3A_20 = tpu.memref_slice %arg4[%add3A_14] : memref<320000xf32, #tpu.memory_space<hbm>> -> memref<2000xf32, #tpu.memory_space<hbm>>
    tpu.enqueue_dma source(%dma_start3A_20 : memref<2000xf32, #tpu.memory_space<hbm>>) target(%arg13 : memref<2000xf32, #tpu.memory_space<vmem>>) target_semaphore(%arg17 : memref<!tpu.dma_semaphore, #tpu.memory_space<semaphore_mem>>)
    %dma_start3A_21 = tpu.memref_slice %arg5[%add3A_14] : memref<320000xf32, #tpu.memory_space<hbm>> -> memref<2000xf32, #tpu.memory_space<hbm>>
    %dma_start3A_22 = tpu.memref_slice %arg5[%add3A_14] : memref<320000xf32, #tpu.memory_space<hbm>> -> memref<2000xf32, #tpu.memory_space<hbm>>
    tpu.enqueue_dma source(%dma_start3A_22 : memref<2000xf32, #tpu.memory_space<hbm>>) target(%arg15 : memref<2000xf32, #tpu.memory_space<vmem>>) target_semaphore(%arg17 : memref<!tpu.dma_semaphore, #tpu.memory_space<semaphore_mem>>)
    %scan3A = arith.constant 0 : i32
    %scan3A_23 = arith.constant 0 : i32
    %scan3A_24 = arith.constant 2 : i32
    %scan3A_25 = arith.addi %scan3A_23, %scan3A_24 : i32
    %scan3A_26 = arith.constant 1 : i32
    scf.for %scan3A_59 = %scan3A_23 to %scan3A_25 step %scan3A_26  : i32 {
      %mul3A_60 = arith.constant 2 : i32
      %mul3A_61 = arith.muli %scan3A_59, %mul3A_60 : i32
      %dma_wait3A_62 = arith.constant 0 : i32
      %dma_wait3A_63 = tpu.memref_slice %arg2[%dma_wait3A_62] : memref<320000xi32, #tpu.memory_space<hbm>> -> memref<2000xi32, #tpu.memory_space<hbm>>
      %dma_wait3A_64 = arith.constant 0 : i32
      %dma_wait3A_65 = tpu.memref_slice %arg2[%dma_wait3A_64] : memref<320000xi32, #tpu.memory_space<hbm>> -> memref<2000xi32, #tpu.memory_space<hbm>>
      tpu.wait_dma2 semaphore(%arg16 : memref<!tpu.dma_semaphore, #tpu.memory_space<semaphore_mem>>) src(%dma_wait3A_65 : memref<2000xi32, #tpu.memory_space<hbm>>) dst(%arg8 : memref<2000xi32, #tpu.memory_space<vmem>>)
      %dma_wait3A_66 = arith.constant 0 : i32
      %dma_wait3A_67 = tpu.memref_slice %arg3[%dma_wait3A_66] : memref<320000xf32, #tpu.memory_space<hbm>> -> memref<2000xf32, #tpu.memory_space<hbm>>
      %dma_wait3A_68 = arith.constant 0 : i32
      %dma_wait3A_69 = tpu.memref_slice %arg3[%dma_wait3A_68] : memref<320000xf32, #tpu.memory_space<hbm>> -> memref<2000xf32, #tpu.memory_space<hbm>>
      tpu.wait_dma2 semaphore(%arg16 : memref<!tpu.dma_semaphore, #tpu.memory_space<semaphore_mem>>) src(%dma_wait3A_69 : memref<2000xf32, #tpu.memory_space<hbm>>) dst(%arg10 : memref<2000xf32, #tpu.memory_space<vmem>>)
      %dma_wait3A_70 = arith.constant 0 : i32
      %dma_wait3A_71 = tpu.memref_slice %arg3[%dma_wait3A_70] : memref<320000xf32, #tpu.memory_space<hbm>> -> memref<2000xf32, #tpu.memory_space<hbm>>
      %dma_wait3A_72 = arith.constant 0 : i32
      %dma_wait3A_73 = tpu.memref_slice %arg3[%dma_wait3A_72] : memref<320000xf32, #tpu.memory_space<hbm>> -> memref<2000xf32, #tpu.memory_space<hbm>>
      tpu.wait_dma2 semaphore(%arg16 : memref<!tpu.dma_semaphore, #tpu.memory_space<semaphore_mem>>) src(%dma_wait3A_73 : memref<2000xf32, #tpu.memory_space<hbm>>) dst(%arg12 : memref<2000xf32, #tpu.memory_space<vmem>>)
      %dma_wait3A_74 = arith.constant 0 : i32
      %dma_wait3A_75 = tpu.memref_slice %arg3[%dma_wait3A_74] : memref<320000xf32, #tpu.memory_space<hbm>> -> memref<2000xf32, #tpu.memory_space<hbm>>
      %dma_wait3A_76 = arith.constant 0 : i32
      %dma_wait3A_77 = tpu.memref_slice %arg3[%dma_wait3A_76] : memref<320000xf32, #tpu.memory_space<hbm>> -> memref<2000xf32, #tpu.memory_space<hbm>>
      tpu.wait_dma2 semaphore(%arg16 : memref<!tpu.dma_semaphore, #tpu.memory_space<semaphore_mem>>) src(%dma_wait3A_77 : memref<2000xf32, #tpu.memory_space<hbm>>) dst(%arg14 : memref<2000xf32, #tpu.memory_space<vmem>>)
      %scan3A_78 = arith.constant 0 : i32
      %scan3A_79 = arith.constant 0 : i32
      %scan3A_80 = arith.constant 125 : i32
      %scan3A_81 = arith.addi %scan3A_79, %scan3A_80 : i32
      %scan3A_82 = arith.constant 1 : i32
      scf.for %scan3A_121 = %scan3A_79 to %scan3A_81 step %scan3A_82  : i32 {
        %mul3A_122 = arith.constant 16 : i32
        %mul3A_123 = arith.muli %scan3A_121, %mul3A_122 : i32
        %get3A = arith.index_cast %mul3A_123 : i32 to index
        %get3A_124 = tpu.vector_load %arg8[%get3A] {strides = array<i32>} : memref<2000xi32, #tpu.memory_space<vmem>>, vector<16xi32>,
        %mul3A_125 = arith.constant 4 : i32
        %mul3A_126 = vector.broadcast %mul3A_125 : i32 to vector<16xi32>
        %mul3A_127 = arith.muli %get3A_124, %mul3A_126 : vector<16xi32>
        %get3A_128 = arith.index_cast %mul3A_123 : i32 to index
        %get3A_129 = tpu.vector_load %arg10[%get3A_128] {strides = array<i32>} : memref<2000xf32, #tpu.memory_space<vmem>>, vector<16xf32>,
        tpu.vector_store_idx %arg18[%mul3A_127], %get3A_129 {add = true} : memref<40960xf32, #tpu.memory_space<vmem>>[vector<16xi32>], vector<16xf32>,
        %add3A_130 = arith.constant 1 : i32
        %add3A_131 = vector.broadcast %add3A_130 : i32 to vector<16xi32>
        %add3A_132 = arith.addi %mul3A_127, %add3A_131 : vector<16xi32>
        %get3A_133 = arith.index_cast %mul3A_123 : i32 to index
        %get3A_134 = tpu.vector_load %arg12[%get3A_133] {strides = array<i32>} : memref<2000xf32, #tpu.memory_space<vmem>>, vector<16xf32>,
        tpu.vector_store_idx %arg18[%add3A_132], %get3A_134 {add = true} : memref<40960xf32, #tpu.memory_space<vmem>>[vector<16xi32>], vector<16xf32>,
        %add3A_135 = arith.constant 2 : i32
        %add3A_136 = vector.broadcast %add3A_135 : i32 to vector<16xi32>
        %add3A_137 = arith.addi %mul3A_127, %add3A_136 : vector<16xi32>
        %get3A_138 = arith.index_cast %mul3A_123 : i32 to index
        %get3A_139 = tpu.vector_load %arg14[%get3A_138] {strides = array<i32>} : memref<2000xf32, #tpu.memory_space<vmem>>, vector<16xf32>,
        tpu.vector_store_idx %arg18[%add3A_137], %get3A_139 {add = true} : memref<40960xf32, #tpu.memory_space<vmem>>[vector<16xi32>], vector<16xf32>,
        %add3A_140 = arith.constant 3 : i32
        %add3A_141 = vector.broadcast %add3A_140 : i32 to vector<16xi32>
        %add3A_142 = arith.addi %mul3A_127, %add3A_141 : vector<16xi32>
        tpu.vector_store_idx %arg18[%add3A_142], %broadcast_in_dim3A_3 {add = true} : memref<40960xf32, #tpu.memory_space<vmem>>[vector<16xi32>], vector<16xf32>,
      }
      %scan3A_83 = arith.constant 125 : i32
      %add3A_84 = arith.constant 2 : i32
      %add3A_85 = arith.addi %mul3A_61, %add3A_84 : i32
      %lt3A = arith.constant 5 : i32
      %lt3A_86 = arith.cmpi slt, %add3A_85, %lt3A : i32
      %convert_element_type3A = arith.extui %lt3A_86 : i1 to i32
      %cond3A = arith.constant 0 : i32
      %cond3A_87 = arith.cmpi ne, %convert_element_type3A, %cond3A : i32
      scf.if %cond3A_87 {
        %add3A_121 = arith.constant 2 : i32
        %add3A_122 = arith.addi %mul3A_61, %add3A_121 : i32
        %mul3A_123 = arith.constant 2000 : i32
        %mul3A_124 = arith.muli %add3A_122, %mul3A_123 : i32
        %add3A_125 = arith.addi %mul3A_2, %mul3A_124 : i32
        %dma_start3A_126 = tpu.memref_slice %arg2[%add3A_125] : memref<320000xi32, #tpu.memory_space<hbm>> -> memref<2000xi32, #tpu.memory_space<hbm>>
        %dma_start3A_127 = tpu.memref_slice %arg2[%add3A_125] : memref<320000xi32, #tpu.memory_space<hbm>> -> memref<2000xi32, #tpu.memory_space<hbm>>
        tpu.enqueue_dma source(%dma_start3A_127 : memref<2000xi32, #tpu.memory_space<hbm>>) target(%arg8 : memref<2000xi32, #tpu.memory_space<vmem>>) target_semaphore(%arg16 : memref<!tpu.dma_semaphore, #tpu.memory_space<semaphore_mem>>)
        %dma_start3A_128 = tpu.memref_slice %arg3[%add3A_125] : memref<320000xf32, #tpu.memory_space<hbm>> -> memref<2000xf32, #tpu.memory_space<hbm>>
        %dma_start3A_129 = tpu.memref_slice %arg3[%add3A_125] : memref<320000xf32, #tpu.memory_space<hbm>> -> memref<2000xf32, #tpu.memory_space<hbm>>
        tpu.enqueue_dma source(%dma_start3A_129 : memref<2000xf32, #tpu.memory_space<hbm>>) target(%arg10 : memref<2000xf32, #tpu.memory_space<vmem>>) target_semaphore(%arg16 : memref<!tpu.dma_semaphore, #tpu.memory_space<semaphore_mem>>)
        %dma_start3A_130 = tpu.memref_slice %arg4[%add3A_125] : memref<320000xf32, #tpu.memory_space<hbm>> -> memref<2000xf32, #tpu.memory_space<hbm>>
        %dma_start3A_131 = tpu.memref_slice %arg4[%add3A_125] : memref<320000xf32, #tpu.memory_space<hbm>> -> memref<2000xf32, #tpu.memory_space<hbm>>
        tpu.enqueue_dma source(%dma_start3A_131 : memref<2000xf32, #tpu.memory_space<hbm>>) target(%arg12 : memref<2000xf32, #tpu.memory_space<vmem>>) target_semaphore(%arg16 : memref<!tpu.dma_semaphore, #tpu.memory_space<semaphore_mem>>)
        %dma_start3A_132 = tpu.memref_slice %arg5[%add3A_125] : memref<320000xf32, #tpu.memory_space<hbm>> -> memref<2000xf32, #tpu.memory_space<hbm>>
        %dma_start3A_133 = tpu.memref_slice %arg5[%add3A_125] : memref<320000xf32, #tpu.memory_space<hbm>> -> memref<2000xf32, #tpu.memory_space<hbm>>
        tpu.enqueue_dma source(%dma_start3A_133 : memref<2000xf32, #tpu.memory_space<hbm>>) target(%arg14 : memref<2000xf32, #tpu.memory_space<vmem>>) target_semaphore(%arg16 : memref<!tpu.dma_semaphore, #tpu.memory_space<semaphore_mem>>)
      } else {
      }
      %mul3A_88 = arith.constant 2 : i32
      %mul3A_89 = arith.muli %scan3A_59, %mul3A_88 : i32
      %add3A_90 = arith.constant 1 : i32
      %add3A_91 = arith.addi %mul3A_89, %add3A_90 : i32
      %dma_wait3A_92 = arith.constant 0 : i32
      %dma_wait3A_93 = tpu.memref_slice %arg2[%dma_wait3A_92] : memref<320000xi32, #tpu.memory_space<hbm>> -> memref<2000xi32, #tpu.memory_space<hbm>>
      %dma_wait3A_94 = arith.constant 0 : i32
      %dma_wait3A_95 = tpu.memref_slice %arg2[%dma_wait3A_94] : memref<320000xi32, #tpu.memory_space<hbm>> -> memref<2000xi32, #tpu.memory_space<hbm>>
      tpu.wait_dma2 semaphore(%arg17 : memref<!tpu.dma_semaphore, #tpu.memory_space<semaphore_mem>>) src(%dma_wait3A_95 : memref<2000xi32, #tpu.memory_space<hbm>>) dst(%arg9 : memref<2000xi32, #tpu.memory_space<vmem>>)
      %dma_wait3A_96 = arith.constant 0 : i32
      %dma_wait3A_97 = tpu.memref_slice %arg3[%dma_wait3A_96] : memref<320000xf32, #tpu.memory_space<hbm>> -> memref<2000xf32, #tpu.memory_space<hbm>>
      %dma_wait3A_98 = arith.constant 0 : i32
      %dma_wait3A_99 = tpu.memref_slice %arg3[%dma_wait3A_98] : memref<320000xf32, #tpu.memory_space<hbm>> -> memref<2000xf32, #tpu.memory_space<hbm>>
      tpu.wait_dma2 semaphore(%arg17 : memref<!tpu.dma_semaphore, #tpu.memory_space<semaphore_mem>>) src(%dma_wait3A_99 : memref<2000xf32, #tpu.memory_space<hbm>>) dst(%arg11 : memref<2000xf32, #tpu.memory_space<vmem>>)
      %dma_wait3A_100 = arith.constant 0 : i32
      %dma_wait3A_101 = tpu.memref_slice %arg3[%dma_wait3A_100] : memref<320000xf32, #tpu.memory_space<hbm>> -> memref<2000xf32, #tpu.memory_space<hbm>>
      %dma_wait3A_102 = arith.constant 0 : i32
      %dma_wait3A_103 = tpu.memref_slice %arg3[%dma_wait3A_102] : memref<320000xf32, #tpu.memory_space<hbm>> -> memref<2000xf32, #tpu.memory_space<hbm>>
      tpu.wait_dma2 semaphore(%arg17 : memref<!tpu.dma_semaphore, #tpu.memory_space<semaphore_mem>>) src(%dma_wait3A_103 : memref<2000xf32, #tpu.memory_space<hbm>>) dst(%arg13 : memref<2000xf32, #tpu.memory_space<vmem>>)
      %dma_wait3A_104 = arith.constant 0 : i32
      %dma_wait3A_105 = tpu.memref_slice %arg3[%dma_wait3A_104] : memref<320000xf32, #tpu.memory_space<hbm>> -> memref<2000xf32, #tpu.memory_space<hbm>>
      %dma_wait3A_106 = arith.constant 0 : i32
      %dma_wait3A_107 = tpu.memref_slice %arg3[%dma_wait3A_106] : memref<320000xf32, #tpu.memory_space<hbm>> -> memref<2000xf32, #tpu.memory_space<hbm>>
      tpu.wait_dma2 semaphore(%arg17 : memref<!tpu.dma_semaphore, #tpu.memory_space<semaphore_mem>>) src(%dma_wait3A_107 : memref<2000xf32, #tpu.memory_space<hbm>>) dst(%arg15 : memref<2000xf32, #tpu.memory_space<vmem>>)
      %scan3A_108 = arith.constant 0 : i32
      %scan3A_109 = arith.constant 0 : i32
      %scan3A_110 = arith.constant 125 : i32
      %scan3A_111 = arith.addi %scan3A_109, %scan3A_110 : i32
      %scan3A_112 = arith.constant 1 : i32
      scf.for %scan3A_121 = %scan3A_109 to %scan3A_111 step %scan3A_112  : i32 {
        %mul3A_122 = arith.constant 16 : i32
        %mul3A_123 = arith.muli %scan3A_121, %mul3A_122 : i32
        %get3A = arith.index_cast %mul3A_123 : i32 to index
        %get3A_124 = tpu.vector_load %arg9[%get3A] {strides = array<i32>} : memref<2000xi32, #tpu.memory_space<vmem>>, vector<16xi32>,
        %mul3A_125 = arith.constant 4 : i32
        %mul3A_126 = vector.broadcast %mul3A_125 : i32 to vector<16xi32>
        %mul3A_127 = arith.muli %get3A_124, %mul3A_126 : vector<16xi32>
        %get3A_128 = arith.index_cast %mul3A_123 : i32 to index
        %get3A_129 = tpu.vector_load %arg11[%get3A_128] {strides = array<i32>} : memref<2000xf32, #tpu.memory_space<vmem>>, vector<16xf32>,
        tpu.vector_store_idx %arg18[%mul3A_127], %get3A_129 {add = true} : memref<40960xf32, #tpu.memory_space<vmem>>[vector<16xi32>], vector<16xf32>,
        %add3A_130 = arith.constant 1 : i32
        %add3A_131 = vector.broadcast %add3A_130 : i32 to vector<16xi32>
        %add3A_132 = arith.addi %mul3A_127, %add3A_131 : vector<16xi32>
        %get3A_133 = arith.index_cast %mul3A_123 : i32 to index
        %get3A_134 = tpu.vector_load %arg13[%get3A_133] {strides = array<i32>} : memref<2000xf32, #tpu.memory_space<vmem>>, vector<16xf32>,
        tpu.vector_store_idx %arg18[%add3A_132], %get3A_134 {add = true} : memref<40960xf32, #tpu.memory_space<vmem>>[vector<16xi32>], vector<16xf32>,
        %add3A_135 = arith.constant 2 : i32
        %add3A_136 = vector.broadcast %add3A_135 : i32 to vector<16xi32>
        %add3A_137 = arith.addi %mul3A_127, %add3A_136 : vector<16xi32>
        %get3A_138 = arith.index_cast %mul3A_123 : i32 to index
        %get3A_139 = tpu.vector_load %arg15[%get3A_138] {strides = array<i32>} : memref<2000xf32, #tpu.memory_space<vmem>>, vector<16xf32>,
        tpu.vector_store_idx %arg18[%add3A_137], %get3A_139 {add = true} : memref<40960xf32, #tpu.memory_space<vmem>>[vector<16xi32>], vector<16xf32>,
        %add3A_140 = arith.constant 3 : i32
        %add3A_141 = vector.broadcast %add3A_140 : i32 to vector<16xi32>
        %add3A_142 = arith.addi %mul3A_127, %add3A_141 : vector<16xi32>
        tpu.vector_store_idx %arg18[%add3A_142], %broadcast_in_dim3A_3 {add = true} : memref<40960xf32, #tpu.memory_space<vmem>>[vector<16xi32>], vector<16xf32>,
      }
      %scan3A_113 = arith.constant 125 : i32
      %add3A_114 = arith.constant 2 : i32
      %add3A_115 = arith.addi %add3A_91, %add3A_114 : i32
      %lt3A_116 = arith.constant 5 : i32
      %lt3A_117 = arith.cmpi slt, %add3A_115, %lt3A_116 : i32
      %convert_element_type3A_118 = arith.extui %lt3A_117 : i1 to i32
      %cond3A_119 = arith.constant 0 : i32
      %cond3A_120 = arith.cmpi ne, %convert_element_type3A_118, %cond3A_119 : i32
      scf.if %cond3A_120 {
        %add3A_121 = arith.constant 2 : i32
        %add3A_122 = arith.addi %add3A_91, %add3A_121 : i32
        %mul3A_123 = arith.constant 2000 : i32
        %mul3A_124 = arith.muli %add3A_122, %mul3A_123 : i32
        %add3A_125 = arith.addi %mul3A_2, %mul3A_124 : i32
        %dma_start3A_126 = tpu.memref_slice %arg2[%add3A_125] : memref<320000xi32, #tpu.memory_space<hbm>> -> memref<2000xi32, #tpu.memory_space<hbm>>
        %dma_start3A_127 = tpu.memref_slice %arg2[%add3A_125] : memref<320000xi32, #tpu.memory_space<hbm>> -> memref<2000xi32, #tpu.memory_space<hbm>>
        tpu.enqueue_dma source(%dma_start3A_127 : memref<2000xi32, #tpu.memory_space<hbm>>) target(%arg9 : memref<2000xi32, #tpu.memory_space<vmem>>) target_semaphore(%arg17 : memref<!tpu.dma_semaphore, #tpu.memory_space<semaphore_mem>>)
        %dma_start3A_128 = tpu.memref_slice %arg3[%add3A_125] : memref<320000xf32, #tpu.memory_space<hbm>> -> memref<2000xf32, #tpu.memory_space<hbm>>
        %dma_start3A_129 = tpu.memref_slice %arg3[%add3A_125] : memref<320000xf32, #tpu.memory_space<hbm>> -> memref<2000xf32, #tpu.memory_space<hbm>>
        tpu.enqueue_dma source(%dma_start3A_129 : memref<2000xf32, #tpu.memory_space<hbm>>) target(%arg11 : memref<2000xf32, #tpu.memory_space<vmem>>) target_semaphore(%arg17 : memref<!tpu.dma_semaphore, #tpu.memory_space<semaphore_mem>>)
        %dma_start3A_130 = tpu.memref_slice %arg4[%add3A_125] : memref<320000xf32, #tpu.memory_space<hbm>> -> memref<2000xf32, #tpu.memory_space<hbm>>
        %dma_start3A_131 = tpu.memref_slice %arg4[%add3A_125] : memref<320000xf32, #tpu.memory_space<hbm>> -> memref<2000xf32, #tpu.memory_space<hbm>>
        tpu.enqueue_dma source(%dma_start3A_131 : memref<2000xf32, #tpu.memory_space<hbm>>) target(%arg13 : memref<2000xf32, #tpu.memory_space<vmem>>) target_semaphore(%arg17 : memref<!tpu.dma_semaphore, #tpu.memory_space<semaphore_mem>>)
        %dma_start3A_132 = tpu.memref_slice %arg5[%add3A_125] : memref<320000xf32, #tpu.memory_space<hbm>> -> memref<2000xf32, #tpu.memory_space<hbm>>
        %dma_start3A_133 = tpu.memref_slice %arg5[%add3A_125] : memref<320000xf32, #tpu.memory_space<hbm>> -> memref<2000xf32, #tpu.memory_space<hbm>>
        tpu.enqueue_dma source(%dma_start3A_133 : memref<2000xf32, #tpu.memory_space<hbm>>) target(%arg15 : memref<2000xf32, #tpu.memory_space<vmem>>) target_semaphore(%arg17 : memref<!tpu.dma_semaphore, #tpu.memory_space<semaphore_mem>>)
      } else {
      }
    }
    %scan3A_27 = arith.constant 2 : i32
    %dma_wait3A = arith.constant 0 : i32
    %dma_wait3A_28 = tpu.memref_slice %arg2[%dma_wait3A] : memref<320000xi32, #tpu.memory_space<hbm>> -> memref<2000xi32, #tpu.memory_space<hbm>>
    %dma_wait3A_29 = arith.constant 0 : i32
    %dma_wait3A_30 = tpu.memref_slice %arg2[%dma_wait3A_29] : memref<320000xi32, #tpu.memory_space<hbm>> -> memref<2000xi32, #tpu.memory_space<hbm>>
    tpu.wait_dma2 semaphore(%arg16 : memref<!tpu.dma_semaphore, #tpu.memory_space<semaphore_mem>>) src(%dma_wait3A_30 : memref<2000xi32, #tpu.memory_space<hbm>>) dst(%arg8 : memref<2000xi32, #tpu.memory_space<vmem>>)
    %dma_wait3A_31 = arith.constant 0 : i32
    %dma_wait3A_32 = tpu.memref_slice %arg3[%dma_wait3A_31] : memref<320000xf32, #tpu.memory_space<hbm>> -> memref<2000xf32, #tpu.memory_space<hbm>>
    %dma_wait3A_33 = arith.constant 0 : i32
    %dma_wait3A_34 = tpu.memref_slice %arg3[%dma_wait3A_33] : memref<320000xf32, #tpu.memory_space<hbm>> -> memref<2000xf32, #tpu.memory_space<hbm>>
    tpu.wait_dma2 semaphore(%arg16 : memref<!tpu.dma_semaphore, #tpu.memory_space<semaphore_mem>>) src(%dma_wait3A_34 : memref<2000xf32, #tpu.memory_space<hbm>>) dst(%arg10 : memref<2000xf32, #tpu.memory_space<vmem>>)
    %dma_wait3A_35 = arith.constant 0 : i32
    %dma_wait3A_36 = tpu.memref_slice %arg3[%dma_wait3A_35] : memref<320000xf32, #tpu.memory_space<hbm>> -> memref<2000xf32, #tpu.memory_space<hbm>>
    %dma_wait3A_37 = arith.constant 0 : i32
    %dma_wait3A_38 = tpu.memref_slice %arg3[%dma_wait3A_37] : memref<320000xf32, #tpu.memory_space<hbm>> -> memref<2000xf32, #tpu.memory_space<hbm>>
    tpu.wait_dma2 semaphore(%arg16 : memref<!tpu.dma_semaphore, #tpu.memory_space<semaphore_mem>>) src(%dma_wait3A_38 : memref<2000xf32, #tpu.memory_space<hbm>>) dst(%arg12 : memref<2000xf32, #tpu.memory_space<vmem>>)
    %dma_wait3A_39 = arith.constant 0 : i32
    %dma_wait3A_40 = tpu.memref_slice %arg3[%dma_wait3A_39] : memref<320000xf32, #tpu.memory_space<hbm>> -> memref<2000xf32, #tpu.memory_space<hbm>>
    %dma_wait3A_41 = arith.constant 0 : i32
    %dma_wait3A_42 = tpu.memref_slice %arg3[%dma_wait3A_41] : memref<320000xf32, #tpu.memory_space<hbm>> -> memref<2000xf32, #tpu.memory_space<hbm>>
    tpu.wait_dma2 semaphore(%arg16 : memref<!tpu.dma_semaphore, #tpu.memory_space<semaphore_mem>>) src(%dma_wait3A_42 : memref<2000xf32, #tpu.memory_space<hbm>>) dst(%arg14 : memref<2000xf32, #tpu.memory_space<vmem>>)
    %scan3A_43 = arith.constant 0 : i32
    %scan3A_44 = arith.constant 0 : i32
    %scan3A_45 = arith.constant 125 : i32
    %scan3A_46 = arith.addi %scan3A_44, %scan3A_45 : i32
    %scan3A_47 = arith.constant 1 : i32
    scf.for %scan3A_59 = %scan3A_44 to %scan3A_46 step %scan3A_47  : i32 {
      %mul3A_60 = arith.constant 16 : i32
      %mul3A_61 = arith.muli %scan3A_59, %mul3A_60 : i32
      %get3A = arith.index_cast %mul3A_61 : i32 to index
      %get3A_62 = tpu.vector_load %arg8[%get3A] {strides = array<i32>} : memref<2000xi32, #tpu.memory_space<vmem>>, vector<16xi32>,
      %mul3A_63 = arith.constant 4 : i32
      %mul3A_64 = vector.broadcast %mul3A_63 : i32 to vector<16xi32>
      %mul3A_65 = arith.muli %get3A_62, %mul3A_64 : vector<16xi32>
      %get3A_66 = arith.index_cast %mul3A_61 : i32 to index
      %get3A_67 = tpu.vector_load %arg10[%get3A_66] {strides = array<i32>} : memref<2000xf32, #tpu.memory_space<vmem>>, vector<16xf32>,
      tpu.vector_store_idx %arg18[%mul3A_65], %get3A_67 {add = true} : memref<40960xf32, #tpu.memory_space<vmem>>[vector<16xi32>], vector<16xf32>,
      %add3A_68 = arith.constant 1 : i32
      %add3A_69 = vector.broadcast %add3A_68 : i32 to vector<16xi32>
      %add3A_70 = arith.addi %mul3A_65, %add3A_69 : vector<16xi32>
      %get3A_71 = arith.index_cast %mul3A_61 : i32 to index
      %get3A_72 = tpu.vector_load %arg12[%get3A_71] {strides = array<i32>} : memref<2000xf32, #tpu.memory_space<vmem>>, vector<16xf32>,
      tpu.vector_store_idx %arg18[%add3A_70], %get3A_72 {add = true} : memref<40960xf32, #tpu.memory_space<vmem>>[vector<16xi32>], vector<16xf32>,
      %add3A_73 = arith.constant 2 : i32
      %add3A_74 = vector.broadcast %add3A_73 : i32 to vector<16xi32>
      %add3A_75 = arith.addi %mul3A_65, %add3A_74 : vector<16xi32>
      %get3A_76 = arith.index_cast %mul3A_61 : i32 to index
      %get3A_77 = tpu.vector_load %arg14[%get3A_76] {strides = array<i32>} : memref<2000xf32, #tpu.memory_space<vmem>>, vector<16xf32>,
      tpu.vector_store_idx %arg18[%add3A_75], %get3A_77 {add = true} : memref<40960xf32, #tpu.memory_space<vmem>>[vector<16xi32>], vector<16xf32>,
      %add3A_78 = arith.constant 3 : i32
      %add3A_79 = vector.broadcast %add3A_78 : i32 to vector<16xi32>
      %add3A_80 = arith.addi %mul3A_65, %add3A_79 : vector<16xi32>
      tpu.vector_store_idx %arg18[%add3A_80], %broadcast_in_dim3A_3 {add = true} : memref<40960xf32, #tpu.memory_space<vmem>>[vector<16xi32>], vector<16xf32>,
    }
    %scan3A_48 = arith.constant 125 : i32
    "tpu.region"() ({
      %run_scoped3A_59 = tpu.sem_alloc : memref<!tpu.dma_semaphore, #tpu.memory_space<semaphore_mem>>
      %dma_start3A_60 = arith.constant 0 : i32
      %dma_start3A_61 = tpu.memref_slice %arg21[%arg1, %dma_start3A_60] : memref<16x40960xf32, #tpu.memory_space<vmem_shared>> -> memref<1x40960xf32, #tpu.memory_space<vmem_shared>>
      %dma_start3A_62 = tpu.memref_squeeze %dma_start3A_61 : memref<1x40960xf32, #tpu.memory_space<vmem_shared>> -> memref<40960xf32, #tpu.memory_space<vmem_shared>>
      %dma_start3A_63 = arith.constant 0 : i32
      %dma_start3A_64 = tpu.memref_slice %arg21[%arg1, %dma_start3A_63] : memref<16x40960xf32, #tpu.memory_space<vmem_shared>> -> memref<1x40960xf32, #tpu.memory_space<vmem_shared>>
      %dma_start3A_65 = tpu.memref_squeeze %dma_start3A_64 : memref<1x40960xf32, #tpu.memory_space<vmem_shared>> -> memref<40960xf32, #tpu.memory_space<vmem_shared>>
      tpu.enqueue_dma source(%arg18 : memref<40960xf32, #tpu.memory_space<vmem>>) target(%dma_start3A_65 : memref<40960xf32, #tpu.memory_space<vmem_shared>>) target_semaphore(%run_scoped3A_59 : memref<!tpu.dma_semaphore, #tpu.memory_space<semaphore_mem>>)
      %dma_wait3A_66 = arith.constant 0 : i32
      %dma_wait3A_67 = tpu.memref_slice %arg21[%arg1, %dma_wait3A_66] : memref<16x40960xf32, #tpu.memory_space<vmem_shared>> -> memref<1x40960xf32, #tpu.memory_space<vmem_shared>>
      %dma_wait3A_68 = tpu.memref_squeeze %dma_wait3A_67 : memref<1x40960xf32, #tpu.memory_space<vmem_shared>> -> memref<40960xf32, #tpu.memory_space<vmem_shared>>
      %dma_wait3A_69 = arith.constant 0 : i32
      %dma_wait3A_70 = tpu.memref_slice %arg21[%arg1, %dma_wait3A_69] : memref<16x40960xf32, #tpu.memory_space<vmem_shared>> -> memref<1x40960xf32, #tpu.memory_space<vmem_shared>>
      %dma_wait3A_71 = tpu.memref_squeeze %dma_wait3A_70 : memref<1x40960xf32, #tpu.memory_space<vmem_shared>> -> memref<40960xf32, #tpu.memory_space<vmem_shared>>
      tpu.wait_dma2 semaphore(%run_scoped3A_59 : memref<!tpu.dma_semaphore, #tpu.memory_space<semaphore_mem>>) src(%arg18 : memref<40960xf32, #tpu.memory_space<vmem>>) dst(%dma_wait3A_71 : memref<40960xf32, #tpu.memory_space<vmem_shared>>)
      tpu.yield
    }) : () -> ()
    %barrier3A = arith.constant 0 : index
    tpu.barrier barrier_id(%barrier3A)
    %mul3A_49 = arith.constant 2560 : i32
    %mul3A_50 = arith.muli %arg1, %mul3A_49 : i32
    %run_scoped3A = arith.constant 0 : i32
    "tpu.region"() ({
      %run_scoped3A_59 = tpu.sem_alloc : memref<!tpu.dma_semaphore, #tpu.memory_space<semaphore_mem>>
      %dma_start3A_60 = tpu.memref_slice %arg21[%run_scoped3A, %mul3A_50] : memref<16x40960xf32, #tpu.memory_space<vmem_shared>> -> memref<1x2560xf32, #tpu.memory_space<vmem_shared>>
      %dma_start3A_61 = tpu.memref_squeeze %dma_start3A_60 : memref<1x2560xf32, #tpu.memory_space<vmem_shared>> -> memref<2560xf32, #tpu.memory_space<vmem_shared>>
      %dma_start3A_62 = tpu.memref_slice %arg21[%run_scoped3A, %mul3A_50] : memref<16x40960xf32, #tpu.memory_space<vmem_shared>> -> memref<1x2560xf32, #tpu.memory_space<vmem_shared>>
      %dma_start3A_63 = tpu.memref_squeeze %dma_start3A_62 : memref<1x2560xf32, #tpu.memory_space<vmem_shared>> -> memref<2560xf32, #tpu.memory_space<vmem_shared>>
      tpu.enqueue_dma source(%dma_start3A_63 : memref<2560xf32, #tpu.memory_space<vmem_shared>>) target(%arg19 : memref<2560xf32, #tpu.memory_space<vmem>>) target_semaphore(%run_scoped3A_59 : memref<!tpu.dma_semaphore, #tpu.memory_space<semaphore_mem>>)
      %dma_wait3A_64 = tpu.memref_slice %arg21[%run_scoped3A, %mul3A_50] : memref<16x40960xf32, #tpu.memory_space<vmem_shared>> -> memref<1x2560xf32, #tpu.memory_space<vmem_shared>>
      %dma_wait3A_65 = tpu.memref_squeeze %dma_wait3A_64 : memref<1x2560xf32, #tpu.memory_space<vmem_shared>> -> memref<2560xf32, #tpu.memory_space<vmem_shared>>
      %dma_wait3A_66 = tpu.memref_slice %arg21[%run_scoped3A, %mul3A_50] : memref<16x40960xf32, #tpu.memory_space<vmem_shared>> -> memref<1x2560xf32, #tpu.memory_space<vmem_shared>>
      %dma_wait3A_67 = tpu.memref_squeeze %dma_wait3A_66 : memref<1x2560xf32, #tpu.memory_space<vmem_shared>> -> memref<2560xf32, #tpu.memory_space<vmem_shared>>
      tpu.wait_dma2 semaphore(%run_scoped3A_59 : memref<!tpu.dma_semaphore, #tpu.memory_space<semaphore_mem>>) src(%dma_wait3A_67 : memref<2560xf32, #tpu.memory_space<vmem_shared>>) dst(%arg19 : memref<2560xf32, #tpu.memory_space<vmem>>)
      tpu.yield
    }) : () -> ()
    %scan3A_51 = arith.constant 0 : i32
    %scan3A_52 = arith.constant 1 : i32
    %scan3A_53 = arith.constant 15 : i32
    %scan3A_54 = arith.addi %scan3A_52, %scan3A_53 : i32
    %scan3A_55 = arith.constant 1 : i32
    scf.for %scan3A_59 = %scan3A_52 to %scan3A_54 step %scan3A_55  : i32 {
      %mul3A_60 = arith.constant 2560 : i32
      %mul3A_61 = arith.muli %arg1, %mul3A_60 : i32
      "tpu.region"() ({
        %run_scoped3A_68 = tpu.sem_alloc : memref<!tpu.dma_semaphore, #tpu.memory_space<semaphore_mem>>
        %dma_start3A_69 = tpu.memref_slice %arg21[%scan3A_59, %mul3A_61] : memref<16x40960xf32, #tpu.memory_space<vmem_shared>> -> memref<1x2560xf32, #tpu.memory_space<vmem_shared>>
        %dma_start3A_70 = tpu.memref_squeeze %dma_start3A_69 : memref<1x2560xf32, #tpu.memory_space<vmem_shared>> -> memref<2560xf32, #tpu.memory_space<vmem_shared>>
        %dma_start3A_71 = tpu.memref_slice %arg21[%scan3A_59, %mul3A_61] : memref<16x40960xf32, #tpu.memory_space<vmem_shared>> -> memref<1x2560xf32, #tpu.memory_space<vmem_shared>>
        %dma_start3A_72 = tpu.memref_squeeze %dma_start3A_71 : memref<1x2560xf32, #tpu.memory_space<vmem_shared>> -> memref<2560xf32, #tpu.memory_space<vmem_shared>>
        tpu.enqueue_dma source(%dma_start3A_72 : memref<2560xf32, #tpu.memory_space<vmem_shared>>) target(%arg20 : memref<2560xf32, #tpu.memory_space<vmem>>) target_semaphore(%run_scoped3A_68 : memref<!tpu.dma_semaphore, #tpu.memory_space<semaphore_mem>>)
        %dma_wait3A_73 = tpu.memref_slice %arg21[%scan3A_59, %mul3A_61] : memref<16x40960xf32, #tpu.memory_space<vmem_shared>> -> memref<1x2560xf32, #tpu.memory_space<vmem_shared>>
        %dma_wait3A_74 = tpu.memref_squeeze %dma_wait3A_73 : memref<1x2560xf32, #tpu.memory_space<vmem_shared>> -> memref<2560xf32, #tpu.memory_space<vmem_shared>>
        %dma_wait3A_75 = tpu.memref_slice %arg21[%scan3A_59, %mul3A_61] : memref<16x40960xf32, #tpu.memory_space<vmem_shared>> -> memref<1x2560xf32, #tpu.memory_space<vmem_shared>>
        %dma_wait3A_76 = tpu.memref_squeeze %dma_wait3A_75 : memref<1x2560xf32, #tpu.memory_space<vmem_shared>> -> memref<2560xf32, #tpu.memory_space<vmem_shared>>
        tpu.wait_dma2 semaphore(%run_scoped3A_68 : memref<!tpu.dma_semaphore, #tpu.memory_space<semaphore_mem>>) src(%dma_wait3A_76 : memref<2560xf32, #tpu.memory_space<vmem_shared>>) dst(%arg20 : memref<2560xf32, #tpu.memory_space<vmem>>)
        tpu.yield
      }) : () -> ()
      %scan3A_62 = arith.constant 0 : i32
      %scan3A_63 = arith.constant 0 : i32
      %scan3A_64 = arith.constant 160 : i32
      %scan3A_65 = arith.addi %scan3A_63, %scan3A_64 : i32
      %scan3A_66 = arith.constant 1 : i32
      scf.for %scan3A_68 = %scan3A_63 to %scan3A_65 step %scan3A_66  : i32 {
        %mul3A_69 = arith.constant 16 : i32
        %mul3A_70 = arith.muli %scan3A_68, %mul3A_69 : i32
        %get3A = arith.index_cast %mul3A_70 : i32 to index
        %get3A_71 = tpu.vector_load %arg20[%get3A] {strides = array<i32>} : memref<2560xf32, #tpu.memory_space<vmem>>, vector<16xf32>,
        %swap3A = arith.index_cast %mul3A_70 : i32 to index
        %swap3A_72 = tpu.vector_load %arg19[%swap3A] {strides = array<i32>} : memref<2560xf32, #tpu.memory_space<vmem>>, vector<16xf32>,
        tpu.vector_store %arg19[%swap3A], %get3A_71 {add = true, strides = array<i32>} : memref<2560xf32, #tpu.memory_space<vmem>>, vector<16xf32>,
      }
      %scan3A_67 = arith.constant 160 : i32
    }
    %scan3A_56 = arith.constant 15 : i32
    %mul3A_57 = arith.constant 2560 : i32
    %mul3A_58 = arith.muli %arg1, %mul3A_57 : i32
    "tpu.region"() ({
      %run_scoped3A_59 = tpu.sem_alloc : memref<!tpu.dma_semaphore, #tpu.memory_space<semaphore_mem>>
      %dma_start3A_60 = tpu.memref_slice %arg7[%arg0, %mul3A_58] : memref<2x40960xf32, #tpu.memory_space<hbm>> -> memref<1x2560xf32, #tpu.memory_space<hbm>>
      %dma_start3A_61 = tpu.memref_squeeze %dma_start3A_60 : memref<1x2560xf32, #tpu.memory_space<hbm>> -> memref<2560xf32, #tpu.memory_space<hbm>>
      %dma_start3A_62 = tpu.memref_slice %arg7[%arg0, %mul3A_58] : memref<2x40960xf32, #tpu.memory_space<hbm>> -> memref<1x2560xf32, #tpu.memory_space<hbm>>
      %dma_start3A_63 = tpu.memref_squeeze %dma_start3A_62 : memref<1x2560xf32, #tpu.memory_space<hbm>> -> memref<2560xf32, #tpu.memory_space<hbm>>
      tpu.enqueue_dma source(%arg19 : memref<2560xf32, #tpu.memory_space<vmem>>) target(%dma_start3A_63 : memref<2560xf32, #tpu.memory_space<hbm>>) target_semaphore(%run_scoped3A_59 : memref<!tpu.dma_semaphore, #tpu.memory_space<semaphore_mem>>)
      %dma_wait3A_64 = tpu.memref_slice %arg7[%arg0, %mul3A_58] : memref<2x40960xf32, #tpu.memory_space<hbm>> -> memref<1x2560xf32, #tpu.memory_space<hbm>>
      %dma_wait3A_65 = tpu.memref_squeeze %dma_wait3A_64 : memref<1x2560xf32, #tpu.memory_space<hbm>> -> memref<2560xf32, #tpu.memory_space<hbm>>
      %dma_wait3A_66 = tpu.memref_slice %arg7[%arg0, %mul3A_58] : memref<2x40960xf32, #tpu.memory_space<hbm>> -> memref<1x2560xf32, #tpu.memory_space<hbm>>
      %dma_wait3A_67 = tpu.memref_squeeze %dma_wait3A_66 : memref<1x2560xf32, #tpu.memory_space<hbm>> -> memref<2560xf32, #tpu.memory_space<hbm>>
      tpu.wait_dma2 semaphore(%run_scoped3A_59 : memref<!tpu.dma_semaphore, #tpu.memory_space<semaphore_mem>>) src(%arg19 : memref<2560xf32, #tpu.memory_space<vmem>>) dst(%dma_wait3A_67 : memref<2560xf32, #tpu.memory_space<hbm>>)
      tpu.yield
    }) : () -> ()
    return
  }
}

module attributes {stable_mosaic.version = 14 : i64} {
  func.func @_prep_body(%arg0: i32, %arg1: memref<400x128xf32, #tpu.memory_space<vmem>>, %arg2: memref<128x128xf32, #tpu.memory_space<vmem>>, %arg3: memref<128x128xf32, #tpu.memory_space<vmem>>, %arg4: memref<1x128xf32, #tpu.memory_space<vmem>>, %arg5: memref<400x128xf32, #tpu.memory_space<vmem>>, %arg6: memref<400x128xf32, #tpu.memory_space<vmem>>) attributes {dimension_semantics = [#tpu.dimension_semantics<arbitrary>], iteration_bounds = array<i64: 25>, scalar_prefetch = 0 : i64, scratch_operands = 0 : i64, tpu.core_type = #tpu.core_type<tc>, window_params = [{transform_indices = @transform_0, window_bounds = array<i64: 400, 128>}, {pipeline_mode = #tpu.pipeline_mode<synchronous>, transform_indices = @transform_1, window_bounds = array<i64: 128, 128>}, {pipeline_mode = #tpu.pipeline_mode<synchronous>, transform_indices = @transform_2, window_bounds = array<i64: 128, 128>}, {pipeline_mode = #tpu.pipeline_mode<synchronous>, transform_indices = @transform_3, window_bounds = array<i64: 1, 128>}, {transform_indices = @transform_4, window_bounds = array<i64: 400, 128>}, {transform_indices = @transform_5, window_bounds = array<i64: 400, 128>}]} {
    %get3A = arith.constant 0 : index
    %get3A_0 = arith.constant 0 : index
    %get3A_1 = vector.load %arg1[%get3A, %get3A_0] : memref<400x128xf32, #tpu.memory_space<vmem>>, vector<400x128xf32>
    %get3A_2 = arith.constant 0 : index
    %get3A_3 = arith.constant 0 : index
    %get3A_4 = vector.load %arg2[%get3A_2, %get3A_3] : memref<128x128xf32, #tpu.memory_space<vmem>>, vector<128x128xf32>
    %dot_general3A = arith.constant dense<0.000000e+00> : vector<400x128xf32>
    %dot_general3A_5 = tpu.matmul %get3A_1, %get3A_4, %dot_general3A {dimension_numbers = #tpu.dot_dimension_numbers<[1], [0], [0], [1], [0, 0, 1, 1], [], []>, transpose_lhs_hint = false} : vector<400x128xf32>, vector<128x128xf32>, vector<400x128xf32> -> vector<400x128xf32>
    %get3A_6 = arith.constant 0 : index
    %get3A_7 = arith.constant 0 : index
    %get3A_8 = vector.load %arg4[%get3A_6, %get3A_7] : memref<1x128xf32, #tpu.memory_space<vmem>>, vector<1x128xf32>
    %add3A = vector.broadcast %get3A_8 : vector<1x128xf32> to vector<400x128xf32>
    %add3A_9 = arith.addf %dot_general3A_5, %add3A : vector<400x128xf32>
    %swap3A = arith.constant 0 : index
    %swap3A_10 = arith.constant 0 : index
    %swap3A_11 = vector.load %arg5[%swap3A, %swap3A_10] : memref<400x128xf32, #tpu.memory_space<vmem>>, vector<400x128xf32>
    tpu.vector_store %arg5[%swap3A, %swap3A_10], %add3A_9 {strides = array<i32>} : memref<400x128xf32, #tpu.memory_space<vmem>>, vector<400x128xf32>,
    %get3A_12 = arith.constant 0 : index
    %get3A_13 = arith.constant 0 : index
    %get3A_14 = vector.load %arg3[%get3A_12, %get3A_13] : memref<128x128xf32, #tpu.memory_space<vmem>>, vector<128x128xf32>
    %dot_general3A_15 = arith.constant dense<0.000000e+00> : vector<400x128xf32>
    %dot_general3A_16 = tpu.matmul %get3A_1, %get3A_14, %dot_general3A_15 {dimension_numbers = #tpu.dot_dimension_numbers<[1], [0], [0], [1], [0, 0, 1, 1], [], []>, transpose_lhs_hint = false} : vector<400x128xf32>, vector<128x128xf32>, vector<400x128xf32> -> vector<400x128xf32>
    %swap3A_17 = arith.constant 0 : index
    %swap3A_18 = arith.constant 0 : index
    %swap3A_19 = vector.load %arg6[%swap3A_17, %swap3A_18] : memref<400x128xf32, #tpu.memory_space<vmem>>, vector<400x128xf32>
    tpu.vector_store %arg6[%swap3A_17, %swap3A_18], %dot_general3A_16 {strides = array<i32>} : memref<400x128xf32, #tpu.memory_space<vmem>>, vector<400x128xf32>,
    return
  }
  func.func @transform_0(%arg0: i32) -> (i32, i32) {
    %c0_i32 = arith.constant 0 : i32
    %c0_i32_0 = arith.constant 0 : i32
    return %arg0, %c0_i32 : i32, i32
  }
  func.func @transform_1(%arg0: i32) -> (i32, i32) {
    %c0_i32 = arith.constant 0 : i32
    %c0_i32_0 = arith.constant 0 : i32
    %c0_i32_1 = arith.constant 0 : i32
    return %c0_i32, %c0_i32_0 : i32, i32
  }
  func.func @transform_2(%arg0: i32) -> (i32, i32) {
    %c0_i32 = arith.constant 0 : i32
    %c0_i32_0 = arith.constant 0 : i32
    %c0_i32_1 = arith.constant 0 : i32
    return %c0_i32, %c0_i32_0 : i32, i32
  }
  func.func @transform_3(%arg0: i32) -> (i32, i32) {
    %c0_i32 = arith.constant 0 : i32
    %c0_i32_0 = arith.constant 0 : i32
    %c0_i32_1 = arith.constant 0 : i32
    return %c0_i32, %c0_i32_0 : i32, i32
  }
  func.func @transform_4(%arg0: i32) -> (i32, i32) {
    %c0_i32 = arith.constant 0 : i32
    %c0_i32_0 = arith.constant 0 : i32
    return %arg0, %c0_i32 : i32, i32
  }
  func.func @transform_5(%arg0: i32) -> (i32, i32) {
    %c0_i32 = arith.constant 0 : i32
    %c0_i32_0 = arith.constant 0 : i32
    return %arg0, %c0_i32 : i32, i32
  }
}

module attributes {stable_mosaic.version = 14 : i64} {
  func.func @_edge_body(%arg0: i32, %arg1: memref<2000x128xf32, #tpu.memory_space<vmem>>, %arg2: memref<1x1x2000xf32, #tpu.memory_space<vmem>>, %arg3: memref<1x1x2000xf32, #tpu.memory_space<vmem>>, %arg4: memref<1x1x2000xf32, #tpu.memory_space<vmem>>, %arg5: memref<1x1x2000xf32, #tpu.memory_space<vmem>>, %arg6: memref<1x128xf32, #tpu.memory_space<vmem>>, %arg7: memref<128x128xf32, #tpu.memory_space<vmem>>, %arg8: memref<1x128xf32, #tpu.memory_space<vmem>>, %arg9: memref<128x128xf32, #tpu.memory_space<vmem>>, %arg10: memref<1x128xf32, #tpu.memory_space<vmem>>, %arg11: memref<128x1xf32, #tpu.memory_space<vmem>>, %arg12: memref<2000x128xf32, #tpu.memory_space<vmem>>, %arg13: memref<1x1x2000xf32, #tpu.memory_space<vmem>>, %arg14: memref<1x1x2000xf32, #tpu.memory_space<vmem>>, %arg15: memref<1x1x2000xf32, #tpu.memory_space<vmem>>) attributes {dimension_semantics = [#tpu.dimension_semantics<arbitrary>], iteration_bounds = array<i64: 160>, scalar_prefetch = 0 : i64, scratch_operands = 0 : i64, tpu.core_type = #tpu.core_type<tc>, window_params = [{transform_indices = @transform_0, window_bounds = array<i64: 2000, 128>}, {transform_indices = @transform_1, window_bounds = array<i64: 1, 1, 2000>}, {transform_indices = @transform_2, window_bounds = array<i64: 1, 1, 2000>}, {transform_indices = @transform_3, window_bounds = array<i64: 1, 1, 2000>}, {transform_indices = @transform_4, window_bounds = array<i64: 1, 1, 2000>}, {pipeline_mode = #tpu.pipeline_mode<synchronous>, transform_indices = @transform_5, window_bounds = array<i64: 1, 128>}, {pipeline_mode = #tpu.pipeline_mode<synchronous>, transform_indices = @transform_6, window_bounds = array<i64: 128, 128>}, {pipeline_mode = #tpu.pipeline_mode<synchronous>, transform_indices = @transform_7, window_bounds = array<i64: 1, 128>}, {pipeline_mode = #tpu.pipeline_mode<synchronous>, transform_indices = @transform_8, window_bounds = array<i64: 128, 128>}, {pipeline_mode = #tpu.pipeline_mode<synchronous>, transform_indices = @transform_9, window_bounds = array<i64: 1, 128>}, {pipeline_mode = #tpu.pipeline_mode<synchronous>, transform_indices = @transform_10, window_bounds = array<i64: 128, 1>}, {transform_indices = @transform_11, window_bounds = array<i64: 2000, 128>}, {transform_indices = @transform_12, window_bounds = array<i64: 1, 1, 2000>}, {transform_indices = @transform_13, window_bounds = array<i64: 1, 1, 2000>}, {transform_indices = @transform_14, window_bounds = array<i64: 1, 1, 2000>}]} {
    %get3A = arith.constant 0 : index
    %get3A_0 = arith.constant 0 : index
    %get3A_1 = vector.load %arg1[%get3A, %get3A_0] : memref<2000x128xf32, #tpu.memory_space<vmem>>, vector<2000x128xf32>
    %get3A_2 = arith.constant 0 : index
    %get3A_3 = arith.constant 0 : index
    %get3A_4 = arith.constant 0 : index
    %get3A_5 = vector.load %arg5[%get3A_2, %get3A_3, %get3A_4] : memref<1x1x2000xf32, #tpu.memory_space<vmem>>, vector<1x1x2000xf32>
    %get3A_6 = vector.shape_cast %get3A_5 : vector<1x1x2000xf32> to vector<1x2000xf32>
    %transpose3A = tpu.transpose %get3A_6, [1, 0] : vector<1x2000xf32> -> vector<2000x1xf32>
    %get3A_7 = arith.constant 0 : index
    %get3A_8 = arith.constant 0 : index
    %get3A_9 = vector.load %arg6[%get3A_7, %get3A_8] : memref<1x128xf32, #tpu.memory_space<vmem>>, vector<1x128xf32>
    %mul3A = vector.broadcast %transpose3A : vector<2000x1xf32> to vector<2000x128xf32>
    %mul3A_10 = vector.broadcast %get3A_9 : vector<1x128xf32> to vector<2000x128xf32>
    %mul3A_11 = arith.mulf %mul3A, %mul3A_10 : vector<2000x128xf32>
    %add3A = arith.addf %get3A_1, %mul3A_11 : vector<2000x128xf32>
    %logistic3A = arith.negf %add3A : vector<2000x128xf32>
    %logistic3A_12 = math.exp %logistic3A : vector<2000x128xf32>
    %logistic3A_13 = arith.constant 1.000000e+00 : f32
    %logistic3A_14 = vector.broadcast %logistic3A_13 : f32 to vector<2000x128xf32>
    %logistic3A_15 = arith.addf %logistic3A_14, %logistic3A_12 : vector<2000x128xf32>
    %logistic3A_16 = arith.divf %logistic3A_14, %logistic3A_15 : vector<2000x128xf32>
    %mul3A_17 = arith.mulf %add3A, %logistic3A_16 : vector<2000x128xf32>
    %get3A_18 = arith.constant 0 : index
    %get3A_19 = arith.constant 0 : index
    %get3A_20 = vector.load %arg7[%get3A_18, %get3A_19] : memref<128x128xf32, #tpu.memory_space<vmem>>, vector<128x128xf32>
    %dot_general3A = arith.constant dense<0.000000e+00> : vector<2000x128xf32>
    %dot_general3A_21 = tpu.matmul %mul3A_17, %get3A_20, %dot_general3A {dimension_numbers = #tpu.dot_dimension_numbers<[1], [0], [0], [1], [0, 0, 1, 1], [], []>, transpose_lhs_hint = false} : vector<2000x128xf32>, vector<128x128xf32>, vector<2000x128xf32> -> vector<2000x128xf32>
    %get3A_22 = arith.constant 0 : index
    %get3A_23 = arith.constant 0 : index
    %get3A_24 = vector.load %arg8[%get3A_22, %get3A_23] : memref<1x128xf32, #tpu.memory_space<vmem>>, vector<1x128xf32>
    %add3A_25 = vector.broadcast %get3A_24 : vector<1x128xf32> to vector<2000x128xf32>
    %add3A_26 = arith.addf %dot_general3A_21, %add3A_25 : vector<2000x128xf32>
    %logistic3A_27 = arith.negf %add3A_26 : vector<2000x128xf32>
    %logistic3A_28 = math.exp %logistic3A_27 : vector<2000x128xf32>
    %logistic3A_29 = arith.constant 1.000000e+00 : f32
    %logistic3A_30 = vector.broadcast %logistic3A_29 : f32 to vector<2000x128xf32>
    %logistic3A_31 = arith.addf %logistic3A_30, %logistic3A_28 : vector<2000x128xf32>
    %logistic3A_32 = arith.divf %logistic3A_30, %logistic3A_31 : vector<2000x128xf32>
    %mul3A_33 = arith.mulf %add3A_26, %logistic3A_32 : vector<2000x128xf32>
    %get3A_34 = arith.constant 0 : index
    %get3A_35 = arith.constant 0 : index
    %get3A_36 = vector.load %arg9[%get3A_34, %get3A_35] : memref<128x128xf32, #tpu.memory_space<vmem>>, vector<128x128xf32>
    %dot_general3A_37 = arith.constant dense<0.000000e+00> : vector<2000x128xf32>
    %dot_general3A_38 = tpu.matmul %mul3A_33, %get3A_36, %dot_general3A_37 {dimension_numbers = #tpu.dot_dimension_numbers<[1], [0], [0], [1], [0, 0, 1, 1], [], []>, transpose_lhs_hint = false} : vector<2000x128xf32>, vector<128x128xf32>, vector<2000x128xf32> -> vector<2000x128xf32>
    %get3A_39 = arith.constant 0 : index
    %get3A_40 = arith.constant 0 : index
    %get3A_41 = vector.load %arg10[%get3A_39, %get3A_40] : memref<1x128xf32, #tpu.memory_space<vmem>>, vector<1x128xf32>
    %add3A_42 = vector.broadcast %get3A_41 : vector<1x128xf32> to vector<2000x128xf32>
    %add3A_43 = arith.addf %dot_general3A_38, %add3A_42 : vector<2000x128xf32>
    %logistic3A_44 = arith.negf %add3A_43 : vector<2000x128xf32>
    %logistic3A_45 = math.exp %logistic3A_44 : vector<2000x128xf32>
    %logistic3A_46 = arith.constant 1.000000e+00 : f32
    %logistic3A_47 = vector.broadcast %logistic3A_46 : f32 to vector<2000x128xf32>
    %logistic3A_48 = arith.addf %logistic3A_47, %logistic3A_45 : vector<2000x128xf32>
    %logistic3A_49 = arith.divf %logistic3A_47, %logistic3A_48 : vector<2000x128xf32>
    %mul3A_50 = arith.mulf %add3A_43, %logistic3A_49 : vector<2000x128xf32>
    %get3A_51 = arith.constant 0 : index
    %get3A_52 = arith.constant 0 : index
    %get3A_53 = vector.load %arg11[%get3A_51, %get3A_52] : memref<128x1xf32, #tpu.memory_space<vmem>>, vector<128x1xf32>
    %dot_general3A_54 = arith.constant dense<0.000000e+00> : vector<2000x1xf32>
    %dot_general3A_55 = tpu.matmul %mul3A_50, %get3A_53, %dot_general3A_54 {dimension_numbers = #tpu.dot_dimension_numbers<[1], [0], [0], [1], [0, 0, 1, 1], [], []>, transpose_lhs_hint = false} : vector<2000x128xf32>, vector<128x1xf32>, vector<2000x1xf32> -> vector<2000x1xf32>
    %add3A_56 = arith.constant 9.99999993E-9 : f32
    %add3A_57 = vector.broadcast %add3A_56 : f32 to vector<2000x1xf32>
    %add3A_58 = arith.addf %transpose3A, %add3A_57 : vector<2000x1xf32>
    %rsqrt3A = math.rsqrt %add3A_58 : vector<2000x1xf32>
    %mul3A_59 = arith.mulf %dot_general3A_55, %rsqrt3A : vector<2000x1xf32>
    %transpose3A_60 = tpu.transpose %mul3A_59, [1, 0] : vector<2000x1xf32> -> vector<1x2000xf32>
    %reshape3A = vector.shape_cast %transpose3A_60 : vector<1x2000xf32> to vector<1x1x2000xf32>
    %swap3A = arith.constant 0 : index
    %swap3A_61 = arith.constant 0 : index
    %swap3A_62 = vector.load %arg12[%swap3A, %swap3A_61] : memref<2000x128xf32, #tpu.memory_space<vmem>>, vector<2000x128xf32>
    tpu.vector_store %arg12[%swap3A, %swap3A_61], %mul3A_33 {strides = array<i32>} : memref<2000x128xf32, #tpu.memory_space<vmem>>, vector<2000x128xf32>,
    %get3A_63 = arith.constant 0 : index
    %get3A_64 = arith.constant 0 : index
    %get3A_65 = arith.constant 0 : index
    %get3A_66 = vector.load %arg2[%get3A_63, %get3A_64, %get3A_65] : memref<1x1x2000xf32, #tpu.memory_space<vmem>>, vector<1x1x2000xf32>
    %mul3A_67 = arith.mulf %get3A_66, %reshape3A : vector<1x1x2000xf32>
    %swap3A_68 = arith.constant 0 : index
    %swap3A_69 = arith.constant 0 : index
    %swap3A_70 = arith.constant 0 : index
    %swap3A_71 = vector.load %arg13[%swap3A_68, %swap3A_69, %swap3A_70] : memref<1x1x2000xf32, #tpu.memory_space<vmem>>, vector<1x1x2000xf32>
    tpu.vector_store %arg13[%swap3A_68, %swap3A_69, %swap3A_70], %mul3A_67 {strides = array<i32>} : memref<1x1x2000xf32, #tpu.memory_space<vmem>>, vector<1x1x2000xf32>,
    %get3A_72 = arith.constant 0 : index
    %get3A_73 = arith.constant 0 : index
    %get3A_74 = arith.constant 0 : index
    %get3A_75 = vector.load %arg3[%get3A_72, %get3A_73, %get3A_74] : memref<1x1x2000xf32, #tpu.memory_space<vmem>>, vector<1x1x2000xf32>
    %mul3A_76 = arith.mulf %get3A_75, %reshape3A : vector<1x1x2000xf32>
    %swap3A_77 = arith.constant 0 : index
    %swap3A_78 = arith.constant 0 : index
    %swap3A_79 = arith.constant 0 : index
    %swap3A_80 = vector.load %arg14[%swap3A_77, %swap3A_78, %swap3A_79] : memref<1x1x2000xf32, #tpu.memory_space<vmem>>, vector<1x1x2000xf32>
    tpu.vector_store %arg14[%swap3A_77, %swap3A_78, %swap3A_79], %mul3A_76 {strides = array<i32>} : memref<1x1x2000xf32, #tpu.memory_space<vmem>>, vector<1x1x2000xf32>,
    %get3A_81 = arith.constant 0 : index
    %get3A_82 = arith.constant 0 : index
    %get3A_83 = arith.constant 0 : index
    %get3A_84 = vector.load %arg4[%get3A_81, %get3A_82, %get3A_83] : memref<1x1x2000xf32, #tpu.memory_space<vmem>>, vector<1x1x2000xf32>
    %mul3A_85 = arith.mulf %get3A_84, %reshape3A : vector<1x1x2000xf32>
    %swap3A_86 = arith.constant 0 : index
    %swap3A_87 = arith.constant 0 : index
    %swap3A_88 = arith.constant 0 : index
    %swap3A_89 = vector.load %arg15[%swap3A_86, %swap3A_87, %swap3A_88] : memref<1x1x2000xf32, #tpu.memory_space<vmem>>, vector<1x1x2000xf32>
    tpu.vector_store %arg15[%swap3A_86, %swap3A_87, %swap3A_88], %mul3A_85 {strides = array<i32>} : memref<1x1x2000xf32, #tpu.memory_space<vmem>>, vector<1x1x2000xf32>,
    return
  }
  func.func @transform_0(%arg0: i32) -> (i32, i32) {
    %c0_i32 = arith.constant 0 : i32
    %c0_i32_0 = arith.constant 0 : i32
    return %arg0, %c0_i32 : i32, i32
  }
  func.func @transform_1(%arg0: i32) -> (i32, i32, i32) {
    %c0_i32 = arith.constant 0 : i32
    %c0_i32_0 = arith.constant 0 : i32
    %c0_i32_1 = arith.constant 0 : i32
    return %arg0, %c0_i32, %c0_i32_0 : i32, i32, i32
  }
  func.func @transform_2(%arg0: i32) -> (i32, i32, i32) {
    %c0_i32 = arith.constant 0 : i32
    %c0_i32_0 = arith.constant 0 : i32
    %c0_i32_1 = arith.constant 0 : i32
    return %arg0, %c0_i32, %c0_i32_0 : i32, i32, i32
  }
  func.func @transform_3(%arg0: i32) -> (i32, i32, i32) {
    %c0_i32 = arith.constant 0 : i32
    %c0_i32_0 = arith.constant 0 : i32
    %c0_i32_1 = arith.constant 0 : i32
    return %arg0, %c0_i32, %c0_i32_0 : i32, i32, i32
  }
  func.func @transform_4(%arg0: i32) -> (i32, i32, i32) {
    %c0_i32 = arith.constant 0 : i32
    %c0_i32_0 = arith.constant 0 : i32
    %c0_i32_1 = arith.constant 0 : i32
    return %arg0, %c0_i32, %c0_i32_0 : i32, i32, i32
  }
  func.func @transform_5(%arg0: i32) -> (i32, i32) {
    %c0_i32 = arith.constant 0 : i32
    %c0_i32_0 = arith.constant 0 : i32
    %c0_i32_1 = arith.constant 0 : i32
    return %c0_i32, %c0_i32_0 : i32, i32
  }
  func.func @transform_6(%arg0: i32) -> (i32, i32) {
    %c0_i32 = arith.constant 0 : i32
    %c0_i32_0 = arith.constant 0 : i32
    %c0_i32_1 = arith.constant 0 : i32
    return %c0_i32, %c0_i32_0 : i32, i32
  }
  func.func @transform_7(%arg0: i32) -> (i32, i32) {
    %c0_i32 = arith.constant 0 : i32
    %c0_i32_0 = arith.constant 0 : i32
    %c0_i32_1 = arith.constant 0 : i32
    return %c0_i32, %c0_i32_0 : i32, i32
  }
  func.func @transform_8(%arg0: i32) -> (i32, i32) {
    %c0_i32 = arith.constant 0 : i32
    %c0_i32_0 = arith.constant 0 : i32
    %c0_i32_1 = arith.constant 0 : i32
    return %c0_i32, %c0_i32_0 : i32, i32
  }
  func.func @transform_9(%arg0: i32) -> (i32, i32) {
    %c0_i32 = arith.constant 0 : i32
    %c0_i32_0 = arith.constant 0 : i32
    %c0_i32_1 = arith.constant 0 : i32
    return %c0_i32, %c0_i32_0 : i32, i32
  }
  func.func @transform_10(%arg0: i32) -> (i32, i32) {
    %c0_i32 = arith.constant 0 : i32
    %c0_i32_0 = arith.constant 0 : i32
    %c0_i32_1 = arith.constant 0 : i32
    return %c0_i32, %c0_i32_0 : i32, i32
  }
  func.func @transform_11(%arg0: i32) -> (i32, i32) {
    %c0_i32 = arith.constant 0 : i32
    %c0_i32_0 = arith.constant 0 : i32
    return %arg0, %c0_i32 : i32, i32
  }
  func.func @transform_12(%arg0: i32) -> (i32, i32, i32) {
    %c0_i32 = arith.constant 0 : i32
    %c0_i32_0 = arith.constant 0 : i32
    %c0_i32_1 = arith.constant 0 : i32
    return %arg0, %c0_i32, %c0_i32_0 : i32, i32, i32
  }
  func.func @transform_13(%arg0: i32) -> (i32, i32, i32) {
    %c0_i32 = arith.constant 0 : i32
    %c0_i32_0 = arith.constant 0 : i32
    %c0_i32_1 = arith.constant 0 : i32
    return %arg0, %c0_i32, %c0_i32_0 : i32, i32, i32
  }
  func.func @transform_14(%arg0: i32) -> (i32, i32, i32) {
    %c0_i32 = arith.constant 0 : i32
    %c0_i32_0 = arith.constant 0 : i32
    %c0_i32_1 = arith.constant 0 : i32
    return %arg0, %c0_i32, %c0_i32_0 : i32, i32, i32
  }
}

module attributes {stable_mosaic.version = 14 : i64} {
  func.func @_node_body(%arg0: i32, %arg1: memref<400x128xf32, #tpu.memory_space<vmem>>, %arg2: memref<400x3xf32, #tpu.memory_space<vmem>>, %arg3: memref<400x128xf32, #tpu.memory_space<vmem>>, %arg4: memref<400x128xf32, #tpu.memory_space<vmem>>, %arg5: memref<400x4xf32, #tpu.memory_space<vmem>>, %arg6: memref<400x4xf32, #tpu.memory_space<vmem>>, %arg7: memref<128x128xf32, #tpu.memory_space<vmem>>, %arg8: memref<128x128xf32, #tpu.memory_space<vmem>>, %arg9: memref<1x128xf32, #tpu.memory_space<vmem>>, %arg10: memref<128x128xf32, #tpu.memory_space<vmem>>, %arg11: memref<1x128xf32, #tpu.memory_space<vmem>>, %arg12: memref<400x128xf32, #tpu.memory_space<vmem>>, %arg13: memref<400x3xf32, #tpu.memory_space<vmem>>) attributes {dimension_semantics = [#tpu.dimension_semantics<arbitrary>], iteration_bounds = array<i64: 25>, scalar_prefetch = 0 : i64, scratch_operands = 0 : i64, tpu.core_type = #tpu.core_type<tc>, window_params = [{transform_indices = @transform_0, window_bounds = array<i64: 400, 128>}, {transform_indices = @transform_1, window_bounds = array<i64: 400, 3>}, {transform_indices = @transform_2, window_bounds = array<i64: 400, 128>}, {transform_indices = @transform_3, window_bounds = array<i64: 400, 128>}, {transform_indices = @transform_4, window_bounds = array<i64: 400, 4>}, {transform_indices = @transform_5, window_bounds = array<i64: 400, 4>}, {pipeline_mode = #tpu.pipeline_mode<synchronous>, transform_indices = @transform_6, window_bounds = array<i64: 128, 128>}, {pipeline_mode = #tpu.pipeline_mode<synchronous>, transform_indices = @transform_7, window_bounds = array<i64: 128, 128>}, {pipeline_mode = #tpu.pipeline_mode<synchronous>, transform_indices = @transform_8, window_bounds = array<i64: 1, 128>}, {pipeline_mode = #tpu.pipeline_mode<synchronous>, transform_indices = @transform_9, window_bounds = array<i64: 128, 128>}, {pipeline_mode = #tpu.pipeline_mode<synchronous>, transform_indices = @transform_10, window_bounds = array<i64: 1, 128>}, {transform_indices = @transform_11, window_bounds = array<i64: 400, 128>}, {transform_indices = @transform_12, window_bounds = array<i64: 400, 3>}]} {
    %get3A = arith.constant 0 : index
    %get3A_0 = arith.constant 0 : index
    %get3A_1 = vector.load %arg1[%get3A, %get3A_0] : memref<400x128xf32, #tpu.memory_space<vmem>>, vector<400x128xf32>
    %get3A_2 = arith.constant 0 : index
    %get3A_3 = arith.constant 0 : index
    %get3A_4 = vector.load %arg3[%get3A_2, %get3A_3] : memref<400x128xf32, #tpu.memory_space<vmem>>, vector<400x128xf32>
    %get3A_5 = arith.constant 0 : index
    %get3A_6 = arith.constant 0 : index
    %get3A_7 = vector.load %arg4[%get3A_5, %get3A_6] : memref<400x128xf32, #tpu.memory_space<vmem>>, vector<400x128xf32>
    %add3A = arith.addf %get3A_4, %get3A_7 : vector<400x128xf32>
    %get3A_8 = arith.constant 0 : index
    %get3A_9 = arith.constant 0 : index
    %get3A_10 = vector.load %arg5[%get3A_8, %get3A_9] : memref<400x4xf32, #tpu.memory_space<vmem>>, vector<400x4xf32>
    %get3A_11 = arith.constant 0 : index
    %get3A_12 = arith.constant 0 : index
    %get3A_13 = vector.load %arg6[%get3A_11, %get3A_12] : memref<400x4xf32, #tpu.memory_space<vmem>>, vector<400x4xf32>
    %add3A_14 = arith.addf %get3A_10, %get3A_13 : vector<400x4xf32>
    %slice3A = vector.extract_strided_slice %add3A_14 {offsets = [0, 0], sizes = [400, 3], strides = [1, 1]} : vector<400x4xf32> to vector<400x3xf32>
    %slice3A_15 = vector.extract_strided_slice %add3A_14 {offsets = [0, 3], sizes = [400, 1], strides = [1, 1]} : vector<400x4xf32> to vector<400x1xf32>
    %get3A_16 = arith.constant 0 : index
    %get3A_17 = arith.constant 0 : index
    %get3A_18 = vector.load %arg7[%get3A_16, %get3A_17] : memref<128x128xf32, #tpu.memory_space<vmem>>, vector<128x128xf32>
    %dot_general3A = arith.constant dense<0.000000e+00> : vector<400x128xf32>
    %dot_general3A_19 = tpu.matmul %get3A_1, %get3A_18, %dot_general3A {dimension_numbers = #tpu.dot_dimension_numbers<[1], [0], [0], [1], [0, 0, 1, 1], [], []>, transpose_lhs_hint = false} : vector<400x128xf32>, vector<128x128xf32>, vector<400x128xf32> -> vector<400x128xf32>
    %get3A_20 = arith.constant 0 : index
    %get3A_21 = arith.constant 0 : index
    %get3A_22 = vector.load %arg8[%get3A_20, %get3A_21] : memref<128x128xf32, #tpu.memory_space<vmem>>, vector<128x128xf32>
    %dot_general3A_23 = arith.constant dense<0.000000e+00> : vector<400x128xf32>
    %dot_general3A_24 = tpu.matmul %add3A, %get3A_22, %dot_general3A_23 {dimension_numbers = #tpu.dot_dimension_numbers<[1], [0], [0], [1], [0, 0, 1, 1], [], []>, transpose_lhs_hint = false} : vector<400x128xf32>, vector<128x128xf32>, vector<400x128xf32> -> vector<400x128xf32>
    %add3A_25 = arith.addf %dot_general3A_19, %dot_general3A_24 : vector<400x128xf32>
    %get3A_26 = arith.constant 0 : index
    %get3A_27 = arith.constant 0 : index
    %get3A_28 = vector.load %arg9[%get3A_26, %get3A_27] : memref<1x128xf32, #tpu.memory_space<vmem>>, vector<1x128xf32>
    %add3A_29 = vector.broadcast %get3A_28 : vector<1x128xf32> to vector<400x128xf32>
    %add3A_30 = arith.addf %add3A_25, %add3A_29 : vector<400x128xf32>
    %logistic3A = arith.negf %add3A_30 : vector<400x128xf32>
    %logistic3A_31 = math.exp %logistic3A : vector<400x128xf32>
    %logistic3A_32 = arith.constant 1.000000e+00 : f32
    %logistic3A_33 = vector.broadcast %logistic3A_32 : f32 to vector<400x128xf32>
    %logistic3A_34 = arith.addf %logistic3A_33, %logistic3A_31 : vector<400x128xf32>
    %logistic3A_35 = arith.divf %logistic3A_33, %logistic3A_34 : vector<400x128xf32>
    %mul3A = arith.mulf %add3A_30, %logistic3A_35 : vector<400x128xf32>
    %get3A_36 = arith.constant 0 : index
    %get3A_37 = arith.constant 0 : index
    %get3A_38 = vector.load %arg10[%get3A_36, %get3A_37] : memref<128x128xf32, #tpu.memory_space<vmem>>, vector<128x128xf32>
    %dot_general3A_39 = arith.constant dense<0.000000e+00> : vector<400x128xf32>
    %dot_general3A_40 = tpu.matmul %mul3A, %get3A_38, %dot_general3A_39 {dimension_numbers = #tpu.dot_dimension_numbers<[1], [0], [0], [1], [0, 0, 1, 1], [], []>, transpose_lhs_hint = false} : vector<400x128xf32>, vector<128x128xf32>, vector<400x128xf32> -> vector<400x128xf32>
    %get3A_41 = arith.constant 0 : index
    %get3A_42 = arith.constant 0 : index
    %get3A_43 = vector.load %arg11[%get3A_41, %get3A_42] : memref<1x128xf32, #tpu.memory_space<vmem>>, vector<1x128xf32>
    %add3A_44 = vector.broadcast %get3A_43 : vector<1x128xf32> to vector<400x128xf32>
    %add3A_45 = arith.addf %dot_general3A_40, %add3A_44 : vector<400x128xf32>
    %add3A_46 = arith.addf %get3A_1, %add3A_45 : vector<400x128xf32>
    %swap3A = arith.constant 0 : index
    %swap3A_47 = arith.constant 0 : index
    %swap3A_48 = vector.load %arg12[%swap3A, %swap3A_47] : memref<400x128xf32, #tpu.memory_space<vmem>>, vector<400x128xf32>
    tpu.vector_store %arg12[%swap3A, %swap3A_47], %add3A_46 {strides = array<i32>} : memref<400x128xf32, #tpu.memory_space<vmem>>, vector<400x128xf32>,
    %get3A_49 = arith.constant 0 : index
    %get3A_50 = arith.constant 0 : index
    %get3A_51 = vector.load %arg2[%get3A_49, %get3A_50] : memref<400x3xf32, #tpu.memory_space<vmem>>, vector<400x3xf32>
    %max3A = arith.constant 1.000000e+00 : f32
    %max3A_52 = vector.broadcast %max3A : f32 to vector<400x1xf32>
    %max3A_53 = arith.maximumf %slice3A_15, %max3A_52 : vector<400x1xf32>
    %div3A = vector.broadcast %max3A_53 : vector<400x1xf32> to vector<400x3xf32>
    %div3A_54 = arith.divf %slice3A, %div3A : vector<400x3xf32>
    %add3A_55 = arith.addf %get3A_51, %div3A_54 : vector<400x3xf32>
    %swap3A_56 = arith.constant 0 : index
    %swap3A_57 = arith.constant 0 : index
    %swap3A_58 = vector.load %arg13[%swap3A_56, %swap3A_57] : memref<400x3xf32, #tpu.memory_space<vmem>>, vector<400x3xf32>
    tpu.vector_store %arg13[%swap3A_56, %swap3A_57], %add3A_55 {strides = array<i32>} : memref<400x3xf32, #tpu.memory_space<vmem>>, vector<400x3xf32>,
    return
  }
  func.func @transform_0(%arg0: i32) -> (i32, i32) {
    %c0_i32 = arith.constant 0 : i32
    %c0_i32_0 = arith.constant 0 : i32
    return %arg0, %c0_i32 : i32, i32
  }
  func.func @transform_1(%arg0: i32) -> (i32, i32) {
    %c0_i32 = arith.constant 0 : i32
    %c0_i32_0 = arith.constant 0 : i32
    return %arg0, %c0_i32 : i32, i32
  }
  func.func @transform_2(%arg0: i32) -> (i32, i32) {
    %c0_i32 = arith.constant 0 : i32
    %c0_i32_0 = arith.constant 0 : i32
    return %arg0, %c0_i32 : i32, i32
  }
  func.func @transform_3(%arg0: i32) -> (i32, i32) {
    %c0_i32 = arith.constant 0 : i32
    %c0_i32_0 = arith.constant 0 : i32
    return %arg0, %c0_i32 : i32, i32
  }
  func.func @transform_4(%arg0: i32) -> (i32, i32) {
    %c0_i32 = arith.constant 0 : i32
    %c0_i32_0 = arith.constant 0 : i32
    return %arg0, %c0_i32 : i32, i32
  }
  func.func @transform_5(%arg0: i32) -> (i32, i32) {
    %c0_i32 = arith.constant 0 : i32
    %c0_i32_0 = arith.constant 0 : i32
    return %arg0, %c0_i32 : i32, i32
  }
  func.func @transform_6(%arg0: i32) -> (i32, i32) {
    %c0_i32 = arith.constant 0 : i32
    %c0_i32_0 = arith.constant 0 : i32
    %c0_i32_1 = arith.constant 0 : i32
    return %c0_i32, %c0_i32_0 : i32, i32
  }
  func.func @transform_7(%arg0: i32) -> (i32, i32) {
    %c0_i32 = arith.constant 0 : i32
    %c0_i32_0 = arith.constant 0 : i32
    %c0_i32_1 = arith.constant 0 : i32
    return %c0_i32, %c0_i32_0 : i32, i32
  }
  func.func @transform_8(%arg0: i32) -> (i32, i32) {
    %c0_i32 = arith.constant 0 : i32
    %c0_i32_0 = arith.constant 0 : i32
    %c0_i32_1 = arith.constant 0 : i32
    return %c0_i32, %c0_i32_0 : i32, i32
  }
  func.func @transform_9(%arg0: i32) -> (i32, i32) {
    %c0_i32 = arith.constant 0 : i32
    %c0_i32_0 = arith.constant 0 : i32
    %c0_i32_1 = arith.constant 0 : i32
    return %c0_i32, %c0_i32_0 : i32, i32
  }
  func.func @transform_10(%arg0: i32) -> (i32, i32) {
    %c0_i32 = arith.constant 0 : i32
    %c0_i32_0 = arith.constant 0 : i32
    %c0_i32_1 = arith.constant 0 : i32
    return %c0_i32, %c0_i32_0 : i32, i32
  }
  func.func @transform_11(%arg0: i32) -> (i32, i32) {
    %c0_i32 = arith.constant 0 : i32
    %c0_i32_0 = arith.constant 0 : i32
    return %arg0, %c0_i32 : i32, i32
  }
  func.func @transform_12(%arg0: i32) -> (i32, i32) {
    %c0_i32 = arith.constant 0 : i32
    %c0_i32_0 = arith.constant 0 : i32
    return %arg0, %c0_i32 : i32, i32
  }
}

</mosaic_0001>

<sc_bundles>
// kernel: kernel.11.cloned.1.call-start
scs
__scs_entry_jumppad:
0x0: {  	(pc) =	sbr.rel $0x88, $3  }
0x1: {  	(tag) =	ssettag $0x0;
	lr =	simm.s32 $0x1  }
0x2: {  	[smem:$0x3F93] =	sst lr;
	_ =	strace $0xD0000000  }
0x3: {  	_ = 	snop  }
0x4: {  	_ = 	snop  }
0x5: {  	_ = 	snop  }
0x6: {  	_ = 	snop  }
0x7: {  	_ = 	snop  }
__scs_overlays_trampoline_lowered:
0x8: {  	[smem:$0x3FA2] =	sst s0  }
0x9: {  	[smem:$0x3FA3] =	sst s1  }
0xa: {  	[smem:$0x3FA4] =	sst s2  }
0xb: {  	[smem:$0x3FA5] =	sst s3  }
0xc: {  	[smem:$0x3FA6] =	sst s4  }
0xd: {  	[smem:$0x3FA7] =	sst s5  }
0xe: {  	[smem:$0x3FA8] =	sst s6  }
0xf: {  	[smem:$0x3FA9] =	sst s7  }
0x10: {  	[smem:$0x3FAA] =	sst s8  }
0x11: {  	[smem:$0x3FAB] =	sst s9;
	s0 =	simm.s32 @!p0 $0x0  }
0x12: {  	s1 =	sld [smem:$0x3F91];
	s0 =	simm.s32 @p0 $0x1  }
0x13: {  	[smem:$0x3FAC] =	sst s0;
	s0 =	simm.s32 @!p1 $0x0  }
0x14: {  	s2 =	sld [smem:$0x3F90];
	s0 =	simm.s32 @p1 $0x1  }
0x15: {  	[smem:$0x3FAD] =	sst s0;
	s0 =	simm.s32 @!p2 $0x0  }
0x16: {  	s3 =	sld [smem:$0x3FDB];
	s0 =	simm.s32 @p2 $0x1  }
0x17: {  	s4 =	simm.s32 $0x1BF5;
	[smem:$0x3FAF] =	sst s0  }
0x18: {  	s0 =	sld [smem:$0x3F92];
	_ =	swait.ge [sflag:s4], $0x0  }
0x19: {  	s7 =	sld [smem:$0x3F93]  }
0x1a: {  	s8 =	sadd.s32 $0xFFFFE003, lr  }
0x1b: {  	s9 =	sadd.s32 $0xFFFFFEF7, lr;
	s5 =	simm.s32 $0xFFFFFFFF;
	p2 =	slt.u32 s8, $0xFFFFF086  }
0x1c: {  	p1 =	slt.u32 s9, $0xF7A;
	s5 =	simm.s32 @!p2 $0x0  }
0x1d: {  	s5 =	simm.s32 @p1 $0x1;
	p0 =	seq.s32 s7, s2  }
0x1e: {  	s7 =	smul.u32 @!p0 $0xF7A, s2;
	p2 =	seq.s32 @!p0 s5, $0x0  }
0x1f: {  	s9 =	smul.u32 $0xF7A, s1;
	s8 =	simm.s32 @!p0 $0x1BF5;
	p2 =	por !p2, p0  }
0x20: {  	[sflag:s8] =	ssyncset.s32 @!p0 $0xFFFFF086;
	s6 =	sadd.s32 @!p0 s3, s7;
	s7 =	simm.s32 @!p0 $0x108  }
0x21: {  	s3 =	sadd.s32 s3, s9;
	s6 =	sadd.s32 @!p0 $0x88, s6;
	s7 =	simm.s32 @p2 $0x1082  }
0x22: {  	[simem:s7], [sflag:s8] =	dma.local @!p0 [hbm:s6], $0xF7A  }
0x23: {  	s9 =	sor.u32 $0xD0000000, s2;
	s6 =	simm.s32 $0x108;
	_ =	swait.ge @!p0 [sflag:s8], $0x0  }
0x24: {  	s3 =	sadd.s32 $0x88, s3;
	s6 =	simm.s32 @!p1 $0x1082;
	[sflag:s4] =	ssyncset.s32 $0xFFFFF086  }
0x25: {  	[simem:s6], [sflag:s4] =	dma.local [hbm:s3], $0xF7A  }
0x26: {  	[smem:$0x3F93] =	sst s1;
	(tag) =	ssettag s2;
	_ =	strace s9  }
0x27: {  	s1 =	sld [smem:$0x3FA3]  }
0x28: {  	s2 =	sld [smem:$0x3FA4]  }
0x29: {  	s4 =	sld [smem:$0x3FA6]  }
0x2a: {  	p0 =	seq.s32 s5, $0x0;
	s5 =	sld [smem:$0x3FA7]  }
0x2b: {  	s6 =	sld [smem:$0x3FA8]  }
0x2c: {  	s7 =	sld [smem:$0x3FA9]  }
0x2d: {  	s3 =	simm.s32 $0x108;
	s8 =	sld [smem:$0x3FAA]  }
0x2e: {  	s3 =	simm.s32 @!p0 $0x1082;
	s9 =	sld [smem:$0x3FAB]  }
0x2f: {  	lr =	sadd.s32 s0, s3;
	s0 =	sld [smem:$0x3FA2]  }
0x30: {  	s3 =	sld [smem:$0x3FA5]  }
0x31: {  	[smem:$0x3FAE] =	sst s10  }
0x32: {  	s10 =	sld [smem:$0x3FAC];
	_ =	sdelay $0x3  }
0x33: {  	p0 =	seq.s32 s10, $0x1;
	s10 =	sld [smem:$0x3FAE];
	_ =	sdelay $0x3  }
0x34: {  	[smem:$0x3FAE] =	sst s10  }
0x35: {  	s10 =	sld [smem:$0x3FAD];
	_ =	sdelay $0x3  }
0x36: {  	p1 =	seq.s32 s10, $0x1;
	s10 =	sld [smem:$0x3FAE];
	_ =	sdelay $0x3  }
0x37: {  	[smem:$0x3FAE] =	sst s10  }
0x38: {  	s10 =	sld [smem:$0x3FAF]  }
0x39: {  	_ = 	snop;
	(pc) =	sbr.ind lr, $3  }
0x3a: {  	_ = 	snop  }
0x3b: {  	_ = 	snop  }
0x3c: {  	p2 =	seq.s32 s10, $0x1;
	s10 =	sld [smem:$0x3FAE]  }
0x3d: {  	_ =	shalt  }
0x3e: {  	_ =	shalt  }
0x3f: {  	_ =	shalt  }
0x40: {  	_ =	shalt  }
0x41: {  	_ =	shalt  }
0x42: {  	_ =	shalt  }
0x43: {  	_ =	shalt  }
0x44: {  	_ =	shalt  }
0x45: {  	_ =	shalt  }
0x46: {  	_ =	shalt  }
0x47: {  	_ =	shalt  }
0x48: {  	_ =	shalt  }
0x49: {  	_ =	shalt  }
0x4a: {  	_ =	shalt  }
0x4b: {  	_ =	shalt  }
0x4c: {  	_ =	shalt  }
0x4d: {  	_ =	shalt  }
0x4e: {  	_ =	shalt  }
0x4f: {  	_ =	shalt  }
0x50: {  	_ =	shalt  }
0x51: {  	_ =	shalt  }
0x52: {  	_ =	shalt  }
0x53: {  	_ =	shalt  }
0x54: {  	_ =	shalt  }
0x55: {  	_ =	shalt  }
0x56: {  	_ =	shalt  }
0x57: {  	_ =	shalt  }
0x58: {  	_ =	shalt  }
0x59: {  	_ =	shalt  }
0x5a: {  	_ =	shalt  }
0x5b: {  	_ =	shalt  }
0x5c: {  	_ =	shalt  }
0x5d: {  	_ =	shalt  }
0x5e: {  	_ =	shalt  }
0x5f: {  	_ =	shalt  }
0x60: {  	_ =	shalt  }
0x61: {  	_ =	shalt  }
0x62: {  	_ =	shalt  }
0x63: {  	_ =	shalt  }
0x64: {  	_ =	shalt  }
0x65: {  	_ =	shalt  }
0x66: {  	_ =	shalt  }
0x67: {  	_ =	shalt  }
0x68: {  	_ =	shalt  }
0x69: {  	_ =	shalt  }
0x6a: {  	_ =	shalt  }
0x6b: {  	_ =	shalt  }
0x6c: {  	_ =	shalt  }
0x6d: {  	_ =	shalt  }
0x6e: {  	_ =	shalt  }
0x6f: {  	_ =	shalt  }
0x70: {  	_ =	shalt  }
0x71: {  	_ =	shalt  }
0x72: {  	_ =	shalt  }
0x73: {  	_ =	shalt  }
0x74: {  	_ =	shalt  }
0x75: {  	_ =	shalt  }
0x76: {  	_ =	shalt  }
0x77: {  	_ =	shalt  }
0x78: {  	_ =	shalt  }
0x79: {  	_ =	shalt  }
0x7a: {  	_ =	shalt  }
0x7b: {  	_ =	shalt  }
0x7c: {  	_ =	shalt  }
0x7d: {  	_ =	shalt  }
0x7e: {  	_ =	shalt  }
0x7f: {  	_ =	shalt  }
0x80: {  	_ =	shalt  }
0x81: {  	_ =	shalt  }
0x82: {  	_ =	shalt  }
0x83: {  	_ =	shalt  }
0x84: {  	_ =	shalt  }
0x85: {  	_ =	shalt  }
0x86: {  	_ =	shalt  }
0x87: {  	_ =	shalt  }
.Lfunc_end0:
.L_simem_size_0:
called_computation.1_lowered:
.L_overlay_start_0:
0x88: {  	s2 =	sld [smem:$0x3FD9]  }
0x89: {  	s3 =	sld [smem:$0x3FFE];
	_ =	sdelay $0x1  }
0x8a: {  	s1 =	srdreg.scid  }
0x8b: {  	s0 =	sand.u32 $0x1, s1  }
0x8c: {  	s17 =	sshll.u32 s0, $0xA;
	s2 =	sadd.s32 s3, s2  }
0x8d: {  	s2 =	sadd.s32 s2, s17  }
0x8e: {  	[smem:$0x3FBA] =	sst s2  }
0x8f: {  	_ = 	snop  }
0x90: {  	(tm) =	ssettm $0x1  }
0x91: {  	s18 =	sld [smem:$0x3FFB];
	_ =	sdelay $0x3  }
0x92: {  	_ =	strace s18  }
0x93: {  	s2 =	sld [smem:$0x3FFC];
	_ =	sdelay $0x3  }
0x94: {  	_ =	strace s2  }
0x95: {  	s2 =	sld [smem:$0x3FFD];
	_ =	sdelay $0x3  }
0x96: {  	_ =	strace s2  }
0x97: {  	_ =	strace $0x8FFFFFFF  }
0x98: {  	s19 =	sld [smem:$0x3FDB];
	_ =	sdelay $0x1  }
0x99: {  	s20 =	simm.s32 $_scs_section_size  }
0x9a: {  	s4 =	simm.s32 $_size__tile_overlayer_lowered;
	s5 =	simm.s32 $_tile_overlayer_lowered  }
0x9b: {  	s6 =	simm.s32 $0x1BFF;
	s21 =	sshll.u32 s5, $0x1;
	s3 =	sadd.s32 s20, s19  }
0x9c: {  	s22 =	simm.s32 $0x0;
	s4 =	sshll.u32 s4, $0x1;
	s5 =	sadd.s32 s21, s3  }
0x9d: {  	[timem:s22], [sflag:s6] =	dma.local [hbm:s5], s4  }
0x9e: {  	_ =	swait.ge [sflag:s6], s4  }
0x9f: {  	s4 =	ssub.s32 $0x0, s4;
	[sflag:s6] =	ssyncset.done $0x0  }
0xa0: {  	[sflag:s6] =	ssyncadd.s32 s4;
	_ =	sdelay $0x1  }
0xa1: {  	s23 =	simm.s32 $0x1B8B  }
0xa2: {  	_ =	swait.ge [sflag:s23], $0x1  }
0xa3: {  	[sflag:s23] =	ssyncset.done $0x0  }
0xa4: {  	[sflag:s23] =	ssyncadd.s32 $0xFFFFFFFF  }
0xa5: {  	s4 =	sld [smem:$0x0]  }
0xa6: {  	s5 =	sand.u32 $0xFFFFFFFE, s1  }
0xa7: {  	p0 =	sne.s32 s1, s5  }
0xa8: {  	s5 =	sshll.u32 @p0 s5, $0xE  }
0xa9: {  	s5 =	sadd.s32 @p0 $0x11B8D, s5;
	s6 =	sshll.u32 @p0 s4, $0x11  }
0xaa: {  	s5 =	sor.u32 @p0 s6, s5  }
0xab: {  	[sflag:s5] =	ssyncadd.remote.s32 @p0 $0x1;
	_ =	sdelay $0x1  }
0xac: {  	s5 =	simm.s32 @p0 $0x1B8D  }
0xad: {  	_ =	swait.eq @p0 [sflag:s5], $0x1  }
0xae: {  	[sflag:s5] =	ssyncadd.s32 @p0 $0xFFFFFFFF  }
0xaf: {  	s6 =	sshll.u32 @!p0 s1, $0xE  }
0xb0: {  	s6 =	sor.u32 @!p0 $0x4000, s6;
	s5 =	simm.s32 @!p0 $0x1B8D  }
0xb1: {  	s4 =	sshll.u32 @!p0 s4, $0x11;
	s6 =	sadd.s32 @!p0 $0x11B8D, s6;
	_ =	swait.eq @!p0 [sflag:s5], $0x1  }
0xb2: {  	s4 =	sor.u32 @!p0 s4, s6;
	[sflag:s5] =	ssyncadd.s32 @!p0 $0xFFFFFFFF  }
0xb3: {  	s25 =	simm.s32 $0x1B8E;
	s24 =	sld [smem:$0x3FFE];
	[sflag:s4] =	ssyncadd.remote.s32 @!p0 $0x1  }
0xb4: {  	s26 =	simm.s32 $execute0_lowered;
	[smem:$0x3FD2] =	sst s25  }
0xb5: {  	s5 =	sshll.u32 s26, $0x1;
	_ =	strace $0x8000004C;
	[dreg:$0x1] =	wrdreg $0xFFFFFFFF  }
0xb6: {  	s28 =	simm.s32 $_size_execute0_lowered;
	s3 =	sadd.s32 s3, s5;
	[dreg:$0x0] =	wrdreg $0x0  }
0xb7: {  	s5 =	sshll.u32 s28, $0x1;
	[dreg:$0x2] =	wrdreg s3  }
0xb8: {  	[dreg:$0x3] =	wrdreg s5  }
0xb9: {  	[dreg:$0x4] =	wrdreg $0xC0  }
0xba: {  	_ =	task [dreg:s22], $0x5FFFF  }
0xbb: {  	[dreg:$0x1] =	wrdreg $0xFFFFFFFF  }
0xbc: {  	[dreg:$0x0] =	wrdreg $0x60  }
0xbd: {  	[dreg:$0x2] =	wrdreg s24  }
0xbe: {  	[dreg:$0x3] =	wrdreg $0x51000  }
0xbf: {  	[dreg:$0x4] =	wrdreg $0x9  }
0xc0: {  	_ =	task.clear_ibuf [dreg:s22], $0x5FFFF;
	_ =	strace $0x9000004C  }
0xc1: {  	s29 =	simm.s32 $0x9;
	_ =	strace $0x8000004E  }
0xc2: {  	_ =	swait.ge [sflag:s29], $0x1  }
0xc3: {  	[sflag:s29] =	ssyncadd.s32 $0xFFFFFFFF  }
0xc4: {  	_ =	strace $0x9000004E  }
0xc5: {  	_ =	sfence  }
0xc6: {  	s30 =	sld [smem:$0x0];
	_ =	sdelay $0x2  }
0xc7: {  	s31 =	sshll.u32 s1, $0xD;
	s1 =	sshrl.u32 s1, $0x2  }
0xc8: {  	s4 =	sand.u32 $0x4000, s31;
	s1 =	sadd.s32 s1, s30  }
0xc9: {  	s0 =	sor.u32 s4, s0;
	s1 =	sshll.u32 s1, $0x11  }
0xca: {  	s0 =	sor.u32 s1, s0  }
0xcb: {  	s0 =	sadd.s32 $0x8F2B, s0  }
0xcc: {  	[sflag:s0] =	ssyncadd.remote.s32 $0x1  }
0xcd: {  	_ =	sfence.sel $0xFFFF  }
0xce: {  	[dreg:$0x0] =	wrdreg $0xFFFFFFFF;
	(pc) =	sbr.abs _section_cstart, $3  }
0xcf: {  	[dreg:$0x1] =	wrdreg $0xFFFFFFFF  }
0xd0: {  	_ =	task.clear_ibuf [dreg:s22], $0x2FFFF;
	_ =	strace $0x9FFFFFFF  }
0xd1: {  	(tm) =	ssettm $0x7FFFFFFF  }
tec
execute0_lowered:
.L_overlay_start_1:
0x0: {  	(tag) =	ssettag $0x1  }
0x1: {  	s5 =	rddreg [dreg:$0x0]  }
0x2: {  	s2 =	rddreg [dreg:$0x1];
	s0 =	stileid.u32  }
0x3: {  	s4 =	srdreg.scid;
	s3 =	simm.s32 $0x0;
	s6 =	smul.u32 $0x14000, s0  }
0x4: {  	s13 =	sand.u32 $0x1, s4;
	[smem:$0x7FF] =	sst s3;
	s17 =	smul.u32 $0x50000, s0  }
0x5: {  	s14 =	sadd.s32 $0x546C00, s5;
	s4 =	sadd.s32 $0xB800, s5;
	s26 =	smul.u32 $0x27100, s0  }
0x6: {  	s21 =	sshll.u32 s0, $0x6;
	s7 =	smul.u32 $0x140000, s13;
	s9 =	sshll.u32 s13, $0x4  }
0x7: {  	_ =	strace $0x8000004D;
	s16 =	smul.u32 $0x27100, s13;
	s19 =	sor.u32 s0, s9  }
0x8: {  	s18 =	ssub.s32 $0x2, s13;
	s8 =	sshrl.u32 s6, $0x3;
	s12 =	smul.u32 $0x2710, s19  }
0x9: {  	s20 =	sshrl.u32 s18, $0x1;
	s8 =	sadd.s32 s8, s5;
	s23 =	smul.u32 $0x27100, s19  }
0xa: {  	s6 =	sadd.s32 s6, s7;
	s7 =	sshrl.u32 s17, $0x2;
	s19 =	smul.u32 $0x2710, s0  }
0xb: {  	s15 =	ssub.s32 s18, s20;
	s20 =	smul.u32 $0x271000, s13;
	s6 =	sshrl.u32 s6, $0x3  }
0xc: {  	s18 =	sadd.s32 s7, s2;
	s11 =	sadd.s32 s6, s5;
	s5 =	sadd.s32 $0x23000, s8  }
0xd: {  	s22 =	sshrl.u32 s12, $0x3;
	s6 =	sor.u32 $0x1C03, s21;
	s10 =	sadd.s32 $0x50, s12  }
0xe: {  	s8 =	sadd.s32 s14, s23;
	s17 =	sadd.s32 $0x26C0, s12;
	s12 =	smax.u32 s15, $0x1  }
0xf: {  	s19 =	sadd.s32 s19, s16;
	s29 =	sadd.s32 s20, s14;
	s18 =	sshrl.u32 s18, $0x3  }
0x10: {  	s20 =	simm.s32 $0x100;
	s21 =	simm.s32 $0x80;
	s23 =	simm.s32 $0x1  }
0x11: {  	s7 =	sadd.s32 s4, s22;
	s24 =	sshrl.u32 s10, $0x3;
	s10 =	sshll.u32 s10, $0x4  }
0x12: {  	s11 =	sadd.s32 $0x4B000, s11;
	s25 =	sshrl.u32 s17, $0x3;
	s28 =	sshll.u32 s17, $0x4  }
0x13: {  	s30 =	sadd.s32 $0xF0, s19;
	s15 =	sadd.s32 s26, s29;
	s17 =	sadd.s32 $0xA0, s19  }
0x14: {  	s19 =	simm.s32 $0x3;
	s22 =	simm.s32 $0x2900;
	s26 =	simm.s32 $0x0  }
0x15: {  	s9 =	sadd.s32 s4, s24;
	s10 =	sadd.s32 s14, s10;
	s13 =	sadd.s32 s4, s25  }
0x16: {  	s14 =	sadd.s32 s14, s28;
	s31 =	sshrl.u32 s30, $0x3;
	s15 =	sadd.s32 $0xF00, s15  }
0x17: {  	s24 =	simm.s32 $0x50;
	s25 =	simm.s32 $0x2;
	s16 =	sadd.s32 s31, s4  }
.LBB2_1:
0x18: {  	[spmem:s18], [sflag:s6] =	dma.local [hbm:s5], $0x2800  }
0x19: {  	_ =	swait.ge [sflag:s19], $0x2800  }
0x1a: {  	[sflag:s19] =	ssyncset.done $0x0  }
0x1b: {  	[sflag:s19] =	ssyncadd.s32 $0xFFFFD800  }
0x1c: {  	[bflag:$0x0] =	sbarrier.arrive $0xFFFF  }
0x1d: {  	[tilespmem:s3], [sflag:$0x1] =	stream.linear.gather [hbm4b:s7+s3], $0x50, $0x38;
	[tilespmem:$0x19100] =	vst v63  }
0x1e: {  	_ = 	snop  }
0x1f: {  	[tilespmem:s20], [sflag:$0x1] =	stream.linear.gather [hbm4b:s8+s3], $0x2800, $0x38;
	[tilespmem:$0x19100] =	vst v63  }
0x20: {  	_ = 	snop  }
0x21: {  	[tilespmem:s21], [sflag:$0x2] =	stream.linear.gather [hbm4b:s9+s3], $0x50, $0x38;
	[tilespmem:$0x19100] =	vst v63  }
0x22: {  	_ = 	snop  }
0x23: {  	[tilespmem:s22], [sflag:$0x2] =	stream.linear.gather [hbm4b:s10+s3], $0x2800, $0x38;
	[tilespmem:$0x19100] =	vst v63  }
0x24: {  	_ =	swait.ge [sflag:s23], $0x50  }
0x25: {  	[sflag:s23] =	ssyncset.done $0x0  }
0x26: {  	[sflag:s23] =	ssyncadd.s32 $0xFFFFFFB0  }
0x27: {  	_ =	swait.ge [sflag:s23], $0x2800  }
0x28: {  	[sflag:s23] =	ssyncset.done $0x0  }
0x29: {  	[sflag:s23] =	ssyncadd.s32 $0xFFFFD800  }
0x2a: {  	[spmem:s2] =	stream.indirect.scatter.add.f32 [tilespmem:s20], [sflag:$0x3], $0x80, s3, s24, $0xb8;
	[tilespmem:$0x19100] =	vst v63  }
0x2b: {  	_ =	swait.ge [sflag:s19], $0x2800  }
0x2c: {  	s28 =	sshrl.u32 s17, $0x3;
	[sflag:s19] =	ssyncset.done $0x0  }
0x2d: {  	s28 =	sadd.s32 s4, s28;
	[sflag:s19] =	ssyncadd.s32 $0xFFFFD800  }
0x2e: {  	[tilespmem:s3], [sflag:$0x1] =	stream.linear.gather [hbm4b:s28+s3], $0x50, $0x38;
	[tilespmem:$0x19100] =	vst v63  }
0x2f: {  	s28 =	sadd.s32 $0xFFFFFB00, s15  }
0x30: {  	[tilespmem:s20], [sflag:$0x1] =	stream.linear.gather [hbm4b:s28+s3], $0x2800, $0x38;
	[tilespmem:$0x19100] =	vst v63  }
0x31: {  	_ =	swait.ge [sflag:s25], $0x50  }
0x32: {  	[sflag:s25] =	ssyncset.done $0x0  }
0x33: {  	[sflag:s25] =	ssyncadd.s32 $0xFFFFFFB0  }
0x34: {  	_ =	swait.ge [sflag:s25], $0x2800  }
0x35: {  	[sflag:s25] =	ssyncset.done $0x0  }
0x36: {  	[sflag:s25] =	ssyncadd.s32 $0xFFFFD800  }
0x37: {  	[spmem:s2] =	stream.indirect.scatter.add.f32 [tilespmem:s22], [sflag:$0x3], $0x80, s21, s24, $0xb8;
	[tilespmem:$0x19100] =	vst v63  }
0x38: {  	_ =	swait.ge [sflag:s19], $0x2800  }
0x39: {  	[sflag:s19] =	ssyncset.done $0x0  }
0x3a: {  	s29 =	sadd.s32 $0xA00, s15;
	s28 =	sadd.s32 $0x0, s16;
	[sflag:s19] =	ssyncadd.s32 $0xFFFFD800  }
0x3b: {  	[tilespmem:s21], [sflag:$0x2] =	stream.linear.gather [hbm4b:s28+s3], $0x50, $0x38;
	[tilespmem:$0x19100] =	vst v63  }
0x3c: {  	s30 =	sadd.s32 $0xA0, s17;
	s31 =	smov.u32 s15;
	s28 =	simm.s32 $0x14  }
.LBB2_2:
0x3d: {  	[tilespmem:s22], [sflag:$0x2] =	stream.linear.gather [hbm4b:s31+s3], $0x2800, $0x38;
	[tilespmem:$0x19100] =	vst v63  }
0x3e: {  	s0 =	smov.u32 s28;
	s31 =	smov.u32 s29  }
0x3f: {  	p0 =	sne.s32 s28, $0x4B0;
	s28 =	sadd.s32 $0x14, s28;
	_ =	swait.ge [sflag:s23], $0x50  }
0x40: {  	[sflag:s23] =	ssyncset.done $0x0  }
0x41: {  	[sflag:s23] =	ssyncadd.s32 $0xFFFFFFB0  }
0x42: {  	_ =	swait.ge [sflag:s23], $0x2800  }
0x43: {  	[sflag:s23] =	ssyncset.done $0x0  }
0x44: {  	[sflag:s23] =	ssyncadd.s32 $0xFFFFD800  }
0x45: {  	[spmem:s2] =	stream.indirect.scatter.add.f32 [tilespmem:s20], [sflag:$0x3], $0x80, s3, s24, $0xb8;
	[tilespmem:$0x19100] =	vst v63  }
0x46: {  	_ =	swait.ge [sflag:s19], $0x2800  }
0x47: {  	s1 =	sshrl.u32 s30, $0x3;
	[sflag:s19] =	ssyncset.done $0x0  }
0x48: {  	s1 =	sadd.s32 s4, s1;
	[sflag:s19] =	ssyncadd.s32 $0xFFFFD800  }
0x49: {  	[tilespmem:s3], [sflag:$0x1] =	stream.linear.gather [hbm4b:s1+s3], $0x50, $0x38;
	[tilespmem:$0x19100] =	vst v63  }
0x4a: {  	s1 =	sadd.s32 $0xFFFFFB00, s29  }
0x4b: {  	[tilespmem:s20], [sflag:$0x1] =	stream.linear.gather [hbm4b:s1+s3], $0x2800, $0x38;
	[tilespmem:$0x19100] =	vst v63  }
0x4c: {  	_ =	swait.ge [sflag:s25], $0x50  }
0x4d: {  	[sflag:s25] =	ssyncset.done $0x0  }
0x4e: {  	[sflag:s25] =	ssyncadd.s32 $0xFFFFFFB0  }
0x4f: {  	_ =	swait.ge [sflag:s25], $0x2800  }
0x50: {  	[sflag:s25] =	ssyncset.done $0x0  }
0x51: {  	[sflag:s25] =	ssyncadd.s32 $0xFFFFD800  }
0x52: {  	[spmem:s2] =	stream.indirect.scatter.add.f32 [tilespmem:s22], [sflag:$0x3], $0x80, s21, s24, $0xb8;
	[tilespmem:$0x19100] =	vst v63  }
.Ltmp0:
0x53: {  	_ =	swait.ge [sflag:s19], $0x2800;
	(pc) =	sbr.rel @p0 .LBB2_2-.Ltmp0, $4  }
0x54: {  	[sflag:s19] =	ssyncset.done $0x0  }
0x55: {  	s0 =	sadd.s32 s0, s16;
	[sflag:s19] =	ssyncadd.s32 $0xFFFFD800  }
0x56: {  	[tilespmem:s21], [sflag:$0x2] =	stream.linear.gather [hbm4b:s0+s3], $0x50, $0x38;
	[tilespmem:$0x19100] =	vst v63  }
0x57: {  	s30 =	sadd.s32 $0xA0, s30;
	s29 =	sadd.s32 $0xA00, s29  }
0x58: {  	[tilespmem:s22], [sflag:$0x2] =	stream.linear.gather [hbm4b:s31+s3], $0x2800, $0x38;
	[tilespmem:$0x19100] =	vst v63  }
0x59: {  	_ =	swait.ge [sflag:s23], $0x50  }
0x5a: {  	[sflag:s23] =	ssyncset.done $0x0  }
0x5b: {  	[sflag:s23] =	ssyncadd.s32 $0xFFFFFFB0  }
0x5c: {  	_ =	swait.ge [sflag:s23], $0x2800  }
0x5d: {  	[sflag:s23] =	ssyncset.done $0x0  }
0x5e: {  	[sflag:s23] =	ssyncadd.s32 $0xFFFFD800  }
0x5f: {  	[spmem:s2] =	stream.indirect.scatter.add.f32 [tilespmem:s20], [sflag:$0x3], $0x80, s3, s24, $0xb8;
	[tilespmem:$0x19100] =	vst v63  }
0x60: {  	_ =	swait.ge [sflag:s19], $0x2800  }
0x61: {  	[sflag:s19] =	ssyncset.done $0x0  }
0x62: {  	[sflag:s19] =	ssyncadd.s32 $0xFFFFD800  }
0x63: {  	[tilespmem:s3], [sflag:$0x1] =	stream.linear.gather [hbm4b:s13+s3], $0x50, $0x38;
	[tilespmem:$0x19100] =	vst v63  }
0x64: {  	_ = 	snop  }
0x65: {  	[tilespmem:s20], [sflag:$0x1] =	stream.linear.gather [hbm4b:s14+s3], $0x2800, $0x38;
	[tilespmem:$0x19100] =	vst v63  }
0x66: {  	_ =	swait.ge [sflag:s25], $0x50  }
0x67: {  	[sflag:s25] =	ssyncset.done $0x0  }
0x68: {  	[sflag:s25] =	ssyncadd.s32 $0xFFFFFFB0  }
0x69: {  	_ =	swait.ge [sflag:s25], $0x2800  }
0x6a: {  	[sflag:s25] =	ssyncset.done $0x0  }
0x6b: {  	[sflag:s25] =	ssyncadd.s32 $0xFFFFD800  }
0x6c: {  	[spmem:s2] =	stream.indirect.scatter.add.f32 [tilespmem:s22], [sflag:$0x3], $0x80, s21, s24, $0xb8;
	[tilespmem:$0x19100] =	vst v63  }
0x6d: {  	_ =	swait.ge [sflag:s19], $0x2800  }
0x6e: {  	[sflag:s19] =	ssyncset.done $0x0  }
0x6f: {  	[sflag:s19] =	ssyncadd.s32 $0xFFFFD800  }
0x70: {  	_ =	swait.ge [sflag:s23], $0x50  }
0x71: {  	[sflag:s23] =	ssyncset.done $0x0  }
0x72: {  	[sflag:s23] =	ssyncadd.s32 $0xFFFFFFB0  }
0x73: {  	_ =	swait.ge [sflag:s23], $0x2800  }
0x74: {  	[sflag:s23] =	ssyncset.done $0x0  }
0x75: {  	[sflag:s23] =	ssyncadd.s32 $0xFFFFD800  }
0x76: {  	[spmem:s2] =	stream.indirect.scatter.add.f32 [tilespmem:s20], [sflag:$0x3], $0x80, s3, s24, $0xb8;
	[tilespmem:$0x19100] =	vst v63  }
0x77: {  	_ =	swait.ge [sflag:s19], $0x2800  }
0x78: {  	s26 =	sadd.s32 $0x1, s26;
	[sflag:s19] =	ssyncset.done $0x0  }
0x79: {  	p0 =	sne.s32 s26, s12;
	[sflag:s19] =	ssyncadd.s32 $0xFFFFD800  }
.Ltmp1:
0x7a: {  	[bflag:$0x0] =	sbarrier.arrive $0xFFFF;
	(pc) =	sbr.rel @p0 .LBB2_1-.Ltmp1, $4  }
0x7b: {  	[hbm:s11], [sflag:s6] =	dma.local [spmem:s18], $0x2800  }
0x7c: {  	_ =	swait.ge [sflag:s19], $0x2800  }
0x7d: {  	[sflag:s19] =	ssyncset.done $0x0  }
0x7e: {  	[sflag:s19] =	ssyncadd.s32 $0xFFFFD800  }
0x7f: {  	_ =	sfence.sel $0x180000  }
0x80: {  	[bflag:$0x0] =	sbarrier.arrive $0xFFFF  }
0x81: {  	_ =	strace $0x9000004D  }
0x82: {  	s0 =	stileid.u32;
	[bflag:$0x2] =	sbarrier.arrive $0xFFFF  }
0x83: {  	p0 =	sne.s32 s0, $0x0;
	s0 =	rddreg [dreg:$0x2]  }
0x84: {  	s0 =	sadd.s32 @!p0 $0x100000, s0  }
0x85: {  	[sflag:s0] =	ssyncadd.tile.s32 @!p0 $0x1;
	_ =	shalt  }
.Lfunc_end2:
_tile_overlayer_lowered:
.L_overlay_start_2:
0x86: {  	(tag) =	ssettag $0x2  }
0x87: {  	s0 =	rddreg [dreg:$0x0];
	s2 =	stileid.u32  }
0x88: {  	s1 =	rddreg [dreg:$0x1];
	p0 =	sne.s32 s2, $0x0  }
0x89: {  	s3 =	rddreg [dreg:$0x2];
	[bflag:$0x3] =	sbarrier.arrive $0xFFFF;
	s2 =	simm.s32 @!p0 $0x1C03  }
0x8a: {  	[timem:s3], [sflag:s2] =	dma.local @!p0 [hbm:s0], s1  }
0x8b: {  	s0 =	simm.s32 @!p0 $0x3  }
0x8c: {  	_ =	swait.ge @!p0 [sflag:s0], s1  }
0x8d: {  	s1 =	ssub.s32 @!p0 $0x0, s1;
	[sflag:s0] =	ssyncset.done @!p0 $0x0  }
0x8e: {  	[sflag:s0] =	ssyncadd.s32 @!p0 s1  }
0x8f: {  	[bflag:$0x3] =	sbarrier.arrive $0xFFFF  }
0x90: {  	_ =	shalt  }

// kernel: kernel.14.cloned.1.call-start
scs
__scs_entry_jumppad:
0x0: {  	(pc) =	sbr.rel $0x88, $3  }
0x1: {  	(tag) =	ssettag $0x0;
	lr =	simm.s32 $0x1  }
0x2: {  	[smem:$0x3F93] =	sst lr;
	_ =	strace $0xD0000000  }
0x3: {  	_ = 	snop  }
0x4: {  	_ = 	snop  }
0x5: {  	_ = 	snop  }
0x6: {  	_ = 	snop  }
0x7: {  	_ = 	snop  }
__scs_overlays_trampoline_lowered:
0x8: {  	[smem:$0x3FA2] =	sst s0  }
0x9: {  	[smem:$0x3FA3] =	sst s1  }
0xa: {  	[smem:$0x3FA4] =	sst s2  }
0xb: {  	[smem:$0x3FA5] =	sst s3  }
0xc: {  	[smem:$0x3FA6] =	sst s4  }
0xd: {  	[smem:$0x3FA7] =	sst s5  }
0xe: {  	[smem:$0x3FA8] =	sst s6  }
0xf: {  	[smem:$0x3FA9] =	sst s7  }
0x10: {  	[smem:$0x3FAA] =	sst s8  }
0x11: {  	[smem:$0x3FAB] =	sst s9;
	s0 =	simm.s32 @!p0 $0x0  }
0x12: {  	s1 =	sld [smem:$0x3F91];
	s0 =	simm.s32 @p0 $0x1  }
0x13: {  	[smem:$0x3FAC] =	sst s0;
	s0 =	simm.s32 @!p1 $0x0  }
0x14: {  	s2 =	sld [smem:$0x3F90];
	s0 =	simm.s32 @p1 $0x1  }
0x15: {  	[smem:$0x3FAD] =	sst s0;
	s0 =	simm.s32 @!p2 $0x0  }
0x16: {  	s3 =	sld [smem:$0x3FDB];
	s0 =	simm.s32 @p2 $0x1  }
0x17: {  	s4 =	simm.s32 $0x1BF5;
	[smem:$0x3FAF] =	sst s0  }
0x18: {  	s0 =	sld [smem:$0x3F92];
	_ =	swait.ge [sflag:s4], $0x0  }
0x19: {  	s7 =	sld [smem:$0x3F93]  }
0x1a: {  	s8 =	sadd.s32 $0xFFFFE003, lr  }
0x1b: {  	s9 =	sadd.s32 $0xFFFFFEF7, lr;
	s5 =	simm.s32 $0xFFFFFFFF;
	p2 =	slt.u32 s8, $0xFFFFF086  }
0x1c: {  	p1 =	slt.u32 s9, $0xF7A;
	s5 =	simm.s32 @!p2 $0x0  }
0x1d: {  	s5 =	simm.s32 @p1 $0x1;
	p0 =	seq.s32 s7, s2  }
0x1e: {  	s7 =	smul.u32 @!p0 $0xF7A, s2;
	p2 =	seq.s32 @!p0 s5, $0x0  }
0x1f: {  	s9 =	smul.u32 $0xF7A, s1;
	s8 =	simm.s32 @!p0 $0x1BF5;
	p2 =	por !p2, p0  }
0x20: {  	[sflag:s8] =	ssyncset.s32 @!p0 $0xFFFFF086;
	s6 =	sadd.s32 @!p0 s3, s7;
	s7 =	simm.s32 @!p0 $0x108  }
0x21: {  	s3 =	sadd.s32 s3, s9;
	s6 =	sadd.s32 @!p0 $0x88, s6;
	s7 =	simm.s32 @p2 $0x1082  }
0x22: {  	[simem:s7], [sflag:s8] =	dma.local @!p0 [hbm:s6], $0xF7A  }
0x23: {  	s9 =	sor.u32 $0xD0000000, s2;
	s6 =	simm.s32 $0x108;
	_ =	swait.ge @!p0 [sflag:s8], $0x0  }
0x24: {  	s3 =	sadd.s32 $0x88, s3;
	s6 =	simm.s32 @!p1 $0x1082;
	[sflag:s4] =	ssyncset.s32 $0xFFFFF086  }
0x25: {  	[simem:s6], [sflag:s4] =	dma.local [hbm:s3], $0xF7A  }
0x26: {  	[smem:$0x3F93] =	sst s1;
	(tag) =	ssettag s2;
	_ =	strace s9  }
0x27: {  	s1 =	sld [smem:$0x3FA3]  }
0x28: {  	s2 =	sld [smem:$0x3FA4]  }
0x29: {  	s4 =	sld [smem:$0x3FA6]  }
0x2a: {  	p0 =	seq.s32 s5, $0x0;
	s5 =	sld [smem:$0x3FA7]  }
0x2b: {  	s6 =	sld [smem:$0x3FA8]  }
0x2c: {  	s7 =	sld [smem:$0x3FA9]  }
0x2d: {  	s3 =	simm.s32 $0x108;
	s8 =	sld [smem:$0x3FAA]  }
0x2e: {  	s3 =	simm.s32 @!p0 $0x1082;
	s9 =	sld [smem:$0x3FAB]  }
0x2f: {  	lr =	sadd.s32 s0, s3;
	s0 =	sld [smem:$0x3FA2]  }
0x30: {  	s3 =	sld [smem:$0x3FA5]  }
0x31: {  	[smem:$0x3FAE] =	sst s10  }
0x32: {  	s10 =	sld [smem:$0x3FAC];
	_ =	sdelay $0x3  }
0x33: {  	p0 =	seq.s32 s10, $0x1;
	s10 =	sld [smem:$0x3FAE];
	_ =	sdelay $0x3  }
0x34: {  	[smem:$0x3FAE] =	sst s10  }
0x35: {  	s10 =	sld [smem:$0x3FAD];
	_ =	sdelay $0x3  }
0x36: {  	p1 =	seq.s32 s10, $0x1;
	s10 =	sld [smem:$0x3FAE];
	_ =	sdelay $0x3  }
0x37: {  	[smem:$0x3FAE] =	sst s10  }
0x38: {  	s10 =	sld [smem:$0x3FAF]  }
0x39: {  	_ = 	snop;
	(pc) =	sbr.ind lr, $3  }
0x3a: {  	_ = 	snop  }
0x3b: {  	_ = 	snop  }
0x3c: {  	p2 =	seq.s32 s10, $0x1;
	s10 =	sld [smem:$0x3FAE]  }
0x3d: {  	_ =	shalt  }
0x3e: {  	_ =	shalt  }
0x3f: {  	_ =	shalt  }
0x40: {  	_ =	shalt  }
0x41: {  	_ =	shalt  }
0x42: {  	_ =	shalt  }
0x43: {  	_ =	shalt  }
0x44: {  	_ =	shalt  }
0x45: {  	_ =	shalt  }
0x46: {  	_ =	shalt  }
0x47: {  	_ =	shalt  }
0x48: {  	_ =	shalt  }
0x49: {  	_ =	shalt  }
0x4a: {  	_ =	shalt  }
0x4b: {  	_ =	shalt  }
0x4c: {  	_ =	shalt  }
0x4d: {  	_ =	shalt  }
0x4e: {  	_ =	shalt  }
0x4f: {  	_ =	shalt  }
0x50: {  	_ =	shalt  }
0x51: {  	_ =	shalt  }
0x52: {  	_ =	shalt  }
0x53: {  	_ =	shalt  }
0x54: {  	_ =	shalt  }
0x55: {  	_ =	shalt  }
0x56: {  	_ =	shalt  }
0x57: {  	_ =	shalt  }
0x58: {  	_ =	shalt  }
0x59: {  	_ =	shalt  }
0x5a: {  	_ =	shalt  }
0x5b: {  	_ =	shalt  }
0x5c: {  	_ =	shalt  }
0x5d: {  	_ =	shalt  }
0x5e: {  	_ =	shalt  }
0x5f: {  	_ =	shalt  }
0x60: {  	_ =	shalt  }
0x61: {  	_ =	shalt  }
0x62: {  	_ =	shalt  }
0x63: {  	_ =	shalt  }
0x64: {  	_ =	shalt  }
0x65: {  	_ =	shalt  }
0x66: {  	_ =	shalt  }
0x67: {  	_ =	shalt  }
0x68: {  	_ =	shalt  }
0x69: {  	_ =	shalt  }
0x6a: {  	_ =	shalt  }
0x6b: {  	_ =	shalt  }
0x6c: {  	_ =	shalt  }
0x6d: {  	_ =	shalt  }
0x6e: {  	_ =	shalt  }
0x6f: {  	_ =	shalt  }
0x70: {  	_ =	shalt  }
0x71: {  	_ =	shalt  }
0x72: {  	_ =	shalt  }
0x73: {  	_ =	shalt  }
0x74: {  	_ =	shalt  }
0x75: {  	_ =	shalt  }
0x76: {  	_ =	shalt  }
0x77: {  	_ =	shalt  }
0x78: {  	_ =	shalt  }
0x79: {  	_ =	shalt  }
0x7a: {  	_ =	shalt  }
0x7b: {  	_ =	shalt  }
0x7c: {  	_ =	shalt  }
0x7d: {  	_ =	shalt  }
0x7e: {  	_ =	shalt  }
0x7f: {  	_ =	shalt  }
0x80: {  	_ =	shalt  }
0x81: {  	_ =	shalt  }
0x82: {  	_ =	shalt  }
0x83: {  	_ =	shalt  }
0x84: {  	_ =	shalt  }
0x85: {  	_ =	shalt  }
0x86: {  	_ =	shalt  }
0x87: {  	_ =	shalt  }
.Lfunc_end0:
.L_simem_size_0:
called_computation.2_lowered:
.L_overlay_start_0:
0x88: {  	s2 =	sld [smem:$0x3FD9]  }
0x89: {  	s3 =	sld [smem:$0x3FFE];
	_ =	sdelay $0x1  }
0x8a: {  	s1 =	srdreg.scid  }
0x8b: {  	s0 =	sand.u32 $0x1, s1  }
0x8c: {  	s14 =	sshll.u32 s0, $0xA;
	s2 =	sadd.s32 s3, s2  }
0x8d: {  	s2 =	sadd.s32 s2, s14  }
0x8e: {  	[smem:$0x3FBA] =	sst s2  }
0x8f: {  	_ = 	snop  }
0x90: {  	s2 =	sld [smem:$0x3FD0];
	_ =	sdelay $0x2  }
0x91: {  	s15 =	simm.s32 $0xB;
	s4 =	simm.s32 $0x10  }
0x92: {  	[smem:s4], [sflag:s15] =	dma.local [hbm:s2], $0x1  }
0x93: {  	_ =	swait.eq [sflag:s15], $0x1  }
0x94: {  	[sflag:s15] =	ssyncset.done $0x0  }
0x95: {  	[sflag:s15] =	ssyncadd.s32 $0xFFFFFFFF  }
0x96: {  	s16 =	sld [smem:$0x10];
	(tm) =	ssettm $0x1  }
0x97: {  	s17 =	sld [smem:$0x3FFB];
	_ =	sdelay $0x3  }
0x98: {  	_ =	strace s17  }
0x99: {  	s3 =	sld [smem:$0x3FFC];
	_ =	sdelay $0x3  }
0x9a: {  	_ =	strace s3  }
0x9b: {  	s3 =	sld [smem:$0x3FFD];
	_ =	sdelay $0x3  }
0x9c: {  	_ =	strace s3  }
0x9d: {  	_ =	strace $0x8FFFFFFF  }
0x9e: {  	s18 =	sld [smem:$0x3FDB];
	_ =	sdelay $0x1  }
0x9f: {  	s19 =	simm.s32 $_scs_section_size  }
0xa0: {  	s5 =	simm.s32 $_size__tile_overlayer_lowered;
	s6 =	simm.s32 $_tile_overlayer_lowered  }
0xa1: {  	s22 =	simm.s32 $0x1BFF;
	s21 =	sshll.u32 s6, $0x1;
	s3 =	sadd.s32 s19, s18  }
0xa2: {  	s7 =	simm.s32 $0x0;
	s20 =	sshll.u32 s5, $0x1;
	s5 =	sadd.s32 s21, s3  }
0xa3: {  	[timem:s7], [sflag:s22] =	dma.local [hbm:s5], s20  }
0xa4: {  	_ =	swait.ge [sflag:s22], s20  }
0xa5: {  	s4 =	ssub.s32 $0x0, s20;
	[sflag:s22] =	ssyncset.done $0x0  }
0xa6: {  	[sflag:s22] =	ssyncadd.s32 s4;
	_ =	sdelay $0x1  }
0xa7: {  	s23 =	simm.s32 $0x1B8B  }
0xa8: {  	_ =	swait.ge [sflag:s23], $0x1  }
0xa9: {  	[sflag:s23] =	ssyncset.done $0x0  }
0xaa: {  	s25 =	simm.s32 $0x1B8E;
	s24 =	sld [smem:$0x3FFE];
	[sflag:s23] =	ssyncadd.s32 $0xFFFFFFFF  }
0xab: {  	s26 =	simm.s32 $execute0_lowered;
	[smem:$0x3FD2] =	sst s25  }
0xac: {  	s5 =	sshll.u32 s26, $0x1;
	_ =	strace $0x80000049;
	[dreg:$0x1] =	wrdreg $0xFFFFFFFF  }
0xad: {  	s28 =	simm.s32 $_size_execute0_lowered;
	s3 =	sadd.s32 s3, s5;
	[dreg:$0x0] =	wrdreg $0x0  }
0xae: {  	s5 =	sshll.u32 s28, $0x1;
	[dreg:$0x2] =	wrdreg s3  }
0xaf: {  	[dreg:$0x3] =	wrdreg s5  }
0xb0: {  	[dreg:$0x4] =	wrdreg $0xC0  }
0xb1: {  	_ =	task [dreg:s7], $0x5FFFF  }
0xb2: {  	[dreg:$0x1] =	wrdreg $0xFFFFFFFF  }
0xb3: {  	[dreg:$0x0] =	wrdreg $0x60  }
0xb4: {  	[dreg:$0x2] =	wrdreg s24  }
0xb5: {  	[dreg:$0x3] =	wrdreg s16  }
0xb6: {  	[dreg:$0x4] =	wrdreg $0xF4000  }
0xb7: {  	[dreg:$0x5] =	wrdreg $0xA  }
0xb8: {  	_ =	task.clear_ibuf [dreg:s7], $0x6FFFF;
	_ =	strace $0x90000049  }
0xb9: {  	s29 =	simm.s32 $0xA;
	_ =	strace $0x8000004B  }
0xba: {  	_ =	swait.ge [sflag:s29], $0x1  }
0xbb: {  	[sflag:s29] =	ssyncadd.s32 $0xFFFFFFFF  }
0xbc: {  	_ =	strace $0x9000004B  }
0xbd: {  	_ =	sfence  }
0xbe: {  	s30 =	sld [smem:$0x0];
	_ =	sdelay $0x2  }
0xbf: {  	s31 =	sshll.u32 s1, $0xD;
	s1 =	sshrl.u32 s1, $0x2  }
0xc0: {  	s3 =	sand.u32 $0x4000, s31;
	s1 =	sadd.s32 s1, s30  }
0xc1: {  	s0 =	sor.u32 s3, s0;
	s1 =	sshll.u32 s1, $0x11  }
0xc2: {  	s0 =	sor.u32 s1, s0  }
0xc3: {  	s0 =	sadd.s32 $0x8F2B, s0  }
0xc4: {  	[sflag:s0] =	ssyncadd.remote.s32 $0x1  }
0xc5: {  	_ =	sfence.sel $0xFFFF  }
0xc6: {  	[dreg:$0x0] =	wrdreg $0xFFFFFFFF;
	(pc) =	sbr.abs _section_cstart, $3  }
0xc7: {  	[dreg:$0x1] =	wrdreg $0xFFFFFFFF  }
0xc8: {  	_ =	task.clear_ibuf [dreg:s7], $0x2FFFF;
	_ =	strace $0x9FFFFFFF  }
0xc9: {  	(tm) =	ssettm $0x7FFFFFFF  }
tec
execute0_lowered:
.L_overlay_start_1:
0x0: {  	(tag) =	ssettag $0x1  }
0x1: {  	s0 =	rddreg [dreg:$0x0]  }
0x2: {  	s1 =	rddreg [dreg:$0x1]  }
0x3: {  	s3 =	rddreg [dreg:$0x2]  }
0x4: {  	s2 =	simm.s32 $0x0;
	s5 =	srdreg.scid;
	s11 =	stileid.u32  }
0x5: {  	s28 =	simm.s32 $0x3800;
	s29 =	simm.s32 $0x1;
	s30 =	simm.s32 $0x2  }
0x6: {  	s31 =	simm.s32 $0x80;
	[smem:$0x7FF] =	sst s2;
	s4 =	sadd.s32 $0xB800, s0  }
0x7: {  	s7 =	sand.u32 $0x1, s5;
	s5 =	sadd.s32 $0x1A00, s0;
	s8 =	smul.u32 $0x1400, s11  }
0x8: {  	s6 =	sadd.s32 $0x15600, s0;
	s17 =	sadd.s32 $0x1F400, s0;
	s22 =	sshrl.u32 s11, $0x3  }
0x9: {  	s25 =	smul.u32 $0x14000, s11;
	s26 =	sshll.u32 s11, $0x7;
	_ =	strace $0x8000004A  }
0xa: {  	s9 =	sshll.u32 s7, $0x4;
	s10 =	sshll.u32 s7, $0x7;
	s7 =	ssub.s32 $0x2, s7  }
0xb: {  	[dreg:$0x4] =	wrdreg s17;
	s23 =	smul.u32 $0x140000, s22;
	s22 =	simm.s32 $0x2000  }
0xc: {  	s9 =	sor.u32 s11, s9;
	s8 =	sor.u32 s10, s8;
	s18 =	sshrl.u32 s7, $0x1  }
0xd: {  	s10 =	sshrl.u32 s25, $0x2;
	s25 =	simm.s32 $0x1800;
	s9 =	smul.u32 $0x2710, s9  }
0xe: {  	s8 =	sshrl.u32 s8, $0x3;
	s7 =	ssub.s32 s7, s18;
	s16 =	sadd.s32 s10, s3  }
0xf: {  	s0 =	sadd.s32 s8, s0;
	s18 =	smax.u32 s7, $0x1;
	s7 =	simm.s32 $0xEA00  }
0x10: {  	s19 =	sshrl.u32 s9, $0x3;
	s24 =	sadd.s32 $0x7D0, s9;
	s13 =	sadd.s32 $0xFA0, s9  }
0x11: {  	s14 =	sadd.s32 $0x1770, s9;
	s9 =	sand.u32 $0x380, s26;
	s17 =	sadd.s32 $0x20800, s0  }
0x12: {  	s26 =	simm.s32 $0x2800;
	s20 =	sadd.s32 s4, s19;
	[dreg:$0x9] =	wrdreg s24  }
0x13: {  	s0 =	simm.s32 $0x400;
	s21 =	sadd.s32 s1, s19;
	[dreg:$0x5] =	wrdreg s20  }
0x14: {  	s12 =	sadd.s32 s5, s19;
	s8 =	sadd.s32 s6, s19;
	[dreg:$0x6] =	wrdreg s21  }
0x15: {  	s19 =	simm.s32 $0x4000;
	s24 =	simm.s32 $0x800;
	[dreg:$0x7] =	wrdreg s12  }
0x16: {  	[dreg:$0x8] =	wrdreg s8;
	s8 =	sshrl.u32 s23, $0x2;
	s20 =	simm.s32 $0x3  }
0x17: {  	s21 =	simm.s32 $0x1000;
	s23 =	simm.s32 $0x3000;
	s8 =	sadd.s32 s8, s3  }
0x18: {  	v0 =	vimm.f32 $1.000000000e+00;
	s3 =	simm.s32 $0xE000;
	s15 =	sadd.s32 s9, s8;
	s8 =	simm.s32 $0x0  }
.LBB2_1:
0x19: {  	s9 =	rddreg [dreg:$0x4]  }
0x1a: {  	[tilespmem:s19], [sflag:$0x3] =	stream.linear.gather [hbm4b:s9+s2], $0xA000, $0x38;
	[tilespmem:$0x19400] =	vst v63  }
0x1b: {  	_ =	swait.ge [sflag:s20], $0xA000  }
0x1c: {  	[sflag:s20] =	ssyncset.done $0x0;
	s12 =	rddreg [dreg:$0x5]  }
0x1d: {  	s10 =	rddreg [dreg:$0x6];
	[sflag:s20] =	ssyncadd.s32 $0xFFFF6000  }
0x1e: {  	[tilespmem:s2], [sflag:$0x1] =	stream.linear.gather [hbm4b:s12+s2], $0x7D0, $0x38;
	[tilespmem:$0x19400] =	vst v63  }
0x1f: {  	s11 =	rddreg [dreg:$0x7]  }
0x20: {  	[tilespmem:s21], [sflag:$0x1] =	stream.linear.gather [hbm4b:s10+s2], $0x7D0, $0x38;
	[tilespmem:$0x19400] =	vst v63  }
0x21: {  	s12 =	rddreg [dreg:$0x8]  }
0x22: {  	[tilespmem:s22], [sflag:$0x1] =	stream.linear.gather [hbm4b:s11+s2], $0x7D0, $0x38;
	[tilespmem:$0x19400] =	vst v63  }
0x23: {  	p1 =	por $0x1, $0x1;
	s9 =	simm.s32 $0x0;
	s10 =	rddreg [dreg:$0x9]  }
0x24: {  	[tilespmem:s23], [sflag:$0x1] =	stream.linear.gather [hbm4b:s12+s2], $0x7D0, $0x38;
	[tilespmem:$0x19400] =	vst v63  }
.LBB2_2:
0x25: {  	s10 =	sshrl.u32 s10, $0x3  }
0x26: {  	s12 =	simm.s32 $0x0;
	s11 =	sadd.s32 s4, s10  }
0x27: {  	[tilespmem:s24], [sflag:$0x2] =	stream.linear.gather [hbm4b:s11+s12], $0x7D0, $0x38;
	[tilespmem:$0x19400] =	vst v63  }
0x28: {  	s11 =	sadd.s32 s1, s10  }
0x29: {  	[tilespmem:s25], [sflag:$0x2] =	stream.linear.gather [hbm4b:s11+s12], $0x7D0, $0x38;
	[tilespmem:$0x19400] =	vst v63  }
0x2a: {  	s11 =	sadd.s32 s5, s10  }
0x2b: {  	[tilespmem:s26], [sflag:$0x2] =	stream.linear.gather [hbm4b:s11+s12], $0x7D0, $0x38;
	[tilespmem:$0x19400] =	vst v63  }
0x2c: {  	s10 =	sadd.s32 s6, s10  }
0x2d: {  	[tilespmem:s28], [sflag:$0x2] =	stream.linear.gather [hbm4b:s10+s12], $0x7D0, $0x38;
	[tilespmem:$0x19400] =	vst v63  }
0x2e: {  	_ =	swait.ge [sflag:s29], $0x7D0  }
0x2f: {  	[sflag:s29] =	ssyncset.done $0x0  }
0x30: {  	[sflag:s29] =	ssyncadd.s32 $0xFFFFF830  }
0x31: {  	_ =	swait.ge [sflag:s29], $0x7D0  }
0x32: {  	[sflag:s29] =	ssyncset.done $0x0  }
0x33: {  	[sflag:s29] =	ssyncadd.s32 $0xFFFFF830  }
0x34: {  	_ =	swait.ge [sflag:s29], $0x7D0  }
0x35: {  	[sflag:s29] =	ssyncset.done $0x0  }
0x36: {  	[sflag:s29] =	ssyncadd.s32 $0xFFFFF830  }
0x37: {  	_ =	swait.ge [sflag:s29], $0x7D0  }
0x38: {  	[sflag:s29] =	ssyncset.done $0x0  }
0x39: {  	s12 =	simm.s32 $0x0;
	[sflag:s29] =	ssyncadd.s32 $0xFFFFF830  }
0x3a: {  	v1 =	vld [tilespmem:s12+$0x0];
	_ =	sdelay $0x4  }
0x3b: {  	v2 =	vld [tilespmem:s12+$0x1000];
	v1 =	vshll.u32 v1, $0x2;
	_ =	sdelay $0x4  }
0x3c: {  	[tilespmem:v1+s19+$0x0] =	vst.idx.add.f32.msk $0xffff, v2  }
0x3d: {  	v3 =	vor.u32 $0x1, v1;
	v2 =	vld [tilespmem:s12+$0x2000];
	_ =	sdelay $0x4  }
0x3e: {  	[tilespmem:v3+s19+$0x0] =	vst.idx.add.f32.msk $0xffff, v2  }
0x3f: {  	v3 =	vor.u32 $0x2, v1;
	v2 =	vld [tilespmem:s12+$0x3000];
	_ =	sdelay $0x1  }
0x40: {  	v1 =	vor.u32 $0x3, v1;
	_ =	sdelay $0x2  }
0x41: {  	p0 =	por p1, p1;
	s11 =	simm.s32 $0x80;
	s10 =	simm.s32 $0x40;
	[tilespmem:v3+s19+$0x0] =	vst.idx.add.f32.msk $0xffff, v2  }
.LBB2_3:
0x42: {  	p1 =	sne.s32 s11, $0x1F00  }
0x43: {  	s12 =	sshra.s32 s10, $0x2;
	[tilespmem:v1+s19+$0x0] =	vst.idx.add.f32.msk $0xffff, v0;
	s10 =	smov.u32 s11;
	s11 =	sadd.s32 $0x40, s11  }
0x44: {  	v1 =	vld [tilespmem:s12+$0x0];
	_ =	sdelay $0x4  }
0x45: {  	v1 =	vshll.u32 v1, $0x2;
	v2 =	vld [tilespmem:s12+$0x1000];
	_ =	sdelay $0x4  }
0x46: {  	[tilespmem:v1+s19+$0x0] =	vst.idx.add.f32.msk $0xffff, v2  }
0x47: {  	v3 =	vor.u32 $0x1, v1;
	v2 =	vld [tilespmem:s12+$0x2000];
	_ =	sdelay $0x4  }
0x48: {  	[tilespmem:v3+s19+$0x0] =	vst.idx.add.f32.msk $0xffff, v2  }
0x49: {  	v3 =	vor.u32 $0x2, v1;
	v2 =	vld [tilespmem:s12+$0x3000]  }
.Ltmp0:
0x4a: {  	v1 =	vor.u32 $0x3, v1;
	(pc) =	sbr.rel @p1 .LBB2_3-.Ltmp0, $2  }
0x4b: {  	_ =	sdelay $0x2  }
0x4c: {  	[tilespmem:v3+s19+$0x0] =	vst.idx.add.f32.msk $0xffff, v2  }
0x4d: {  	_ =	sdelay $0x3  }
0x4e: {  	s10 =	sshra.s32 s10, $0x2;
	[tilespmem:v1+s19+$0x0] =	vst.idx.add.f32.msk $0xffff, v0  }
0x4f: {  	v1 =	vld [tilespmem:s10+$0x0];
	_ =	sdelay $0x4  }
0x50: {  	v2 =	vld [tilespmem:s10+$0x1000];
	v1 =	vshll.u32 v1, $0x2;
	_ =	sdelay $0x4  }
0x51: {  	[tilespmem:v1+s19+$0x0] =	vst.idx.add.f32.msk $0xffff, v2  }
0x52: {  	v3 =	vor.u32 $0x1, v1;
	v2 =	vld [tilespmem:s10+$0x2000];
	_ =	sdelay $0x4  }
0x53: {  	[tilespmem:v3+s19+$0x0] =	vst.idx.add.f32.msk $0xffff, v2  }
0x54: {  	v3 =	vor.u32 $0x2, v1;
	v2 =	vld [tilespmem:s10+$0x3000]  }
0x55: {  	v1 =	vor.u32 $0x3, v1;
	_ =	sdelay $0x2  }
0x56: {  	s9 =	sadd.s32 s9, s13  }
0x57: {  	s9 =	sshrl.u32 s9, $0x3;
	[tilespmem:v3+s19+$0x0] =	vst.idx.add.f32.msk $0xffff, v2  }
0x58: {  	s11 =	simm.s32 $0x0;
	s12 =	sadd.s32 s4, s9;
	[tilespmem:v1+s19+$0x0] =	vst.idx.add.f32.msk $0xffff, v0  }
0x59: {  	[tilespmem:s11], [sflag:$0x1] =	stream.linear.gather [hbm4b:s12+s11], $0x7D0, $0x38;
	[tilespmem:$0x19400] =	vst v63  }
0x5a: {  	s12 =	sadd.s32 s1, s9  }
0x5b: {  	[tilespmem:s21], [sflag:$0x1] =	stream.linear.gather [hbm4b:s12+s11], $0x7D0, $0x38;
	[tilespmem:$0x19400] =	vst v63  }
0x5c: {  	s12 =	sadd.s32 s5, s9  }
0x5d: {  	[tilespmem:s22], [sflag:$0x1] =	stream.linear.gather [hbm4b:s12+s11], $0x7D0, $0x38;
	[tilespmem:$0x19400] =	vst v63  }
0x5e: {  	s9 =	sadd.s32 s6, s9  }
0x5f: {  	[tilespmem:s23], [sflag:$0x1] =	stream.linear.gather [hbm4b:s9+s11], $0x7D0, $0x38;
	[tilespmem:$0x19400] =	vst v63  }
0x60: {  	_ =	swait.ge [sflag:s30], $0x7D0  }
0x61: {  	[sflag:s30] =	ssyncset.done $0x0  }
0x62: {  	[sflag:s30] =	ssyncadd.s32 $0xFFFFF830  }
0x63: {  	_ =	swait.ge [sflag:s30], $0x7D0  }
0x64: {  	[sflag:s30] =	ssyncset.done $0x0  }
0x65: {  	[sflag:s30] =	ssyncadd.s32 $0xFFFFF830  }
0x66: {  	_ =	swait.ge [sflag:s30], $0x7D0  }
0x67: {  	[sflag:s30] =	ssyncset.done $0x0  }
0x68: {  	[sflag:s30] =	ssyncadd.s32 $0xFFFFF830  }
0x69: {  	_ =	swait.ge [sflag:s30], $0x7D0  }
0x6a: {  	[sflag:s30] =	ssyncset.done $0x0  }
0x6b: {  	s12 =	simm.s32 $0x0;
	[sflag:s30] =	ssyncadd.s32 $0xFFFFF830  }
0x6c: {  	v1 =	vld [tilespmem:s12+$0x800];
	_ =	sdelay $0x4  }
0x6d: {  	v2 =	vld [tilespmem:s12+$0x1800];
	v1 =	vshll.u32 v1, $0x2;
	_ =	sdelay $0x4  }
0x6e: {  	[tilespmem:v1+s19+$0x0] =	vst.idx.add.f32.msk $0xffff, v2  }
0x6f: {  	v3 =	vor.u32 $0x1, v1;
	v2 =	vld [tilespmem:s12+$0x2800];
	_ =	sdelay $0x4  }
0x70: {  	[tilespmem:v3+s19+$0x0] =	vst.idx.add.f32.msk $0xffff, v2  }
0x71: {  	v3 =	vor.u32 $0x2, v1;
	v2 =	vld [tilespmem:s12+$0x3800];
	_ =	sdelay $0x1  }
0x72: {  	v1 =	vor.u32 $0x3, v1;
	_ =	sdelay $0x2  }
0x73: {  	s10 =	simm.s32 $0x80;
	s9 =	simm.s32 $0x40;
	[tilespmem:v3+s19+$0x0] =	vst.idx.add.f32.msk $0xffff, v2  }
.LBB2_5:
0x74: {  	p1 =	sne.s32 s10, $0x1F00  }
0x75: {  	s11 =	sshra.s32 s9, $0x2;
	[tilespmem:v1+s19+$0x0] =	vst.idx.add.f32.msk $0xffff, v0;
	s9 =	smov.u32 s10;
	s10 =	sadd.s32 $0x40, s10  }
0x76: {  	v1 =	vld [tilespmem:s11+$0x800];
	_ =	sdelay $0x4  }
0x77: {  	v1 =	vshll.u32 v1, $0x2;
	v2 =	vld [tilespmem:s11+$0x1800];
	_ =	sdelay $0x4  }
0x78: {  	[tilespmem:v1+s19+$0x0] =	vst.idx.add.f32.msk $0xffff, v2  }
0x79: {  	v3 =	vor.u32 $0x1, v1;
	v2 =	vld [tilespmem:s11+$0x2800];
	_ =	sdelay $0x4  }
0x7a: {  	[tilespmem:v3+s19+$0x0] =	vst.idx.add.f32.msk $0xffff, v2  }
0x7b: {  	v3 =	vor.u32 $0x2, v1;
	v2 =	vld [tilespmem:s11+$0x3800]  }
.Ltmp1:
0x7c: {  	v1 =	vor.u32 $0x3, v1;
	(pc) =	sbr.rel @p1 .LBB2_5-.Ltmp1, $2  }
0x7d: {  	_ =	sdelay $0x2  }
0x7e: {  	[tilespmem:v3+s19+$0x0] =	vst.idx.add.f32.msk $0xffff, v2  }
0x7f: {  	_ =	sdelay $0x3  }
0x80: {  	s9 =	sshra.s32 s9, $0x2;
	[tilespmem:v1+s19+$0x0] =	vst.idx.add.f32.msk $0xffff, v0  }
0x81: {  	v1 =	vld [tilespmem:s9+$0x800];
	_ =	sdelay $0x4  }
0x82: {  	v2 =	vld [tilespmem:s9+$0x1800];
	v1 =	vshll.u32 v1, $0x2;
	_ =	sdelay $0x4  }
0x83: {  	[tilespmem:v1+s19+$0x0] =	vst.idx.add.f32.msk $0xffff, v2  }
0x84: {  	v3 =	vor.u32 $0x1, v1;
	v2 =	vld [tilespmem:s9+$0x2800];
	_ =	sdelay $0x4  }
0x85: {  	[tilespmem:v3+s19+$0x0] =	vst.idx.add.f32.msk $0xffff, v2  }
0x86: {  	v3 =	vor.u32 $0x2, v1;
	v2 =	vld [tilespmem:s9+$0x3800]  }
0x87: {  	v1 =	vor.u32 $0x3, v1  }
.Ltmp2:
0x88: {  	_ = 	snop;
	(pc) =	sbr.rel @p0 .LBB2_2-.Ltmp2, $3  }
0x89: {  	_ =	sdelay $0x1  }
0x8a: {  	[tilespmem:v3+s19+$0x0] =	vst.idx.add.f32.msk $0xffff, v2  }
0x8b: {  	p1 =	por $0x0, $0x0;
	s10 =	smov.u32 s14;
	s9 =	simm.s32 $0xFA0;
	[tilespmem:v1+s19+$0x0] =	vst.idx.add.f32.msk $0xffff, v0  }
0x8c: {  	_ =	swait.ge [sflag:s29], $0x7D0  }
0x8d: {  	[sflag:s29] =	ssyncset.done $0x0  }
0x8e: {  	[sflag:s29] =	ssyncadd.s32 $0xFFFFF830  }
0x8f: {  	_ =	swait.ge [sflag:s29], $0x7D0  }
0x90: {  	[sflag:s29] =	ssyncset.done $0x0  }
0x91: {  	[sflag:s29] =	ssyncadd.s32 $0xFFFFF830  }
0x92: {  	_ =	swait.ge [sflag:s29], $0x7D0  }
0x93: {  	[sflag:s29] =	ssyncset.done $0x0  }
0x94: {  	[sflag:s29] =	ssyncadd.s32 $0xFFFFF830  }
0x95: {  	_ =	swait.ge [sflag:s29], $0x7D0  }
0x96: {  	[sflag:s29] =	ssyncset.done $0x0  }
0x97: {  	s9 =	simm.s32 $0x0;
	[sflag:s29] =	ssyncadd.s32 $0xFFFFF830  }
0x98: {  	v1 =	vld [tilespmem:s9+$0x0];
	_ =	sdelay $0x4  }
0x99: {  	v2 =	vld [tilespmem:s9+$0x1000];
	v1 =	vshll.u32 v1, $0x2;
	_ =	sdelay $0x4  }
0x9a: {  	[tilespmem:v1+s19+$0x0] =	vst.idx.add.f32.msk $0xffff, v2  }
0x9b: {  	v3 =	vor.u32 $0x1, v1;
	v2 =	vld [tilespmem:s9+$0x2000];
	_ =	sdelay $0x4  }
0x9c: {  	[tilespmem:v3+s19+$0x0] =	vst.idx.add.f32.msk $0xffff, v2  }
0x9d: {  	v3 =	vor.u32 $0x2, v1;
	v2 =	vld [tilespmem:s9+$0x3000];
	_ =	sdelay $0x1  }
0x9e: {  	v1 =	vor.u32 $0x3, v1;
	_ =	sdelay $0x2  }
0x9f: {  	s10 =	simm.s32 $0x80;
	s9 =	simm.s32 $0x40;
	[tilespmem:v3+s19+$0x0] =	vst.idx.add.f32.msk $0xffff, v2  }
.LBB2_8:
0xa0: {  	p0 =	sne.s32 s10, $0x1F00  }
0xa1: {  	s11 =	sshra.s32 s9, $0x2;
	[tilespmem:v1+s19+$0x0] =	vst.idx.add.f32.msk $0xffff, v0;
	s9 =	smov.u32 s10;
	s10 =	sadd.s32 $0x40, s10  }
0xa2: {  	v1 =	vld [tilespmem:s11+$0x0];
	_ =	sdelay $0x4  }
0xa3: {  	v1 =	vshll.u32 v1, $0x2;
	v2 =	vld [tilespmem:s11+$0x1000];
	_ =	sdelay $0x4  }
0xa4: {  	[tilespmem:v1+s19+$0x0] =	vst.idx.add.f32.msk $0xffff, v2  }
0xa5: {  	v3 =	vor.u32 $0x1, v1;
	v2 =	vld [tilespmem:s11+$0x2000];
	_ =	sdelay $0x4  }
0xa6: {  	[tilespmem:v3+s19+$0x0] =	vst.idx.add.f32.msk $0xffff, v2  }
0xa7: {  	v3 =	vor.u32 $0x2, v1;
	v2 =	vld [tilespmem:s11+$0x3000]  }
.Ltmp3:
0xa8: {  	v1 =	vor.u32 $0x3, v1;
	(pc) =	sbr.rel @p0 .LBB2_8-.Ltmp3, $2  }
0xa9: {  	_ =	sdelay $0x2  }
0xaa: {  	[tilespmem:v3+s19+$0x0] =	vst.idx.add.f32.msk $0xffff, v2  }
0xab: {  	_ =	sdelay $0x3  }
0xac: {  	s9 =	sshra.s32 s9, $0x2;
	[tilespmem:v1+s19+$0x0] =	vst.idx.add.f32.msk $0xffff, v0  }
0xad: {  	v1 =	vld [tilespmem:s9+$0x0];
	_ =	sdelay $0x4  }
0xae: {  	v2 =	vld [tilespmem:s9+$0x1000];
	v1 =	vshll.u32 v1, $0x2;
	_ =	sdelay $0x4  }
0xaf: {  	[tilespmem:v1+s19+$0x0] =	vst.idx.add.f32.msk $0xffff, v2  }
0xb0: {  	v3 =	vor.u32 $0x1, v1;
	v2 =	vld [tilespmem:s9+$0x2000];
	_ =	sdelay $0x4  }
0xb1: {  	[tilespmem:v3+s19+$0x0] =	vst.idx.add.f32.msk $0xffff, v2  }
0xb2: {  	v3 =	vor.u32 $0x2, v1;
	v2 =	vld [tilespmem:s9+$0x3000]  }
0xb3: {  	v1 =	vor.u32 $0x3, v1;
	_ =	sdelay $0x3  }
0xb4: {  	[tilespmem:v3+s19+$0x0] =	vst.idx.add.f32.msk $0xffff, v2  }
0xb5: {  	[tilespmem:v1+s19+$0x0] =	vst.idx.add.f32.msk $0xffff, v0  }
0xb6: {  	[spmem:s15] =	stream.strided.scatter [tilespmem:s19], [sflag:$0x3], $0xA000, s0, s31, $0x38;
	[tilespmem:$0x19400] =	vst v63  }
0xb7: {  	_ =	swait.ge [sflag:s20], $0xA000  }
0xb8: {  	[sflag:s20] =	ssyncset.done $0x0  }
0xb9: {  	[sflag:s20] =	ssyncadd.s32 $0xFFFF6000  }
0xba: {  	[bflag:$0x0] =	sbarrier.arrive $0xFFFF  }
0xbb: {  	[tilespmem:s3], [sflag:$0x3] =	stream.strided.gather [spmem:s16], $0xA00, s0, s31, $0x38;
	[tilespmem:$0x19400] =	vst v63  }
0xbc: {  	_ =	swait.ge [sflag:s20], $0xA00  }
0xbd: {  	[sflag:s20] =	ssyncset.done $0x0  }
0xbe: {  	s9 =	simm.s32 $0x1;
	[sflag:s20] =	ssyncadd.s32 $0xFFFFF600  }
.LBB2_10:
0xbf: {  	s10 =	sshrl.u32 s9, $0x3  }
0xc0: {  	s10 =	smul.u32 $0x140000, s10;
	_ =	sdelay $0x1  }
0xc1: {  	s11 =	sshll.u32 s9, $0x7;
	s10 =	sshra.s32 s10, $0x2  }
0xc2: {  	s11 =	sand.u32 $0x380, s11;
	s10 =	sadd.s32 s10, s16  }
0xc3: {  	s10 =	sadd.s32 s11, s10  }
0xc4: {  	[tilespmem:s7], [sflag:$0x3] =	stream.strided.gather [spmem:s10], $0xA00, s0, s31, $0x38;
	[tilespmem:$0x19400] =	vst v63  }
0xc5: {  	_ =	swait.ge [sflag:s20], $0xA00  }
0xc6: {  	[sflag:s20] =	ssyncset.done $0x0  }
0xc7: {  	s10 =	simm.s32 $0x0;
	[sflag:s20] =	ssyncadd.s32 $0xFFFFF600  }
0xc8: {  	s11 =	simm.s32 $0x40;
	v1 =	vld [tilespmem:s10+$0xEA00]  }
.LBB2_11:
0xc9: {  	p0 =	sne.s32 s11, $0x27C0  }
.Ltmp4:
0xca: {  	_ = 	snop;
	(pc) =	sbr.rel @p0 .LBB2_11-.Ltmp4, $3  }
0xcb: {  	_ =	sdelay $0x1  }
0xcc: {  	[tilespmem:s10+$0xE000] =	vst.add.f32.msk $0xffff, v1;
	s10 =	sshra.s32 s11, $0x2;
	s11 =	sadd.s32 $0x40, s11  }
0xcd: {  	v1 =	vld [tilespmem:s10+$0xEA00]  }
0xce: {  	s9 =	sadd.s32 $0x1, s9  }
0xcf: {  	p0 =	sne.s32 s9, $0x10  }
.Ltmp5:
0xd0: {  	_ = 	snop;
	(pc) =	sbr.rel @p0 .LBB2_10-.Ltmp5, $2  }
0xd1: {  	_ =	sdelay $0x2  }
0xd2: {  	[tilespmem:s10+$0xE000] =	vst.add.f32.msk $0xffff, v1  }
0xd3: {  	s8 =	sadd.s32 $0x1, s8  }
0xd4: {  	p0 =	sne.s32 s8, s18  }
.Ltmp6:
0xd5: {  	s9 =	simm.s32 $0x100;
	(pc) =	sbr.rel @p0 .LBB2_1-.Ltmp6, $4  }
0xd6: {  	[hbm4b:s17+s31] =	stream.strided.scatter [tilespmem:s3], [sflag:$0x3], $0xA00, s9, s31, $0x38;
	[tilespmem:$0x19400] =	vst v63  }
0xd7: {  	_ =	swait.ge [sflag:s20], $0xA00  }
0xd8: {  	[sflag:s20] =	ssyncset.done $0x0  }
0xd9: {  	[sflag:s20] =	ssyncadd.s32 $0xFFFFF600  }
0xda: {  	_ =	sfence.sel $0x180000  }
0xdb: {  	[bflag:$0x0] =	sbarrier.arrive $0xFFFF  }
0xdc: {  	_ =	strace $0x9000004A  }
0xdd: {  	s0 =	stileid.u32;
	[bflag:$0x2] =	sbarrier.arrive $0xFFFF  }
0xde: {  	p0 =	sne.s32 s0, $0x0;
	s0 =	rddreg [dreg:$0x3]  }
0xdf: {  	s0 =	sadd.s32 @!p0 $0x100000, s0  }
0xe0: {  	[sflag:s0] =	ssyncadd.tile.s32 @!p0 $0x1;
	_ =	shalt  }
.Lfunc_end2:
_tile_overlayer_lowered:
.L_overlay_start_2:
0xe1: {  	(tag) =	ssettag $0x2  }
0xe2: {  	s0 =	rddreg [dreg:$0x0];
	s2 =	stileid.u32  }
0xe3: {  	s1 =	rddreg [dreg:$0x1];
	p0 =	sne.s32 s2, $0x0  }
0xe4: {  	s3 =	rddreg [dreg:$0x2];
	[bflag:$0x3] =	sbarrier.arrive $0xFFFF;
	s2 =	simm.s32 @!p0 $0x1C03  }
0xe5: {  	[timem:s3], [sflag:s2] =	dma.local @!p0 [hbm:s0], s1  }
0xe6: {  	s0 =	simm.s32 @!p0 $0x3  }
0xe7: {  	_ =	swait.ge @!p0 [sflag:s0], s1  }
0xe8: {  	s1 =	ssub.s32 @!p0 $0x0, s1;
	[sflag:s0] =	ssyncset.done @!p0 $0x0  }
0xe9: {  	[sflag:s0] =	ssyncadd.s32 @!p0 s1  }
0xea: {  	[bflag:$0x3] =	sbarrier.arrive $0xFFFF  }
0xeb: {  	_ =	shalt  }

// kernel: kernel.8.cloned.1.call-start
scs
__scs_entry_jumppad:
0x0: {  	(pc) =	sbr.rel $0x88, $3  }
0x1: {  	(tag) =	ssettag $0x0;
	lr =	simm.s32 $0x1  }
0x2: {  	[smem:$0x3F93] =	sst lr;
	_ =	strace $0xD0000000  }
0x3: {  	_ = 	snop  }
0x4: {  	_ = 	snop  }
0x5: {  	_ = 	snop  }
0x6: {  	_ = 	snop  }
0x7: {  	_ = 	snop  }
__scs_overlays_trampoline_lowered:
0x8: {  	[smem:$0x3FA2] =	sst s0  }
0x9: {  	[smem:$0x3FA3] =	sst s1  }
0xa: {  	[smem:$0x3FA4] =	sst s2  }
0xb: {  	[smem:$0x3FA5] =	sst s3  }
0xc: {  	[smem:$0x3FA6] =	sst s4  }
0xd: {  	[smem:$0x3FA7] =	sst s5  }
0xe: {  	[smem:$0x3FA8] =	sst s6  }
0xf: {  	[smem:$0x3FA9] =	sst s7  }
0x10: {  	[smem:$0x3FAA] =	sst s8  }
0x11: {  	[smem:$0x3FAB] =	sst s9;
	s0 =	simm.s32 @!p0 $0x0  }
0x12: {  	s1 =	sld [smem:$0x3F91];
	s0 =	simm.s32 @p0 $0x1  }
0x13: {  	[smem:$0x3FAC] =	sst s0;
	s0 =	simm.s32 @!p1 $0x0  }
0x14: {  	s2 =	sld [smem:$0x3F90];
	s0 =	simm.s32 @p1 $0x1  }
0x15: {  	[smem:$0x3FAD] =	sst s0;
	s0 =	simm.s32 @!p2 $0x0  }
0x16: {  	s3 =	sld [smem:$0x3FDB];
	s0 =	simm.s32 @p2 $0x1  }
0x17: {  	s4 =	simm.s32 $0x1BF5;
	[smem:$0x3FAF] =	sst s0  }
0x18: {  	s0 =	sld [smem:$0x3F92];
	_ =	swait.ge [sflag:s4], $0x0  }
0x19: {  	s7 =	sld [smem:$0x3F93]  }
0x1a: {  	s8 =	sadd.s32 $0xFFFFE003, lr  }
0x1b: {  	s9 =	sadd.s32 $0xFFFFFEF7, lr;
	s5 =	simm.s32 $0xFFFFFFFF;
	p2 =	slt.u32 s8, $0xFFFFF086  }
0x1c: {  	p1 =	slt.u32 s9, $0xF7A;
	s5 =	simm.s32 @!p2 $0x0  }
0x1d: {  	s5 =	simm.s32 @p1 $0x1;
	p0 =	seq.s32 s7, s2  }
0x1e: {  	s7 =	smul.u32 @!p0 $0xF7A, s2;
	p2 =	seq.s32 @!p0 s5, $0x0  }
0x1f: {  	s9 =	smul.u32 $0xF7A, s1;
	s8 =	simm.s32 @!p0 $0x1BF5;
	p2 =	por !p2, p0  }
0x20: {  	[sflag:s8] =	ssyncset.s32 @!p0 $0xFFFFF086;
	s6 =	sadd.s32 @!p0 s3, s7;
	s7 =	simm.s32 @!p0 $0x108  }
0x21: {  	s3 =	sadd.s32 s3, s9;
	s6 =	sadd.s32 @!p0 $0x88, s6;
	s7 =	simm.s32 @p2 $0x1082  }
0x22: {  	[simem:s7], [sflag:s8] =	dma.local @!p0 [hbm:s6], $0xF7A  }
0x23: {  	s9 =	sor.u32 $0xD0000000, s2;
	s6 =	simm.s32 $0x108;
	_ =	swait.ge @!p0 [sflag:s8], $0x0  }
0x24: {  	s3 =	sadd.s32 $0x88, s3;
	s6 =	simm.s32 @!p1 $0x1082;
	[sflag:s4] =	ssyncset.s32 $0xFFFFF086  }
0x25: {  	[simem:s6], [sflag:s4] =	dma.local [hbm:s3], $0xF7A  }
0x26: {  	[smem:$0x3F93] =	sst s1;
	(tag) =	ssettag s2;
	_ =	strace s9  }
0x27: {  	s1 =	sld [smem:$0x3FA3]  }
0x28: {  	s2 =	sld [smem:$0x3FA4]  }
0x29: {  	s4 =	sld [smem:$0x3FA6]  }
0x2a: {  	p0 =	seq.s32 s5, $0x0;
	s5 =	sld [smem:$0x3FA7]  }
0x2b: {  	s6 =	sld [smem:$0x3FA8]  }
0x2c: {  	s7 =	sld [smem:$0x3FA9]  }
0x2d: {  	s3 =	simm.s32 $0x108;
	s8 =	sld [smem:$0x3FAA]  }
0x2e: {  	s3 =	simm.s32 @!p0 $0x1082;
	s9 =	sld [smem:$0x3FAB]  }
0x2f: {  	lr =	sadd.s32 s0, s3;
	s0 =	sld [smem:$0x3FA2]  }
0x30: {  	s3 =	sld [smem:$0x3FA5]  }
0x31: {  	[smem:$0x3FAE] =	sst s10  }
0x32: {  	s10 =	sld [smem:$0x3FAC];
	_ =	sdelay $0x3  }
0x33: {  	p0 =	seq.s32 s10, $0x1;
	s10 =	sld [smem:$0x3FAE];
	_ =	sdelay $0x3  }
0x34: {  	[smem:$0x3FAE] =	sst s10  }
0x35: {  	s10 =	sld [smem:$0x3FAD];
	_ =	sdelay $0x3  }
0x36: {  	p1 =	seq.s32 s10, $0x1;
	s10 =	sld [smem:$0x3FAE];
	_ =	sdelay $0x3  }
0x37: {  	[smem:$0x3FAE] =	sst s10  }
0x38: {  	s10 =	sld [smem:$0x3FAF]  }
0x39: {  	_ = 	snop;
	(pc) =	sbr.ind lr, $3  }
0x3a: {  	_ = 	snop  }
0x3b: {  	_ = 	snop  }
0x3c: {  	p2 =	seq.s32 s10, $0x1;
	s10 =	sld [smem:$0x3FAE]  }
0x3d: {  	_ =	shalt  }
0x3e: {  	_ =	shalt  }
0x3f: {  	_ =	shalt  }
0x40: {  	_ =	shalt  }
0x41: {  	_ =	shalt  }
0x42: {  	_ =	shalt  }
0x43: {  	_ =	shalt  }
0x44: {  	_ =	shalt  }
0x45: {  	_ =	shalt  }
0x46: {  	_ =	shalt  }
0x47: {  	_ =	shalt  }
0x48: {  	_ =	shalt  }
0x49: {  	_ =	shalt  }
0x4a: {  	_ =	shalt  }
0x4b: {  	_ =	shalt  }
0x4c: {  	_ =	shalt  }
0x4d: {  	_ =	shalt  }
0x4e: {  	_ =	shalt  }
0x4f: {  	_ =	shalt  }
0x50: {  	_ =	shalt  }
0x51: {  	_ =	shalt  }
0x52: {  	_ =	shalt  }
0x53: {  	_ =	shalt  }
0x54: {  	_ =	shalt  }
0x55: {  	_ =	shalt  }
0x56: {  	_ =	shalt  }
0x57: {  	_ =	shalt  }
0x58: {  	_ =	shalt  }
0x59: {  	_ =	shalt  }
0x5a: {  	_ =	shalt  }
0x5b: {  	_ =	shalt  }
0x5c: {  	_ =	shalt  }
0x5d: {  	_ =	shalt  }
0x5e: {  	_ =	shalt  }
0x5f: {  	_ =	shalt  }
0x60: {  	_ =	shalt  }
0x61: {  	_ =	shalt  }
0x62: {  	_ =	shalt  }
0x63: {  	_ =	shalt  }
0x64: {  	_ =	shalt  }
0x65: {  	_ =	shalt  }
0x66: {  	_ =	shalt  }
0x67: {  	_ =	shalt  }
0x68: {  	_ =	shalt  }
0x69: {  	_ =	shalt  }
0x6a: {  	_ =	shalt  }
0x6b: {  	_ =	shalt  }
0x6c: {  	_ =	shalt  }
0x6d: {  	_ =	shalt  }
0x6e: {  	_ =	shalt  }
0x6f: {  	_ =	shalt  }
0x70: {  	_ =	shalt  }
0x71: {  	_ =	shalt  }
0x72: {  	_ =	shalt  }
0x73: {  	_ =	shalt  }
0x74: {  	_ =	shalt  }
0x75: {  	_ =	shalt  }
0x76: {  	_ =	shalt  }
0x77: {  	_ =	shalt  }
0x78: {  	_ =	shalt  }
0x79: {  	_ =	shalt  }
0x7a: {  	_ =	shalt  }
0x7b: {  	_ =	shalt  }
0x7c: {  	_ =	shalt  }
0x7d: {  	_ =	shalt  }
0x7e: {  	_ =	shalt  }
0x7f: {  	_ =	shalt  }
0x80: {  	_ =	shalt  }
0x81: {  	_ =	shalt  }
0x82: {  	_ =	shalt  }
0x83: {  	_ =	shalt  }
0x84: {  	_ =	shalt  }
0x85: {  	_ =	shalt  }
0x86: {  	_ =	shalt  }
0x87: {  	_ =	shalt  }
.Lfunc_end0:
.L_simem_size_0:
called_computation_lowered:
.L_overlay_start_0:
0x88: {  	s2 =	sld [smem:$0x3FD9]  }
0x89: {  	s3 =	sld [smem:$0x3FFE];
	_ =	sdelay $0x1  }
0x8a: {  	s1 =	srdreg.scid  }
0x8b: {  	s0 =	sand.u32 $0x1, s1  }
0x8c: {  	s14 =	sshll.u32 s0, $0xA;
	s2 =	sadd.s32 s3, s2  }
0x8d: {  	s2 =	sadd.s32 s2, s14  }
0x8e: {  	[smem:$0x3FBA] =	sst s2  }
0x8f: {  	_ = 	snop  }
0x90: {  	s2 =	sld [smem:$0x3FD0];
	_ =	sdelay $0x2  }
0x91: {  	s15 =	simm.s32 $0xB;
	s4 =	simm.s32 $0x10  }
0x92: {  	[smem:s4], [sflag:s15] =	dma.local [hbm:s2], $0x1  }
0x93: {  	_ =	swait.eq [sflag:s15], $0x1  }
0x94: {  	[sflag:s15] =	ssyncset.done $0x0  }
0x95: {  	s16 =	sld [smem:$0x10];
	[sflag:s15] =	ssyncadd.s32 $0xFFFFFFFF  }
0x96: {  	s17 =	sld [smem:$0x11];
	(tm) =	ssettm $0x1  }
0x97: {  	s18 =	sld [smem:$0x3FFB];
	_ =	sdelay $0x3  }
0x98: {  	_ =	strace s18  }
0x99: {  	s4 =	sld [smem:$0x3FFC];
	_ =	sdelay $0x3  }
0x9a: {  	_ =	strace s4  }
0x9b: {  	s4 =	sld [smem:$0x3FFD];
	_ =	sdelay $0x3  }
0x9c: {  	_ =	strace s4  }
0x9d: {  	_ =	strace $0x8FFFFFFF  }
0x9e: {  	s19 =	sld [smem:$0x3FDB];
	_ =	sdelay $0x1  }
0x9f: {  	s5 =	simm.s32 $_scs_section_size  }
0xa0: {  	s6 =	simm.s32 $_size__tile_overlayer_lowered;
	s7 =	simm.s32 $_tile_overlayer_lowered  }
0xa1: {  	s22 =	simm.s32 $0x1BFF;
	s21 =	sshll.u32 s7, $0x1;
	s4 =	sadd.s32 s5, s19  }
0xa2: {  	s8 =	simm.s32 $0x0;
	s20 =	sshll.u32 s6, $0x1;
	s6 =	sadd.s32 s21, s4  }
0xa3: {  	[timem:s8], [sflag:s22] =	dma.local [hbm:s6], s20  }
0xa4: {  	_ =	swait.ge [sflag:s22], s20  }
0xa5: {  	s5 =	ssub.s32 $0x0, s20;
	[sflag:s22] =	ssyncset.done $0x0  }
0xa6: {  	[sflag:s22] =	ssyncadd.s32 s5;
	_ =	sdelay $0x1  }
0xa7: {  	s23 =	simm.s32 $0x1B8B  }
0xa8: {  	_ =	swait.ge [sflag:s23], $0x1  }
0xa9: {  	[sflag:s23] =	ssyncset.done $0x0  }
0xaa: {  	s25 =	simm.s32 $0x1B8E;
	s24 =	sld [smem:$0x3FFE];
	[sflag:s23] =	ssyncadd.s32 $0xFFFFFFFF  }
0xab: {  	s26 =	simm.s32 $execute0_lowered;
	[smem:$0x3FD2] =	sst s25  }
0xac: {  	s6 =	sshll.u32 s26, $0x1;
	_ =	strace $0x80000046;
	[dreg:$0x1] =	wrdreg $0xFFFFFFFF  }
0xad: {  	s28 =	simm.s32 $_size_execute0_lowered;
	s4 =	sadd.s32 s4, s6;
	[dreg:$0x0] =	wrdreg $0x0  }
0xae: {  	s6 =	sshll.u32 s28, $0x1;
	[dreg:$0x2] =	wrdreg s4  }
0xaf: {  	[dreg:$0x3] =	wrdreg s6  }
0xb0: {  	[dreg:$0x4] =	wrdreg $0xC0  }
0xb1: {  	_ =	task [dreg:s8], $0x5FFFF  }
0xb2: {  	[dreg:$0x1] =	wrdreg $0xFFFFFFFF  }
0xb3: {  	[dreg:$0x0] =	wrdreg $0x60  }
0xb4: {  	[dreg:$0x2] =	wrdreg s16  }
0xb5: {  	[dreg:$0x3] =	wrdreg s24  }
0xb6: {  	[dreg:$0x4] =	wrdreg s17  }
0xb7: {  	[dreg:$0x5] =	wrdreg $0x9  }
0xb8: {  	_ =	task.clear_ibuf [dreg:s8], $0x6FFFF;
	_ =	strace $0x90000046  }
0xb9: {  	s29 =	simm.s32 $0x9;
	_ =	strace $0x80000048  }
0xba: {  	_ =	swait.ge [sflag:s29], $0x1  }
0xbb: {  	[sflag:s29] =	ssyncadd.s32 $0xFFFFFFFF  }
0xbc: {  	_ =	strace $0x90000048  }
0xbd: {  	_ =	sfence  }
0xbe: {  	s30 =	sld [smem:$0x0];
	_ =	sdelay $0x2  }
0xbf: {  	s31 =	sshll.u32 s1, $0xD;
	s1 =	sshrl.u32 s1, $0x2  }
0xc0: {  	s3 =	sand.u32 $0x4000, s31;
	s1 =	sadd.s32 s1, s30  }
0xc1: {  	s0 =	sor.u32 s3, s0;
	s1 =	sshll.u32 s1, $0x11  }
0xc2: {  	s0 =	sor.u32 s1, s0  }
0xc3: {  	s0 =	sadd.s32 $0x8F2B, s0  }
0xc4: {  	[sflag:s0] =	ssyncadd.remote.s32 $0x1  }
0xc5: {  	_ =	sfence.sel $0xFFFF  }
0xc6: {  	[dreg:$0x0] =	wrdreg $0xFFFFFFFF;
	(pc) =	sbr.abs _section_cstart, $3  }
0xc7: {  	[dreg:$0x1] =	wrdreg $0xFFFFFFFF  }
0xc8: {  	_ =	task.clear_ibuf [dreg:s8], $0x2FFFF;
	_ =	strace $0x9FFFFFFF  }
0xc9: {  	(tm) =	ssettm $0x7FFFFFFF  }
tec
execute0_lowered:
.L_overlay_start_1:
0x0: {  	(tag) =	ssettag $0x1  }
0x1: {  	s1 =	rddreg [dreg:$0x0]  }
0x2: {  	s0 =	srdreg.scid;
	s3 =	stileid.u32  }
0x3: {  	s2 =	rddreg [dreg:$0x1];
	s4 =	simm.s32 $0x0;
	s30 =	simm.s32 $0x4F00  }
0x4: {  	s31 =	simm.s32 $0x7680;
	s8 =	simm.s32 $0xED80;
	s28 =	simm.s32 $0x3  }
0x5: {  	s0 =	sand.u32 $0x1, s0;
	s3 =	sshll.u32 s3, $0x1;
	[smem:$0x7FF] =	sst s4  }
0x6: {  	s6 =	sadd.s32 $0x16200, s2;
	s7 =	sadd.s32 $0x15C00, s2;
	s13 =	sadd.s32 $0x15600, s2  }
0x7: {  	s9 =	sadd.s32 $0x64C00, s2;
	s10 =	sadd.s32 $0x3D400, s2;
	s11 =	sadd.s32 $0x47200, s2  }
0x8: {  	s12 =	sadd.s32 $0x51000, s2;
	s3 =	sor.u32 s0, s3;
	_ =	strace $0x80000047  }
0x9: {  	[dreg:$0x4] =	wrdreg s7;
	s0 =	ssub.s32 $0x2, s0;
	s5 =	smul.u32 $0x2710, s3  }
0xa: {  	[dreg:$0x5] =	wrdreg s13;
	s13 =	sadd.s32 $0x5AE00, s2;
	s14 =	sshrl.u32 s0, $0x1  }
0xb: {  	s0 =	ssub.s32 s0, s14;
	s3 =	sshrl.u32 s5, $0x3;
	s15 =	sadd.s32 $0x2670, s5  }
0xc: {  	s21 =	sadd.s32 $0x26C0, s5;
	s0 =	smax.u32 s0, $0x1;
	s3 =	sadd.s32 s3, s2  }
0xd: {  	s17 =	sshll.u32 s15, $0x4;
	[dreg:$0x12] =	wrdreg s0;
	s16 =	sadd.s32 $0xB800, s3  }
0xe: {  	s18 =	sshrl.u32 s15, $0x3;
	s3 =	sadd.s32 $0x1A00, s3;
	[dreg:$0x6] =	wrdreg s16  }
0xf: {  	s22 =	sshll.u32 s21, $0x4;
	s2 =	sadd.s32 s9, s17;
	[dreg:$0x7] =	wrdreg s3  }
0x10: {  	s0 =	simm.s32 $0x50;
	s19 =	sadd.s32 s10, s18;
	[dreg:$0x8] =	wrdreg s2  }
0x11: {  	s15 =	simm.s32 $0x1;
	s20 =	sadd.s32 s11, s18;
	[dreg:$0x9] =	wrdreg s19  }
0x12: {  	s7 =	sadd.s32 s12, s18;
	s23 =	sadd.s32 s9, s22;
	[dreg:$0xa] =	wrdreg s20  }
0x13: {  	s22 =	simm.s32 $0x1B780;
	[dreg:$0xb] =	wrdreg s7;
	s3 =	sshrl.u32 s21, $0x3  }
0x14: {  	s2 =	sadd.s32 s13, s18;
	[dreg:$0xd] =	wrdreg s23;
	s19 =	simm.s32 $0x11580  }
0x15: {  	s21 =	simm.s32 $0x2;
	[dreg:$0xc] =	wrdreg s2;
	s24 =	sadd.s32 s10, s3  }
0x16: {  	s23 =	simm.s32 $0x1B800;
	s25 =	sadd.s32 s11, s3;
	[dreg:$0xe] =	wrdreg s24  }
0x17: {  	s20 =	simm.s32 $0x5;
	s26 =	sadd.s32 s12, s3;
	[dreg:$0xf] =	wrdreg s25  }
0x18: {  	s16 =	simm.s32 $0x0;
	s29 =	sadd.s32 s13, s3;
	[dreg:$0x10] =	wrdreg s26  }
0x19: {  	s2 =	simm.s32 $0x9E00;
	s3 =	simm.s32 $0xC580;
	[dreg:$0x11] =	wrdreg s29  }
0x1a: {  	s24 =	simm.s32 $0x1B880;
	s25 =	simm.s32 $0x1B900;
	s26 =	simm.s32 $0x4  }
.LBB2_1:
0x1b: {  	[dreg:$0x13] =	wrdreg s16  }
0x1c: {  	s7 =	rddreg [dreg:$0x6];
	s14 =	simm.s32 $0x7  }
0x1d: {  	[tilespmem:s4], [sflag:$0x7] =	stream.linear.gather [hbm4b:s7+s4], $0x2710, $0x38;
	[tilespmem:$0x1BB80] =	vst v63  }
0x1e: {  	_ =	swait.ge [sflag:s14], $0x2710  }
0x1f: {  	[sflag:s14] =	ssyncset.done $0x0  }
0x20: {  	s16 =	simm.s32 $0x2780;
	s29 =	rddreg [dreg:$0x7];
	[sflag:s14] =	ssyncadd.s32 $0xFFFFD8F0  }
0x21: {  	[tilespmem:s16], [sflag:$0x7] =	stream.linear.gather [hbm4b:s29+s4], $0x2710, $0x38;
	[tilespmem:$0x1BB80] =	vst v63  }
0x22: {  	_ =	swait.ge [sflag:s14], $0x2710  }
0x23: {  	[sflag:s14] =	ssyncset.done $0x0  }
0x24: {  	s17 =	rddreg [dreg:$0x4];
	[sflag:s14] =	ssyncadd.s32 $0xFFFFD8F0  }
0x25: {  	[tilespmem:s30], [sflag:$0x7] =	stream.linear.gather [hbm4b:s17+s4], $0x2780, $0x38;
	[tilespmem:$0x1BB80] =	vst v63  }
0x26: {  	_ =	swait.ge [sflag:s14], $0x2780  }
0x27: {  	[sflag:s14] =	ssyncset.done $0x0  }
0x28: {  	s18 =	rddreg [dreg:$0x5];
	[sflag:s14] =	ssyncadd.s32 $0xFFFFD880  }
0x29: {  	[tilespmem:s31], [sflag:$0x7] =	stream.linear.gather [hbm4b:s18+s4], $0x2780, $0x38;
	[tilespmem:$0x1BB80] =	vst v63  }
0x2a: {  	_ =	swait.ge [sflag:s14], $0x2780  }
0x2b: {  	[sflag:s14] =	ssyncset.done $0x0  }
0x2c: {  	[sflag:s14] =	ssyncadd.s32 $0xFFFFD880  }
0x2d: {  	s29 =	rddreg [dreg:$0x2]  }
0x2e: {  	[tilespmem:s2], [sflag:$0x7] =	stream.linear.gather [hbm4b:s29+s4], $0x2780, $0x38;
	[tilespmem:$0x1BB80] =	vst v63  }
0x2f: {  	_ =	swait.ge [sflag:s14], $0x2780  }
0x30: {  	[sflag:s14] =	ssyncset.done $0x0  }
0x31: {  	[sflag:s14] =	ssyncadd.s32 $0xFFFFD880  }
0x32: {  	[tilespmem:s3], [sflag:$0x1] =	stream.indirect.gather [hbm4b:s1+s0], $0x80, s4, s0, $0xb8;
	[tilespmem:$0x1BB80] =	vst v63  }
0x33: {  	s17 =	simm.s32 $0x13D80  }
0x34: {  	[tilespmem:s17], [sflag:$0x1] =	stream.indirect.gather [hbm4b:s6+s0], $0x80, s16, s0, $0xb8;
	[tilespmem:$0x1BB80] =	vst v63  }
0x35: {  	_ = 	snop  }
0x36: {  	[tilespmem:s8], [sflag:$0x2] =	stream.indirect.gather [hbm4b:s1+s0], $0x80, s0, s0, $0xb8;
	[tilespmem:$0x1BB80] =	vst v63  }
0x37: {  	s7 =	simm.s32 $0x0;
	s18 =	simm.s32 $0x27D0;
	s29 =	simm.s32 $0x16580  }
0x38: {  	[tilespmem:s29], [sflag:$0x2] =	stream.indirect.gather [hbm4b:s6+s0], $0x80, s18, s0, $0xb8;
	[tilespmem:$0x1BB80] =	vst v63  }
.LBB2_2:
0x39: {  	_ =	swait.ge [sflag:s15], $0x2800  }
0x3a: {  	[sflag:s15] =	ssyncset.done $0x0  }
0x3b: {  	[sflag:s15] =	ssyncadd.s32 $0xFFFFD800  }
0x3c: {  	_ =	swait.ge [sflag:s15], $0x2800  }
0x3d: {  	s14 =	smul.u32 $0xF0, s7;
	[sflag:s15] =	ssyncset.done $0x0  }
0x3e: {  	[sflag:s15] =	ssyncadd.s32 $0xFFFFD800  }
0x3f: {  	v0 =	vld [tilespmem:s14+$0x0]  }
0x40: {  	v1 =	vld [tilespmem:s14+$0x2780];
	_ =	sdelay $0x6  }
0x41: {  	v2 =	vld.idx.msk [tilespmem:v0+s30+$0x0], $0xffff  }
0x42: {  	v3 =	vld.idx.msk [tilespmem:v1+s30+$0x0], $0xffff  }
0x43: {  	v4 =	vld.idx.msk [tilespmem:v0+s31+$0x0], $0xffff  }
0x44: {  	v5 =	vld.idx.msk [tilespmem:v1+s31+$0x0], $0xffff  }
0x45: {  	v0 =	vld.idx.msk [tilespmem:v0+s2+$0x0], $0xffff  }
0x46: {  	v1 =	vld.idx.msk [tilespmem:v1+s2+$0x0], $0xffff;
	_ =	sdelay $0x2  }
0x47: {  	v2 =	vsub.f32 v2, v3;
	v41 =	vsub.f32 v4, v5;
	_ =	sdelay $0x1  }
0x48: {  	v0 =	vsub.f32 v0, v1;
	v42 =	vmul.f32 v2, v2;
	v4 =	vmul.f32 v41, v41;
	_ =	sdelay $0x1  }
0x49: {  	v43 =	vmul.f32 v0, v0;
	v1 =	vadd.f32 v4, v42  }
0x4a: {  	[tilespmem:$0x1B580] =	vst v2  }
0x4b: {  	[tilespmem:$0x1B600] =	vst v41;
	v1 =	vadd.f32 v43, v1  }
0x4c: {  	[tilespmem:$0x1B680] =	vst v0  }
0x4d: {  	[tilespmem:$0x1B700] =	vst v1  }
0x4e: {  	v0 =	vld [tilespmem:s14+$0x10]  }
0x4f: {  	v1 =	vld [tilespmem:s14+$0x2790];
	_ =	sdelay $0x6  }
0x50: {  	v2 =	vld.idx.msk [tilespmem:v0+s30+$0x0], $0xffff  }
0x51: {  	v3 =	vld.idx.msk [tilespmem:v1+s30+$0x0], $0xffff  }
0x52: {  	v44 =	vld.idx.msk [tilespmem:v0+s31+$0x0], $0xffff  }
0x53: {  	v45 =	vld.idx.msk [tilespmem:v1+s31+$0x0], $0xffff  }
0x54: {  	v0 =	vld.idx.msk [tilespmem:v0+s2+$0x0], $0xffff  }
0x55: {  	v1 =	vld.idx.msk [tilespmem:v1+s2+$0x0], $0xffff;
	_ =	sdelay $0x2  }
0x56: {  	v2 =	vsub.f32 v2, v3;
	v46 =	vsub.f32 v44, v45;
	_ =	sdelay $0x1  }
0x57: {  	v0 =	vsub.f32 v0, v1;
	v47 =	vmul.f32 v2, v2;
	v4 =	vmul.f32 v46, v46;
	_ =	sdelay $0x1  }
0x58: {  	v48 =	vmul.f32 v0, v0;
	v1 =	vadd.f32 v4, v47  }
0x59: {  	[tilespmem:$0x1B590] =	vst v2  }
0x5a: {  	[tilespmem:$0x1B610] =	vst v46;
	v1 =	vadd.f32 v48, v1  }
0x5b: {  	[tilespmem:$0x1B690] =	vst v0  }
0x5c: {  	[tilespmem:$0x1B710] =	vst v1  }
0x5d: {  	v0 =	vld [tilespmem:s14+$0x20]  }
0x5e: {  	v1 =	vld [tilespmem:s14+$0x27A0];
	_ =	sdelay $0x6  }
0x5f: {  	v2 =	vld.idx.msk [tilespmem:v0+s30+$0x0], $0xffff  }
0x60: {  	v3 =	vld.idx.msk [tilespmem:v1+s30+$0x0], $0xffff  }
0x61: {  	v49 =	vld.idx.msk [tilespmem:v0+s31+$0x0], $0xffff  }
0x62: {  	v50 =	vld.idx.msk [tilespmem:v1+s31+$0x0], $0xffff  }
0x63: {  	v0 =	vld.idx.msk [tilespmem:v0+s2+$0x0], $0xffff  }
0x64: {  	v1 =	vld.idx.msk [tilespmem:v1+s2+$0x0], $0xffff;
	_ =	sdelay $0x2  }
0x65: {  	v2 =	vsub.f32 v2, v3;
	v51 =	vsub.f32 v49, v50;
	_ =	sdelay $0x1  }
0x66: {  	v0 =	vsub.f32 v0, v1;
	v52 =	vmul.f32 v2, v2;
	v4 =	vmul.f32 v51, v51;
	_ =	sdelay $0x1  }
0x67: {  	v53 =	vmul.f32 v0, v0;
	v1 =	vadd.f32 v4, v52  }
0x68: {  	[tilespmem:$0x1B5A0] =	vst v2  }
0x69: {  	[tilespmem:$0x1B620] =	vst v51;
	v1 =	vadd.f32 v53, v1  }
0x6a: {  	[tilespmem:$0x1B6A0] =	vst v0  }
0x6b: {  	[tilespmem:$0x1B720] =	vst v1  }
0x6c: {  	v0 =	vld [tilespmem:s14+$0x30]  }
0x6d: {  	v1 =	vld [tilespmem:s14+$0x27B0];
	_ =	sdelay $0x6  }
0x6e: {  	v2 =	vld.idx.msk [tilespmem:v0+s30+$0x0], $0xffff  }
0x6f: {  	v3 =	vld.idx.msk [tilespmem:v1+s30+$0x0], $0xffff  }
0x70: {  	v54 =	vld.idx.msk [tilespmem:v0+s31+$0x0], $0xffff  }
0x71: {  	v55 =	vld.idx.msk [tilespmem:v1+s31+$0x0], $0xffff  }
0x72: {  	v0 =	vld.idx.msk [tilespmem:v0+s2+$0x0], $0xffff  }
0x73: {  	v1 =	vld.idx.msk [tilespmem:v1+s2+$0x0], $0xffff;
	_ =	sdelay $0x2  }
0x74: {  	v2 =	vsub.f32 v2, v3;
	v56 =	vsub.f32 v54, v55;
	_ =	sdelay $0x1  }
0x75: {  	v0 =	vsub.f32 v0, v1;
	v57 =	vmul.f32 v2, v2;
	v4 =	vmul.f32 v56, v56;
	_ =	sdelay $0x1  }
0x76: {  	v58 =	vmul.f32 v0, v0;
	v1 =	vadd.f32 v4, v57  }
0x77: {  	[tilespmem:$0x1B5B0] =	vst v2  }
0x78: {  	[tilespmem:$0x1B630] =	vst v56;
	v1 =	vadd.f32 v58, v1  }
0x79: {  	[tilespmem:$0x1B6B0] =	vst v0  }
0x7a: {  	[tilespmem:$0x1B730] =	vst v1  }
0x7b: {  	v0 =	vld [tilespmem:s14+$0x40]  }
0x7c: {  	v1 =	vld [tilespmem:s14+$0x27C0];
	_ =	sdelay $0x6  }
0x7d: {  	v2 =	vld.idx.msk [tilespmem:v0+s30+$0x0], $0xffff  }
0x7e: {  	v3 =	vld.idx.msk [tilespmem:v1+s30+$0x0], $0xffff  }
0x7f: {  	v59 =	vld.idx.msk [tilespmem:v0+s31+$0x0], $0xffff  }
0x80: {  	v60 =	vld.idx.msk [tilespmem:v1+s31+$0x0], $0xffff  }
0x81: {  	v0 =	vld.idx.msk [tilespmem:v0+s2+$0x0], $0xffff  }
0x82: {  	v1 =	vld.idx.msk [tilespmem:v1+s2+$0x0], $0xffff;
	_ =	sdelay $0x2  }
0x83: {  	v2 =	vsub.f32 v2, v3;
	v61 =	vsub.f32 v59, v60;
	_ =	sdelay $0x1  }
0x84: {  	v0 =	vsub.f32 v0, v1;
	v62 =	vmul.f32 v2, v2;
	v4 =	vmul.f32 v61, v61;
	_ =	sdelay $0x1  }
0x85: {  	v63 =	vmul.f32 v0, v0;
	v1 =	vadd.f32 v4, v62  }
0x86: {  	[tilespmem:$0x1B5C0] =	vst v2  }
0x87: {  	[tilespmem:$0x1B640] =	vst v61;
	v1 =	vadd.f32 v63, v1  }
0x88: {  	[tilespmem:$0x1B6C0] =	vst v0  }
0x89: {  	s16 =	simm.s32 $0x0;
	s17 =	simm.s32 $0x200;
	[tilespmem:$0x1B740] =	vst v1  }
.LBB2_3:
0x8a: {  	p0 =	sne.s32 s17, $0x9E00;
	v0 =	vld [tilespmem:s16+$0x13DF0]  }
0x8b: {  	v1 =	vld [tilespmem:s16+$0x13D80]  }
0x8c: {  	v2 =	vld [tilespmem:s16+$0x13D90]  }
0x8d: {  	v3 =	vld [tilespmem:s16+$0x13DA0]  }
0x8e: {  	v4 =	vld [tilespmem:s16+$0x13DB0]  }
0x8f: {  	[tilespmem:s16+$0xC5F0] =	vst.add.f32.msk $0xffff, v0  }
0x90: {  	v0 =	vld [tilespmem:s16+$0x13DC0]  }
0x91: {  	v5 =	vld [tilespmem:s16+$0x13DD0]  }
0x92: {  	v6 =	vld [tilespmem:s16+$0x13DE0]  }
0x93: {  	[tilespmem:s16+$0xC580] =	vst.add.f32.msk $0xffff, v1  }
0x94: {  	[tilespmem:s16+$0xC590] =	vst.add.f32.msk $0xffff, v2  }
.Ltmp0:
0x95: {  	[tilespmem:s16+$0xC5A0] =	vst.add.f32.msk $0xffff, v3;
	(pc) =	sbr.rel @p0 .LBB2_3-.Ltmp0, $4  }
0x96: {  	[tilespmem:s16+$0xC5B0] =	vst.add.f32.msk $0xffff, v4  }
0x97: {  	[tilespmem:s16+$0xC5C0] =	vst.add.f32.msk $0xffff, v0  }
0x98: {  	[tilespmem:s16+$0xC5D0] =	vst.add.f32.msk $0xffff, v5  }
0x99: {  	[tilespmem:s16+$0xC5E0] =	vst.add.f32.msk $0xffff, v6;
	s16 =	sshra.s32 s17, $0x2;
	s17 =	sadd.s32 $0x200, s17  }
0x9a: {  	v0 =	vld [tilespmem:s16+$0x13DF0]  }
0x9b: {  	v1 =	vld [tilespmem:s16+$0x13D80]  }
0x9c: {  	v2 =	vld [tilespmem:s16+$0x13D90]  }
0x9d: {  	v3 =	vld [tilespmem:s16+$0x13DA0]  }
0x9e: {  	v4 =	vld [tilespmem:s16+$0x13DB0]  }
0x9f: {  	v34 =	vld [tilespmem:s16+$0x13DC0]  }
0xa0: {  	v5 =	vld [tilespmem:s16+$0x13DD0]  }
0xa1: {  	v6 =	vld [tilespmem:s16+$0x13DE0]  }
0xa2: {  	[tilespmem:s16+$0xC5F0] =	vst.add.f32.msk $0xffff, v0  }
0xa3: {  	[tilespmem:s16+$0xC580] =	vst.add.f32.msk $0xffff, v1  }
0xa4: {  	[tilespmem:s16+$0xC590] =	vst.add.f32.msk $0xffff, v2  }
0xa5: {  	[tilespmem:s16+$0xC5A0] =	vst.add.f32.msk $0xffff, v3  }
0xa6: {  	[tilespmem:s16+$0xC5B0] =	vst.add.f32.msk $0xffff, v4  }
0xa7: {  	s17 =	sadd.s32 s5, s14;
	[tilespmem:s16+$0xC5C0] =	vst.add.f32.msk $0xffff, v34  }
0xa8: {  	s18 =	sshll.u32 s17, $0x4;
	[tilespmem:s16+$0xC5D0] =	vst.add.f32.msk $0xffff, v5  }
0xa9: {  	s18 =	sadd.s32 s9, s18;
	[tilespmem:s16+$0xC5E0] =	vst.add.f32.msk $0xffff, v6;
	s16 =	sshrl.u32 s17, $0x3  }
0xaa: {  	[hbm4b:s18+s4] =	stream.linear.scatter [tilespmem:s3], [sflag:$0x4], $0x2800, $0x38;
	[tilespmem:$0x1BB80] =	vst v63  }
0xab: {  	s17 =	sadd.s32 s10, s16;
	s18 =	simm.s32 $0x1B580  }
0xac: {  	[hbm4b:s17+s4] =	stream.linear.scatter [tilespmem:s18], [sflag:$0x4], $0x50, $0x38;
	[tilespmem:$0x1BB80] =	vst v63  }
0xad: {  	s17 =	sadd.s32 s11, s16;
	s18 =	simm.s32 $0x1B600  }
0xae: {  	[hbm4b:s17+s4] =	stream.linear.scatter [tilespmem:s18], [sflag:$0x4], $0x50, $0x38;
	[tilespmem:$0x1BB80] =	vst v63  }
0xaf: {  	s17 =	sadd.s32 s12, s16;
	s18 =	simm.s32 $0x1B680  }
0xb0: {  	[hbm4b:s17+s4] =	stream.linear.scatter [tilespmem:s18], [sflag:$0x4], $0x50, $0x38;
	[tilespmem:$0x1BB80] =	vst v63  }
0xb1: {  	p0 =	seq.s32 s7, $0x0;
	s16 =	sadd.s32 s13, s16;
	s18 =	simm.s32 $0x1B700  }
0xb2: {  	[hbm4b:s16+s4] =	stream.linear.scatter [tilespmem:s18], [sflag:$0x4], $0x50, $0x38;
	[tilespmem:$0x1BB80] =	vst v63  }
0xb3: {  	s16 =	simm.s32 @!p0 $0x6  }
0xb4: {  	_ =	swait.ge @!p0 [sflag:s16], $0x2800  }
0xb5: {  	[sflag:s16] =	ssyncset.done @!p0 $0x0  }
0xb6: {  	[sflag:s16] =	ssyncadd.s32 @!p0 $0xFFFFD800  }
0xb7: {  	_ =	swait.ge @!p0 [sflag:s16], $0x50  }
0xb8: {  	[sflag:s16] =	ssyncset.done @!p0 $0x0  }
0xb9: {  	[sflag:s16] =	ssyncadd.s32 @!p0 $0xFFFFFFB0  }
0xba: {  	_ =	swait.ge @!p0 [sflag:s16], $0x50  }
0xbb: {  	[sflag:s16] =	ssyncset.done @!p0 $0x0  }
0xbc: {  	[sflag:s16] =	ssyncadd.s32 @!p0 $0xFFFFFFB0  }
0xbd: {  	_ =	swait.ge @!p0 [sflag:s16], $0x50  }
0xbe: {  	[sflag:s16] =	ssyncset.done @!p0 $0x0  }
0xbf: {  	[sflag:s16] =	ssyncadd.s32 @!p0 $0xFFFFFFB0  }
0xc0: {  	_ =	swait.ge @!p0 [sflag:s16], $0x50  }
0xc1: {  	[sflag:s16] =	ssyncset.done @!p0 $0x0  }
0xc2: {  	s29 =	sadd.s32 $0xA0, s14;
	[sflag:s16] =	ssyncadd.s32 @!p0 $0xFFFFFFB0  }
0xc3: {  	[tilespmem:s19], [sflag:$0x3] =	stream.indirect.gather [hbm4b:s1+s0], $0x80, s29, s0, $0xb8;
	[tilespmem:$0x1BB80] =	vst v63  }
0xc4: {  	s17 =	sadd.s32 $0x2820, s14;
	s18 =	simm.s32 $0x18D80  }
0xc5: {  	[tilespmem:s18], [sflag:$0x3] =	stream.indirect.gather [hbm4b:s6+s0], $0x80, s17, s0, $0xb8;
	[tilespmem:$0x1BB80] =	vst v63  }
0xc6: {  	_ =	swait.ge [sflag:s21], $0x2800  }
0xc7: {  	[sflag:s21] =	ssyncset.done $0x0  }
0xc8: {  	[sflag:s21] =	ssyncadd.s32 $0xFFFFD800  }
0xc9: {  	_ =	swait.ge [sflag:s21], $0x2800  }
0xca: {  	[sflag:s21] =	ssyncset.done $0x0  }
0xcb: {  	[sflag:s21] =	ssyncadd.s32 $0xFFFFD800  }
0xcc: {  	v35 =	vld [tilespmem:s14+$0x50]  }
0xcd: {  	v36 =	vld [tilespmem:s14+$0x27D0];
	_ =	sdelay $0x6  }
0xce: {  	v37 =	vld.idx.msk [tilespmem:v35+s30+$0x0], $0xffff  }
0xcf: {  	v38 =	vld.idx.msk [tilespmem:v36+s30+$0x0], $0xffff  }
0xd0: {  	v39 =	vld.idx.msk [tilespmem:v35+s31+$0x0], $0xffff  }
0xd1: {  	v40 =	vld.idx.msk [tilespmem:v36+s31+$0x0], $0xffff  }
0xd2: {  	v0 =	vld.idx.msk [tilespmem:v35+s2+$0x0], $0xffff  }
0xd3: {  	v1 =	vld.idx.msk [tilespmem:v36+s2+$0x0], $0xffff;
	_ =	sdelay $0x2  }
0xd4: {  	v2 =	vsub.f32 v37, v38;
	v41 =	vsub.f32 v39, v40;
	_ =	sdelay $0x1  }
0xd5: {  	v0 =	vsub.f32 v0, v1;
	v42 =	vmul.f32 v2, v2;
	v4 =	vmul.f32 v41, v41;
	_ =	sdelay $0x1  }
0xd6: {  	v43 =	vmul.f32 v0, v0;
	v1 =	vadd.f32 v4, v42  }
0xd7: {  	[tilespmem:$0x1B780] =	vst v2  }
0xd8: {  	[tilespmem:$0x1B800] =	vst v41;
	v1 =	vadd.f32 v43, v1  }
0xd9: {  	[tilespmem:$0x1B880] =	vst v0  }
0xda: {  	[tilespmem:$0x1B900] =	vst v1  }
0xdb: {  	v0 =	vld [tilespmem:s14+$0x60]  }
0xdc: {  	v1 =	vld [tilespmem:s14+$0x27E0];
	_ =	sdelay $0x6  }
0xdd: {  	v2 =	vld.idx.msk [tilespmem:v0+s30+$0x0], $0xffff  }
0xde: {  	v3 =	vld.idx.msk [tilespmem:v1+s30+$0x0], $0xffff  }
0xdf: {  	v44 =	vld.idx.msk [tilespmem:v0+s31+$0x0], $0xffff  }
0xe0: {  	v45 =	vld.idx.msk [tilespmem:v1+s31+$0x0], $0xffff  }
0xe1: {  	v0 =	vld.idx.msk [tilespmem:v0+s2+$0x0], $0xffff  }
0xe2: {  	v1 =	vld.idx.msk [tilespmem:v1+s2+$0x0], $0xffff;
	_ =	sdelay $0x2  }
0xe3: {  	v2 =	vsub.f32 v2, v3;
	v46 =	vsub.f32 v44, v45;
	_ =	sdelay $0x1  }
0xe4: {  	v0 =	vsub.f32 v0, v1;
	v47 =	vmul.f32 v2, v2;
	v4 =	vmul.f32 v46, v46;
	_ =	sdelay $0x1  }
0xe5: {  	v48 =	vmul.f32 v0, v0;
	v1 =	vadd.f32 v4, v47  }
0xe6: {  	[tilespmem:$0x1B790] =	vst v2  }
0xe7: {  	[tilespmem:$0x1B810] =	vst v46;
	v1 =	vadd.f32 v48, v1  }
0xe8: {  	[tilespmem:$0x1B890] =	vst v0  }
0xe9: {  	[tilespmem:$0x1B910] =	vst v1  }
0xea: {  	v0 =	vld [tilespmem:s14+$0x70]  }
0xeb: {  	v1 =	vld [tilespmem:s14+$0x27F0];
	_ =	sdelay $0x6  }
0xec: {  	v2 =	vld.idx.msk [tilespmem:v0+s30+$0x0], $0xffff  }
0xed: {  	v3 =	vld.idx.msk [tilespmem:v1+s30+$0x0], $0xffff  }
0xee: {  	v49 =	vld.idx.msk [tilespmem:v0+s31+$0x0], $0xffff  }
0xef: {  	v50 =	vld.idx.msk [tilespmem:v1+s31+$0x0], $0xffff  }
0xf0: {  	v0 =	vld.idx.msk [tilespmem:v0+s2+$0x0], $0xffff  }
0xf1: {  	v1 =	vld.idx.msk [tilespmem:v1+s2+$0x0], $0xffff;
	_ =	sdelay $0x2  }
0xf2: {  	v2 =	vsub.f32 v2, v3;
	v51 =	vsub.f32 v49, v50;
	_ =	sdelay $0x1  }
0xf3: {  	v0 =	vsub.f32 v0, v1;
	v52 =	vmul.f32 v2, v2;
	v4 =	vmul.f32 v51, v51;
	_ =	sdelay $0x1  }
0xf4: {  	v53 =	vmul.f32 v0, v0;
	v1 =	vadd.f32 v4, v52  }
0xf5: {  	[tilespmem:$0x1B7A0] =	vst v2  }
0xf6: {  	[tilespmem:$0x1B820] =	vst v51;
	v1 =	vadd.f32 v53, v1  }
0xf7: {  	[tilespmem:$0x1B8A0] =	vst v0  }
0xf8: {  	[tilespmem:$0x1B920] =	vst v1  }
0xf9: {  	v0 =	vld [tilespmem:s14+$0x80]  }
0xfa: {  	v1 =	vld [tilespmem:s14+$0x2800];
	_ =	sdelay $0x6  }
0xfb: {  	v2 =	vld.idx.msk [tilespmem:v0+s30+$0x0], $0xffff  }
0xfc: {  	v3 =	vld.idx.msk [tilespmem:v1+s30+$0x0], $0xffff  }
0xfd: {  	v54 =	vld.idx.msk [tilespmem:v0+s31+$0x0], $0xffff  }
0xfe: {  	v55 =	vld.idx.msk [tilespmem:v1+s31+$0x0], $0xffff  }
0xff: {  	v0 =	vld.idx.msk [tilespmem:v0+s2+$0x0], $0xffff  }
0x100: {  	v1 =	vld.idx.msk [tilespmem:v1+s2+$0x0], $0xffff;
	_ =	sdelay $0x2  }
0x101: {  	v2 =	vsub.f32 v2, v3;
	v56 =	vsub.f32 v54, v55;
	_ =	sdelay $0x1  }
0x102: {  	v0 =	vsub.f32 v0, v1;
	v57 =	vmul.f32 v2, v2;
	v4 =	vmul.f32 v56, v56;
	_ =	sdelay $0x1  }
0x103: {  	v58 =	vmul.f32 v0, v0;
	v1 =	vadd.f32 v4, v57  }
0x104: {  	[tilespmem:$0x1B7B0] =	vst v2  }
0x105: {  	[tilespmem:$0x1B830] =	vst v56;
	v1 =	vadd.f32 v58, v1  }
0x106: {  	[tilespmem:$0x1B8B0] =	vst v0  }
0x107: {  	[tilespmem:$0x1B930] =	vst v1  }
0x108: {  	v0 =	vld [tilespmem:s14+$0x90]  }
0x109: {  	v1 =	vld [tilespmem:s14+$0x2810];
	_ =	sdelay $0x6  }
0x10a: {  	v2 =	vld.idx.msk [tilespmem:v0+s30+$0x0], $0xffff  }
0x10b: {  	v3 =	vld.idx.msk [tilespmem:v1+s30+$0x0], $0xffff  }
0x10c: {  	v59 =	vld.idx.msk [tilespmem:v0+s31+$0x0], $0xffff  }
0x10d: {  	v60 =	vld.idx.msk [tilespmem:v1+s31+$0x0], $0xffff  }
0x10e: {  	v0 =	vld.idx.msk [tilespmem:v0+s2+$0x0], $0xffff  }
0x10f: {  	v1 =	vld.idx.msk [tilespmem:v1+s2+$0x0], $0xffff;
	_ =	sdelay $0x2  }
0x110: {  	v2 =	vsub.f32 v2, v3;
	v61 =	vsub.f32 v59, v60;
	_ =	sdelay $0x1  }
0x111: {  	v0 =	vsub.f32 v0, v1;
	v62 =	vmul.f32 v2, v2;
	v4 =	vmul.f32 v61, v61;
	_ =	sdelay $0x1  }
0x112: {  	v63 =	vmul.f32 v0, v0;
	v1 =	vadd.f32 v4, v62  }
0x113: {  	[tilespmem:$0x1B7C0] =	vst v2  }
0x114: {  	[tilespmem:$0x1B840] =	vst v61;
	v1 =	vadd.f32 v63, v1  }
0x115: {  	[tilespmem:$0x1B8C0] =	vst v0  }
0x116: {  	s16 =	sadd.s32 $0x50, s14;
	s17 =	simm.s32 $0x0;
	s18 =	simm.s32 $0x200;
	[tilespmem:$0x1B940] =	vst v1  }
.LBB2_5:
0x117: {  	p0 =	sne.s32 s18, $0x9E00;
	v0 =	vld [tilespmem:s17+$0x165F0]  }
0x118: {  	v1 =	vld [tilespmem:s17+$0x16580]  }
0x119: {  	v2 =	vld [tilespmem:s17+$0x16590]  }
0x11a: {  	v3 =	vld [tilespmem:s17+$0x165A0]  }
0x11b: {  	v4 =	vld [tilespmem:s17+$0x165B0]  }
0x11c: {  	[tilespmem:s17+$0xEDF0] =	vst.add.f32.msk $0xffff, v0  }
0x11d: {  	v0 =	vld [tilespmem:s17+$0x165C0]  }
0x11e: {  	v5 =	vld [tilespmem:s17+$0x165D0]  }
0x11f: {  	v6 =	vld [tilespmem:s17+$0x165E0]  }
0x120: {  	[tilespmem:s17+$0xED80] =	vst.add.f32.msk $0xffff, v1  }
0x121: {  	[tilespmem:s17+$0xED90] =	vst.add.f32.msk $0xffff, v2  }
.Ltmp1:
0x122: {  	[tilespmem:s17+$0xEDA0] =	vst.add.f32.msk $0xffff, v3;
	(pc) =	sbr.rel @p0 .LBB2_5-.Ltmp1, $4  }
0x123: {  	[tilespmem:s17+$0xEDB0] =	vst.add.f32.msk $0xffff, v4  }
0x124: {  	[tilespmem:s17+$0xEDC0] =	vst.add.f32.msk $0xffff, v0  }
0x125: {  	[tilespmem:s17+$0xEDD0] =	vst.add.f32.msk $0xffff, v5  }
0x126: {  	[tilespmem:s17+$0xEDE0] =	vst.add.f32.msk $0xffff, v6;
	s17 =	sshra.s32 s18, $0x2;
	s18 =	sadd.s32 $0x200, s18  }
0x127: {  	v0 =	vld [tilespmem:s17+$0x165F0]  }
0x128: {  	v1 =	vld [tilespmem:s17+$0x16580]  }
0x129: {  	v2 =	vld [tilespmem:s17+$0x16590]  }
0x12a: {  	v3 =	vld [tilespmem:s17+$0x165A0]  }
0x12b: {  	v4 =	vld [tilespmem:s17+$0x165B0]  }
0x12c: {  	v34 =	vld [tilespmem:s17+$0x165C0]  }
0x12d: {  	v5 =	vld [tilespmem:s17+$0x165D0]  }
0x12e: {  	v6 =	vld [tilespmem:s17+$0x165E0]  }
0x12f: {  	[tilespmem:s17+$0xEDF0] =	vst.add.f32.msk $0xffff, v0  }
0x130: {  	[tilespmem:s17+$0xED80] =	vst.add.f32.msk $0xffff, v1  }
0x131: {  	[tilespmem:s17+$0xED90] =	vst.add.f32.msk $0xffff, v2  }
0x132: {  	[tilespmem:s17+$0xEDA0] =	vst.add.f32.msk $0xffff, v3  }
0x133: {  	[tilespmem:s17+$0xEDB0] =	vst.add.f32.msk $0xffff, v4  }
0x134: {  	s16 =	sadd.s32 s5, s16;
	[tilespmem:s17+$0xEDC0] =	vst.add.f32.msk $0xffff, v34  }
0x135: {  	s18 =	sshll.u32 s16, $0x4;
	[tilespmem:s17+$0xEDD0] =	vst.add.f32.msk $0xffff, v5  }
0x136: {  	s16 =	sshrl.u32 s16, $0x3;
	[tilespmem:s17+$0xEDE0] =	vst.add.f32.msk $0xffff, v6;
	s17 =	sadd.s32 s9, s18;
	s18 =	simm.s32 $0x0  }
0x137: {  	[hbm4b:s17+s18] =	stream.linear.scatter [tilespmem:s8], [sflag:$0x5], $0x2800, $0x38;
	[tilespmem:$0x1BB80] =	vst v63  }
0x138: {  	s17 =	sadd.s32 s10, s16  }
0x139: {  	[hbm4b:s17+s18] =	stream.linear.scatter [tilespmem:s22], [sflag:$0x5], $0x50, $0x38;
	[tilespmem:$0x1BB80] =	vst v63  }
0x13a: {  	s17 =	sadd.s32 s11, s16  }
0x13b: {  	[hbm4b:s17+s18] =	stream.linear.scatter [tilespmem:s23], [sflag:$0x5], $0x50, $0x38;
	[tilespmem:$0x1BB80] =	vst v63  }
0x13c: {  	s17 =	sadd.s32 s12, s16  }
0x13d: {  	[hbm4b:s17+s18] =	stream.linear.scatter [tilespmem:s24], [sflag:$0x5], $0x50, $0x38;
	[tilespmem:$0x1BB80] =	vst v63  }
0x13e: {  	s16 =	sadd.s32 s13, s16  }
0x13f: {  	[hbm4b:s16+s18] =	stream.linear.scatter [tilespmem:s25], [sflag:$0x5], $0x50, $0x38;
	[tilespmem:$0x1BB80] =	vst v63  }
0x140: {  	_ =	swait.ge [sflag:s26], $0x2800  }
0x141: {  	[sflag:s26] =	ssyncset.done $0x0  }
0x142: {  	[sflag:s26] =	ssyncadd.s32 $0xFFFFD800  }
0x143: {  	_ =	swait.ge [sflag:s26], $0x50  }
0x144: {  	[sflag:s26] =	ssyncset.done $0x0  }
0x145: {  	[sflag:s26] =	ssyncadd.s32 $0xFFFFFFB0  }
0x146: {  	_ =	swait.ge [sflag:s26], $0x50  }
0x147: {  	[sflag:s26] =	ssyncset.done $0x0  }
0x148: {  	[sflag:s26] =	ssyncadd.s32 $0xFFFFFFB0  }
0x149: {  	_ =	swait.ge [sflag:s26], $0x50  }
0x14a: {  	[sflag:s26] =	ssyncset.done $0x0  }
0x14b: {  	[sflag:s26] =	ssyncadd.s32 $0xFFFFFFB0  }
0x14c: {  	_ =	swait.ge [sflag:s26], $0x50  }
0x14d: {  	[sflag:s26] =	ssyncset.done $0x0  }
0x14e: {  	s18 =	sadd.s32 $0xF0, s14;
	[sflag:s26] =	ssyncadd.s32 $0xFFFFFFB0  }
0x14f: {  	[tilespmem:s3], [sflag:$0x1] =	stream.indirect.gather [hbm4b:s1+s0], $0x80, s18, s0, $0xb8;
	[tilespmem:$0x1BB80] =	vst v63  }
0x150: {  	s17 =	sadd.s32 $0x2870, s14;
	s18 =	simm.s32 $0x13D80  }
0x151: {  	[tilespmem:s18], [sflag:$0x1] =	stream.indirect.gather [hbm4b:s6+s0], $0x80, s17, s0, $0xb8;
	[tilespmem:$0x1BB80] =	vst v63  }
0x152: {  	_ =	swait.ge [sflag:s28], $0x2800  }
0x153: {  	[sflag:s28] =	ssyncset.done $0x0  }
0x154: {  	[sflag:s28] =	ssyncadd.s32 $0xFFFFD800  }
0x155: {  	_ =	swait.ge [sflag:s28], $0x2800  }
0x156: {  	[sflag:s28] =	ssyncset.done $0x0  }
0x157: {  	[sflag:s28] =	ssyncadd.s32 $0xFFFFD800  }
0x158: {  	v35 =	vld [tilespmem:s14+$0xA0]  }
0x159: {  	v36 =	vld [tilespmem:s29+$0x2780];
	_ =	sdelay $0x6  }
0x15a: {  	v37 =	vld.idx.msk [tilespmem:v35+s30+$0x0], $0xffff  }
0x15b: {  	v38 =	vld.idx.msk [tilespmem:v36+s30+$0x0], $0xffff  }
0x15c: {  	v39 =	vld.idx.msk [tilespmem:v35+s31+$0x0], $0xffff  }
0x15d: {  	v40 =	vld.idx.msk [tilespmem:v36+s31+$0x0], $0xffff  }
0x15e: {  	v0 =	vld.idx.msk [tilespmem:v35+s2+$0x0], $0xffff  }
0x15f: {  	v1 =	vld.idx.msk [tilespmem:v36+s2+$0x0], $0xffff;
	_ =	sdelay $0x2  }
0x160: {  	v2 =	vsub.f32 v37, v38;
	v41 =	vsub.f32 v39, v40;
	_ =	sdelay $0x1  }
0x161: {  	v0 =	vsub.f32 v0, v1;
	v42 =	vmul.f32 v2, v2;
	v4 =	vmul.f32 v41, v41;
	_ =	sdelay $0x1  }
0x162: {  	v43 =	vmul.f32 v0, v0;
	v1 =	vadd.f32 v4, v42  }
0x163: {  	[tilespmem:$0x1B980] =	vst v2  }
0x164: {  	[tilespmem:$0x1BA00] =	vst v41;
	v1 =	vadd.f32 v43, v1  }
0x165: {  	[tilespmem:$0x1BA80] =	vst v0  }
0x166: {  	[tilespmem:$0x1BB00] =	vst v1  }
0x167: {  	v0 =	vld [tilespmem:s14+$0xB0]  }
0x168: {  	v1 =	vld [tilespmem:s14+$0x2830];
	_ =	sdelay $0x6  }
0x169: {  	v2 =	vld.idx.msk [tilespmem:v0+s30+$0x0], $0xffff  }
0x16a: {  	v3 =	vld.idx.msk [tilespmem:v1+s30+$0x0], $0xffff  }
0x16b: {  	v44 =	vld.idx.msk [tilespmem:v0+s31+$0x0], $0xffff  }
0x16c: {  	v45 =	vld.idx.msk [tilespmem:v1+s31+$0x0], $0xffff  }
0x16d: {  	v0 =	vld.idx.msk [tilespmem:v0+s2+$0x0], $0xffff  }
0x16e: {  	v1 =	vld.idx.msk [tilespmem:v1+s2+$0x0], $0xffff;
	_ =	sdelay $0x2  }
0x16f: {  	v2 =	vsub.f32 v2, v3;
	v46 =	vsub.f32 v44, v45;
	_ =	sdelay $0x1  }
0x170: {  	v0 =	vsub.f32 v0, v1;
	v47 =	vmul.f32 v2, v2;
	v4 =	vmul.f32 v46, v46;
	_ =	sdelay $0x1  }
0x171: {  	v48 =	vmul.f32 v0, v0;
	v1 =	vadd.f32 v4, v47  }
0x172: {  	[tilespmem:$0x1B990] =	vst v2  }
0x173: {  	[tilespmem:$0x1BA10] =	vst v46;
	v1 =	vadd.f32 v48, v1  }
0x174: {  	[tilespmem:$0x1BA90] =	vst v0  }
0x175: {  	[tilespmem:$0x1BB10] =	vst v1  }
0x176: {  	v0 =	vld [tilespmem:s14+$0xC0]  }
0x177: {  	v1 =	vld [tilespmem:s14+$0x2840];
	_ =	sdelay $0x6  }
0x178: {  	v2 =	vld.idx.msk [tilespmem:v0+s30+$0x0], $0xffff  }
0x179: {  	v3 =	vld.idx.msk [tilespmem:v1+s30+$0x0], $0xffff  }
0x17a: {  	v49 =	vld.idx.msk [tilespmem:v0+s31+$0x0], $0xffff  }
0x17b: {  	v50 =	vld.idx.msk [tilespmem:v1+s31+$0x0], $0xffff  }
0x17c: {  	v0 =	vld.idx.msk [tilespmem:v0+s2+$0x0], $0xffff  }
0x17d: {  	v1 =	vld.idx.msk [tilespmem:v1+s2+$0x0], $0xffff;
	_ =	sdelay $0x2  }
0x17e: {  	v2 =	vsub.f32 v2, v3;
	v51 =	vsub.f32 v49, v50;
	_ =	sdelay $0x1  }
0x17f: {  	v0 =	vsub.f32 v0, v1;
	v52 =	vmul.f32 v2, v2;
	v4 =	vmul.f32 v51, v51;
	_ =	sdelay $0x1  }
0x180: {  	v53 =	vmul.f32 v0, v0;
	v1 =	vadd.f32 v4, v52  }
0x181: {  	[tilespmem:$0x1B9A0] =	vst v2  }
0x182: {  	[tilespmem:$0x1BA20] =	vst v51;
	v1 =	vadd.f32 v53, v1  }
0x183: {  	[tilespmem:$0x1BAA0] =	vst v0  }
0x184: {  	[tilespmem:$0x1BB20] =	vst v1  }
0x185: {  	v0 =	vld [tilespmem:s14+$0xD0]  }
0x186: {  	v1 =	vld [tilespmem:s14+$0x2850];
	_ =	sdelay $0x6  }
0x187: {  	v2 =	vld.idx.msk [tilespmem:v0+s30+$0x0], $0xffff  }
0x188: {  	v3 =	vld.idx.msk [tilespmem:v1+s30+$0x0], $0xffff  }
0x189: {  	v54 =	vld.idx.msk [tilespmem:v0+s31+$0x0], $0xffff  }
0x18a: {  	v55 =	vld.idx.msk [tilespmem:v1+s31+$0x0], $0xffff  }
0x18b: {  	v0 =	vld.idx.msk [tilespmem:v0+s2+$0x0], $0xffff  }
0x18c: {  	v1 =	vld.idx.msk [tilespmem:v1+s2+$0x0], $0xffff;
	_ =	sdelay $0x2  }
0x18d: {  	v2 =	vsub.f32 v2, v3;
	v56 =	vsub.f32 v54, v55;
	_ =	sdelay $0x1  }
0x18e: {  	v0 =	vsub.f32 v0, v1;
	v57 =	vmul.f32 v2, v2;
	v4 =	vmul.f32 v56, v56;
	_ =	sdelay $0x1  }
0x18f: {  	v58 =	vmul.f32 v0, v0;
	v1 =	vadd.f32 v4, v57  }
0x190: {  	[tilespmem:$0x1B9B0] =	vst v2  }
0x191: {  	[tilespmem:$0x1BA30] =	vst v56;
	v1 =	vadd.f32 v58, v1  }
0x192: {  	[tilespmem:$0x1BAB0] =	vst v0  }
0x193: {  	[tilespmem:$0x1BB30] =	vst v1  }
0x194: {  	v0 =	vld [tilespmem:s14+$0xE0]  }
0x195: {  	v1 =	vld [tilespmem:s14+$0x2860];
	_ =	sdelay $0x6  }
0x196: {  	v2 =	vld.idx.msk [tilespmem:v0+s30+$0x0], $0xffff  }
0x197: {  	v3 =	vld.idx.msk [tilespmem:v1+s30+$0x0], $0xffff  }
0x198: {  	v59 =	vld.idx.msk [tilespmem:v0+s31+$0x0], $0xffff  }
0x199: {  	v60 =	vld.idx.msk [tilespmem:v1+s31+$0x0], $0xffff  }
0x19a: {  	v0 =	vld.idx.msk [tilespmem:v0+s2+$0x0], $0xffff  }
0x19b: {  	v1 =	vld.idx.msk [tilespmem:v1+s2+$0x0], $0xffff;
	_ =	sdelay $0x2  }
0x19c: {  	v2 =	vsub.f32 v2, v3;
	v61 =	vsub.f32 v59, v60;
	_ =	sdelay $0x1  }
0x19d: {  	v0 =	vsub.f32 v0, v1;
	v62 =	vmul.f32 v2, v2;
	v4 =	vmul.f32 v61, v61;
	_ =	sdelay $0x1  }
0x19e: {  	v63 =	vmul.f32 v0, v0;
	v1 =	vadd.f32 v4, v62  }
0x19f: {  	[tilespmem:$0x1B9C0] =	vst v2  }
0x1a0: {  	[tilespmem:$0x1BA40] =	vst v61;
	v1 =	vadd.f32 v63, v1  }
0x1a1: {  	[tilespmem:$0x1BAC0] =	vst v0  }
0x1a2: {  	s16 =	simm.s32 $0x0;
	s17 =	simm.s32 $0x200;
	[tilespmem:$0x1BB40] =	vst v1  }
.LBB2_7:
0x1a3: {  	p0 =	sne.s32 s17, $0x9E00;
	v0 =	vld [tilespmem:s16+$0x18DF0]  }
0x1a4: {  	v1 =	vld [tilespmem:s16+$0x18D80]  }
0x1a5: {  	v2 =	vld [tilespmem:s16+$0x18D90]  }
0x1a6: {  	v3 =	vld [tilespmem:s16+$0x18DA0]  }
0x1a7: {  	v4 =	vld [tilespmem:s16+$0x18DB0]  }
0x1a8: {  	[tilespmem:s16+$0x115F0] =	vst.add.f32.msk $0xffff, v0  }
0x1a9: {  	v0 =	vld [tilespmem:s16+$0x18DC0]  }
0x1aa: {  	v5 =	vld [tilespmem:s16+$0x18DD0]  }
0x1ab: {  	v6 =	vld [tilespmem:s16+$0x18DE0]  }
0x1ac: {  	[tilespmem:s16+$0x11580] =	vst.add.f32.msk $0xffff, v1  }
0x1ad: {  	[tilespmem:s16+$0x11590] =	vst.add.f32.msk $0xffff, v2  }
.Ltmp2:
0x1ae: {  	[tilespmem:s16+$0x115A0] =	vst.add.f32.msk $0xffff, v3;
	(pc) =	sbr.rel @p0 .LBB2_7-.Ltmp2, $4  }
0x1af: {  	[tilespmem:s16+$0x115B0] =	vst.add.f32.msk $0xffff, v4  }
0x1b0: {  	[tilespmem:s16+$0x115C0] =	vst.add.f32.msk $0xffff, v0  }
0x1b1: {  	[tilespmem:s16+$0x115D0] =	vst.add.f32.msk $0xffff, v5  }
0x1b2: {  	[tilespmem:s16+$0x115E0] =	vst.add.f32.msk $0xffff, v6;
	s16 =	sshra.s32 s17, $0x2;
	s17 =	sadd.s32 $0x200, s17  }
0x1b3: {  	v0 =	vld [tilespmem:s16+$0x18DF0]  }
0x1b4: {  	v1 =	vld [tilespmem:s16+$0x18D80]  }
0x1b5: {  	v2 =	vld [tilespmem:s16+$0x18D90]  }
0x1b6: {  	v3 =	vld [tilespmem:s16+$0x18DA0]  }
0x1b7: {  	v4 =	vld [tilespmem:s16+$0x18DB0]  }
0x1b8: {  	v63 =	vld [tilespmem:s16+$0x18DC0]  }
0x1b9: {  	v5 =	vld [tilespmem:s16+$0x18DD0]  }
0x1ba: {  	v6 =	vld [tilespmem:s16+$0x18DE0]  }
0x1bb: {  	[tilespmem:s16+$0x115F0] =	vst.add.f32.msk $0xffff, v0  }
0x1bc: {  	[tilespmem:s16+$0x11580] =	vst.add.f32.msk $0xffff, v1  }
0x1bd: {  	[tilespmem:s16+$0x11590] =	vst.add.f32.msk $0xffff, v2  }
0x1be: {  	[tilespmem:s16+$0x115A0] =	vst.add.f32.msk $0xffff, v3  }
0x1bf: {  	[tilespmem:s16+$0x115B0] =	vst.add.f32.msk $0xffff, v4  }
0x1c0: {  	s17 =	sadd.s32 s5, s29;
	[tilespmem:s16+$0x115C0] =	vst.add.f32.msk $0xffff, v63  }
0x1c1: {  	s18 =	sshll.u32 s17, $0x4;
	[tilespmem:s16+$0x115D0] =	vst.add.f32.msk $0xffff, v5  }
0x1c2: {  	s18 =	sadd.s32 s9, s18;
	[tilespmem:s16+$0x115E0] =	vst.add.f32.msk $0xffff, v6;
	s16 =	sshrl.u32 s17, $0x3  }
0x1c3: {  	[hbm4b:s18+s4] =	stream.linear.scatter [tilespmem:s19], [sflag:$0x6], $0x2800, $0x38;
	[tilespmem:$0x1BB80] =	vst v63  }
0x1c4: {  	s29 =	simm.s32 $0x1B980;
	s17 =	sadd.s32 s10, s16  }
0x1c5: {  	[hbm4b:s17+s4] =	stream.linear.scatter [tilespmem:s29], [sflag:$0x6], $0x50, $0x38;
	[tilespmem:$0x1BB80] =	vst v63  }
0x1c6: {  	s18 =	sadd.s32 s11, s16;
	s29 =	simm.s32 $0x1BA00  }
0x1c7: {  	[hbm4b:s18+s4] =	stream.linear.scatter [tilespmem:s29], [sflag:$0x6], $0x50, $0x38;
	[tilespmem:$0x1BB80] =	vst v63  }
0x1c8: {  	s18 =	sadd.s32 s12, s16;
	s29 =	simm.s32 $0x1BA80  }
0x1c9: {  	[hbm4b:s18+s4] =	stream.linear.scatter [tilespmem:s29], [sflag:$0x6], $0x50, $0x38;
	[tilespmem:$0x1BB80] =	vst v63  }
0x1ca: {  	s16 =	sadd.s32 s13, s16;
	s29 =	simm.s32 $0x1BB00  }
0x1cb: {  	[hbm4b:s16+s4] =	stream.linear.scatter [tilespmem:s29], [sflag:$0x6], $0x50, $0x38;
	[tilespmem:$0x1BB80] =	vst v63  }
0x1cc: {  	_ =	swait.ge [sflag:s20], $0x2800  }
0x1cd: {  	[sflag:s20] =	ssyncset.done $0x0  }
0x1ce: {  	[sflag:s20] =	ssyncadd.s32 $0xFFFFD800  }
0x1cf: {  	_ =	swait.ge [sflag:s20], $0x50  }
0x1d0: {  	[sflag:s20] =	ssyncset.done $0x0  }
0x1d1: {  	[sflag:s20] =	ssyncadd.s32 $0xFFFFFFB0  }
0x1d2: {  	_ =	swait.ge [sflag:s20], $0x50  }
0x1d3: {  	[sflag:s20] =	ssyncset.done $0x0  }
0x1d4: {  	[sflag:s20] =	ssyncadd.s32 $0xFFFFFFB0  }
0x1d5: {  	_ =	swait.ge [sflag:s20], $0x50  }
0x1d6: {  	[sflag:s20] =	ssyncset.done $0x0  }
0x1d7: {  	s7 =	sadd.s32 $0x1, s7;
	[sflag:s20] =	ssyncadd.s32 $0xFFFFFFB0  }
0x1d8: {  	p0 =	sne.s32 s7, $0x29;
	_ =	swait.ge [sflag:s20], $0x50  }
.Ltmp3:
0x1d9: {  	[sflag:s20] =	ssyncset.done $0x0;
	(pc) =	sbr.rel @p0 .LBB2_2-.Ltmp3, $4  }
0x1da: {  	s17 =	sadd.s32 $0x140, s14;
	[sflag:s20] =	ssyncadd.s32 $0xFFFFFFB0  }
0x1db: {  	[tilespmem:s8], [sflag:$0x2] =	stream.indirect.gather [hbm4b:s1+s0], $0x80, s17, s0, $0xb8;
	[tilespmem:$0x1BB80] =	vst v63  }
0x1dc: {  	s18 =	sadd.s32 $0x28C0, s14;
	s29 =	simm.s32 $0x16580  }
0x1dd: {  	[tilespmem:s29], [sflag:$0x2] =	stream.indirect.gather [hbm4b:s6+s0], $0x80, s18, s0, $0xb8;
	[tilespmem:$0x1BB80] =	vst v63  }
0x1de: {  	_ =	swait.ge [sflag:s15], $0x2800  }
0x1df: {  	[sflag:s15] =	ssyncset.done $0x0  }
0x1e0: {  	[sflag:s15] =	ssyncadd.s32 $0xFFFFD800  }
0x1e1: {  	_ =	swait.ge [sflag:s15], $0x2800  }
0x1e2: {  	[sflag:s15] =	ssyncset.done $0x0  }
0x1e3: {  	[sflag:s15] =	ssyncadd.s32 $0xFFFFD800  }
0x1e4: {  	v0 =	vld [tilespmem:$0x2670]  }
0x1e5: {  	v1 =	vld [tilespmem:$0x4DF0];
	_ =	sdelay $0x6  }
0x1e6: {  	v2 =	vld.idx.msk [tilespmem:v0+s30+$0x0], $0xffff  }
0x1e7: {  	v3 =	vld.idx.msk [tilespmem:v1+s30+$0x0], $0xffff  }
0x1e8: {  	v4 =	vld.idx.msk [tilespmem:v0+s31+$0x0], $0xffff  }
0x1e9: {  	v5 =	vld.idx.msk [tilespmem:v1+s31+$0x0], $0xffff  }
0x1ea: {  	v0 =	vld.idx.msk [tilespmem:v0+s2+$0x0], $0xffff  }
0x1eb: {  	v1 =	vld.idx.msk [tilespmem:v1+s2+$0x0], $0xffff;
	_ =	sdelay $0x2  }
0x1ec: {  	v2 =	vsub.f32 v2, v3;
	v27 =	vsub.f32 v4, v5  }
0x1ed: {  	v28 =	vld [tilespmem:$0x2680]  }
0x1ee: {  	v6 =	vld [tilespmem:$0x4E00];
	v0 =	vsub.f32 v0, v1;
	v29 =	vmul.f32 v2, v2;
	v5 =	vmul.f32 v27, v27;
	_ =	sdelay $0x1  }
0x1ef: {  	v30 =	vmul.f32 v0, v0;
	v1 =	vadd.f32 v5, v29  }
0x1f0: {  	[tilespmem:$0x1B580] =	vst v2  }
0x1f1: {  	[tilespmem:$0x1B600] =	vst v27;
	v1 =	vadd.f32 v30, v1  }
0x1f2: {  	[tilespmem:$0x1B680] =	vst v0  }
0x1f3: {  	[tilespmem:$0x1B700] =	vst v1  }
0x1f4: {  	v0 =	vld.idx.msk [tilespmem:v28+s30+$0x0], $0xffff  }
0x1f5: {  	v1 =	vld.idx.msk [tilespmem:v6+s30+$0x0], $0xffff  }
0x1f6: {  	v2 =	vld.idx.msk [tilespmem:v28+s31+$0x0], $0xffff  }
0x1f7: {  	v3 =	vld.idx.msk [tilespmem:v6+s31+$0x0], $0xffff  }
0x1f8: {  	v4 =	vld.idx.msk [tilespmem:v28+s2+$0x0], $0xffff  }
0x1f9: {  	v31 =	vld.idx.msk [tilespmem:v6+s2+$0x0], $0xffff;
	_ =	sdelay $0x2  }
0x1fa: {  	v0 =	vsub.f32 v0, v1;
	v32 =	vsub.f32 v2, v3  }
0x1fb: {  	v33 =	vld [tilespmem:$0x2690]  }
0x1fc: {  	v37 =	vld [tilespmem:$0x4E10];
	v34 =	vsub.f32 v4, v31;
	v35 =	vmul.f32 v0, v0;
	v36 =	vmul.f32 v32, v32;
	_ =	sdelay $0x1  }
0x1fd: {  	v38 =	vmul.f32 v34, v34;
	v4 =	vadd.f32 v36, v35  }
0x1fe: {  	[tilespmem:$0x1B590] =	vst v0  }
0x1ff: {  	[tilespmem:$0x1B610] =	vst v32;
	v39 =	vadd.f32 v38, v4  }
0x200: {  	[tilespmem:$0x1B690] =	vst v34  }
0x201: {  	[tilespmem:$0x1B710] =	vst v39  }
0x202: {  	v0 =	vld.idx.msk [tilespmem:v33+s30+$0x0], $0xffff  }
0x203: {  	v1 =	vld.idx.msk [tilespmem:v37+s30+$0x0], $0xffff  }
0x204: {  	v3 =	vld.idx.msk [tilespmem:v33+s31+$0x0], $0xffff  }
0x205: {  	v40 =	vld.idx.msk [tilespmem:v37+s31+$0x0], $0xffff  }
0x206: {  	v2 =	vld.idx.msk [tilespmem:v33+s2+$0x0], $0xffff  }
0x207: {  	v41 =	vld.idx.msk [tilespmem:v37+s2+$0x0], $0xffff;
	_ =	sdelay $0x2  }
0x208: {  	v0 =	vsub.f32 v0, v1;
	v42 =	vsub.f32 v3, v40  }
0x209: {  	v43 =	vld [tilespmem:$0x26A0]  }
0x20a: {  	v46 =	vld [tilespmem:$0x4E20];
	v2 =	vsub.f32 v2, v41;
	v44 =	vmul.f32 v0, v0;
	v45 =	vmul.f32 v42, v42;
	_ =	sdelay $0x1  }
0x20b: {  	v47 =	vmul.f32 v2, v2;
	v4 =	vadd.f32 v45, v44  }
0x20c: {  	[tilespmem:$0x1B5A0] =	vst v0  }
0x20d: {  	[tilespmem:$0x1B620] =	vst v42;
	v48 =	vadd.f32 v47, v4  }
0x20e: {  	[tilespmem:$0x1B6A0] =	vst v2  }
0x20f: {  	[tilespmem:$0x1B720] =	vst v48  }
0x210: {  	v0 =	vld.idx.msk [tilespmem:v43+s30+$0x0], $0xffff  }
0x211: {  	v1 =	vld.idx.msk [tilespmem:v46+s30+$0x0], $0xffff  }
0x212: {  	v2 =	vld.idx.msk [tilespmem:v43+s31+$0x0], $0xffff  }
0x213: {  	v49 =	vld.idx.msk [tilespmem:v46+s31+$0x0], $0xffff  }
0x214: {  	v3 =	vld.idx.msk [tilespmem:v43+s2+$0x0], $0xffff  }
0x215: {  	v50 =	vld.idx.msk [tilespmem:v46+s2+$0x0], $0xffff;
	_ =	sdelay $0x2  }
0x216: {  	v0 =	vsub.f32 v0, v1;
	v51 =	vsub.f32 v2, v49  }
0x217: {  	v52 =	vld [tilespmem:$0x26B0]  }
0x218: {  	v55 =	vld [tilespmem:$0x4E30];
	v3 =	vsub.f32 v3, v50;
	v53 =	vmul.f32 v0, v0;
	v54 =	vmul.f32 v51, v51;
	_ =	sdelay $0x1  }
0x219: {  	v56 =	vmul.f32 v3, v3;
	v4 =	vadd.f32 v54, v53  }
0x21a: {  	[tilespmem:$0x1B5B0] =	vst v0  }
0x21b: {  	[tilespmem:$0x1B630] =	vst v51;
	v57 =	vadd.f32 v56, v4  }
0x21c: {  	[tilespmem:$0x1B6B0] =	vst v3  }
0x21d: {  	[tilespmem:$0x1B730] =	vst v57  }
0x21e: {  	v0 =	vld.idx.msk [tilespmem:v52+s30+$0x0], $0xffff  }
0x21f: {  	v1 =	vld.idx.msk [tilespmem:v55+s30+$0x0], $0xffff  }
0x220: {  	v3 =	vld.idx.msk [tilespmem:v52+s31+$0x0], $0xffff  }
0x221: {  	v58 =	vld.idx.msk [tilespmem:v55+s31+$0x0], $0xffff  }
0x222: {  	v2 =	vld.idx.msk [tilespmem:v52+s2+$0x0], $0xffff  }
0x223: {  	v59 =	vld.idx.msk [tilespmem:v55+s2+$0x0], $0xffff;
	_ =	sdelay $0x2  }
0x224: {  	v0 =	vsub.f32 v0, v1;
	v60 =	vsub.f32 v3, v58;
	_ =	sdelay $0x1  }
0x225: {  	v2 =	vsub.f32 v2, v59;
	v61 =	vmul.f32 v0, v0;
	v4 =	vmul.f32 v60, v60;
	_ =	sdelay $0x1  }
0x226: {  	v62 =	vmul.f32 v2, v2;
	v3 =	vadd.f32 v4, v61  }
0x227: {  	[tilespmem:$0x1B5C0] =	vst v0  }
0x228: {  	[tilespmem:$0x1B640] =	vst v60;
	v63 =	vadd.f32 v62, v3  }
0x229: {  	[tilespmem:$0x1B6C0] =	vst v2  }
0x22a: {  	s7 =	simm.s32 $0x0;
	s14 =	simm.s32 $0x200;
	[tilespmem:$0x1B740] =	vst v63  }
.LBB2_10:
0x22b: {  	p0 =	sne.s32 s14, $0x9E00;
	v0 =	vld [tilespmem:s7+$0x13DF0]  }
0x22c: {  	v1 =	vld [tilespmem:s7+$0x13D80]  }
0x22d: {  	v2 =	vld [tilespmem:s7+$0x13D90]  }
0x22e: {  	v3 =	vld [tilespmem:s7+$0x13DA0]  }
0x22f: {  	v4 =	vld [tilespmem:s7+$0x13DB0]  }
0x230: {  	[tilespmem:s7+$0xC5F0] =	vst.add.f32.msk $0xffff, v0  }
0x231: {  	v0 =	vld [tilespmem:s7+$0x13DC0]  }
0x232: {  	v5 =	vld [tilespmem:s7+$0x13DD0]  }
0x233: {  	v6 =	vld [tilespmem:s7+$0x13DE0]  }
0x234: {  	[tilespmem:s7+$0xC580] =	vst.add.f32.msk $0xffff, v1  }
0x235: {  	[tilespmem:s7+$0xC590] =	vst.add.f32.msk $0xffff, v2  }
.Ltmp4:
0x236: {  	[tilespmem:s7+$0xC5A0] =	vst.add.f32.msk $0xffff, v3;
	(pc) =	sbr.rel @p0 .LBB2_10-.Ltmp4, $4  }
0x237: {  	[tilespmem:s7+$0xC5B0] =	vst.add.f32.msk $0xffff, v4  }
0x238: {  	[tilespmem:s7+$0xC5C0] =	vst.add.f32.msk $0xffff, v0  }
0x239: {  	[tilespmem:s7+$0xC5D0] =	vst.add.f32.msk $0xffff, v5  }
0x23a: {  	[tilespmem:s7+$0xC5E0] =	vst.add.f32.msk $0xffff, v6;
	s7 =	sshra.s32 s14, $0x2;
	s14 =	sadd.s32 $0x200, s14  }
0x23b: {  	v0 =	vld [tilespmem:s7+$0x13DF0]  }
0x23c: {  	v1 =	vld [tilespmem:s7+$0x13D80]  }
0x23d: {  	v2 =	vld [tilespmem:s7+$0x13D90]  }
0x23e: {  	v3 =	vld [tilespmem:s7+$0x13DA0]  }
0x23f: {  	v4 =	vld [tilespmem:s7+$0x13DB0]  }
0x240: {  	v19 =	vld [tilespmem:s7+$0x13DC0]  }
0x241: {  	v5 =	vld [tilespmem:s7+$0x13DD0]  }
0x242: {  	v6 =	vld [tilespmem:s7+$0x13DE0]  }
0x243: {  	[tilespmem:s7+$0xC5F0] =	vst.add.f32.msk $0xffff, v0  }
0x244: {  	[tilespmem:s7+$0xC580] =	vst.add.f32.msk $0xffff, v1  }
0x245: {  	[tilespmem:s7+$0xC590] =	vst.add.f32.msk $0xffff, v2  }
0x246: {  	[tilespmem:s7+$0xC5A0] =	vst.add.f32.msk $0xffff, v3  }
0x247: {  	[tilespmem:s7+$0xC5B0] =	vst.add.f32.msk $0xffff, v4  }
0x248: {  	[tilespmem:s7+$0xC5C0] =	vst.add.f32.msk $0xffff, v19  }
0x249: {  	[tilespmem:s7+$0xC5D0] =	vst.add.f32.msk $0xffff, v5  }
0x24a: {  	s14 =	rddreg [dreg:$0x8];
	[tilespmem:s7+$0xC5E0] =	vst.add.f32.msk $0xffff, v6;
	s7 =	simm.s32 $0x0  }
0x24b: {  	[hbm4b:s14+s7] =	stream.linear.scatter [tilespmem:s3], [sflag:$0x4], $0x2800, $0x38;
	[tilespmem:$0x1BB80] =	vst v63  }
0x24c: {  	s17 =	rddreg [dreg:$0x9];
	s16 =	simm.s32 $0x1B580  }
0x24d: {  	[hbm4b:s17+s7] =	stream.linear.scatter [tilespmem:s16], [sflag:$0x4], $0x50, $0x38;
	[tilespmem:$0x1BB80] =	vst v63  }
0x24e: {  	s18 =	rddreg [dreg:$0xa];
	s29 =	simm.s32 $0x1B600  }
0x24f: {  	[hbm4b:s18+s7] =	stream.linear.scatter [tilespmem:s29], [sflag:$0x4], $0x50, $0x38;
	[tilespmem:$0x1BB80] =	vst v63  }
0x250: {  	s16 =	rddreg [dreg:$0xb];
	s17 =	simm.s32 $0x1B680  }
0x251: {  	[hbm4b:s16+s7] =	stream.linear.scatter [tilespmem:s17], [sflag:$0x4], $0x50, $0x38;
	[tilespmem:$0x1BB80] =	vst v63  }
0x252: {  	s18 =	rddreg [dreg:$0xc];
	s29 =	simm.s32 $0x1B700  }
0x253: {  	[hbm4b:s18+s7] =	stream.linear.scatter [tilespmem:s29], [sflag:$0x4], $0x50, $0x38;
	[tilespmem:$0x1BB80] =	vst v63  }
0x254: {  	_ =	swait.ge [sflag:s21], $0x2800  }
0x255: {  	[sflag:s21] =	ssyncset.done $0x0  }
0x256: {  	[sflag:s21] =	ssyncadd.s32 $0xFFFFD800  }
0x257: {  	_ =	swait.ge [sflag:s21], $0x2800  }
0x258: {  	[sflag:s21] =	ssyncset.done $0x0  }
0x259: {  	[sflag:s21] =	ssyncadd.s32 $0xFFFFD800  }
0x25a: {  	v20 =	vld [tilespmem:$0x26C0]  }
0x25b: {  	v21 =	vld [tilespmem:$0x4E40];
	_ =	sdelay $0x6  }
0x25c: {  	v22 =	vld.idx.msk [tilespmem:v20+s30+$0x0], $0xffff  }
0x25d: {  	v23 =	vld.idx.msk [tilespmem:v21+s30+$0x0], $0xffff  }
0x25e: {  	v24 =	vld.idx.msk [tilespmem:v20+s31+$0x0], $0xffff  }
0x25f: {  	v25 =	vld.idx.msk [tilespmem:v21+s31+$0x0], $0xffff  }
0x260: {  	v0 =	vld.idx.msk [tilespmem:v20+s2+$0x0], $0xffff  }
0x261: {  	v1 =	vld.idx.msk [tilespmem:v21+s2+$0x0], $0xffff;
	_ =	sdelay $0x2  }
0x262: {  	v2 =	vsub.f32 v22, v23;
	v26 =	vsub.f32 v24, v25  }
0x263: {  	v27 =	vld [tilespmem:$0x26D0]  }
0x264: {  	v29 =	vld [tilespmem:$0x4E50];
	v0 =	vsub.f32 v0, v1;
	v28 =	vmul.f32 v2, v2;
	v5 =	vmul.f32 v26, v26;
	_ =	sdelay $0x1  }
0x265: {  	v30 =	vmul.f32 v0, v0;
	v1 =	vadd.f32 v5, v28  }
0x266: {  	[tilespmem:$0x1B780] =	vst v2  }
0x267: {  	[tilespmem:$0x1B800] =	vst v26;
	v1 =	vadd.f32 v30, v1  }
0x268: {  	[tilespmem:$0x1B880] =	vst v0  }
0x269: {  	[tilespmem:$0x1B900] =	vst v1  }
0x26a: {  	v0 =	vld.idx.msk [tilespmem:v27+s30+$0x0], $0xffff  }
0x26b: {  	v1 =	vld.idx.msk [tilespmem:v29+s30+$0x0], $0xffff  }
0x26c: {  	v2 =	vld.idx.msk [tilespmem:v27+s31+$0x0], $0xffff  }
0x26d: {  	v3 =	vld.idx.msk [tilespmem:v29+s31+$0x0], $0xffff  }
0x26e: {  	v4 =	vld.idx.msk [tilespmem:v27+s2+$0x0], $0xffff  }
0x26f: {  	v31 =	vld.idx.msk [tilespmem:v29+s2+$0x0], $0xffff;
	_ =	sdelay $0x2  }
0x270: {  	v0 =	vsub.f32 v0, v1;
	v32 =	vsub.f32 v2, v3  }
0x271: {  	v33 =	vld [tilespmem:$0x26E0]  }
0x272: {  	v37 =	vld [tilespmem:$0x4E60];
	v34 =	vsub.f32 v4, v31;
	v35 =	vmul.f32 v0, v0;
	v36 =	vmul.f32 v32, v32;
	_ =	sdelay $0x1  }
0x273: {  	v38 =	vmul.f32 v34, v34;
	v4 =	vadd.f32 v36, v35  }
0x274: {  	[tilespmem:$0x1B790] =	vst v0  }
0x275: {  	[tilespmem:$0x1B810] =	vst v32;
	v39 =	vadd.f32 v38, v4  }
0x276: {  	[tilespmem:$0x1B890] =	vst v34  }
0x277: {  	[tilespmem:$0x1B910] =	vst v39  }
0x278: {  	v0 =	vld.idx.msk [tilespmem:v33+s30+$0x0], $0xffff  }
0x279: {  	v1 =	vld.idx.msk [tilespmem:v37+s30+$0x0], $0xffff  }
0x27a: {  	v3 =	vld.idx.msk [tilespmem:v33+s31+$0x0], $0xffff  }
0x27b: {  	v40 =	vld.idx.msk [tilespmem:v37+s31+$0x0], $0xffff  }
0x27c: {  	v2 =	vld.idx.msk [tilespmem:v33+s2+$0x0], $0xffff  }
0x27d: {  	v41 =	vld.idx.msk [tilespmem:v37+s2+$0x0], $0xffff;
	_ =	sdelay $0x2  }
0x27e: {  	v0 =	vsub.f32 v0, v1;
	v42 =	vsub.f32 v3, v40  }
0x27f: {  	v43 =	vld [tilespmem:$0x26F0]  }
0x280: {  	v46 =	vld [tilespmem:$0x4E70];
	v2 =	vsub.f32 v2, v41;
	v44 =	vmul.f32 v0, v0;
	v45 =	vmul.f32 v42, v42;
	_ =	sdelay $0x1  }
0x281: {  	v47 =	vmul.f32 v2, v2;
	v4 =	vadd.f32 v45, v44  }
0x282: {  	[tilespmem:$0x1B7A0] =	vst v0  }
0x283: {  	[tilespmem:$0x1B820] =	vst v42;
	v48 =	vadd.f32 v47, v4  }
0x284: {  	[tilespmem:$0x1B8A0] =	vst v2  }
0x285: {  	[tilespmem:$0x1B920] =	vst v48  }
0x286: {  	v0 =	vld.idx.msk [tilespmem:v43+s30+$0x0], $0xffff  }
0x287: {  	v1 =	vld.idx.msk [tilespmem:v46+s30+$0x0], $0xffff  }
0x288: {  	v2 =	vld.idx.msk [tilespmem:v43+s31+$0x0], $0xffff  }
0x289: {  	v49 =	vld.idx.msk [tilespmem:v46+s31+$0x0], $0xffff  }
0x28a: {  	v3 =	vld.idx.msk [tilespmem:v43+s2+$0x0], $0xffff  }
0x28b: {  	v50 =	vld.idx.msk [tilespmem:v46+s2+$0x0], $0xffff;
	_ =	sdelay $0x2  }
0x28c: {  	v0 =	vsub.f32 v0, v1;
	v51 =	vsub.f32 v2, v49  }
0x28d: {  	v52 =	vld [tilespmem:$0x2700]  }
0x28e: {  	v55 =	vld [tilespmem:$0x4E80];
	v3 =	vsub.f32 v3, v50;
	v53 =	vmul.f32 v0, v0;
	v54 =	vmul.f32 v51, v51;
	_ =	sdelay $0x1  }
0x28f: {  	v56 =	vmul.f32 v3, v3;
	v4 =	vadd.f32 v54, v53  }
0x290: {  	[tilespmem:$0x1B7B0] =	vst v0  }
0x291: {  	[tilespmem:$0x1B830] =	vst v51;
	v57 =	vadd.f32 v56, v4  }
0x292: {  	[tilespmem:$0x1B8B0] =	vst v3  }
0x293: {  	[tilespmem:$0x1B930] =	vst v57  }
0x294: {  	v0 =	vld.idx.msk [tilespmem:v52+s30+$0x0], $0xffff  }
0x295: {  	v1 =	vld.idx.msk [tilespmem:v55+s30+$0x0], $0xffff  }
0x296: {  	v3 =	vld.idx.msk [tilespmem:v52+s31+$0x0], $0xffff  }
0x297: {  	v58 =	vld.idx.msk [tilespmem:v55+s31+$0x0], $0xffff  }
0x298: {  	v2 =	vld.idx.msk [tilespmem:v52+s2+$0x0], $0xffff  }
0x299: {  	v59 =	vld.idx.msk [tilespmem:v55+s2+$0x0], $0xffff;
	_ =	sdelay $0x2  }
0x29a: {  	v0 =	vsub.f32 v0, v1;
	v60 =	vsub.f32 v3, v58;
	_ =	sdelay $0x1  }
0x29b: {  	v2 =	vsub.f32 v2, v59;
	v61 =	vmul.f32 v0, v0;
	v4 =	vmul.f32 v60, v60;
	_ =	sdelay $0x1  }
0x29c: {  	v62 =	vmul.f32 v2, v2;
	v3 =	vadd.f32 v4, v61  }
0x29d: {  	[tilespmem:$0x1B7C0] =	vst v0  }
0x29e: {  	[tilespmem:$0x1B840] =	vst v60;
	v63 =	vadd.f32 v62, v3  }
0x29f: {  	[tilespmem:$0x1B8C0] =	vst v2  }
0x2a0: {  	s14 =	simm.s32 $0x200;
	s7 =	simm.s32 $0x0;
	[tilespmem:$0x1B940] =	vst v63  }
.LBB2_12:
0x2a1: {  	p0 =	sne.s32 s14, $0x9E00;
	v0 =	vld [tilespmem:s7+$0x165F0]  }
0x2a2: {  	v1 =	vld [tilespmem:s7+$0x16580]  }
0x2a3: {  	v2 =	vld [tilespmem:s7+$0x16590]  }
0x2a4: {  	v3 =	vld [tilespmem:s7+$0x165A0]  }
0x2a5: {  	v4 =	vld [tilespmem:s7+$0x165B0]  }
0x2a6: {  	[tilespmem:s7+$0xEDF0] =	vst.add.f32.msk $0xffff, v0  }
0x2a7: {  	v0 =	vld [tilespmem:s7+$0x165C0]  }
0x2a8: {  	v5 =	vld [tilespmem:s7+$0x165D0]  }
0x2a9: {  	v6 =	vld [tilespmem:s7+$0x165E0]  }
0x2aa: {  	[tilespmem:s7+$0xED80] =	vst.add.f32.msk $0xffff, v1  }
0x2ab: {  	[tilespmem:s7+$0xED90] =	vst.add.f32.msk $0xffff, v2  }
.Ltmp5:
0x2ac: {  	[tilespmem:s7+$0xEDA0] =	vst.add.f32.msk $0xffff, v3;
	(pc) =	sbr.rel @p0 .LBB2_12-.Ltmp5, $4  }
0x2ad: {  	[tilespmem:s7+$0xEDB0] =	vst.add.f32.msk $0xffff, v4  }
0x2ae: {  	[tilespmem:s7+$0xEDC0] =	vst.add.f32.msk $0xffff, v0  }
0x2af: {  	[tilespmem:s7+$0xEDD0] =	vst.add.f32.msk $0xffff, v5  }
0x2b0: {  	[tilespmem:s7+$0xEDE0] =	vst.add.f32.msk $0xffff, v6;
	s7 =	sshra.s32 s14, $0x2;
	s14 =	sadd.s32 $0x200, s14  }
0x2b1: {  	v0 =	vld [tilespmem:s7+$0x165F0]  }
0x2b2: {  	v1 =	vld [tilespmem:s7+$0x16580]  }
0x2b3: {  	v2 =	vld [tilespmem:s7+$0x16590]  }
0x2b4: {  	v3 =	vld [tilespmem:s7+$0x165A0]  }
0x2b5: {  	v4 =	vld [tilespmem:s7+$0x165B0]  }
0x2b6: {  	v63 =	vld [tilespmem:s7+$0x165C0]  }
0x2b7: {  	v5 =	vld [tilespmem:s7+$0x165D0]  }
0x2b8: {  	v6 =	vld [tilespmem:s7+$0x165E0]  }
0x2b9: {  	[tilespmem:s7+$0xEDF0] =	vst.add.f32.msk $0xffff, v0  }
0x2ba: {  	[tilespmem:s7+$0xED80] =	vst.add.f32.msk $0xffff, v1  }
0x2bb: {  	[tilespmem:s7+$0xED90] =	vst.add.f32.msk $0xffff, v2  }
0x2bc: {  	[tilespmem:s7+$0xEDA0] =	vst.add.f32.msk $0xffff, v3  }
0x2bd: {  	[tilespmem:s7+$0xEDB0] =	vst.add.f32.msk $0xffff, v4  }
0x2be: {  	[tilespmem:s7+$0xEDC0] =	vst.add.f32.msk $0xffff, v63  }
0x2bf: {  	[tilespmem:s7+$0xEDD0] =	vst.add.f32.msk $0xffff, v5  }
0x2c0: {  	s29 =	rddreg [dreg:$0xd];
	[tilespmem:s7+$0xEDE0] =	vst.add.f32.msk $0xffff, v6  }
0x2c1: {  	[hbm4b:s29+s4] =	stream.linear.scatter [tilespmem:s8], [sflag:$0x5], $0x2800, $0x38;
	[tilespmem:$0x1BB80] =	vst v63  }
0x2c2: {  	s14 =	rddreg [dreg:$0xe]  }
0x2c3: {  	[hbm4b:s14+s4] =	stream.linear.scatter [tilespmem:s22], [sflag:$0x5], $0x50, $0x38;
	[tilespmem:$0x1BB80] =	vst v63  }
0x2c4: {  	s16 =	rddreg [dreg:$0xf]  }
0x2c5: {  	[hbm4b:s16+s4] =	stream.linear.scatter [tilespmem:s23], [sflag:$0x5], $0x50, $0x38;
	[tilespmem:$0x1BB80] =	vst v63  }
0x2c6: {  	s17 =	rddreg [dreg:$0x10]  }
0x2c7: {  	[hbm4b:s17+s4] =	stream.linear.scatter [tilespmem:s24], [sflag:$0x5], $0x50, $0x38;
	[tilespmem:$0x1BB80] =	vst v63  }
0x2c8: {  	s18 =	rddreg [dreg:$0x11]  }
0x2c9: {  	[hbm4b:s18+s4] =	stream.linear.scatter [tilespmem:s25], [sflag:$0x5], $0x50, $0x38;
	[tilespmem:$0x1BB80] =	vst v63  }
0x2ca: {  	_ =	swait.ge [sflag:s26], $0x2800  }
0x2cb: {  	[sflag:s26] =	ssyncset.done $0x0  }
0x2cc: {  	[sflag:s26] =	ssyncadd.s32 $0xFFFFD800  }
0x2cd: {  	_ =	swait.ge [sflag:s26], $0x50  }
0x2ce: {  	[sflag:s26] =	ssyncset.done $0x0  }
0x2cf: {  	[sflag:s26] =	ssyncadd.s32 $0xFFFFFFB0  }
0x2d0: {  	_ =	swait.ge [sflag:s26], $0x50  }
0x2d1: {  	[sflag:s26] =	ssyncset.done $0x0  }
0x2d2: {  	[sflag:s26] =	ssyncadd.s32 $0xFFFFFFB0  }
0x2d3: {  	_ =	swait.ge [sflag:s26], $0x50  }
0x2d4: {  	[sflag:s26] =	ssyncset.done $0x0  }
0x2d5: {  	[sflag:s26] =	ssyncadd.s32 $0xFFFFFFB0  }
0x2d6: {  	_ =	swait.ge [sflag:s26], $0x50  }
0x2d7: {  	[sflag:s26] =	ssyncset.done $0x0  }
0x2d8: {  	[sflag:s26] =	ssyncadd.s32 $0xFFFFFFB0  }
0x2d9: {  	_ =	swait.ge [sflag:s20], $0x2800  }
0x2da: {  	[sflag:s20] =	ssyncset.done $0x0  }
0x2db: {  	[sflag:s20] =	ssyncadd.s32 $0xFFFFD800  }
0x2dc: {  	_ =	swait.ge [sflag:s20], $0x50  }
0x2dd: {  	[sflag:s20] =	ssyncset.done $0x0  }
0x2de: {  	[sflag:s20] =	ssyncadd.s32 $0xFFFFFFB0  }
0x2df: {  	_ =	swait.ge [sflag:s20], $0x50  }
0x2e0: {  	[sflag:s20] =	ssyncset.done $0x0  }
0x2e1: {  	[sflag:s20] =	ssyncadd.s32 $0xFFFFFFB0  }
0x2e2: {  	_ =	swait.ge [sflag:s20], $0x50  }
0x2e3: {  	[sflag:s20] =	ssyncset.done $0x0  }
0x2e4: {  	[sflag:s20] =	ssyncadd.s32 $0xFFFFFFB0  }
0x2e5: {  	_ =	swait.ge [sflag:s20], $0x50  }
0x2e6: {  	[sflag:s20] =	ssyncset.done $0x0  }
0x2e7: {  	s14 =	simm.s32 $0x6;
	[sflag:s20] =	ssyncadd.s32 $0xFFFFFFB0  }
0x2e8: {  	_ =	swait.ge [sflag:s14], $0x2800  }
0x2e9: {  	[sflag:s14] =	ssyncset.done $0x0  }
0x2ea: {  	[sflag:s14] =	ssyncadd.s32 $0xFFFFD800  }
0x2eb: {  	_ =	swait.ge [sflag:s14], $0x50  }
0x2ec: {  	[sflag:s14] =	ssyncset.done $0x0  }
0x2ed: {  	[sflag:s14] =	ssyncadd.s32 $0xFFFFFFB0  }
0x2ee: {  	_ =	swait.ge [sflag:s14], $0x50  }
0x2ef: {  	[sflag:s14] =	ssyncset.done $0x0  }
0x2f0: {  	[sflag:s14] =	ssyncadd.s32 $0xFFFFFFB0  }
0x2f1: {  	_ =	swait.ge [sflag:s14], $0x50  }
0x2f2: {  	[sflag:s14] =	ssyncset.done $0x0  }
0x2f3: {  	[sflag:s14] =	ssyncadd.s32 $0xFFFFFFB0  }
0x2f4: {  	_ =	swait.ge [sflag:s14], $0x50  }
0x2f5: {  	s16 =	rddreg [dreg:$0x13]  }
0x2f6: {  	s29 =	rddreg [dreg:$0x12];
	s16 =	sadd.s32 $0x1, s16  }
0x2f7: {  	p0 =	sne.s32 s16, s29  }
.Ltmp6:
0x2f8: {  	_ = 	snop;
	(pc) =	sbr.rel @p0 .LBB2_1-.Ltmp6, $3  }
0x2f9: {  	_ =	sdelay $0x1  }
0x2fa: {  	[sflag:s14] =	ssyncset.done $0x0  }
0x2fb: {  	[sflag:s14] =	ssyncadd.s32 $0xFFFFFFB0  }
0x2fc: {  	_ =	sfence.sel $0x180000  }
0x2fd: {  	[bflag:$0x0] =	sbarrier.arrive $0xFFFF  }
0x2fe: {  	_ =	strace $0x90000047  }
0x2ff: {  	s0 =	stileid.u32;
	[bflag:$0x2] =	sbarrier.arrive $0xFFFF  }
0x300: {  	p0 =	sne.s32 s0, $0x0;
	s0 =	rddreg [dreg:$0x3]  }
0x301: {  	s0 =	sadd.s32 @!p0 $0x100000, s0  }
0x302: {  	[sflag:s0] =	ssyncadd.tile.s32 @!p0 $0x1;
	_ =	shalt  }
.Lfunc_end2:
_tile_overlayer_lowered:
.L_overlay_start_2:
0x303: {  	(tag) =	ssettag $0x2  }
0x304: {  	s0 =	rddreg [dreg:$0x0];
	s2 =	stileid.u32  }
0x305: {  	s1 =	rddreg [dreg:$0x1];
	p0 =	sne.s32 s2, $0x0  }
0x306: {  	s3 =	rddreg [dreg:$0x2];
	[bflag:$0x3] =	sbarrier.arrive $0xFFFF;
	s2 =	simm.s32 @!p0 $0x1C07  }
0x307: {  	[timem:s3], [sflag:s2] =	dma.local @!p0 [hbm:s0], s1  }
0x308: {  	s0 =	simm.s32 @!p0 $0x7  }
0x309: {  	_ =	swait.ge @!p0 [sflag:s0], s1  }
0x30a: {  	s1 =	ssub.s32 @!p0 $0x0, s1;
	[sflag:s0] =	ssyncset.done @!p0 $0x0  }
0x30b: {  	[sflag:s0] =	ssyncadd.s32 @!p0 s1  }
0x30c: {  	[bflag:$0x3] =	sbarrier.arrive $0xFFFF  }
0x30d: {  	_ =	shalt  }

</sc_bundles>
